<compile_context>
chip_gen: v7x
topology: tpu7x:2x2x1
jax: 0.10.2.dev20260603
libtpu: 0.0.44.dev20260713+nightly
codegen_flags: <defaults>
</compile_context>

<pallas_src>
import functools

import jax
import jax.numpy as jnp
from jax import lax
from jax.experimental import pallas as pl
from jax.experimental.pallas import tpu as pltpu
from jax.experimental.pallas import tpu_sc as plsc

N = 10000
E = 320000
D = 128

NC = 2
NS = 16
CHUNK = 80
EDGES_PER_TILE = E // NS
NCHUNKS = EDGES_PER_TILE // CHUNK
N_PAD = 10240
NPC = N_PAD // NC
ACC_ROWS = NPC + 8
ROWS_PER_TILE = NPC // NS

_DOT = functools.partial(
    lax.dot_general,
    dimension_numbers=(((1,), (1,)), ((), ())),
    preferred_element_type=jnp.float32,
)


CNT_PAD = 5136
LIST_CAP = EDGES_PER_TILE + CHUNK
PCH = 2000
NPCH = EDGES_PER_TILE // PCH


def _sc_body(with_cnt, z_hbm, src_hbm, dst_hbm, zer128,
             acc_out, cnt_out, sacc, cnt_l,
             big_src, big_dst, srcB2, dstB2, srcL, dstL, d0, d1,
             rows0, rows1, sbig, srow, sscat):
    c = lax.axis_index("c")
    s = lax.axis_index("s")
    d_v = [d0, d1]
    rows_v = [rows0, rows1]
    esrc = [big_src, srcB2]
    edst = [big_dst, dstB2]
    r0 = pl.multiple_of(s * ROWS_PER_TILE, ROWS_PER_TILE)
    e0 = pl.multiple_of(s * EDGES_PER_TILE, 16)

    def edma(i, b):
        base = pl.multiple_of(e0 + i * PCH, 16)
        pltpu.async_copy(src_hbm.at[pl.ds(base, PCH)],
                         esrc[b], sbig.at[2 * b])
        pltpu.async_copy(dst_hbm.at[pl.ds(base, PCH)],
                         edst[b], sbig.at[2 * b + 1])

    def ewait(b):
        pltpu.make_async_copy(src_hbm.at[pl.ds(0, PCH)], esrc[b],
                              sbig.at[2 * b]).wait()
        pltpu.make_async_copy(dst_hbm.at[pl.ds(0, PCH)], edst[b],
                              sbig.at[2 * b + 1]).wait()

    edma(0, 0)
    pltpu.sync_copy(zer128, sacc.at[pl.ds(r0, ROWS_PER_TILE)])
    if with_cnt:
        def zc(i, carry):
            cnt_l[pl.ds(i * 16, 16)] = jnp.zeros((16,), jnp.float32)
            return carry
        lax.fori_loop(0, CNT_PAD // 16, zc, 0)
    plsc.subcore_barrier()

    row0 = c * NPC
    ones16 = jnp.ones((16,), jnp.float32)

    def mkpart(b):
        def part(k, off):
            s16 = esrc[b][pl.ds(k * 16, 16)]
            d16 = edst[b][pl.ds(k * 16, 16)]
            li = d16 - row0
            ok = (li >= 0) & (li < NPC)
            plsc.store_compressed(srcL.at[pl.ds(off, 16)], s16, mask=ok)
            plsc.store_compressed(dstL.at[pl.ds(off, 16)], li, mask=ok)
            if with_cnt:
                plsc.addupdate_scatter(cnt_l, [li], ones16, mask=ok)
            n = plsc.all_reduce_population_count(ok)
            return off + n[0]
        return part

    off = jnp.int32(0)
    for i in range(NPCH):
        b = i % 2
        ewait(b)
        if i + 1 < NPCH:
            edma(i + 1, 1 - b)
        off = lax.fori_loop(0, PCH // 16, mkpart(b), off)

    for k in range(CHUNK // 16):
        srcL[pl.ds(off + k * 16, 16)] = jnp.zeros((16,), jnp.int32)
        dstL[pl.ds(off + k * 16, 16)] = jnp.full((16,), NPC, jnp.int32)
    nchunks = off // CHUNK + 1

    def prep(j, b):
        base = j * CHUNK
        for k in range(CHUNK // 16):
            d_v[b][pl.ds(k * 16, 16)] = dstL[pl.ds(base + k * 16, 16)]

    def gather(j, b):
        base = j * CHUNK
        return pltpu.async_copy(z_hbm.at[srcL.at[pl.ds(base, CHUNK)]],
                                rows_v[b], srow.at[b])

    def scat(b):
        return pltpu.async_copy(rows_v[b], sacc.at[d_v[b]], sscat.at[b],
                                add=True)

    def wait_row(b):
        pltpu.make_async_copy(z_hbm.at[srcL.at[pl.ds(0, CHUNK)]], rows_v[b],
                              srow.at[b]).wait()

    def wait_scat(b):
        pltpu.make_async_copy(rows_v[b], sacc.at[d_v[b]], sscat.at[b]).wait()

    def halfstep(j, b):
        nb = 1 - b

        @pl.when(j >= 1)
        def _():
            wait_scat(nb)

        @pl.when(j + 1 <= nchunks - 1)
        def _():
            prep(j + 1, nb)
            gather(j + 1, nb)
        wait_row(b)
        scat(b)

    def dstep(t, carry):
        j = 2 * t

        @pl.when(j <= nchunks - 2)
        def _():
            halfstep(j, 0)

        @pl.when(j + 1 <= nchunks - 2)
        def _():
            halfstep(j + 1, 1)
        return carry

    prep(0, 0)
    gather(0, 0)
    lax.fori_loop(0, nchunks // 2, dstep, 0)
    lastpar = lax.rem(nchunks - 1, 2)

    @pl.when((nchunks >= 2) & (lastpar == 0))
    def _():
        wait_scat(1)

    @pl.when((nchunks >= 2) & (lastpar == 1))
    def _():
        wait_scat(0)

    @pl.when(lastpar == 0)
    def _():
        wait_row(0)
        scat(0).wait()

    @pl.when(lastpar == 1)
    def _():
        wait_row(1)
        scat(1).wait()

    plsc.subcore_barrier()
    o0 = pl.multiple_of(c * NPC + s * ROWS_PER_TILE, ROWS_PER_TILE)
    pltpu.sync_copy(sacc.at[pl.ds(r0, ROWS_PER_TILE)],
                    acc_out.at[pl.ds(o0, ROWS_PER_TILE)])
    if with_cnt:
        p0 = pl.multiple_of((c * NS + s) * CNT_PAD, 16)
        pltpu.sync_copy(cnt_l, cnt_out.at[pl.ds(p0, CNT_PAD)])


def _make_sc(with_cnt):
    mesh = plsc.VectorSubcoreMesh(core_axis_name="c", subcore_axis_name="s",
                                  num_cores=NC, num_subcores=NS)
    out_type = [jax.ShapeDtypeStruct((N_PAD, D), jnp.float32)]
    scratch = [
        pltpu.VMEM_SHARED((ACC_ROWS, D), jnp.float32),
        pltpu.VMEM((CNT_PAD,), jnp.float32) if with_cnt else None,
        pltpu.VMEM((PCH,), jnp.int32),
        pltpu.VMEM((PCH,), jnp.int32),
        pltpu.VMEM((PCH,), jnp.int32),
        pltpu.VMEM((PCH,), jnp.int32),
        pltpu.VMEM((LIST_CAP,), jnp.int32),
        pltpu.VMEM((LIST_CAP,), jnp.int32),
        pltpu.VMEM((CHUNK,), jnp.int32),
        pltpu.VMEM((CHUNK,), jnp.int32),
        pltpu.VMEM((CHUNK, D), jnp.float32),
        pltpu.VMEM((CHUNK, D), jnp.float32),
        pltpu.SemaphoreType.DMA((4,)),
        pltpu.SemaphoreType.DMA((2,)),
        pltpu.SemaphoreType.DMA((2,)),
    ]
    if with_cnt:
        out_type.append(
            jax.ShapeDtypeStruct((NC * NS * CNT_PAD,), jnp.float32))

        def body(z, srch, dsth, z128, acc, cnt, sacc, cntl, bs, bd, bs2,
                 bd2, sl, dl, dd0, dd1, ro0, ro1, s1, s2, s3):
            _sc_body(True, z, srch, dsth, z128, acc, cnt, sacc, cntl,
                     bs, bd, bs2, bd2, sl, dl, dd0, dd1, ro0, ro1, s1, s2, s3)
    else:
        scratch = scratch[:1] + scratch[2:]

        def body(z, srch, dsth, z128, acc, sacc, bs, bd, bs2, bd2, sl, dl,
                 dd0, dd1, ro0, ro1, s1, s2, s3):
            _sc_body(False, z, srch, dsth, z128, acc, None, sacc, None,
                     bs, bd, bs2, bd2, sl, dl, dd0, dd1, ro0, ro1, s1, s2, s3)

    cp = pltpu.CompilerParams(needs_layout_passes=False)
    return pl.kernel(body, out_type=tuple(out_type), mesh=mesh,
                     scratch_types=scratch, compiler_params=cp)


_sc_with_cnt = _make_sc(True)
_sc_no_cnt = _make_sc(False)


_RB = 2000


def _mm2_body(x_ref, wl_ref, wr_ref, z_ref, y_ref):
    xb = x_ref[...]
    z_ref[...] = _DOT(xb, wl_ref[...])
    y_ref[...] = _DOT(xb, wr_ref[...])


def _tc_mm2(x, Wl, Wr):
    return pl.pallas_call(
        _mm2_body,
        grid=(N // _RB,),
        in_specs=[
            pl.BlockSpec((_RB, D), lambda i: (i, 0)),
            pl.BlockSpec((D, D), lambda i: (0, 0)),
            pl.BlockSpec((D, D), lambda i: (0, 0)),
        ],
        out_specs=[
            pl.BlockSpec((_RB, D), lambda i: (i, 0)),
            pl.BlockSpec((_RB, D), lambda i: (i, 0)),
        ],
        out_shape=[jax.ShapeDtypeStruct((N, D), jnp.float32)] * 2,
    )(x, Wl, Wr)


def _mid_body(p_ref, cnt_ref, b_ref, y_ref, wl_ref, wr_ref, z2_ref, y2_ref):
    cnt = jnp.sum(cnt_ref[...], axis=1, keepdims=True)
    inv = 1.0 / jnp.maximum(cnt, 1.0)
    h = jnp.maximum(p_ref[...] * inv + b_ref[...] + y_ref[...], 0.0)
    z2_ref[...] = _DOT(h, wl_ref[...])
    y2_ref[...] = _DOT(h, wr_ref[...])


def _tc_mid(p, cnt, b, y1, Wl, Wr):
    return pl.pallas_call(
        _mid_body,
        grid=(N // _RB,),
        in_specs=[
            pl.BlockSpec((_RB, D), lambda i: (i, 0)),
            pl.BlockSpec((_RB, 16), lambda i: (i, 0)),
            pl.BlockSpec((1, D), lambda i: (0, 0)),
            pl.BlockSpec((_RB, D), lambda i: (i, 0)),
            pl.BlockSpec((D, D), lambda i: (0, 0)),
            pl.BlockSpec((D, D), lambda i: (0, 0)),
        ],
        out_specs=[
            pl.BlockSpec((_RB, D), lambda i: (i, 0)),
            pl.BlockSpec((_RB, D), lambda i: (i, 0)),
        ],
        out_shape=[jax.ShapeDtypeStruct((N, D), jnp.float32)] * 2,
    )(p, cnt, b, y1, Wl, Wr)


def _fin_body(p_ref, cnt_ref, b_ref, y_ref, o_ref):
    cnt = jnp.sum(cnt_ref[...], axis=1, keepdims=True)
    inv = 1.0 / jnp.maximum(cnt, 1.0)
    o_ref[...] = p_ref[...] * inv + b_ref[...] + y_ref[...]


def _tc_fin(p, cnt, b, y2):
    return pl.pallas_call(
        _fin_body,
        grid=(N // _RB,),
        in_specs=[
            pl.BlockSpec((_RB, D), lambda i: (i, 0)),
            pl.BlockSpec((_RB, 16), lambda i: (i, 0)),
            pl.BlockSpec((1, D), lambda i: (0, 0)),
            pl.BlockSpec((_RB, D), lambda i: (i, 0)),
        ],
        out_specs=pl.BlockSpec((_RB, D), lambda i: (i, 0)),
        out_shape=jax.ShapeDtypeStruct((N, D), jnp.float32),
    )(p, cnt, b, y2)


def kernel(x, xedge, W1l, b1l, W1r, W2l, b2l, W2r):
    src = xedge[0]
    dst = xedge[1]
    zer128 = jnp.zeros((ROWS_PER_TILE, D), jnp.float32)

    z1, y1 = _tc_mm2(x, W1l, W1r)
    p1, cnt_parts = _sc_with_cnt(z1, src, dst, zer128)
    pt = cnt_parts.reshape(NC, NS, CNT_PAD)
    cnt16 = jnp.concatenate([pt[0, :, :NPC], pt[1, :, :NPC]], axis=1).T
    z2, y2 = _tc_mid(p1, cnt16, b1l.reshape(1, D), y1, W2l, W2r)
    (p2,) = _sc_no_cnt(z2, src, dst, zer128)
    return _tc_fin(p2, cnt16, b2l.reshape(1, D), y2)

# --- scband reference (transcript-rebuilt; emitter-appended) ---
"""Pipeline reference for scband-adder-with-reconstruction-55937654063702 (READ-ONLY COPY).

The authoritative reference and input builder live on the scoring server;
editing this copy changes nothing except your own understanding.
"""

import jax, jax.numpy as jnp
import numpy as np

N = 10000
E = 320000
D = 128
H = 128


def sage_conv(x, edge_index, Wl, bl, Wr):
    # PyG SAGEConv (mean aggr): out = lin_l(mean_{j in N(i)} x_j) + lin_r(x_i)
    # lin_l has bias, lin_r has no bias (PyG default)
    src = edge_index[0]
    dst = edge_index[1]
    msgs = x[src]
    agg = jax.ops.segment_sum(msgs, dst, num_segments=x.shape[0])
    cnt = jax.ops.segment_sum(jnp.ones((edge_index.shape[1],), x.dtype), dst, num_segments=x.shape[0])
    mean = agg / jnp.maximum(cnt, 1.0)[:, None]
    return mean @ Wl.T + bl + x @ Wr.T


def setup_inputs(seed: int = 0) -> dict:
    key = jax.random.key(seed)
    ks = jax.random.split(key, 10)
    x = jax.random.normal(ks[0], (N, D), dtype=jnp.float32)
    xedge = jax.random.randint(ks[1], (2, E), 0, N, dtype=jnp.int32)
    s1 = 1.0 / np.sqrt(D)
    s2 = 1.0 / np.sqrt(H)
    W1l = jax.random.uniform(ks[2], (H, D), jnp.float32, -s1, s1)
    b1l = jax.random.uniform(ks[3], (H,), jnp.float32, -s1, s1)
    W1r = jax.random.uniform(ks[4], (H, D), jnp.float32, -s1, s1)
    W2l = jax.random.uniform(ks[5], (H, H), jnp.float32, -s2, s2)
    b2l = jax.random.uniform(ks[6], (H,), jnp.float32, -s2, s2)
    W2r = jax.random.uniform(ks[7], (H, H), jnp.float32, -s2, s2)
    return {"x": x, "xedge": xedge, "W1l": W1l, "b1l": b1l, "W1r": W1r,
            "W2l": W2l, "b2l": b2l, "W2r": W2r}


def reference(x, xedge, W1l, b1l, W1r, W2l, b2l, W2r):
    # ADDerWithReconstruction.forward(x, xedge) with pretrain=False, y=None:
    # returns encoder output = SAGE(x, edge_index)
    h = sage_conv(x, xedge, W1l, b1l, W1r)
    h = jax.nn.relu(h)
    # dropout(p=0.5) omitted for deterministic reference (identity)
    out = sage_conv(h, xedge, W2l, b2l, W2r)
    return out

if __name__ == "__main__":
    import jax
    _d = setup_inputs()
    print(jax.jit(kernel)(*tuple(_d.values())))

</pallas_src>

<mosaic_0001>
#map = affine_map<(d0, d1) -> (0, 0)>
#map1 = affine_map<(d0, d1) -> (0)>
module attributes {stable_mosaic.version = 14 : i64} {
  func.func @body(%arg0: i32, %arg1: i32, %arg2: memref<10000x128xf32, #tpu.memory_space<hbm>>, %arg3: memref<320000xi32, #tpu.memory_space<hbm>>, %arg4: memref<320000xi32, #tpu.memory_space<hbm>>, %arg5: memref<320x128xf32, #tpu.memory_space<hbm>>, %arg6: memref<10240x128xf32, #tpu.memory_space<hbm>>, %arg7: memref<5128x128xf32, #tpu.memory_space<vmem_shared>>, %arg8: memref<2000xi32, #tpu.memory_space<vmem>>, %arg9: memref<2000xi32, #tpu.memory_space<vmem>>, %arg10: memref<2000xi32, #tpu.memory_space<vmem>>, %arg11: memref<2000xi32, #tpu.memory_space<vmem>>, %arg12: memref<20080xi32, #tpu.memory_space<vmem>>, %arg13: memref<20080xi32, #tpu.memory_space<vmem>>, %arg14: memref<80xi32, #tpu.memory_space<vmem>>, %arg15: memref<80xi32, #tpu.memory_space<vmem>>, %arg16: memref<80x128xf32, #tpu.memory_space<vmem>>, %arg17: memref<80x128xf32, #tpu.memory_space<vmem>>, %arg18: memref<4x!tpu.dma_semaphore, #tpu.memory_space<semaphore_mem>>, %arg19: memref<2x!tpu.dma_semaphore, #tpu.memory_space<semaphore_mem>>, %arg20: memref<2x!tpu.dma_semaphore, #tpu.memory_space<semaphore_mem>>) attributes {dimension_semantics = [#tpu.dimension_semantics<core_parallel>, #tpu.dimension_semantics<subcore_parallel>], iteration_bounds = array<i64: 2, 16>, scalar_prefetch = 0 : i64, scratch_operands = 14 : i64, tpu.core_type = #tpu.core_type<sc_vector_subcore>, window_params = [{transform_indices = #map}, {transform_indices = #map1}, {transform_indices = #map1}, {transform_indices = #map}, {transform_indices = #map}]} {
    %mul3A = arith.constant 320 : i32
    %mul3A_0 = arith.muli %arg1, %mul3A : i32
    %multiple_of3A = tpu.assume_multiple %mul3A_0, 320 : i32
    %mul3A_1 = arith.constant 20000 : i32
    %mul3A_2 = arith.muli %arg1, %mul3A_1 : i32
    %multiple_of3A_3 = tpu.assume_multiple %mul3A_2, 16 : i32
    %add3A = arith.constant 0 : i32
    %add3A_4 = arith.addi %multiple_of3A_3, %add3A : i32
    %multiple_of3A_5 = tpu.assume_multiple %add3A_4, 16 : i32
    %dma_start3A = arith.constant 0 : i32
    %dma_start3A_6 = tpu.memref_slice %arg3[%multiple_of3A_5] : memref<320000xi32, #tpu.memory_space<hbm>> -> memref<2000xi32, #tpu.memory_space<hbm>>
    %dma_start3A_7 = tpu.memref_slice %arg18[%dma_start3A] : memref<4x!tpu.dma_semaphore, #tpu.memory_space<semaphore_mem>> -> memref<1x!tpu.dma_semaphore, #tpu.memory_space<semaphore_mem>>
    %dma_start3A_8 = tpu.memref_squeeze %dma_start3A_7 : memref<1x!tpu.dma_semaphore, #tpu.memory_space<semaphore_mem>> -> memref<!tpu.dma_semaphore, #tpu.memory_space<semaphore_mem>>
    %dma_start3A_9 = tpu.memref_slice %arg3[%multiple_of3A_5] : memref<320000xi32, #tpu.memory_space<hbm>> -> memref<2000xi32, #tpu.memory_space<hbm>>
    tpu.enqueue_dma source(%dma_start3A_9 : memref<2000xi32, #tpu.memory_space<hbm>>) target(%arg8 : memref<2000xi32, #tpu.memory_space<vmem>>) target_semaphore(%dma_start3A_8 : memref<!tpu.dma_semaphore, #tpu.memory_space<semaphore_mem>>)
    %dma_start3A_10 = arith.constant 1 : i32
    %dma_start3A_11 = tpu.memref_slice %arg4[%multiple_of3A_5] : memref<320000xi32, #tpu.memory_space<hbm>> -> memref<2000xi32, #tpu.memory_space<hbm>>
    %dma_start3A_12 = tpu.memref_slice %arg18[%dma_start3A_10] : memref<4x!tpu.dma_semaphore, #tpu.memory_space<semaphore_mem>> -> memref<1x!tpu.dma_semaphore, #tpu.memory_space<semaphore_mem>>
    %dma_start3A_13 = tpu.memref_squeeze %dma_start3A_12 : memref<1x!tpu.dma_semaphore, #tpu.memory_space<semaphore_mem>> -> memref<!tpu.dma_semaphore, #tpu.memory_space<semaphore_mem>>
    %dma_start3A_14 = tpu.memref_slice %arg4[%multiple_of3A_5] : memref<320000xi32, #tpu.memory_space<hbm>> -> memref<2000xi32, #tpu.memory_space<hbm>>
    tpu.enqueue_dma source(%dma_start3A_14 : memref<2000xi32, #tpu.memory_space<hbm>>) target(%arg9 : memref<2000xi32, #tpu.memory_space<vmem>>) target_semaphore(%dma_start3A_13 : memref<!tpu.dma_semaphore, #tpu.memory_space<semaphore_mem>>)
    "tpu.region"() ({
      %run_scoped3A = tpu.sem_alloc : memref<!tpu.dma_semaphore, #tpu.memory_space<semaphore_mem>>
      %dma_start3A_504 = arith.constant 0 : i32
      %dma_start3A_505 = tpu.memref_slice %arg7[%multiple_of3A, %dma_start3A_504] : memref<5128x128xf32, #tpu.memory_space<vmem_shared>> -> memref<320x128xf32, #tpu.memory_space<vmem_shared>>
      tpu.enqueue_dma source(%arg5 : memref<320x128xf32, #tpu.memory_space<hbm>>) target(%dma_start3A_505 : memref<320x128xf32, #tpu.memory_space<vmem_shared>>) target_semaphore(%run_scoped3A : memref<!tpu.dma_semaphore, #tpu.memory_space<semaphore_mem>>)
      %dma_wait3A_506 = arith.constant 0 : i32
      %dma_wait3A_507 = tpu.memref_slice %arg7[%multiple_of3A, %dma_wait3A_506] : memref<5128x128xf32, #tpu.memory_space<vmem_shared>> -> memref<320x128xf32, #tpu.memory_space<vmem_shared>>
      tpu.wait_dma2 semaphore(%run_scoped3A : memref<!tpu.dma_semaphore, #tpu.memory_space<semaphore_mem>>) src(%arg5 : memref<320x128xf32, #tpu.memory_space<hbm>>) dst(%dma_wait3A_507 : memref<320x128xf32, #tpu.memory_space<vmem_shared>>)
      tpu.yield
    }) : () -> ()
    %barrier3A = arith.constant 0 : index
    tpu.barrier barrier_id(%barrier3A)
    %mul3A_15 = arith.constant 5120 : i32
    %mul3A_16 = arith.muli %arg0, %mul3A_15 : i32
    %broadcast_in_dim3A = arith.constant 1.000000e+00 : f32
    %broadcast_in_dim3A_17 = vector.broadcast %broadcast_in_dim3A : f32 to vector<16xf32>
    %dma_wait3A = arith.constant 0 : i32
    %dma_wait3A_18 = arith.constant 0 : i32
    %dma_wait3A_19 = tpu.memref_slice %arg3[%dma_wait3A_18] : memref<320000xi32, #tpu.memory_space<hbm>> -> memref<2000xi32, #tpu.memory_space<hbm>>
    %dma_wait3A_20 = tpu.memref_slice %arg18[%dma_wait3A] : memref<4x!tpu.dma_semaphore, #tpu.memory_space<semaphore_mem>> -> memref<1x!tpu.dma_semaphore, #tpu.memory_space<semaphore_mem>>
    %dma_wait3A_21 = tpu.memref_squeeze %dma_wait3A_20 : memref<1x!tpu.dma_semaphore, #tpu.memory_space<semaphore_mem>> -> memref<!tpu.dma_semaphore, #tpu.memory_space<semaphore_mem>>
    %dma_wait3A_22 = arith.constant 0 : i32
    %dma_wait3A_23 = tpu.memref_slice %arg3[%dma_wait3A_22] : memref<320000xi32, #tpu.memory_space<hbm>> -> memref<2000xi32, #tpu.memory_space<hbm>>
    tpu.wait_dma2 semaphore(%dma_wait3A_21 : memref<!tpu.dma_semaphore, #tpu.memory_space<semaphore_mem>>) src(%dma_wait3A_23 : memref<2000xi32, #tpu.memory_space<hbm>>) dst(%arg8 : memref<2000xi32, #tpu.memory_space<vmem>>)
    %dma_wait3A_24 = arith.constant 1 : i32
    %dma_wait3A_25 = arith.constant 0 : i32
    %dma_wait3A_26 = tpu.memref_slice %arg4[%dma_wait3A_25] : memref<320000xi32, #tpu.memory_space<hbm>> -> memref<2000xi32, #tpu.memory_space<hbm>>
    %dma_wait3A_27 = tpu.memref_slice %arg18[%dma_wait3A_24] : memref<4x!tpu.dma_semaphore, #tpu.memory_space<semaphore_mem>> -> memref<1x!tpu.dma_semaphore, #tpu.memory_space<semaphore_mem>>
    %dma_wait3A_28 = tpu.memref_squeeze %dma_wait3A_27 : memref<1x!tpu.dma_semaphore, #tpu.memory_space<semaphore_mem>> -> memref<!tpu.dma_semaphore, #tpu.memory_space<semaphore_mem>>
    %dma_wait3A_29 = arith.constant 0 : i32
    %dma_wait3A_30 = tpu.memref_slice %arg4[%dma_wait3A_29] : memref<320000xi32, #tpu.memory_space<hbm>> -> memref<2000xi32, #tpu.memory_space<hbm>>
    tpu.wait_dma2 semaphore(%dma_wait3A_28 : memref<!tpu.dma_semaphore, #tpu.memory_space<semaphore_mem>>) src(%dma_wait3A_30 : memref<2000xi32, #tpu.memory_space<hbm>>) dst(%arg9 : memref<2000xi32, #tpu.memory_space<vmem>>)
    %add3A_31 = arith.constant 2000 : i32
    %add3A_32 = arith.addi %multiple_of3A_3, %add3A_31 : i32
    %multiple_of3A_33 = tpu.assume_multiple %add3A_32, 16 : i32
    %dma_start3A_34 = arith.constant 2 : i32
    %dma_start3A_35 = tpu.memref_slice %arg3[%multiple_of3A_33] : memref<320000xi32, #tpu.memory_space<hbm>> -> memref<2000xi32, #tpu.memory_space<hbm>>
    %dma_start3A_36 = tpu.memref_slice %arg18[%dma_start3A_34] : memref<4x!tpu.dma_semaphore, #tpu.memory_space<semaphore_mem>> -> memref<1x!tpu.dma_semaphore, #tpu.memory_space<semaphore_mem>>
    %dma_start3A_37 = tpu.memref_squeeze %dma_start3A_36 : memref<1x!tpu.dma_semaphore, #tpu.memory_space<semaphore_mem>> -> memref<!tpu.dma_semaphore, #tpu.memory_space<semaphore_mem>>
    %dma_start3A_38 = tpu.memref_slice %arg3[%multiple_of3A_33] : memref<320000xi32, #tpu.memory_space<hbm>> -> memref<2000xi32, #tpu.memory_space<hbm>>
    tpu.enqueue_dma source(%dma_start3A_38 : memref<2000xi32, #tpu.memory_space<hbm>>) target(%arg10 : memref<2000xi32, #tpu.memory_space<vmem>>) target_semaphore(%dma_start3A_37 : memref<!tpu.dma_semaphore, #tpu.memory_space<semaphore_mem>>)
    %dma_start3A_39 = arith.constant 3 : i32
    %dma_start3A_40 = tpu.memref_slice %arg4[%multiple_of3A_33] : memref<320000xi32, #tpu.memory_space<hbm>> -> memref<2000xi32, #tpu.memory_space<hbm>>
    %dma_start3A_41 = tpu.memref_slice %arg18[%dma_start3A_39] : memref<4x!tpu.dma_semaphore, #tpu.memory_space<semaphore_mem>> -> memref<1x!tpu.dma_semaphore, #tpu.memory_space<semaphore_mem>>
    %dma_start3A_42 = tpu.memref_squeeze %dma_start3A_41 : memref<1x!tpu.dma_semaphore, #tpu.memory_space<semaphore_mem>> -> memref<!tpu.dma_semaphore, #tpu.memory_space<semaphore_mem>>
    %dma_start3A_43 = tpu.memref_slice %arg4[%multiple_of3A_33] : memref<320000xi32, #tpu.memory_space<hbm>> -> memref<2000xi32, #tpu.memory_space<hbm>>
    tpu.enqueue_dma source(%dma_start3A_43 : memref<2000xi32, #tpu.memory_space<hbm>>) target(%arg11 : memref<2000xi32, #tpu.memory_space<vmem>>) target_semaphore(%dma_start3A_42 : memref<!tpu.dma_semaphore, #tpu.memory_space<semaphore_mem>>)
    %scan3A = arith.constant 0 : i32
    %scan3A_44 = arith.constant 0 : i32
    %scan3A_45 = arith.constant 125 : i32
    %scan3A_46 = arith.addi %scan3A_44, %scan3A_45 : i32
    %scan3A_47 = arith.constant 1 : i32
    %scan3A_48 = scf.for %scan3A_504 = %scan3A_44 to %scan3A_46 step %scan3A_47 iter_args(%scan3A_505 = %scan3A) -> (i32)  : i32 {
      %mul3A_506 = arith.constant 16 : i32
      %mul3A_507 = arith.muli %scan3A_504, %mul3A_506 : i32
      %get3A_508 = arith.index_cast %mul3A_507 : i32 to index
      %get3A_509 = tpu.vector_load %arg8[%get3A_508] {strides = array<i32>} : memref<2000xi32, #tpu.memory_space<vmem>>, vector<16xi32>,
      %mul3A_510 = arith.constant 16 : i32
      %mul3A_511 = arith.muli %scan3A_504, %mul3A_510 : i32
      %get3A_512 = arith.index_cast %mul3A_511 : i32 to index
      %get3A_513 = tpu.vector_load %arg9[%get3A_512] {strides = array<i32>} : memref<2000xi32, #tpu.memory_space<vmem>>, vector<16xi32>,
      %sub3A_514 = vector.broadcast %mul3A_16 : i32 to vector<16xi32>
      %sub3A_515 = arith.subi %get3A_513, %sub3A_514 : vector<16xi32>
      %ge3A_516 = arith.constant 0 : i32
      %ge3A_517 = vector.broadcast %ge3A_516 : i32 to vector<16xi32>
      %ge3A_518 = arith.cmpi sge, %sub3A_515, %ge3A_517 : vector<16xi32>
      %lt3A = arith.constant 5120 : i32
      %lt3A_519 = vector.broadcast %lt3A : i32 to vector<16xi32>
      %lt3A_520 = arith.cmpi slt, %sub3A_515, %lt3A_519 : vector<16xi32>
      %and3A_521 = arith.andi %ge3A_518, %lt3A_520 : vector<16xi1>
      %swap3A_522 = arith.index_cast %scan3A_505 : i32 to index
      %swap3A_523 = tpu.vector_load %arg12[%swap3A_522] masked %and3A_521 {strides = array<i32>} : memref<20080xi32, #tpu.memory_space<vmem>>, vector<16xi32>, vector<16xi1>
      tpu.vector_store %arg12[%swap3A_522], %get3A_509 masked %and3A_521 {strides = array<i32>} : memref<20080xi32, #tpu.memory_space<vmem>>, vector<16xi32>, vector<16xi1>
      %swap3A_524 = arith.index_cast %scan3A_505 : i32 to index
      %swap3A_525 = tpu.vector_load %arg13[%swap3A_524] masked %and3A_521 {strides = array<i32>} : memref<20080xi32, #tpu.memory_space<vmem>>, vector<16xi32>, vector<16xi1>
      tpu.vector_store %arg13[%swap3A_524], %sub3A_515 masked %and3A_521 {strides = array<i32>} : memref<20080xi32, #tpu.memory_space<vmem>>, vector<16xi32>, vector<16xi1>
      %all_reduce_population_count3A = tpu.all_reduce %and3A_521 {dim = 0 : i64, kind = #tpu.reduction_kind<sum>} : vector<16xi1> -> vector<16xi32>
      %slice3A = vector.extract_strided_slice %all_reduce_population_count3A {offsets = [0], sizes = [1], strides = [1]} : vector<16xi32> to vector<1xi32>
      %squeeze3A = vector.extract %slice3A[0] : i32 from vector<1xi32>
      %add3A_526 = arith.addi %scan3A_505, %squeeze3A : i32
      scf.yield %add3A_526 : i32
    }
    %scan3A_49 = arith.constant 125 : i32
    %dma_wait3A_50 = arith.constant 2 : i32
    %dma_wait3A_51 = arith.constant 0 : i32
    %dma_wait3A_52 = tpu.memref_slice %arg3[%dma_wait3A_51] : memref<320000xi32, #tpu.memory_space<hbm>> -> memref<2000xi32, #tpu.memory_space<hbm>>
    %dma_wait3A_53 = tpu.memref_slice %arg18[%dma_wait3A_50] : memref<4x!tpu.dma_semaphore, #tpu.memory_space<semaphore_mem>> -> memref<1x!tpu.dma_semaphore, #tpu.memory_space<semaphore_mem>>
    %dma_wait3A_54 = tpu.memref_squeeze %dma_wait3A_53 : memref<1x!tpu.dma_semaphore, #tpu.memory_space<semaphore_mem>> -> memref<!tpu.dma_semaphore, #tpu.memory_space<semaphore_mem>>
    %dma_wait3A_55 = arith.constant 0 : i32
    %dma_wait3A_56 = tpu.memref_slice %arg3[%dma_wait3A_55] : memref<320000xi32, #tpu.memory_space<hbm>> -> memref<2000xi32, #tpu.memory_space<hbm>>
    tpu.wait_dma2 semaphore(%dma_wait3A_54 : memref<!tpu.dma_semaphore, #tpu.memory_space<semaphore_mem>>) src(%dma_wait3A_56 : memref<2000xi32, #tpu.memory_space<hbm>>) dst(%arg10 : memref<2000xi32, #tpu.memory_space<vmem>>)
    %dma_wait3A_57 = arith.constant 3 : i32
    %dma_wait3A_58 = arith.constant 0 : i32
    %dma_wait3A_59 = tpu.memref_slice %arg4[%dma_wait3A_58] : memref<320000xi32, #tpu.memory_space<hbm>> -> memref<2000xi32, #tpu.memory_space<hbm>>
    %dma_wait3A_60 = tpu.memref_slice %arg18[%dma_wait3A_57] : memref<4x!tpu.dma_semaphore, #tpu.memory_space<semaphore_mem>> -> memref<1x!tpu.dma_semaphore, #tpu.memory_space<semaphore_mem>>
    %dma_wait3A_61 = tpu.memref_squeeze %dma_wait3A_60 : memref<1x!tpu.dma_semaphore, #tpu.memory_space<semaphore_mem>> -> memref<!tpu.dma_semaphore, #tpu.memory_space<semaphore_mem>>
    %dma_wait3A_62 = arith.constant 0 : i32
    %dma_wait3A_63 = tpu.memref_slice %arg4[%dma_wait3A_62] : memref<320000xi32, #tpu.memory_space<hbm>> -> memref<2000xi32, #tpu.memory_space<hbm>>
    tpu.wait_dma2 semaphore(%dma_wait3A_61 : memref<!tpu.dma_semaphore, #tpu.memory_space<semaphore_mem>>) src(%dma_wait3A_63 : memref<2000xi32, #tpu.memory_space<hbm>>) dst(%arg11 : memref<2000xi32, #tpu.memory_space<vmem>>)
    %add3A_64 = arith.constant 4000 : i32
    %add3A_65 = arith.addi %multiple_of3A_3, %add3A_64 : i32
    %multiple_of3A_66 = tpu.assume_multiple %add3A_65, 16 : i32
    %dma_start3A_67 = arith.constant 0 : i32
    %dma_start3A_68 = tpu.memref_slice %arg3[%multiple_of3A_66] : memref<320000xi32, #tpu.memory_space<hbm>> -> memref<2000xi32, #tpu.memory_space<hbm>>
    %dma_start3A_69 = tpu.memref_slice %arg18[%dma_start3A_67] : memref<4x!tpu.dma_semaphore, #tpu.memory_space<semaphore_mem>> -> memref<1x!tpu.dma_semaphore, #tpu.memory_space<semaphore_mem>>
    %dma_start3A_70 = tpu.memref_squeeze %dma_start3A_69 : memref<1x!tpu.dma_semaphore, #tpu.memory_space<semaphore_mem>> -> memref<!tpu.dma_semaphore, #tpu.memory_space<semaphore_mem>>
    %dma_start3A_71 = tpu.memref_slice %arg3[%multiple_of3A_66] : memref<320000xi32, #tpu.memory_space<hbm>> -> memref<2000xi32, #tpu.memory_space<hbm>>
    tpu.enqueue_dma source(%dma_start3A_71 : memref<2000xi32, #tpu.memory_space<hbm>>) target(%arg8 : memref<2000xi32, #tpu.memory_space<vmem>>) target_semaphore(%dma_start3A_70 : memref<!tpu.dma_semaphore, #tpu.memory_space<semaphore_mem>>)
    %dma_start3A_72 = arith.constant 1 : i32
    %dma_start3A_73 = tpu.memref_slice %arg4[%multiple_of3A_66] : memref<320000xi32, #tpu.memory_space<hbm>> -> memref<2000xi32, #tpu.memory_space<hbm>>
    %dma_start3A_74 = tpu.memref_slice %arg18[%dma_start3A_72] : memref<4x!tpu.dma_semaphore, #tpu.memory_space<semaphore_mem>> -> memref<1x!tpu.dma_semaphore, #tpu.memory_space<semaphore_mem>>
    %dma_start3A_75 = tpu.memref_squeeze %dma_start3A_74 : memref<1x!tpu.dma_semaphore, #tpu.memory_space<semaphore_mem>> -> memref<!tpu.dma_semaphore, #tpu.memory_space<semaphore_mem>>
    %dma_start3A_76 = tpu.memref_slice %arg4[%multiple_of3A_66] : memref<320000xi32, #tpu.memory_space<hbm>> -> memref<2000xi32, #tpu.memory_space<hbm>>
    tpu.enqueue_dma source(%dma_start3A_76 : memref<2000xi32, #tpu.memory_space<hbm>>) target(%arg9 : memref<2000xi32, #tpu.memory_space<vmem>>) target_semaphore(%dma_start3A_75 : memref<!tpu.dma_semaphore, #tpu.memory_space<semaphore_mem>>)
    %scan3A_77 = arith.constant 0 : i32
    %scan3A_78 = arith.constant 125 : i32
    %scan3A_79 = arith.addi %scan3A_77, %scan3A_78 : i32
    %scan3A_80 = arith.constant 1 : i32
    %scan3A_81 = scf.for %scan3A_504 = %scan3A_77 to %scan3A_79 step %scan3A_80 iter_args(%scan3A_505 = %scan3A_48) -> (i32)  : i32 {
      %mul3A_506 = arith.constant 16 : i32
      %mul3A_507 = arith.muli %scan3A_504, %mul3A_506 : i32
      %get3A_508 = arith.index_cast %mul3A_507 : i32 to index
      %get3A_509 = tpu.vector_load %arg10[%get3A_508] {strides = array<i32>} : memref<2000xi32, #tpu.memory_space<vmem>>, vector<16xi32>,
      %mul3A_510 = arith.constant 16 : i32
      %mul3A_511 = arith.muli %scan3A_504, %mul3A_510 : i32
      %get3A_512 = arith.index_cast %mul3A_511 : i32 to index
      %get3A_513 = tpu.vector_load %arg11[%get3A_512] {strides = array<i32>} : memref<2000xi32, #tpu.memory_space<vmem>>, vector<16xi32>,
      %sub3A_514 = vector.broadcast %mul3A_16 : i32 to vector<16xi32>
      %sub3A_515 = arith.subi %get3A_513, %sub3A_514 : vector<16xi32>
      %ge3A_516 = arith.constant 0 : i32
      %ge3A_517 = vector.broadcast %ge3A_516 : i32 to vector<16xi32>
      %ge3A_518 = arith.cmpi sge, %sub3A_515, %ge3A_517 : vector<16xi32>
      %lt3A = arith.constant 5120 : i32
      %lt3A_519 = vector.broadcast %lt3A : i32 to vector<16xi32>
      %lt3A_520 = arith.cmpi slt, %sub3A_515, %lt3A_519 : vector<16xi32>
      %and3A_521 = arith.andi %ge3A_518, %lt3A_520 : vector<16xi1>
      %swap3A_522 = arith.index_cast %scan3A_505 : i32 to index
      %swap3A_523 = tpu.vector_load %arg12[%swap3A_522] masked %and3A_521 {strides = array<i32>} : memref<20080xi32, #tpu.memory_space<vmem>>, vector<16xi32>, vector<16xi1>
      tpu.vector_store %arg12[%swap3A_522], %get3A_509 masked %and3A_521 {strides = array<i32>} : memref<20080xi32, #tpu.memory_space<vmem>>, vector<16xi32>, vector<16xi1>
      %swap3A_524 = arith.index_cast %scan3A_505 : i32 to index
      %swap3A_525 = tpu.vector_load %arg13[%swap3A_524] masked %and3A_521 {strides = array<i32>} : memref<20080xi32, #tpu.memory_space<vmem>>, vector<16xi32>, vector<16xi1>
      tpu.vector_store %arg13[%swap3A_524], %sub3A_515 masked %and3A_521 {strides = array<i32>} : memref<20080xi32, #tpu.memory_space<vmem>>, vector<16xi32>, vector<16xi1>
      %all_reduce_population_count3A = tpu.all_reduce %and3A_521 {dim = 0 : i64, kind = #tpu.reduction_kind<sum>} : vector<16xi1> -> vector<16xi32>
      %slice3A = vector.extract_strided_slice %all_reduce_population_count3A {offsets = [0], sizes = [1], strides = [1]} : vector<16xi32> to vector<1xi32>
      %squeeze3A = vector.extract %slice3A[0] : i32 from vector<1xi32>
      %add3A_526 = arith.addi %scan3A_505, %squeeze3A : i32
      scf.yield %add3A_526 : i32
    }
    %scan3A_82 = arith.constant 125 : i32
    %dma_wait3A_83 = arith.constant 0 : i32
    %dma_wait3A_84 = arith.constant 0 : i32
    %dma_wait3A_85 = tpu.memref_slice %arg3[%dma_wait3A_84] : memref<320000xi32, #tpu.memory_space<hbm>> -> memref<2000xi32, #tpu.memory_space<hbm>>
    %dma_wait3A_86 = tpu.memref_slice %arg18[%dma_wait3A_83] : memref<4x!tpu.dma_semaphore, #tpu.memory_space<semaphore_mem>> -> memref<1x!tpu.dma_semaphore, #tpu.memory_space<semaphore_mem>>
    %dma_wait3A_87 = tpu.memref_squeeze %dma_wait3A_86 : memref<1x!tpu.dma_semaphore, #tpu.memory_space<semaphore_mem>> -> memref<!tpu.dma_semaphore, #tpu.memory_space<semaphore_mem>>
    %dma_wait3A_88 = arith.constant 0 : i32
    %dma_wait3A_89 = tpu.memref_slice %arg3[%dma_wait3A_88] : memref<320000xi32, #tpu.memory_space<hbm>> -> memref<2000xi32, #tpu.memory_space<hbm>>
    tpu.wait_dma2 semaphore(%dma_wait3A_87 : memref<!tpu.dma_semaphore, #tpu.memory_space<semaphore_mem>>) src(%dma_wait3A_89 : memref<2000xi32, #tpu.memory_space<hbm>>) dst(%arg8 : memref<2000xi32, #tpu.memory_space<vmem>>)
    %dma_wait3A_90 = arith.constant 1 : i32
    %dma_wait3A_91 = arith.constant 0 : i32
    %dma_wait3A_92 = tpu.memref_slice %arg4[%dma_wait3A_91] : memref<320000xi32, #tpu.memory_space<hbm>> -> memref<2000xi32, #tpu.memory_space<hbm>>
    %dma_wait3A_93 = tpu.memref_slice %arg18[%dma_wait3A_90] : memref<4x!tpu.dma_semaphore, #tpu.memory_space<semaphore_mem>> -> memref<1x!tpu.dma_semaphore, #tpu.memory_space<semaphore_mem>>
    %dma_wait3A_94 = tpu.memref_squeeze %dma_wait3A_93 : memref<1x!tpu.dma_semaphore, #tpu.memory_space<semaphore_mem>> -> memref<!tpu.dma_semaphore, #tpu.memory_space<semaphore_mem>>
    %dma_wait3A_95 = arith.constant 0 : i32
    %dma_wait3A_96 = tpu.memref_slice %arg4[%dma_wait3A_95] : memref<320000xi32, #tpu.memory_space<hbm>> -> memref<2000xi32, #tpu.memory_space<hbm>>
    tpu.wait_dma2 semaphore(%dma_wait3A_94 : memref<!tpu.dma_semaphore, #tpu.memory_space<semaphore_mem>>) src(%dma_wait3A_96 : memref<2000xi32, #tpu.memory_space<hbm>>) dst(%arg9 : memref<2000xi32, #tpu.memory_space<vmem>>)
    %add3A_97 = arith.constant 6000 : i32
    %add3A_98 = arith.addi %multiple_of3A_3, %add3A_97 : i32
    %multiple_of3A_99 = tpu.assume_multiple %add3A_98, 16 : i32
    %dma_start3A_100 = arith.constant 2 : i32
    %dma_start3A_101 = tpu.memref_slice %arg3[%multiple_of3A_99] : memref<320000xi32, #tpu.memory_space<hbm>> -> memref<2000xi32, #tpu.memory_space<hbm>>
    %dma_start3A_102 = tpu.memref_slice %arg18[%dma_start3A_100] : memref<4x!tpu.dma_semaphore, #tpu.memory_space<semaphore_mem>> -> memref<1x!tpu.dma_semaphore, #tpu.memory_space<semaphore_mem>>
    %dma_start3A_103 = tpu.memref_squeeze %dma_start3A_102 : memref<1x!tpu.dma_semaphore, #tpu.memory_space<semaphore_mem>> -> memref<!tpu.dma_semaphore, #tpu.memory_space<semaphore_mem>>
    %dma_start3A_104 = tpu.memref_slice %arg3[%multiple_of3A_99] : memref<320000xi32, #tpu.memory_space<hbm>> -> memref<2000xi32, #tpu.memory_space<hbm>>
    tpu.enqueue_dma source(%dma_start3A_104 : memref<2000xi32, #tpu.memory_space<hbm>>) target(%arg10 : memref<2000xi32, #tpu.memory_space<vmem>>) target_semaphore(%dma_start3A_103 : memref<!tpu.dma_semaphore, #tpu.memory_space<semaphore_mem>>)
    %dma_start3A_105 = arith.constant 3 : i32
    %dma_start3A_106 = tpu.memref_slice %arg4[%multiple_of3A_99] : memref<320000xi32, #tpu.memory_space<hbm>> -> memref<2000xi32, #tpu.memory_space<hbm>>
    %dma_start3A_107 = tpu.memref_slice %arg18[%dma_start3A_105] : memref<4x!tpu.dma_semaphore, #tpu.memory_space<semaphore_mem>> -> memref<1x!tpu.dma_semaphore, #tpu.memory_space<semaphore_mem>>
    %dma_start3A_108 = tpu.memref_squeeze %dma_start3A_107 : memref<1x!tpu.dma_semaphore, #tpu.memory_space<semaphore_mem>> -> memref<!tpu.dma_semaphore, #tpu.memory_space<semaphore_mem>>
    %dma_start3A_109 = tpu.memref_slice %arg4[%multiple_of3A_99] : memref<320000xi32, #tpu.memory_space<hbm>> -> memref<2000xi32, #tpu.memory_space<hbm>>
    tpu.enqueue_dma source(%dma_start3A_109 : memref<2000xi32, #tpu.memory_space<hbm>>) target(%arg11 : memref<2000xi32, #tpu.memory_space<vmem>>) target_semaphore(%dma_start3A_108 : memref<!tpu.dma_semaphore, #tpu.memory_space<semaphore_mem>>)
    %scan3A_110 = arith.constant 0 : i32
    %scan3A_111 = arith.constant 125 : i32
    %scan3A_112 = arith.addi %scan3A_110, %scan3A_111 : i32
    %scan3A_113 = arith.constant 1 : i32
    %scan3A_114 = scf.for %scan3A_504 = %scan3A_110 to %scan3A_112 step %scan3A_113 iter_args(%scan3A_505 = %scan3A_81) -> (i32)  : i32 {
      %mul3A_506 = arith.constant 16 : i32
      %mul3A_507 = arith.muli %scan3A_504, %mul3A_506 : i32
      %get3A_508 = arith.index_cast %mul3A_507 : i32 to index
      %get3A_509 = tpu.vector_load %arg8[%get3A_508] {strides = array<i32>} : memref<2000xi32, #tpu.memory_space<vmem>>, vector<16xi32>,
      %mul3A_510 = arith.constant 16 : i32
      %mul3A_511 = arith.muli %scan3A_504, %mul3A_510 : i32
      %get3A_512 = arith.index_cast %mul3A_511 : i32 to index
      %get3A_513 = tpu.vector_load %arg9[%get3A_512] {strides = array<i32>} : memref<2000xi32, #tpu.memory_space<vmem>>, vector<16xi32>,
      %sub3A_514 = vector.broadcast %mul3A_16 : i32 to vector<16xi32>
      %sub3A_515 = arith.subi %get3A_513, %sub3A_514 : vector<16xi32>
      %ge3A_516 = arith.constant 0 : i32
      %ge3A_517 = vector.broadcast %ge3A_516 : i32 to vector<16xi32>
      %ge3A_518 = arith.cmpi sge, %sub3A_515, %ge3A_517 : vector<16xi32>
      %lt3A = arith.constant 5120 : i32
      %lt3A_519 = vector.broadcast %lt3A : i32 to vector<16xi32>
      %lt3A_520 = arith.cmpi slt, %sub3A_515, %lt3A_519 : vector<16xi32>
      %and3A_521 = arith.andi %ge3A_518, %lt3A_520 : vector<16xi1>
      %swap3A_522 = arith.index_cast %scan3A_505 : i32 to index
      %swap3A_523 = tpu.vector_load %arg12[%swap3A_522] masked %and3A_521 {strides = array<i32>} : memref<20080xi32, #tpu.memory_space<vmem>>, vector<16xi32>, vector<16xi1>
      tpu.vector_store %arg12[%swap3A_522], %get3A_509 masked %and3A_521 {strides = array<i32>} : memref<20080xi32, #tpu.memory_space<vmem>>, vector<16xi32>, vector<16xi1>
      %swap3A_524 = arith.index_cast %scan3A_505 : i32 to index
      %swap3A_525 = tpu.vector_load %arg13[%swap3A_524] masked %and3A_521 {strides = array<i32>} : memref<20080xi32, #tpu.memory_space<vmem>>, vector<16xi32>, vector<16xi1>
      tpu.vector_store %arg13[%swap3A_524], %sub3A_515 masked %and3A_521 {strides = array<i32>} : memref<20080xi32, #tpu.memory_space<vmem>>, vector<16xi32>, vector<16xi1>
      %all_reduce_population_count3A = tpu.all_reduce %and3A_521 {dim = 0 : i64, kind = #tpu.reduction_kind<sum>} : vector<16xi1> -> vector<16xi32>
      %slice3A = vector.extract_strided_slice %all_reduce_population_count3A {offsets = [0], sizes = [1], strides = [1]} : vector<16xi32> to vector<1xi32>
      %squeeze3A = vector.extract %slice3A[0] : i32 from vector<1xi32>
      %add3A_526 = arith.addi %scan3A_505, %squeeze3A : i32
      scf.yield %add3A_526 : i32
    }
    %scan3A_115 = arith.constant 125 : i32
    %dma_wait3A_116 = arith.constant 2 : i32
    %dma_wait3A_117 = arith.constant 0 : i32
    %dma_wait3A_118 = tpu.memref_slice %arg3[%dma_wait3A_117] : memref<320000xi32, #tpu.memory_space<hbm>> -> memref<2000xi32, #tpu.memory_space<hbm>>
    %dma_wait3A_119 = tpu.memref_slice %arg18[%dma_wait3A_116] : memref<4x!tpu.dma_semaphore, #tpu.memory_space<semaphore_mem>> -> memref<1x!tpu.dma_semaphore, #tpu.memory_space<semaphore_mem>>
    %dma_wait3A_120 = tpu.memref_squeeze %dma_wait3A_119 : memref<1x!tpu.dma_semaphore, #tpu.memory_space<semaphore_mem>> -> memref<!tpu.dma_semaphore, #tpu.memory_space<semaphore_mem>>
    %dma_wait3A_121 = arith.constant 0 : i32
    %dma_wait3A_122 = tpu.memref_slice %arg3[%dma_wait3A_121] : memref<320000xi32, #tpu.memory_space<hbm>> -> memref<2000xi32, #tpu.memory_space<hbm>>
    tpu.wait_dma2 semaphore(%dma_wait3A_120 : memref<!tpu.dma_semaphore, #tpu.memory_space<semaphore_mem>>) src(%dma_wait3A_122 : memref<2000xi32, #tpu.memory_space<hbm>>) dst(%arg10 : memref<2000xi32, #tpu.memory_space<vmem>>)
    %dma_wait3A_123 = arith.constant 3 : i32
    %dma_wait3A_124 = arith.constant 0 : i32
    %dma_wait3A_125 = tpu.memref_slice %arg4[%dma_wait3A_124] : memref<320000xi32, #tpu.memory_space<hbm>> -> memref<2000xi32, #tpu.memory_space<hbm>>
    %dma_wait3A_126 = tpu.memref_slice %arg18[%dma_wait3A_123] : memref<4x!tpu.dma_semaphore, #tpu.memory_space<semaphore_mem>> -> memref<1x!tpu.dma_semaphore, #tpu.memory_space<semaphore_mem>>
    %dma_wait3A_127 = tpu.memref_squeeze %dma_wait3A_126 : memref<1x!tpu.dma_semaphore, #tpu.memory_space<semaphore_mem>> -> memref<!tpu.dma_semaphore, #tpu.memory_space<semaphore_mem>>
    %dma_wait3A_128 = arith.constant 0 : i32
    %dma_wait3A_129 = tpu.memref_slice %arg4[%dma_wait3A_128] : memref<320000xi32, #tpu.memory_space<hbm>> -> memref<2000xi32, #tpu.memory_space<hbm>>
    tpu.wait_dma2 semaphore(%dma_wait3A_127 : memref<!tpu.dma_semaphore, #tpu.memory_space<semaphore_mem>>) src(%dma_wait3A_129 : memref<2000xi32, #tpu.memory_space<hbm>>) dst(%arg11 : memref<2000xi32, #tpu.memory_space<vmem>>)
    %add3A_130 = arith.constant 8000 : i32
    %add3A_131 = arith.addi %multiple_of3A_3, %add3A_130 : i32
    %multiple_of3A_132 = tpu.assume_multiple %add3A_131, 16 : i32
    %dma_start3A_133 = arith.constant 0 : i32
    %dma_start3A_134 = tpu.memref_slice %arg3[%multiple_of3A_132] : memref<320000xi32, #tpu.memory_space<hbm>> -> memref<2000xi32, #tpu.memory_space<hbm>>
    %dma_start3A_135 = tpu.memref_slice %arg18[%dma_start3A_133] : memref<4x!tpu.dma_semaphore, #tpu.memory_space<semaphore_mem>> -> memref<1x!tpu.dma_semaphore, #tpu.memory_space<semaphore_mem>>
    %dma_start3A_136 = tpu.memref_squeeze %dma_start3A_135 : memref<1x!tpu.dma_semaphore, #tpu.memory_space<semaphore_mem>> -> memref<!tpu.dma_semaphore, #tpu.memory_space<semaphore_mem>>
    %dma_start3A_137 = tpu.memref_slice %arg3[%multiple_of3A_132] : memref<320000xi32, #tpu.memory_space<hbm>> -> memref<2000xi32, #tpu.memory_space<hbm>>
    tpu.enqueue_dma source(%dma_start3A_137 : memref<2000xi32, #tpu.memory_space<hbm>>) target(%arg8 : memref<2000xi32, #tpu.memory_space<vmem>>) target_semaphore(%dma_start3A_136 : memref<!tpu.dma_semaphore, #tpu.memory_space<semaphore_mem>>)
    %dma_start3A_138 = arith.constant 1 : i32
    %dma_start3A_139 = tpu.memref_slice %arg4[%multiple_of3A_132] : memref<320000xi32, #tpu.memory_space<hbm>> -> memref<2000xi32, #tpu.memory_space<hbm>>
    %dma_start3A_140 = tpu.memref_slice %arg18[%dma_start3A_138] : memref<4x!tpu.dma_semaphore, #tpu.memory_space<semaphore_mem>> -> memref<1x!tpu.dma_semaphore, #tpu.memory_space<semaphore_mem>>
    %dma_start3A_141 = tpu.memref_squeeze %dma_start3A_140 : memref<1x!tpu.dma_semaphore, #tpu.memory_space<semaphore_mem>> -> memref<!tpu.dma_semaphore, #tpu.memory_space<semaphore_mem>>
    %dma_start3A_142 = tpu.memref_slice %arg4[%multiple_of3A_132] : memref<320000xi32, #tpu.memory_space<hbm>> -> memref<2000xi32, #tpu.memory_space<hbm>>
    tpu.enqueue_dma source(%dma_start3A_142 : memref<2000xi32, #tpu.memory_space<hbm>>) target(%arg9 : memref<2000xi32, #tpu.memory_space<vmem>>) target_semaphore(%dma_start3A_141 : memref<!tpu.dma_semaphore, #tpu.memory_space<semaphore_mem>>)
    %scan3A_143 = arith.constant 0 : i32
    %scan3A_144 = arith.constant 125 : i32
    %scan3A_145 = arith.addi %scan3A_143, %scan3A_144 : i32
    %scan3A_146 = arith.constant 1 : i32
    %scan3A_147 = scf.for %scan3A_504 = %scan3A_143 to %scan3A_145 step %scan3A_146 iter_args(%scan3A_505 = %scan3A_114) -> (i32)  : i32 {
      %mul3A_506 = arith.constant 16 : i32
      %mul3A_507 = arith.muli %scan3A_504, %mul3A_506 : i32
      %get3A_508 = arith.index_cast %mul3A_507 : i32 to index
      %get3A_509 = tpu.vector_load %arg10[%get3A_508] {strides = array<i32>} : memref<2000xi32, #tpu.memory_space<vmem>>, vector<16xi32>,
      %mul3A_510 = arith.constant 16 : i32
      %mul3A_511 = arith.muli %scan3A_504, %mul3A_510 : i32
      %get3A_512 = arith.index_cast %mul3A_511 : i32 to index
      %get3A_513 = tpu.vector_load %arg11[%get3A_512] {strides = array<i32>} : memref<2000xi32, #tpu.memory_space<vmem>>, vector<16xi32>,
      %sub3A_514 = vector.broadcast %mul3A_16 : i32 to vector<16xi32>
      %sub3A_515 = arith.subi %get3A_513, %sub3A_514 : vector<16xi32>
      %ge3A_516 = arith.constant 0 : i32
      %ge3A_517 = vector.broadcast %ge3A_516 : i32 to vector<16xi32>
      %ge3A_518 = arith.cmpi sge, %sub3A_515, %ge3A_517 : vector<16xi32>
      %lt3A = arith.constant 5120 : i32
      %lt3A_519 = vector.broadcast %lt3A : i32 to vector<16xi32>
      %lt3A_520 = arith.cmpi slt, %sub3A_515, %lt3A_519 : vector<16xi32>
      %and3A_521 = arith.andi %ge3A_518, %lt3A_520 : vector<16xi1>
      %swap3A_522 = arith.index_cast %scan3A_505 : i32 to index
      %swap3A_523 = tpu.vector_load %arg12[%swap3A_522] masked %and3A_521 {strides = array<i32>} : memref<20080xi32, #tpu.memory_space<vmem>>, vector<16xi32>, vector<16xi1>
      tpu.vector_store %arg12[%swap3A_522], %get3A_509 masked %and3A_521 {strides = array<i32>} : memref<20080xi32, #tpu.memory_space<vmem>>, vector<16xi32>, vector<16xi1>
      %swap3A_524 = arith.index_cast %scan3A_505 : i32 to index
      %swap3A_525 = tpu.vector_load %arg13[%swap3A_524] masked %and3A_521 {strides = array<i32>} : memref<20080xi32, #tpu.memory_space<vmem>>, vector<16xi32>, vector<16xi1>
      tpu.vector_store %arg13[%swap3A_524], %sub3A_515 masked %and3A_521 {strides = array<i32>} : memref<20080xi32, #tpu.memory_space<vmem>>, vector<16xi32>, vector<16xi1>
      %all_reduce_population_count3A = tpu.all_reduce %and3A_521 {dim = 0 : i64, kind = #tpu.reduction_kind<sum>} : vector<16xi1> -> vector<16xi32>
      %slice3A = vector.extract_strided_slice %all_reduce_population_count3A {offsets = [0], sizes = [1], strides = [1]} : vector<16xi32> to vector<1xi32>
      %squeeze3A = vector.extract %slice3A[0] : i32 from vector<1xi32>
      %add3A_526 = arith.addi %scan3A_505, %squeeze3A : i32
      scf.yield %add3A_526 : i32
    }
    %scan3A_148 = arith.constant 125 : i32
    %dma_wait3A_149 = arith.constant 0 : i32
    %dma_wait3A_150 = arith.constant 0 : i32
    %dma_wait3A_151 = tpu.memref_slice %arg3[%dma_wait3A_150] : memref<320000xi32, #tpu.memory_space<hbm>> -> memref<2000xi32, #tpu.memory_space<hbm>>
    %dma_wait3A_152 = tpu.memref_slice %arg18[%dma_wait3A_149] : memref<4x!tpu.dma_semaphore, #tpu.memory_space<semaphore_mem>> -> memref<1x!tpu.dma_semaphore, #tpu.memory_space<semaphore_mem>>
    %dma_wait3A_153 = tpu.memref_squeeze %dma_wait3A_152 : memref<1x!tpu.dma_semaphore, #tpu.memory_space<semaphore_mem>> -> memref<!tpu.dma_semaphore, #tpu.memory_space<semaphore_mem>>
    %dma_wait3A_154 = arith.constant 0 : i32
    %dma_wait3A_155 = tpu.memref_slice %arg3[%dma_wait3A_154] : memref<320000xi32, #tpu.memory_space<hbm>> -> memref<2000xi32, #tpu.memory_space<hbm>>
    tpu.wait_dma2 semaphore(%dma_wait3A_153 : memref<!tpu.dma_semaphore, #tpu.memory_space<semaphore_mem>>) src(%dma_wait3A_155 : memref<2000xi32, #tpu.memory_space<hbm>>) dst(%arg8 : memref<2000xi32, #tpu.memory_space<vmem>>)
    %dma_wait3A_156 = arith.constant 1 : i32
    %dma_wait3A_157 = arith.constant 0 : i32
    %dma_wait3A_158 = tpu.memref_slice %arg4[%dma_wait3A_157] : memref<320000xi32, #tpu.memory_space<hbm>> -> memref<2000xi32, #tpu.memory_space<hbm>>
    %dma_wait3A_159 = tpu.memref_slice %arg18[%dma_wait3A_156] : memref<4x!tpu.dma_semaphore, #tpu.memory_space<semaphore_mem>> -> memref<1x!tpu.dma_semaphore, #tpu.memory_space<semaphore_mem>>
    %dma_wait3A_160 = tpu.memref_squeeze %dma_wait3A_159 : memref<1x!tpu.dma_semaphore, #tpu.memory_space<semaphore_mem>> -> memref<!tpu.dma_semaphore, #tpu.memory_space<semaphore_mem>>
    %dma_wait3A_161 = arith.constant 0 : i32
    %dma_wait3A_162 = tpu.memref_slice %arg4[%dma_wait3A_161] : memref<320000xi32, #tpu.memory_space<hbm>> -> memref<2000xi32, #tpu.memory_space<hbm>>
    tpu.wait_dma2 semaphore(%dma_wait3A_160 : memref<!tpu.dma_semaphore, #tpu.memory_space<semaphore_mem>>) src(%dma_wait3A_162 : memref<2000xi32, #tpu.memory_space<hbm>>) dst(%arg9 : memref<2000xi32, #tpu.memory_space<vmem>>)
    %add3A_163 = arith.constant 10000 : i32
    %add3A_164 = arith.addi %multiple_of3A_3, %add3A_163 : i32
    %multiple_of3A_165 = tpu.assume_multiple %add3A_164, 16 : i32
    %dma_start3A_166 = arith.constant 2 : i32
    %dma_start3A_167 = tpu.memref_slice %arg3[%multiple_of3A_165] : memref<320000xi32, #tpu.memory_space<hbm>> -> memref<2000xi32, #tpu.memory_space<hbm>>
    %dma_start3A_168 = tpu.memref_slice %arg18[%dma_start3A_166] : memref<4x!tpu.dma_semaphore, #tpu.memory_space<semaphore_mem>> -> memref<1x!tpu.dma_semaphore, #tpu.memory_space<semaphore_mem>>
    %dma_start3A_169 = tpu.memref_squeeze %dma_start3A_168 : memref<1x!tpu.dma_semaphore, #tpu.memory_space<semaphore_mem>> -> memref<!tpu.dma_semaphore, #tpu.memory_space<semaphore_mem>>
    %dma_start3A_170 = tpu.memref_slice %arg3[%multiple_of3A_165] : memref<320000xi32, #tpu.memory_space<hbm>> -> memref<2000xi32, #tpu.memory_space<hbm>>
    tpu.enqueue_dma source(%dma_start3A_170 : memref<2000xi32, #tpu.memory_space<hbm>>) target(%arg10 : memref<2000xi32, #tpu.memory_space<vmem>>) target_semaphore(%dma_start3A_169 : memref<!tpu.dma_semaphore, #tpu.memory_space<semaphore_mem>>)
    %dma_start3A_171 = arith.constant 3 : i32
    %dma_start3A_172 = tpu.memref_slice %arg4[%multiple_of3A_165] : memref<320000xi32, #tpu.memory_space<hbm>> -> memref<2000xi32, #tpu.memory_space<hbm>>
    %dma_start3A_173 = tpu.memref_slice %arg18[%dma_start3A_171] : memref<4x!tpu.dma_semaphore, #tpu.memory_space<semaphore_mem>> -> memref<1x!tpu.dma_semaphore, #tpu.memory_space<semaphore_mem>>
    %dma_start3A_174 = tpu.memref_squeeze %dma_start3A_173 : memref<1x!tpu.dma_semaphore, #tpu.memory_space<semaphore_mem>> -> memref<!tpu.dma_semaphore, #tpu.memory_space<semaphore_mem>>
    %dma_start3A_175 = tpu.memref_slice %arg4[%multiple_of3A_165] : memref<320000xi32, #tpu.memory_space<hbm>> -> memref<2000xi32, #tpu.memory_space<hbm>>
    tpu.enqueue_dma source(%dma_start3A_175 : memref<2000xi32, #tpu.memory_space<hbm>>) target(%arg11 : memref<2000xi32, #tpu.memory_space<vmem>>) target_semaphore(%dma_start3A_174 : memref<!tpu.dma_semaphore, #tpu.memory_space<semaphore_mem>>)
    %scan3A_176 = arith.constant 0 : i32
    %scan3A_177 = arith.constant 125 : i32
    %scan3A_178 = arith.addi %scan3A_176, %scan3A_177 : i32
    %scan3A_179 = arith.constant 1 : i32
    %scan3A_180 = scf.for %scan3A_504 = %scan3A_176 to %scan3A_178 step %scan3A_179 iter_args(%scan3A_505 = %scan3A_147) -> (i32)  : i32 {
      %mul3A_506 = arith.constant 16 : i32
      %mul3A_507 = arith.muli %scan3A_504, %mul3A_506 : i32
      %get3A_508 = arith.index_cast %mul3A_507 : i32 to index
      %get3A_509 = tpu.vector_load %arg8[%get3A_508] {strides = array<i32>} : memref<2000xi32, #tpu.memory_space<vmem>>, vector<16xi32>,
      %mul3A_510 = arith.constant 16 : i32
      %mul3A_511 = arith.muli %scan3A_504, %mul3A_510 : i32
      %get3A_512 = arith.index_cast %mul3A_511 : i32 to index
      %get3A_513 = tpu.vector_load %arg9[%get3A_512] {strides = array<i32>} : memref<2000xi32, #tpu.memory_space<vmem>>, vector<16xi32>,
      %sub3A_514 = vector.broadcast %mul3A_16 : i32 to vector<16xi32>
      %sub3A_515 = arith.subi %get3A_513, %sub3A_514 : vector<16xi32>
      %ge3A_516 = arith.constant 0 : i32
      %ge3A_517 = vector.broadcast %ge3A_516 : i32 to vector<16xi32>
      %ge3A_518 = arith.cmpi sge, %sub3A_515, %ge3A_517 : vector<16xi32>
      %lt3A = arith.constant 5120 : i32
      %lt3A_519 = vector.broadcast %lt3A : i32 to vector<16xi32>
      %lt3A_520 = arith.cmpi slt, %sub3A_515, %lt3A_519 : vector<16xi32>
      %and3A_521 = arith.andi %ge3A_518, %lt3A_520 : vector<16xi1>
      %swap3A_522 = arith.index_cast %scan3A_505 : i32 to index
      %swap3A_523 = tpu.vector_load %arg12[%swap3A_522] masked %and3A_521 {strides = array<i32>} : memref<20080xi32, #tpu.memory_space<vmem>>, vector<16xi32>, vector<16xi1>
      tpu.vector_store %arg12[%swap3A_522], %get3A_509 masked %and3A_521 {strides = array<i32>} : memref<20080xi32, #tpu.memory_space<vmem>>, vector<16xi32>, vector<16xi1>
      %swap3A_524 = arith.index_cast %scan3A_505 : i32 to index
      %swap3A_525 = tpu.vector_load %arg13[%swap3A_524] masked %and3A_521 {strides = array<i32>} : memref<20080xi32, #tpu.memory_space<vmem>>, vector<16xi32>, vector<16xi1>
      tpu.vector_store %arg13[%swap3A_524], %sub3A_515 masked %and3A_521 {strides = array<i32>} : memref<20080xi32, #tpu.memory_space<vmem>>, vector<16xi32>, vector<16xi1>
      %all_reduce_population_count3A = tpu.all_reduce %and3A_521 {dim = 0 : i64, kind = #tpu.reduction_kind<sum>} : vector<16xi1> -> vector<16xi32>
      %slice3A = vector.extract_strided_slice %all_reduce_population_count3A {offsets = [0], sizes = [1], strides = [1]} : vector<16xi32> to vector<1xi32>
      %squeeze3A = vector.extract %slice3A[0] : i32 from vector<1xi32>
      %add3A_526 = arith.addi %scan3A_505, %squeeze3A : i32
      scf.yield %add3A_526 : i32
    }
    %scan3A_181 = arith.constant 125 : i32
    %dma_wait3A_182 = arith.constant 2 : i32
    %dma_wait3A_183 = arith.constant 0 : i32
    %dma_wait3A_184 = tpu.memref_slice %arg3[%dma_wait3A_183] : memref<320000xi32, #tpu.memory_space<hbm>> -> memref<2000xi32, #tpu.memory_space<hbm>>
    %dma_wait3A_185 = tpu.memref_slice %arg18[%dma_wait3A_182] : memref<4x!tpu.dma_semaphore, #tpu.memory_space<semaphore_mem>> -> memref<1x!tpu.dma_semaphore, #tpu.memory_space<semaphore_mem>>
    %dma_wait3A_186 = tpu.memref_squeeze %dma_wait3A_185 : memref<1x!tpu.dma_semaphore, #tpu.memory_space<semaphore_mem>> -> memref<!tpu.dma_semaphore, #tpu.memory_space<semaphore_mem>>
    %dma_wait3A_187 = arith.constant 0 : i32
    %dma_wait3A_188 = tpu.memref_slice %arg3[%dma_wait3A_187] : memref<320000xi32, #tpu.memory_space<hbm>> -> memref<2000xi32, #tpu.memory_space<hbm>>
    tpu.wait_dma2 semaphore(%dma_wait3A_186 : memref<!tpu.dma_semaphore, #tpu.memory_space<semaphore_mem>>) src(%dma_wait3A_188 : memref<2000xi32, #tpu.memory_space<hbm>>) dst(%arg10 : memref<2000xi32, #tpu.memory_space<vmem>>)
    %dma_wait3A_189 = arith.constant 3 : i32
    %dma_wait3A_190 = arith.constant 0 : i32
    %dma_wait3A_191 = tpu.memref_slice %arg4[%dma_wait3A_190] : memref<320000xi32, #tpu.memory_space<hbm>> -> memref<2000xi32, #tpu.memory_space<hbm>>
    %dma_wait3A_192 = tpu.memref_slice %arg18[%dma_wait3A_189] : memref<4x!tpu.dma_semaphore, #tpu.memory_space<semaphore_mem>> -> memref<1x!tpu.dma_semaphore, #tpu.memory_space<semaphore_mem>>
    %dma_wait3A_193 = tpu.memref_squeeze %dma_wait3A_192 : memref<1x!tpu.dma_semaphore, #tpu.memory_space<semaphore_mem>> -> memref<!tpu.dma_semaphore, #tpu.memory_space<semaphore_mem>>
    %dma_wait3A_194 = arith.constant 0 : i32
    %dma_wait3A_195 = tpu.memref_slice %arg4[%dma_wait3A_194] : memref<320000xi32, #tpu.memory_space<hbm>> -> memref<2000xi32, #tpu.memory_space<hbm>>
    tpu.wait_dma2 semaphore(%dma_wait3A_193 : memref<!tpu.dma_semaphore, #tpu.memory_space<semaphore_mem>>) src(%dma_wait3A_195 : memref<2000xi32, #tpu.memory_space<hbm>>) dst(%arg11 : memref<2000xi32, #tpu.memory_space<vmem>>)
    %add3A_196 = arith.constant 12000 : i32
    %add3A_197 = arith.addi %multiple_of3A_3, %add3A_196 : i32
    %multiple_of3A_198 = tpu.assume_multiple %add3A_197, 16 : i32
    %dma_start3A_199 = arith.constant 0 : i32
    %dma_start3A_200 = tpu.memref_slice %arg3[%multiple_of3A_198] : memref<320000xi32, #tpu.memory_space<hbm>> -> memref<2000xi32, #tpu.memory_space<hbm>>
    %dma_start3A_201 = tpu.memref_slice %arg18[%dma_start3A_199] : memref<4x!tpu.dma_semaphore, #tpu.memory_space<semaphore_mem>> -> memref<1x!tpu.dma_semaphore, #tpu.memory_space<semaphore_mem>>
    %dma_start3A_202 = tpu.memref_squeeze %dma_start3A_201 : memref<1x!tpu.dma_semaphore, #tpu.memory_space<semaphore_mem>> -> memref<!tpu.dma_semaphore, #tpu.memory_space<semaphore_mem>>
    %dma_start3A_203 = tpu.memref_slice %arg3[%multiple_of3A_198] : memref<320000xi32, #tpu.memory_space<hbm>> -> memref<2000xi32, #tpu.memory_space<hbm>>
    tpu.enqueue_dma source(%dma_start3A_203 : memref<2000xi32, #tpu.memory_space<hbm>>) target(%arg8 : memref<2000xi32, #tpu.memory_space<vmem>>) target_semaphore(%dma_start3A_202 : memref<!tpu.dma_semaphore, #tpu.memory_space<semaphore_mem>>)
    %dma_start3A_204 = arith.constant 1 : i32
    %dma_start3A_205 = tpu.memref_slice %arg4[%multiple_of3A_198] : memref<320000xi32, #tpu.memory_space<hbm>> -> memref<2000xi32, #tpu.memory_space<hbm>>
    %dma_start3A_206 = tpu.memref_slice %arg18[%dma_start3A_204] : memref<4x!tpu.dma_semaphore, #tpu.memory_space<semaphore_mem>> -> memref<1x!tpu.dma_semaphore, #tpu.memory_space<semaphore_mem>>
    %dma_start3A_207 = tpu.memref_squeeze %dma_start3A_206 : memref<1x!tpu.dma_semaphore, #tpu.memory_space<semaphore_mem>> -> memref<!tpu.dma_semaphore, #tpu.memory_space<semaphore_mem>>
    %dma_start3A_208 = tpu.memref_slice %arg4[%multiple_of3A_198] : memref<320000xi32, #tpu.memory_space<hbm>> -> memref<2000xi32, #tpu.memory_space<hbm>>
    tpu.enqueue_dma source(%dma_start3A_208 : memref<2000xi32, #tpu.memory_space<hbm>>) target(%arg9 : memref<2000xi32, #tpu.memory_space<vmem>>) target_semaphore(%dma_start3A_207 : memref<!tpu.dma_semaphore, #tpu.memory_space<semaphore_mem>>)
    %scan3A_209 = arith.constant 0 : i32
    %scan3A_210 = arith.constant 125 : i32
    %scan3A_211 = arith.addi %scan3A_209, %scan3A_210 : i32
    %scan3A_212 = arith.constant 1 : i32
    %scan3A_213 = scf.for %scan3A_504 = %scan3A_209 to %scan3A_211 step %scan3A_212 iter_args(%scan3A_505 = %scan3A_180) -> (i32)  : i32 {
      %mul3A_506 = arith.constant 16 : i32
      %mul3A_507 = arith.muli %scan3A_504, %mul3A_506 : i32
      %get3A_508 = arith.index_cast %mul3A_507 : i32 to index
      %get3A_509 = tpu.vector_load %arg10[%get3A_508] {strides = array<i32>} : memref<2000xi32, #tpu.memory_space<vmem>>, vector<16xi32>,
      %mul3A_510 = arith.constant 16 : i32
      %mul3A_511 = arith.muli %scan3A_504, %mul3A_510 : i32
      %get3A_512 = arith.index_cast %mul3A_511 : i32 to index
      %get3A_513 = tpu.vector_load %arg11[%get3A_512] {strides = array<i32>} : memref<2000xi32, #tpu.memory_space<vmem>>, vector<16xi32>,
      %sub3A_514 = vector.broadcast %mul3A_16 : i32 to vector<16xi32>
      %sub3A_515 = arith.subi %get3A_513, %sub3A_514 : vector<16xi32>
      %ge3A_516 = arith.constant 0 : i32
      %ge3A_517 = vector.broadcast %ge3A_516 : i32 to vector<16xi32>
      %ge3A_518 = arith.cmpi sge, %sub3A_515, %ge3A_517 : vector<16xi32>
      %lt3A = arith.constant 5120 : i32
      %lt3A_519 = vector.broadcast %lt3A : i32 to vector<16xi32>
      %lt3A_520 = arith.cmpi slt, %sub3A_515, %lt3A_519 : vector<16xi32>
      %and3A_521 = arith.andi %ge3A_518, %lt3A_520 : vector<16xi1>
      %swap3A_522 = arith.index_cast %scan3A_505 : i32 to index
      %swap3A_523 = tpu.vector_load %arg12[%swap3A_522] masked %and3A_521 {strides = array<i32>} : memref<20080xi32, #tpu.memory_space<vmem>>, vector<16xi32>, vector<16xi1>
      tpu.vector_store %arg12[%swap3A_522], %get3A_509 masked %and3A_521 {strides = array<i32>} : memref<20080xi32, #tpu.memory_space<vmem>>, vector<16xi32>, vector<16xi1>
      %swap3A_524 = arith.index_cast %scan3A_505 : i32 to index
      %swap3A_525 = tpu.vector_load %arg13[%swap3A_524] masked %and3A_521 {strides = array<i32>} : memref<20080xi32, #tpu.memory_space<vmem>>, vector<16xi32>, vector<16xi1>
      tpu.vector_store %arg13[%swap3A_524], %sub3A_515 masked %and3A_521 {strides = array<i32>} : memref<20080xi32, #tpu.memory_space<vmem>>, vector<16xi32>, vector<16xi1>
      %all_reduce_population_count3A = tpu.all_reduce %and3A_521 {dim = 0 : i64, kind = #tpu.reduction_kind<sum>} : vector<16xi1> -> vector<16xi32>
      %slice3A = vector.extract_strided_slice %all_reduce_population_count3A {offsets = [0], sizes = [1], strides = [1]} : vector<16xi32> to vector<1xi32>
      %squeeze3A = vector.extract %slice3A[0] : i32 from vector<1xi32>
      %add3A_526 = arith.addi %scan3A_505, %squeeze3A : i32
      scf.yield %add3A_526 : i32
    }
    %scan3A_214 = arith.constant 125 : i32
    %dma_wait3A_215 = arith.constant 0 : i32
    %dma_wait3A_216 = arith.constant 0 : i32
    %dma_wait3A_217 = tpu.memref_slice %arg3[%dma_wait3A_216] : memref<320000xi32, #tpu.memory_space<hbm>> -> memref<2000xi32, #tpu.memory_space<hbm>>
    %dma_wait3A_218 = tpu.memref_slice %arg18[%dma_wait3A_215] : memref<4x!tpu.dma_semaphore, #tpu.memory_space<semaphore_mem>> -> memref<1x!tpu.dma_semaphore, #tpu.memory_space<semaphore_mem>>
    %dma_wait3A_219 = tpu.memref_squeeze %dma_wait3A_218 : memref<1x!tpu.dma_semaphore, #tpu.memory_space<semaphore_mem>> -> memref<!tpu.dma_semaphore, #tpu.memory_space<semaphore_mem>>
    %dma_wait3A_220 = arith.constant 0 : i32
    %dma_wait3A_221 = tpu.memref_slice %arg3[%dma_wait3A_220] : memref<320000xi32, #tpu.memory_space<hbm>> -> memref<2000xi32, #tpu.memory_space<hbm>>
    tpu.wait_dma2 semaphore(%dma_wait3A_219 : memref<!tpu.dma_semaphore, #tpu.memory_space<semaphore_mem>>) src(%dma_wait3A_221 : memref<2000xi32, #tpu.memory_space<hbm>>) dst(%arg8 : memref<2000xi32, #tpu.memory_space<vmem>>)
    %dma_wait3A_222 = arith.constant 1 : i32
    %dma_wait3A_223 = arith.constant 0 : i32
    %dma_wait3A_224 = tpu.memref_slice %arg4[%dma_wait3A_223] : memref<320000xi32, #tpu.memory_space<hbm>> -> memref<2000xi32, #tpu.memory_space<hbm>>
    %dma_wait3A_225 = tpu.memref_slice %arg18[%dma_wait3A_222] : memref<4x!tpu.dma_semaphore, #tpu.memory_space<semaphore_mem>> -> memref<1x!tpu.dma_semaphore, #tpu.memory_space<semaphore_mem>>
    %dma_wait3A_226 = tpu.memref_squeeze %dma_wait3A_225 : memref<1x!tpu.dma_semaphore, #tpu.memory_space<semaphore_mem>> -> memref<!tpu.dma_semaphore, #tpu.memory_space<semaphore_mem>>
    %dma_wait3A_227 = arith.constant 0 : i32
    %dma_wait3A_228 = tpu.memref_slice %arg4[%dma_wait3A_227] : memref<320000xi32, #tpu.memory_space<hbm>> -> memref<2000xi32, #tpu.memory_space<hbm>>
    tpu.wait_dma2 semaphore(%dma_wait3A_226 : memref<!tpu.dma_semaphore, #tpu.memory_space<semaphore_mem>>) src(%dma_wait3A_228 : memref<2000xi32, #tpu.memory_space<hbm>>) dst(%arg9 : memref<2000xi32, #tpu.memory_space<vmem>>)
    %add3A_229 = arith.constant 14000 : i32
    %add3A_230 = arith.addi %multiple_of3A_3, %add3A_229 : i32
    %multiple_of3A_231 = tpu.assume_multiple %add3A_230, 16 : i32
    %dma_start3A_232 = arith.constant 2 : i32
    %dma_start3A_233 = tpu.memref_slice %arg3[%multiple_of3A_231] : memref<320000xi32, #tpu.memory_space<hbm>> -> memref<2000xi32, #tpu.memory_space<hbm>>
    %dma_start3A_234 = tpu.memref_slice %arg18[%dma_start3A_232] : memref<4x!tpu.dma_semaphore, #tpu.memory_space<semaphore_mem>> -> memref<1x!tpu.dma_semaphore, #tpu.memory_space<semaphore_mem>>
    %dma_start3A_235 = tpu.memref_squeeze %dma_start3A_234 : memref<1x!tpu.dma_semaphore, #tpu.memory_space<semaphore_mem>> -> memref<!tpu.dma_semaphore, #tpu.memory_space<semaphore_mem>>
    %dma_start3A_236 = tpu.memref_slice %arg3[%multiple_of3A_231] : memref<320000xi32, #tpu.memory_space<hbm>> -> memref<2000xi32, #tpu.memory_space<hbm>>
    tpu.enqueue_dma source(%dma_start3A_236 : memref<2000xi32, #tpu.memory_space<hbm>>) target(%arg10 : memref<2000xi32, #tpu.memory_space<vmem>>) target_semaphore(%dma_start3A_235 : memref<!tpu.dma_semaphore, #tpu.memory_space<semaphore_mem>>)
    %dma_start3A_237 = arith.constant 3 : i32
    %dma_start3A_238 = tpu.memref_slice %arg4[%multiple_of3A_231] : memref<320000xi32, #tpu.memory_space<hbm>> -> memref<2000xi32, #tpu.memory_space<hbm>>
    %dma_start3A_239 = tpu.memref_slice %arg18[%dma_start3A_237] : memref<4x!tpu.dma_semaphore, #tpu.memory_space<semaphore_mem>> -> memref<1x!tpu.dma_semaphore, #tpu.memory_space<semaphore_mem>>
    %dma_start3A_240 = tpu.memref_squeeze %dma_start3A_239 : memref<1x!tpu.dma_semaphore, #tpu.memory_space<semaphore_mem>> -> memref<!tpu.dma_semaphore, #tpu.memory_space<semaphore_mem>>
    %dma_start3A_241 = tpu.memref_slice %arg4[%multiple_of3A_231] : memref<320000xi32, #tpu.memory_space<hbm>> -> memref<2000xi32, #tpu.memory_space<hbm>>
    tpu.enqueue_dma source(%dma_start3A_241 : memref<2000xi32, #tpu.memory_space<hbm>>) target(%arg11 : memref<2000xi32, #tpu.memory_space<vmem>>) target_semaphore(%dma_start3A_240 : memref<!tpu.dma_semaphore, #tpu.memory_space<semaphore_mem>>)
    %scan3A_242 = arith.constant 0 : i32
    %scan3A_243 = arith.constant 125 : i32
    %scan3A_244 = arith.addi %scan3A_242, %scan3A_243 : i32
    %scan3A_245 = arith.constant 1 : i32
    %scan3A_246 = scf.for %scan3A_504 = %scan3A_242 to %scan3A_244 step %scan3A_245 iter_args(%scan3A_505 = %scan3A_213) -> (i32)  : i32 {
      %mul3A_506 = arith.constant 16 : i32
      %mul3A_507 = arith.muli %scan3A_504, %mul3A_506 : i32
      %get3A_508 = arith.index_cast %mul3A_507 : i32 to index
      %get3A_509 = tpu.vector_load %arg8[%get3A_508] {strides = array<i32>} : memref<2000xi32, #tpu.memory_space<vmem>>, vector<16xi32>,
      %mul3A_510 = arith.constant 16 : i32
      %mul3A_511 = arith.muli %scan3A_504, %mul3A_510 : i32
      %get3A_512 = arith.index_cast %mul3A_511 : i32 to index
      %get3A_513 = tpu.vector_load %arg9[%get3A_512] {strides = array<i32>} : memref<2000xi32, #tpu.memory_space<vmem>>, vector<16xi32>,
      %sub3A_514 = vector.broadcast %mul3A_16 : i32 to vector<16xi32>
      %sub3A_515 = arith.subi %get3A_513, %sub3A_514 : vector<16xi32>
      %ge3A_516 = arith.constant 0 : i32
      %ge3A_517 = vector.broadcast %ge3A_516 : i32 to vector<16xi32>
      %ge3A_518 = arith.cmpi sge, %sub3A_515, %ge3A_517 : vector<16xi32>
      %lt3A = arith.constant 5120 : i32
      %lt3A_519 = vector.broadcast %lt3A : i32 to vector<16xi32>
      %lt3A_520 = arith.cmpi slt, %sub3A_515, %lt3A_519 : vector<16xi32>
      %and3A_521 = arith.andi %ge3A_518, %lt3A_520 : vector<16xi1>
      %swap3A_522 = arith.index_cast %scan3A_505 : i32 to index
      %swap3A_523 = tpu.vector_load %arg12[%swap3A_522] masked %and3A_521 {strides = array<i32>} : memref<20080xi32, #tpu.memory_space<vmem>>, vector<16xi32>, vector<16xi1>
      tpu.vector_store %arg12[%swap3A_522], %get3A_509 masked %and3A_521 {strides = array<i32>} : memref<20080xi32, #tpu.memory_space<vmem>>, vector<16xi32>, vector<16xi1>
      %swap3A_524 = arith.index_cast %scan3A_505 : i32 to index
      %swap3A_525 = tpu.vector_load %arg13[%swap3A_524] masked %and3A_521 {strides = array<i32>} : memref<20080xi32, #tpu.memory_space<vmem>>, vector<16xi32>, vector<16xi1>
      tpu.vector_store %arg13[%swap3A_524], %sub3A_515 masked %and3A_521 {strides = array<i32>} : memref<20080xi32, #tpu.memory_space<vmem>>, vector<16xi32>, vector<16xi1>
      %all_reduce_population_count3A = tpu.all_reduce %and3A_521 {dim = 0 : i64, kind = #tpu.reduction_kind<sum>} : vector<16xi1> -> vector<16xi32>
      %slice3A = vector.extract_strided_slice %all_reduce_population_count3A {offsets = [0], sizes = [1], strides = [1]} : vector<16xi32> to vector<1xi32>
      %squeeze3A = vector.extract %slice3A[0] : i32 from vector<1xi32>
      %add3A_526 = arith.addi %scan3A_505, %squeeze3A : i32
      scf.yield %add3A_526 : i32
    }
    %scan3A_247 = arith.constant 125 : i32
    %dma_wait3A_248 = arith.constant 2 : i32
    %dma_wait3A_249 = arith.constant 0 : i32
    %dma_wait3A_250 = tpu.memref_slice %arg3[%dma_wait3A_249] : memref<320000xi32, #tpu.memory_space<hbm>> -> memref<2000xi32, #tpu.memory_space<hbm>>
    %dma_wait3A_251 = tpu.memref_slice %arg18[%dma_wait3A_248] : memref<4x!tpu.dma_semaphore, #tpu.memory_space<semaphore_mem>> -> memref<1x!tpu.dma_semaphore, #tpu.memory_space<semaphore_mem>>
    %dma_wait3A_252 = tpu.memref_squeeze %dma_wait3A_251 : memref<1x!tpu.dma_semaphore, #tpu.memory_space<semaphore_mem>> -> memref<!tpu.dma_semaphore, #tpu.memory_space<semaphore_mem>>
    %dma_wait3A_253 = arith.constant 0 : i32
    %dma_wait3A_254 = tpu.memref_slice %arg3[%dma_wait3A_253] : memref<320000xi32, #tpu.memory_space<hbm>> -> memref<2000xi32, #tpu.memory_space<hbm>>
    tpu.wait_dma2 semaphore(%dma_wait3A_252 : memref<!tpu.dma_semaphore, #tpu.memory_space<semaphore_mem>>) src(%dma_wait3A_254 : memref<2000xi32, #tpu.memory_space<hbm>>) dst(%arg10 : memref<2000xi32, #tpu.memory_space<vmem>>)
    %dma_wait3A_255 = arith.constant 3 : i32
    %dma_wait3A_256 = arith.constant 0 : i32
    %dma_wait3A_257 = tpu.memref_slice %arg4[%dma_wait3A_256] : memref<320000xi32, #tpu.memory_space<hbm>> -> memref<2000xi32, #tpu.memory_space<hbm>>
    %dma_wait3A_258 = tpu.memref_slice %arg18[%dma_wait3A_255] : memref<4x!tpu.dma_semaphore, #tpu.memory_space<semaphore_mem>> -> memref<1x!tpu.dma_semaphore, #tpu.memory_space<semaphore_mem>>
    %dma_wait3A_259 = tpu.memref_squeeze %dma_wait3A_258 : memref<1x!tpu.dma_semaphore, #tpu.memory_space<semaphore_mem>> -> memref<!tpu.dma_semaphore, #tpu.memory_space<semaphore_mem>>
    %dma_wait3A_260 = arith.constant 0 : i32
    %dma_wait3A_261 = tpu.memref_slice %arg4[%dma_wait3A_260] : memref<320000xi32, #tpu.memory_space<hbm>> -> memref<2000xi32, #tpu.memory_space<hbm>>
    tpu.wait_dma2 semaphore(%dma_wait3A_259 : memref<!tpu.dma_semaphore, #tpu.memory_space<semaphore_mem>>) src(%dma_wait3A_261 : memref<2000xi32, #tpu.memory_space<hbm>>) dst(%arg11 : memref<2000xi32, #tpu.memory_space<vmem>>)
    %add3A_262 = arith.constant 16000 : i32
    %add3A_263 = arith.addi %multiple_of3A_3, %add3A_262 : i32
    %multiple_of3A_264 = tpu.assume_multiple %add3A_263, 16 : i32
    %dma_start3A_265 = arith.constant 0 : i32
    %dma_start3A_266 = tpu.memref_slice %arg3[%multiple_of3A_264] : memref<320000xi32, #tpu.memory_space<hbm>> -> memref<2000xi32, #tpu.memory_space<hbm>>
    %dma_start3A_267 = tpu.memref_slice %arg18[%dma_start3A_265] : memref<4x!tpu.dma_semaphore, #tpu.memory_space<semaphore_mem>> -> memref<1x!tpu.dma_semaphore, #tpu.memory_space<semaphore_mem>>
    %dma_start3A_268 = tpu.memref_squeeze %dma_start3A_267 : memref<1x!tpu.dma_semaphore, #tpu.memory_space<semaphore_mem>> -> memref<!tpu.dma_semaphore, #tpu.memory_space<semaphore_mem>>
    %dma_start3A_269 = tpu.memref_slice %arg3[%multiple_of3A_264] : memref<320000xi32, #tpu.memory_space<hbm>> -> memref<2000xi32, #tpu.memory_space<hbm>>
    tpu.enqueue_dma source(%dma_start3A_269 : memref<2000xi32, #tpu.memory_space<hbm>>) target(%arg8 : memref<2000xi32, #tpu.memory_space<vmem>>) target_semaphore(%dma_start3A_268 : memref<!tpu.dma_semaphore, #tpu.memory_space<semaphore_mem>>)
    %dma_start3A_270 = arith.constant 1 : i32
    %dma_start3A_271 = tpu.memref_slice %arg4[%multiple_of3A_264] : memref<320000xi32, #tpu.memory_space<hbm>> -> memref<2000xi32, #tpu.memory_space<hbm>>
    %dma_start3A_272 = tpu.memref_slice %arg18[%dma_start3A_270] : memref<4x!tpu.dma_semaphore, #tpu.memory_space<semaphore_mem>> -> memref<1x!tpu.dma_semaphore, #tpu.memory_space<semaphore_mem>>
    %dma_start3A_273 = tpu.memref_squeeze %dma_start3A_272 : memref<1x!tpu.dma_semaphore, #tpu.memory_space<semaphore_mem>> -> memref<!tpu.dma_semaphore, #tpu.memory_space<semaphore_mem>>
    %dma_start3A_274 = tpu.memref_slice %arg4[%multiple_of3A_264] : memref<320000xi32, #tpu.memory_space<hbm>> -> memref<2000xi32, #tpu.memory_space<hbm>>
    tpu.enqueue_dma source(%dma_start3A_274 : memref<2000xi32, #tpu.memory_space<hbm>>) target(%arg9 : memref<2000xi32, #tpu.memory_space<vmem>>) target_semaphore(%dma_start3A_273 : memref<!tpu.dma_semaphore, #tpu.memory_space<semaphore_mem>>)
    %scan3A_275 = arith.constant 0 : i32
    %scan3A_276 = arith.constant 125 : i32
    %scan3A_277 = arith.addi %scan3A_275, %scan3A_276 : i32
    %scan3A_278 = arith.constant 1 : i32
    %scan3A_279 = scf.for %scan3A_504 = %scan3A_275 to %scan3A_277 step %scan3A_278 iter_args(%scan3A_505 = %scan3A_246) -> (i32)  : i32 {
      %mul3A_506 = arith.constant 16 : i32
      %mul3A_507 = arith.muli %scan3A_504, %mul3A_506 : i32
      %get3A_508 = arith.index_cast %mul3A_507 : i32 to index
      %get3A_509 = tpu.vector_load %arg10[%get3A_508] {strides = array<i32>} : memref<2000xi32, #tpu.memory_space<vmem>>, vector<16xi32>,
      %mul3A_510 = arith.constant 16 : i32
      %mul3A_511 = arith.muli %scan3A_504, %mul3A_510 : i32
      %get3A_512 = arith.index_cast %mul3A_511 : i32 to index
      %get3A_513 = tpu.vector_load %arg11[%get3A_512] {strides = array<i32>} : memref<2000xi32, #tpu.memory_space<vmem>>, vector<16xi32>,
      %sub3A_514 = vector.broadcast %mul3A_16 : i32 to vector<16xi32>
      %sub3A_515 = arith.subi %get3A_513, %sub3A_514 : vector<16xi32>
      %ge3A_516 = arith.constant 0 : i32
      %ge3A_517 = vector.broadcast %ge3A_516 : i32 to vector<16xi32>
      %ge3A_518 = arith.cmpi sge, %sub3A_515, %ge3A_517 : vector<16xi32>
      %lt3A = arith.constant 5120 : i32
      %lt3A_519 = vector.broadcast %lt3A : i32 to vector<16xi32>
      %lt3A_520 = arith.cmpi slt, %sub3A_515, %lt3A_519 : vector<16xi32>
      %and3A_521 = arith.andi %ge3A_518, %lt3A_520 : vector<16xi1>
      %swap3A_522 = arith.index_cast %scan3A_505 : i32 to index
      %swap3A_523 = tpu.vector_load %arg12[%swap3A_522] masked %and3A_521 {strides = array<i32>} : memref<20080xi32, #tpu.memory_space<vmem>>, vector<16xi32>, vector<16xi1>
      tpu.vector_store %arg12[%swap3A_522], %get3A_509 masked %and3A_521 {strides = array<i32>} : memref<20080xi32, #tpu.memory_space<vmem>>, vector<16xi32>, vector<16xi1>
      %swap3A_524 = arith.index_cast %scan3A_505 : i32 to index
      %swap3A_525 = tpu.vector_load %arg13[%swap3A_524] masked %and3A_521 {strides = array<i32>} : memref<20080xi32, #tpu.memory_space<vmem>>, vector<16xi32>, vector<16xi1>
      tpu.vector_store %arg13[%swap3A_524], %sub3A_515 masked %and3A_521 {strides = array<i32>} : memref<20080xi32, #tpu.memory_space<vmem>>, vector<16xi32>, vector<16xi1>
      %all_reduce_population_count3A = tpu.all_reduce %and3A_521 {dim = 0 : i64, kind = #tpu.reduction_kind<sum>} : vector<16xi1> -> vector<16xi32>
      %slice3A = vector.extract_strided_slice %all_reduce_population_count3A {offsets = [0], sizes = [1], strides = [1]} : vector<16xi32> to vector<1xi32>
      %squeeze3A = vector.extract %slice3A[0] : i32 from vector<1xi32>
      %add3A_526 = arith.addi %scan3A_505, %squeeze3A : i32
      scf.yield %add3A_526 : i32
    }
    %scan3A_280 = arith.constant 125 : i32
    %dma_wait3A_281 = arith.constant 0 : i32
    %dma_wait3A_282 = arith.constant 0 : i32
    %dma_wait3A_283 = tpu.memref_slice %arg3[%dma_wait3A_282] : memref<320000xi32, #tpu.memory_space<hbm>> -> memref<2000xi32, #tpu.memory_space<hbm>>
    %dma_wait3A_284 = tpu.memref_slice %arg18[%dma_wait3A_281] : memref<4x!tpu.dma_semaphore, #tpu.memory_space<semaphore_mem>> -> memref<1x!tpu.dma_semaphore, #tpu.memory_space<semaphore_mem>>
    %dma_wait3A_285 = tpu.memref_squeeze %dma_wait3A_284 : memref<1x!tpu.dma_semaphore, #tpu.memory_space<semaphore_mem>> -> memref<!tpu.dma_semaphore, #tpu.memory_space<semaphore_mem>>
    %dma_wait3A_286 = arith.constant 0 : i32
    %dma_wait3A_287 = tpu.memref_slice %arg3[%dma_wait3A_286] : memref<320000xi32, #tpu.memory_space<hbm>> -> memref<2000xi32, #tpu.memory_space<hbm>>
    tpu.wait_dma2 semaphore(%dma_wait3A_285 : memref<!tpu.dma_semaphore, #tpu.memory_space<semaphore_mem>>) src(%dma_wait3A_287 : memref<2000xi32, #tpu.memory_space<hbm>>) dst(%arg8 : memref<2000xi32, #tpu.memory_space<vmem>>)
    %dma_wait3A_288 = arith.constant 1 : i32
    %dma_wait3A_289 = arith.constant 0 : i32
    %dma_wait3A_290 = tpu.memref_slice %arg4[%dma_wait3A_289] : memref<320000xi32, #tpu.memory_space<hbm>> -> memref<2000xi32, #tpu.memory_space<hbm>>
    %dma_wait3A_291 = tpu.memref_slice %arg18[%dma_wait3A_288] : memref<4x!tpu.dma_semaphore, #tpu.memory_space<semaphore_mem>> -> memref<1x!tpu.dma_semaphore, #tpu.memory_space<semaphore_mem>>
    %dma_wait3A_292 = tpu.memref_squeeze %dma_wait3A_291 : memref<1x!tpu.dma_semaphore, #tpu.memory_space<semaphore_mem>> -> memref<!tpu.dma_semaphore, #tpu.memory_space<semaphore_mem>>
    %dma_wait3A_293 = arith.constant 0 : i32
    %dma_wait3A_294 = tpu.memref_slice %arg4[%dma_wait3A_293] : memref<320000xi32, #tpu.memory_space<hbm>> -> memref<2000xi32, #tpu.memory_space<hbm>>
    tpu.wait_dma2 semaphore(%dma_wait3A_292 : memref<!tpu.dma_semaphore, #tpu.memory_space<semaphore_mem>>) src(%dma_wait3A_294 : memref<2000xi32, #tpu.memory_space<hbm>>) dst(%arg9 : memref<2000xi32, #tpu.memory_space<vmem>>)
    %add3A_295 = arith.constant 18000 : i32
    %add3A_296 = arith.addi %multiple_of3A_3, %add3A_295 : i32
    %multiple_of3A_297 = tpu.assume_multiple %add3A_296, 16 : i32
    %dma_start3A_298 = arith.constant 2 : i32
    %dma_start3A_299 = tpu.memref_slice %arg3[%multiple_of3A_297] : memref<320000xi32, #tpu.memory_space<hbm>> -> memref<2000xi32, #tpu.memory_space<hbm>>
    %dma_start3A_300 = tpu.memref_slice %arg18[%dma_start3A_298] : memref<4x!tpu.dma_semaphore, #tpu.memory_space<semaphore_mem>> -> memref<1x!tpu.dma_semaphore, #tpu.memory_space<semaphore_mem>>
    %dma_start3A_301 = tpu.memref_squeeze %dma_start3A_300 : memref<1x!tpu.dma_semaphore, #tpu.memory_space<semaphore_mem>> -> memref<!tpu.dma_semaphore, #tpu.memory_space<semaphore_mem>>
    %dma_start3A_302 = tpu.memref_slice %arg3[%multiple_of3A_297] : memref<320000xi32, #tpu.memory_space<hbm>> -> memref<2000xi32, #tpu.memory_space<hbm>>
    tpu.enqueue_dma source(%dma_start3A_302 : memref<2000xi32, #tpu.memory_space<hbm>>) target(%arg10 : memref<2000xi32, #tpu.memory_space<vmem>>) target_semaphore(%dma_start3A_301 : memref<!tpu.dma_semaphore, #tpu.memory_space<semaphore_mem>>)
    %dma_start3A_303 = arith.constant 3 : i32
    %dma_start3A_304 = tpu.memref_slice %arg4[%multiple_of3A_297] : memref<320000xi32, #tpu.memory_space<hbm>> -> memref<2000xi32, #tpu.memory_space<hbm>>
    %dma_start3A_305 = tpu.memref_slice %arg18[%dma_start3A_303] : memref<4x!tpu.dma_semaphore, #tpu.memory_space<semaphore_mem>> -> memref<1x!tpu.dma_semaphore, #tpu.memory_space<semaphore_mem>>
    %dma_start3A_306 = tpu.memref_squeeze %dma_start3A_305 : memref<1x!tpu.dma_semaphore, #tpu.memory_space<semaphore_mem>> -> memref<!tpu.dma_semaphore, #tpu.memory_space<semaphore_mem>>
    %dma_start3A_307 = tpu.memref_slice %arg4[%multiple_of3A_297] : memref<320000xi32, #tpu.memory_space<hbm>> -> memref<2000xi32, #tpu.memory_space<hbm>>
    tpu.enqueue_dma source(%dma_start3A_307 : memref<2000xi32, #tpu.memory_space<hbm>>) target(%arg11 : memref<2000xi32, #tpu.memory_space<vmem>>) target_semaphore(%dma_start3A_306 : memref<!tpu.dma_semaphore, #tpu.memory_space<semaphore_mem>>)
    %scan3A_308 = arith.constant 0 : i32
    %scan3A_309 = arith.constant 125 : i32
    %scan3A_310 = arith.addi %scan3A_308, %scan3A_309 : i32
    %scan3A_311 = arith.constant 1 : i32
    %scan3A_312 = scf.for %scan3A_504 = %scan3A_308 to %scan3A_310 step %scan3A_311 iter_args(%scan3A_505 = %scan3A_279) -> (i32)  : i32 {
      %mul3A_506 = arith.constant 16 : i32
      %mul3A_507 = arith.muli %scan3A_504, %mul3A_506 : i32
      %get3A_508 = arith.index_cast %mul3A_507 : i32 to index
      %get3A_509 = tpu.vector_load %arg8[%get3A_508] {strides = array<i32>} : memref<2000xi32, #tpu.memory_space<vmem>>, vector<16xi32>,
      %mul3A_510 = arith.constant 16 : i32
      %mul3A_511 = arith.muli %scan3A_504, %mul3A_510 : i32
      %get3A_512 = arith.index_cast %mul3A_511 : i32 to index
      %get3A_513 = tpu.vector_load %arg9[%get3A_512] {strides = array<i32>} : memref<2000xi32, #tpu.memory_space<vmem>>, vector<16xi32>,
      %sub3A_514 = vector.broadcast %mul3A_16 : i32 to vector<16xi32>
      %sub3A_515 = arith.subi %get3A_513, %sub3A_514 : vector<16xi32>
      %ge3A_516 = arith.constant 0 : i32
      %ge3A_517 = vector.broadcast %ge3A_516 : i32 to vector<16xi32>
      %ge3A_518 = arith.cmpi sge, %sub3A_515, %ge3A_517 : vector<16xi32>
      %lt3A = arith.constant 5120 : i32
      %lt3A_519 = vector.broadcast %lt3A : i32 to vector<16xi32>
      %lt3A_520 = arith.cmpi slt, %sub3A_515, %lt3A_519 : vector<16xi32>
      %and3A_521 = arith.andi %ge3A_518, %lt3A_520 : vector<16xi1>
      %swap3A_522 = arith.index_cast %scan3A_505 : i32 to index
      %swap3A_523 = tpu.vector_load %arg12[%swap3A_522] masked %and3A_521 {strides = array<i32>} : memref<20080xi32, #tpu.memory_space<vmem>>, vector<16xi32>, vector<16xi1>
      tpu.vector_store %arg12[%swap3A_522], %get3A_509 masked %and3A_521 {strides = array<i32>} : memref<20080xi32, #tpu.memory_space<vmem>>, vector<16xi32>, vector<16xi1>
      %swap3A_524 = arith.index_cast %scan3A_505 : i32 to index
      %swap3A_525 = tpu.vector_load %arg13[%swap3A_524] masked %and3A_521 {strides = array<i32>} : memref<20080xi32, #tpu.memory_space<vmem>>, vector<16xi32>, vector<16xi1>
      tpu.vector_store %arg13[%swap3A_524], %sub3A_515 masked %and3A_521 {strides = array<i32>} : memref<20080xi32, #tpu.memory_space<vmem>>, vector<16xi32>, vector<16xi1>
      %all_reduce_population_count3A = tpu.all_reduce %and3A_521 {dim = 0 : i64, kind = #tpu.reduction_kind<sum>} : vector<16xi1> -> vector<16xi32>
      %slice3A = vector.extract_strided_slice %all_reduce_population_count3A {offsets = [0], sizes = [1], strides = [1]} : vector<16xi32> to vector<1xi32>
      %squeeze3A = vector.extract %slice3A[0] : i32 from vector<1xi32>
      %add3A_526 = arith.addi %scan3A_505, %squeeze3A : i32
      scf.yield %add3A_526 : i32
    }
    %scan3A_313 = arith.constant 125 : i32
    %dma_wait3A_314 = arith.constant 2 : i32
    %dma_wait3A_315 = arith.constant 0 : i32
    %dma_wait3A_316 = tpu.memref_slice %arg3[%dma_wait3A_315] : memref<320000xi32, #tpu.memory_space<hbm>> -> memref<2000xi32, #tpu.memory_space<hbm>>
    %dma_wait3A_317 = tpu.memref_slice %arg18[%dma_wait3A_314] : memref<4x!tpu.dma_semaphore, #tpu.memory_space<semaphore_mem>> -> memref<1x!tpu.dma_semaphore, #tpu.memory_space<semaphore_mem>>
    %dma_wait3A_318 = tpu.memref_squeeze %dma_wait3A_317 : memref<1x!tpu.dma_semaphore, #tpu.memory_space<semaphore_mem>> -> memref<!tpu.dma_semaphore, #tpu.memory_space<semaphore_mem>>
    %dma_wait3A_319 = arith.constant 0 : i32
    %dma_wait3A_320 = tpu.memref_slice %arg3[%dma_wait3A_319] : memref<320000xi32, #tpu.memory_space<hbm>> -> memref<2000xi32, #tpu.memory_space<hbm>>
    tpu.wait_dma2 semaphore(%dma_wait3A_318 : memref<!tpu.dma_semaphore, #tpu.memory_space<semaphore_mem>>) src(%dma_wait3A_320 : memref<2000xi32, #tpu.memory_space<hbm>>) dst(%arg10 : memref<2000xi32, #tpu.memory_space<vmem>>)
    %dma_wait3A_321 = arith.constant 3 : i32
    %dma_wait3A_322 = arith.constant 0 : i32
    %dma_wait3A_323 = tpu.memref_slice %arg4[%dma_wait3A_322] : memref<320000xi32, #tpu.memory_space<hbm>> -> memref<2000xi32, #tpu.memory_space<hbm>>
    %dma_wait3A_324 = tpu.memref_slice %arg18[%dma_wait3A_321] : memref<4x!tpu.dma_semaphore, #tpu.memory_space<semaphore_mem>> -> memref<1x!tpu.dma_semaphore, #tpu.memory_space<semaphore_mem>>
    %dma_wait3A_325 = tpu.memref_squeeze %dma_wait3A_324 : memref<1x!tpu.dma_semaphore, #tpu.memory_space<semaphore_mem>> -> memref<!tpu.dma_semaphore, #tpu.memory_space<semaphore_mem>>
    %dma_wait3A_326 = arith.constant 0 : i32
    %dma_wait3A_327 = tpu.memref_slice %arg4[%dma_wait3A_326] : memref<320000xi32, #tpu.memory_space<hbm>> -> memref<2000xi32, #tpu.memory_space<hbm>>
    tpu.wait_dma2 semaphore(%dma_wait3A_325 : memref<!tpu.dma_semaphore, #tpu.memory_space<semaphore_mem>>) src(%dma_wait3A_327 : memref<2000xi32, #tpu.memory_space<hbm>>) dst(%arg11 : memref<2000xi32, #tpu.memory_space<vmem>>)
    %scan3A_328 = arith.constant 0 : i32
    %scan3A_329 = arith.constant 125 : i32
    %scan3A_330 = arith.addi %scan3A_328, %scan3A_329 : i32
    %scan3A_331 = arith.constant 1 : i32
    %scan3A_332 = scf.for %scan3A_504 = %scan3A_328 to %scan3A_330 step %scan3A_331 iter_args(%scan3A_505 = %scan3A_312) -> (i32)  : i32 {
      %mul3A_506 = arith.constant 16 : i32
      %mul3A_507 = arith.muli %scan3A_504, %mul3A_506 : i32
      %get3A_508 = arith.index_cast %mul3A_507 : i32 to index
      %get3A_509 = tpu.vector_load %arg10[%get3A_508] {strides = array<i32>} : memref<2000xi32, #tpu.memory_space<vmem>>, vector<16xi32>,
      %mul3A_510 = arith.constant 16 : i32
      %mul3A_511 = arith.muli %scan3A_504, %mul3A_510 : i32
      %get3A_512 = arith.index_cast %mul3A_511 : i32 to index
      %get3A_513 = tpu.vector_load %arg11[%get3A_512] {strides = array<i32>} : memref<2000xi32, #tpu.memory_space<vmem>>, vector<16xi32>,
      %sub3A_514 = vector.broadcast %mul3A_16 : i32 to vector<16xi32>
      %sub3A_515 = arith.subi %get3A_513, %sub3A_514 : vector<16xi32>
      %ge3A_516 = arith.constant 0 : i32
      %ge3A_517 = vector.broadcast %ge3A_516 : i32 to vector<16xi32>
      %ge3A_518 = arith.cmpi sge, %sub3A_515, %ge3A_517 : vector<16xi32>
      %lt3A = arith.constant 5120 : i32
      %lt3A_519 = vector.broadcast %lt3A : i32 to vector<16xi32>
      %lt3A_520 = arith.cmpi slt, %sub3A_515, %lt3A_519 : vector<16xi32>
      %and3A_521 = arith.andi %ge3A_518, %lt3A_520 : vector<16xi1>
      %swap3A_522 = arith.index_cast %scan3A_505 : i32 to index
      %swap3A_523 = tpu.vector_load %arg12[%swap3A_522] masked %and3A_521 {strides = array<i32>} : memref<20080xi32, #tpu.memory_space<vmem>>, vector<16xi32>, vector<16xi1>
      tpu.vector_store %arg12[%swap3A_522], %get3A_509 masked %and3A_521 {strides = array<i32>} : memref<20080xi32, #tpu.memory_space<vmem>>, vector<16xi32>, vector<16xi1>
      %swap3A_524 = arith.index_cast %scan3A_505 : i32 to index
      %swap3A_525 = tpu.vector_load %arg13[%swap3A_524] masked %and3A_521 {strides = array<i32>} : memref<20080xi32, #tpu.memory_space<vmem>>, vector<16xi32>, vector<16xi1>
      tpu.vector_store %arg13[%swap3A_524], %sub3A_515 masked %and3A_521 {strides = array<i32>} : memref<20080xi32, #tpu.memory_space<vmem>>, vector<16xi32>, vector<16xi1>
      %all_reduce_population_count3A = tpu.all_reduce %and3A_521 {dim = 0 : i64, kind = #tpu.reduction_kind<sum>} : vector<16xi1> -> vector<16xi32>
      %slice3A = vector.extract_strided_slice %all_reduce_population_count3A {offsets = [0], sizes = [1], strides = [1]} : vector<16xi32> to vector<1xi32>
      %squeeze3A = vector.extract %slice3A[0] : i32 from vector<1xi32>
      %add3A_526 = arith.addi %scan3A_505, %squeeze3A : i32
      scf.yield %add3A_526 : i32
    }
    %scan3A_333 = arith.constant 125 : i32
    %broadcast_in_dim3A_334 = arith.constant 0 : i32
    %broadcast_in_dim3A_335 = vector.broadcast %broadcast_in_dim3A_334 : i32 to vector<16xi32>
    %add3A_336 = arith.constant 0 : i32
    %add3A_337 = arith.addi %scan3A_332, %add3A_336 : i32
    %swap3A = arith.index_cast %add3A_337 : i32 to index
    %swap3A_338 = tpu.vector_load %arg12[%swap3A] {strides = array<i32>} : memref<20080xi32, #tpu.memory_space<vmem>>, vector<16xi32>,
    tpu.vector_store %arg12[%swap3A], %broadcast_in_dim3A_335 {strides = array<i32>} : memref<20080xi32, #tpu.memory_space<vmem>>, vector<16xi32>,
    %broadcast_in_dim3A_339 = arith.constant 5120 : i32
    %broadcast_in_dim3A_340 = vector.broadcast %broadcast_in_dim3A_339 : i32 to vector<16xi32>
    %add3A_341 = arith.constant 0 : i32
    %add3A_342 = arith.addi %scan3A_332, %add3A_341 : i32
    %swap3A_343 = arith.index_cast %add3A_342 : i32 to index
    %swap3A_344 = tpu.vector_load %arg13[%swap3A_343] {strides = array<i32>} : memref<20080xi32, #tpu.memory_space<vmem>>, vector<16xi32>,
    tpu.vector_store %arg13[%swap3A_343], %broadcast_in_dim3A_340 {strides = array<i32>} : memref<20080xi32, #tpu.memory_space<vmem>>, vector<16xi32>,
    %broadcast_in_dim3A_345 = arith.constant 0 : i32
    %broadcast_in_dim3A_346 = vector.broadcast %broadcast_in_dim3A_345 : i32 to vector<16xi32>
    %add3A_347 = arith.constant 16 : i32
    %add3A_348 = arith.addi %scan3A_332, %add3A_347 : i32
    %swap3A_349 = arith.index_cast %add3A_348 : i32 to index
    %swap3A_350 = tpu.vector_load %arg12[%swap3A_349] {strides = array<i32>} : memref<20080xi32, #tpu.memory_space<vmem>>, vector<16xi32>,
    tpu.vector_store %arg12[%swap3A_349], %broadcast_in_dim3A_346 {strides = array<i32>} : memref<20080xi32, #tpu.memory_space<vmem>>, vector<16xi32>,
    %broadcast_in_dim3A_351 = arith.constant 5120 : i32
    %broadcast_in_dim3A_352 = vector.broadcast %broadcast_in_dim3A_351 : i32 to vector<16xi32>
    %add3A_353 = arith.constant 16 : i32
    %add3A_354 = arith.addi %scan3A_332, %add3A_353 : i32
    %swap3A_355 = arith.index_cast %add3A_354 : i32 to index
    %swap3A_356 = tpu.vector_load %arg13[%swap3A_355] {strides = array<i32>} : memref<20080xi32, #tpu.memory_space<vmem>>, vector<16xi32>,
    tpu.vector_store %arg13[%swap3A_355], %broadcast_in_dim3A_352 {strides = array<i32>} : memref<20080xi32, #tpu.memory_space<vmem>>, vector<16xi32>,
    %broadcast_in_dim3A_357 = arith.constant 0 : i32
    %broadcast_in_dim3A_358 = vector.broadcast %broadcast_in_dim3A_357 : i32 to vector<16xi32>
    %add3A_359 = arith.constant 32 : i32
    %add3A_360 = arith.addi %scan3A_332, %add3A_359 : i32
    %swap3A_361 = arith.index_cast %add3A_360 : i32 to index
    %swap3A_362 = tpu.vector_load %arg12[%swap3A_361] {strides = array<i32>} : memref<20080xi32, #tpu.memory_space<vmem>>, vector<16xi32>,
    tpu.vector_store %arg12[%swap3A_361], %broadcast_in_dim3A_358 {strides = array<i32>} : memref<20080xi32, #tpu.memory_space<vmem>>, vector<16xi32>,
    %broadcast_in_dim3A_363 = arith.constant 5120 : i32
    %broadcast_in_dim3A_364 = vector.broadcast %broadcast_in_dim3A_363 : i32 to vector<16xi32>
    %add3A_365 = arith.constant 32 : i32
    %add3A_366 = arith.addi %scan3A_332, %add3A_365 : i32
    %swap3A_367 = arith.index_cast %add3A_366 : i32 to index
    %swap3A_368 = tpu.vector_load %arg13[%swap3A_367] {strides = array<i32>} : memref<20080xi32, #tpu.memory_space<vmem>>, vector<16xi32>,
    tpu.vector_store %arg13[%swap3A_367], %broadcast_in_dim3A_364 {strides = array<i32>} : memref<20080xi32, #tpu.memory_space<vmem>>, vector<16xi32>,
    %broadcast_in_dim3A_369 = arith.constant 0 : i32
    %broadcast_in_dim3A_370 = vector.broadcast %broadcast_in_dim3A_369 : i32 to vector<16xi32>
    %add3A_371 = arith.constant 48 : i32
    %add3A_372 = arith.addi %scan3A_332, %add3A_371 : i32
    %swap3A_373 = arith.index_cast %add3A_372 : i32 to index
    %swap3A_374 = tpu.vector_load %arg12[%swap3A_373] {strides = array<i32>} : memref<20080xi32, #tpu.memory_space<vmem>>, vector<16xi32>,
    tpu.vector_store %arg12[%swap3A_373], %broadcast_in_dim3A_370 {strides = array<i32>} : memref<20080xi32, #tpu.memory_space<vmem>>, vector<16xi32>,
    %broadcast_in_dim3A_375 = arith.constant 5120 : i32
    %broadcast_in_dim3A_376 = vector.broadcast %broadcast_in_dim3A_375 : i32 to vector<16xi32>
    %add3A_377 = arith.constant 48 : i32
    %add3A_378 = arith.addi %scan3A_332, %add3A_377 : i32
    %swap3A_379 = arith.index_cast %add3A_378 : i32 to index
    %swap3A_380 = tpu.vector_load %arg13[%swap3A_379] {strides = array<i32>} : memref<20080xi32, #tpu.memory_space<vmem>>, vector<16xi32>,
    tpu.vector_store %arg13[%swap3A_379], %broadcast_in_dim3A_376 {strides = array<i32>} : memref<20080xi32, #tpu.memory_space<vmem>>, vector<16xi32>,
    %broadcast_in_dim3A_381 = arith.constant 0 : i32
    %broadcast_in_dim3A_382 = vector.broadcast %broadcast_in_dim3A_381 : i32 to vector<16xi32>
    %add3A_383 = arith.constant 64 : i32
    %add3A_384 = arith.addi %scan3A_332, %add3A_383 : i32
    %swap3A_385 = arith.index_cast %add3A_384 : i32 to index
    %swap3A_386 = tpu.vector_load %arg12[%swap3A_385] {strides = array<i32>} : memref<20080xi32, #tpu.memory_space<vmem>>, vector<16xi32>,
    tpu.vector_store %arg12[%swap3A_385], %broadcast_in_dim3A_382 {strides = array<i32>} : memref<20080xi32, #tpu.memory_space<vmem>>, vector<16xi32>,
    %broadcast_in_dim3A_387 = arith.constant 5120 : i32
    %broadcast_in_dim3A_388 = vector.broadcast %broadcast_in_dim3A_387 : i32 to vector<16xi32>
    %add3A_389 = arith.constant 64 : i32
    %add3A_390 = arith.addi %scan3A_332, %add3A_389 : i32
    %swap3A_391 = arith.index_cast %add3A_390 : i32 to index
    %swap3A_392 = tpu.vector_load %arg13[%swap3A_391] {strides = array<i32>} : memref<20080xi32, #tpu.memory_space<vmem>>, vector<16xi32>,
    tpu.vector_store %arg13[%swap3A_391], %broadcast_in_dim3A_388 {strides = array<i32>} : memref<20080xi32, #tpu.memory_space<vmem>>, vector<16xi32>,
    %jit3A = arith.constant 80 : i32
    %div3A = arith.divsi %scan3A_332, %jit3A : i32
    %sign3A = arith.constant 0 : i32
    %sign3A_393 = arith.cmpi sgt, %scan3A_332, %sign3A : i32
    %sign3A_394 = arith.extui %sign3A_393 : i1 to i32
    %sign3A_395 = arith.constant 0 : i32
    %sign3A_396 = arith.cmpi slt, %scan3A_332, %sign3A_395 : i32
    %sign3A_397 = arith.extui %sign3A_396 : i1 to i32
    %sign3A_398 = arith.subi %sign3A_394, %sign3A_397 : i32
    %sign3A_399 = arith.constant 0 : i32
    %sign3A_400 = arith.cmpi sgt, %jit3A, %sign3A_399 : i32
    %sign3A_401 = arith.extui %sign3A_400 : i1 to i32
    %sign3A_402 = arith.constant 0 : i32
    %sign3A_403 = arith.cmpi slt, %jit3A, %sign3A_402 : i32
    %sign3A_404 = arith.extui %sign3A_403 : i1 to i32
    %sign3A_405 = arith.subi %sign3A_401, %sign3A_404 : i32
    %ne3A = arith.cmpi ne, %sign3A_398, %sign3A_405 : i32
    %rem3A = arith.remsi %scan3A_332, %jit3A : i32
    %ne3A_406 = arith.constant 0 : i32
    %ne3A_407 = arith.cmpi ne, %rem3A, %ne3A_406 : i32
    %and3A = arith.andi %ne3A, %ne3A_407 : i1
    %sub3A = arith.constant 1 : i32
    %sub3A_408 = arith.subi %div3A, %sub3A : i32
    %select_n3A = arith.select %and3A, %sub3A_408, %div3A : i32
    %add3A_409 = arith.constant 1 : i32
    %add3A_410 = arith.addi %select_n3A, %add3A_409 : i32
    %get3A = arith.constant 0 : index
    %get3A_411 = tpu.vector_load %arg13[%get3A] {strides = array<i32>} : memref<20080xi32, #tpu.memory_space<vmem>>, vector<16xi32>,
    %swap3A_412 = arith.constant 0 : index
    %swap3A_413 = tpu.vector_load %arg14[%swap3A_412] {strides = array<i32>} : memref<80xi32, #tpu.memory_space<vmem>>, vector<16xi32>,
    tpu.vector_store %arg14[%swap3A_412], %get3A_411 {strides = array<i32>} : memref<80xi32, #tpu.memory_space<vmem>>, vector<16xi32>,
    %get3A_414 = arith.constant 16 : index
    %get3A_415 = tpu.vector_load %arg13[%get3A_414] {strides = array<i32>} : memref<20080xi32, #tpu.memory_space<vmem>>, vector<16xi32>,
    %swap3A_416 = arith.constant 16 : index
    %swap3A_417 = tpu.vector_load %arg14[%swap3A_416] {strides = array<i32>} : memref<80xi32, #tpu.memory_space<vmem>>, vector<16xi32>,
    tpu.vector_store %arg14[%swap3A_416], %get3A_415 {strides = array<i32>} : memref<80xi32, #tpu.memory_space<vmem>>, vector<16xi32>,
    %get3A_418 = arith.constant 32 : index
    %get3A_419 = tpu.vector_load %arg13[%get3A_418] {strides = array<i32>} : memref<20080xi32, #tpu.memory_space<vmem>>, vector<16xi32>,
    %swap3A_420 = arith.constant 32 : index
    %swap3A_421 = tpu.vector_load %arg14[%swap3A_420] {strides = array<i32>} : memref<80xi32, #tpu.memory_space<vmem>>, vector<16xi32>,
    tpu.vector_store %arg14[%swap3A_420], %get3A_419 {strides = array<i32>} : memref<80xi32, #tpu.memory_space<vmem>>, vector<16xi32>,
    %get3A_422 = arith.constant 48 : index
    %get3A_423 = tpu.vector_load %arg13[%get3A_422] {strides = array<i32>} : memref<20080xi32, #tpu.memory_space<vmem>>, vector<16xi32>,
    %swap3A_424 = arith.constant 48 : index
    %swap3A_425 = tpu.vector_load %arg14[%swap3A_424] {strides = array<i32>} : memref<80xi32, #tpu.memory_space<vmem>>, vector<16xi32>,
    tpu.vector_store %arg14[%swap3A_424], %get3A_423 {strides = array<i32>} : memref<80xi32, #tpu.memory_space<vmem>>, vector<16xi32>,
    %get3A_426 = arith.constant 64 : index
    %get3A_427 = tpu.vector_load %arg13[%get3A_426] {strides = array<i32>} : memref<20080xi32, #tpu.memory_space<vmem>>, vector<16xi32>,
    %swap3A_428 = arith.constant 64 : index
    %swap3A_429 = tpu.vector_load %arg14[%swap3A_428] {strides = array<i32>} : memref<80xi32, #tpu.memory_space<vmem>>, vector<16xi32>,
    tpu.vector_store %arg14[%swap3A_428], %get3A_427 {strides = array<i32>} : memref<80xi32, #tpu.memory_space<vmem>>, vector<16xi32>,
    %dma_start3A_430 = arith.constant 0 : i32
    %dma_start3A_431 = arith.constant 0 : i32
    %dma_start3A_432 = tpu.memref_slice %arg12[%dma_start3A_431] : memref<20080xi32, #tpu.memory_space<vmem>> -> memref<80xi32, #tpu.memory_space<vmem>>
    %dma_start3A_433 = arith.constant 0 : i32
    %dma_start3A_434 = arith.constant 0 : i32
    %dma_start3A_435 = tpu.memref_slice %arg2[%dma_start3A_433, %dma_start3A_434] : memref<10000x128xf32, #tpu.memory_space<hbm>> -> memref<10000x128xf32, #tpu.memory_space<hbm>>
    %dma_start3A_436 = tpu.memref_slice %arg19[%dma_start3A_430] : memref<2x!tpu.dma_semaphore, #tpu.memory_space<semaphore_mem>> -> memref<1x!tpu.dma_semaphore, #tpu.memory_space<semaphore_mem>>
    %dma_start3A_437 = tpu.memref_squeeze %dma_start3A_436 : memref<1x!tpu.dma_semaphore, #tpu.memory_space<semaphore_mem>> -> memref<!tpu.dma_semaphore, #tpu.memory_space<semaphore_mem>>
    tpu.enqueue_indirect_dma source(%dma_start3A_435 : memref<10000x128xf32, #tpu.memory_space<hbm>>) target(%arg16 : memref<80x128xf32, #tpu.memory_space<vmem>>) offsets(%dma_start3A_432 : memref<80xi32, #tpu.memory_space<vmem>>) semaphore(%dma_start3A_437 : memref<!tpu.dma_semaphore, #tpu.memory_space<semaphore_mem>>)
    %jit3A_438 = arith.constant 2 : i32
    %div3A_439 = arith.divsi %add3A_410, %jit3A_438 : i32
    %sign3A_440 = arith.constant 0 : i32
    %sign3A_441 = arith.cmpi sgt, %add3A_410, %sign3A_440 : i32
    %sign3A_442 = arith.extui %sign3A_441 : i1 to i32
    %sign3A_443 = arith.constant 0 : i32
    %sign3A_444 = arith.cmpi slt, %add3A_410, %sign3A_443 : i32
    %sign3A_445 = arith.extui %sign3A_444 : i1 to i32
    %sign3A_446 = arith.subi %sign3A_442, %sign3A_445 : i32
    %sign3A_447 = arith.constant 0 : i32
    %sign3A_448 = arith.cmpi sgt, %jit3A_438, %sign3A_447 : i32
    %sign3A_449 = arith.extui %sign3A_448 : i1 to i32
    %sign3A_450 = arith.constant 0 : i32
    %sign3A_451 = arith.cmpi slt, %jit3A_438, %sign3A_450 : i32
    %sign3A_452 = arith.extui %sign3A_451 : i1 to i32
    %sign3A_453 = arith.subi %sign3A_449, %sign3A_452 : i32
    %ne3A_454 = arith.cmpi ne, %sign3A_446, %sign3A_453 : i32
    %rem3A_455 = arith.remsi %add3A_410, %jit3A_438 : i32
    %ne3A_456 = arith.constant 0 : i32
    %ne3A_457 = arith.cmpi ne, %rem3A_455, %ne3A_456 : i32
    %and3A_458 = arith.andi %ne3A_454, %ne3A_457 : i1
    %sub3A_459 = arith.constant 1 : i32
    %sub3A_460 = arith.subi %div3A_439, %sub3A_459 : i32
    %select_n3A_461 = arith.select %and3A_458, %sub3A_460, %div3A_439 : i32
    %while3A = arith.constant 0 : i32
    %while3A_462 = arith.constant 0 : i32
    %while3A_463 = arith.subi %select_n3A_461, %while3A_462 : i32
    %while3A_464 = arith.addi %while3A_462, %while3A_463 : i32
    %while3A_465 = arith.constant 1 : i32
    %while3A_466 = arith.divsi %while3A_463, %while3A_465 : i32
    %while3A_467 = arith.muli %while3A_466, %while3A_465 : i32
    %while3A_468 = arith.addi %while3A_462, %while3A_467 : i32
    %while3A_469 = arith.constant 1 : i32
    scf.for %while3A_504 = %while3A_462 to %while3A_468 step %while3A_469  : i32 {
      %mul3A_505 = arith.constant 2 : i32
      %mul3A_506 = arith.muli %mul3A_505, %while3A_504 : i32
      %sub3A_507 = arith.constant 2 : i32
      %sub3A_508 = arith.subi %add3A_410, %sub3A_507 : i32
      %le3A = arith.cmpi sle, %mul3A_506, %sub3A_508 : i32
      %convert_element_type3A_509 = arith.extui %le3A : i1 to i32
      %cond3A_510 = arith.constant 0 : i32
      %cond3A_511 = arith.cmpi ne, %convert_element_type3A_509, %cond3A_510 : i32
      scf.if %cond3A_511 {
        %ge3A_520 = arith.constant 1 : i32
        %ge3A_521 = arith.cmpi sge, %mul3A_506, %ge3A_520 : i32
        %convert_element_type3A_522 = arith.extui %ge3A_521 : i1 to i32
        %cond3A_523 = arith.constant 0 : i32
        %cond3A_524 = arith.cmpi ne, %convert_element_type3A_522, %cond3A_523 : i32
        scf.if %cond3A_524 {
          %dma_wait3A_547 = arith.constant 1 : i32
          %dma_wait3A_548 = arith.constant 0 : i32
          %dma_wait3A_549 = arith.constant 0 : i32
          %dma_wait3A_550 = tpu.memref_slice %arg7[%dma_wait3A_548, %dma_wait3A_549] : memref<5128x128xf32, #tpu.memory_space<vmem_shared>> -> memref<5128x128xf32, #tpu.memory_space<vmem_shared>>
          %dma_wait3A_551 = tpu.memref_slice %arg20[%dma_wait3A_547] : memref<2x!tpu.dma_semaphore, #tpu.memory_space<semaphore_mem>> -> memref<1x!tpu.dma_semaphore, #tpu.memory_space<semaphore_mem>>
          %dma_wait3A_552 = tpu.memref_squeeze %dma_wait3A_551 : memref<1x!tpu.dma_semaphore, #tpu.memory_space<semaphore_mem>> -> memref<!tpu.dma_semaphore, #tpu.memory_space<semaphore_mem>>
          tpu.wait_indirect_dma semaphore(%dma_wait3A_552 : memref<!tpu.dma_semaphore, #tpu.memory_space<semaphore_mem>>) src(%arg17 : memref<80x128xf32, #tpu.memory_space<vmem>>) dst(%dma_wait3A_550 : memref<5128x128xf32, #tpu.memory_space<vmem_shared>>)
        } else {
        }
        %add3A_525 = arith.constant 1 : i32
        %add3A_526 = arith.addi %mul3A_506, %add3A_525 : i32
        %sub3A_527 = arith.constant 1 : i32
        %sub3A_528 = arith.subi %add3A_410, %sub3A_527 : i32
        %le3A_529 = arith.cmpi sle, %add3A_526, %sub3A_528 : i32
        %convert_element_type3A_530 = arith.extui %le3A_529 : i1 to i32
        %cond3A_531 = arith.constant 0 : i32
        %cond3A_532 = arith.cmpi ne, %convert_element_type3A_530, %cond3A_531 : i32
        scf.if %cond3A_532 {
          %add3A_547 = arith.constant 1 : i32
          %add3A_548 = arith.addi %mul3A_506, %add3A_547 : i32
          %mul3A_549 = arith.constant 80 : i32
          %mul3A_550 = arith.muli %add3A_548, %mul3A_549 : i32
          %add3A_551 = arith.constant 0 : i32
          %add3A_552 = arith.addi %mul3A_550, %add3A_551 : i32
          %get3A_553 = arith.index_cast %add3A_552 : i32 to index
          %get3A_554 = tpu.vector_load %arg13[%get3A_553] {strides = array<i32>} : memref<20080xi32, #tpu.memory_space<vmem>>, vector<16xi32>,
          %swap3A_555 = arith.constant 0 : index
          %swap3A_556 = tpu.vector_load %arg15[%swap3A_555] {strides = array<i32>} : memref<80xi32, #tpu.memory_space<vmem>>, vector<16xi32>,
          tpu.vector_store %arg15[%swap3A_555], %get3A_554 {strides = array<i32>} : memref<80xi32, #tpu.memory_space<vmem>>, vector<16xi32>,
          %add3A_557 = arith.constant 16 : i32
          %add3A_558 = arith.addi %mul3A_550, %add3A_557 : i32
          %get3A_559 = arith.index_cast %add3A_558 : i32 to index
          %get3A_560 = tpu.vector_load %arg13[%get3A_559] {strides = array<i32>} : memref<20080xi32, #tpu.memory_space<vmem>>, vector<16xi32>,
          %swap3A_561 = arith.constant 16 : index
          %swap3A_562 = tpu.vector_load %arg15[%swap3A_561] {strides = array<i32>} : memref<80xi32, #tpu.memory_space<vmem>>, vector<16xi32>,
          tpu.vector_store %arg15[%swap3A_561], %get3A_560 {strides = array<i32>} : memref<80xi32, #tpu.memory_space<vmem>>, vector<16xi32>,
          %add3A_563 = arith.constant 32 : i32
          %add3A_564 = arith.addi %mul3A_550, %add3A_563 : i32
          %get3A_565 = arith.index_cast %add3A_564 : i32 to index
          %get3A_566 = tpu.vector_load %arg13[%get3A_565] {strides = array<i32>} : memref<20080xi32, #tpu.memory_space<vmem>>, vector<16xi32>,
          %swap3A_567 = arith.constant 32 : index
          %swap3A_568 = tpu.vector_load %arg15[%swap3A_567] {strides = array<i32>} : memref<80xi32, #tpu.memory_space<vmem>>, vector<16xi32>,
          tpu.vector_store %arg15[%swap3A_567], %get3A_566 {strides = array<i32>} : memref<80xi32, #tpu.memory_space<vmem>>, vector<16xi32>,
          %add3A_569 = arith.constant 48 : i32
          %add3A_570 = arith.addi %mul3A_550, %add3A_569 : i32
          %get3A_571 = arith.index_cast %add3A_570 : i32 to index
          %get3A_572 = tpu.vector_load %arg13[%get3A_571] {strides = array<i32>} : memref<20080xi32, #tpu.memory_space<vmem>>, vector<16xi32>,
          %swap3A_573 = arith.constant 48 : index
          %swap3A_574 = tpu.vector_load %arg15[%swap3A_573] {strides = array<i32>} : memref<80xi32, #tpu.memory_space<vmem>>, vector<16xi32>,
          tpu.vector_store %arg15[%swap3A_573], %get3A_572 {strides = array<i32>} : memref<80xi32, #tpu.memory_space<vmem>>, vector<16xi32>,
          %add3A_575 = arith.constant 64 : i32
          %add3A_576 = arith.addi %mul3A_550, %add3A_575 : i32
          %get3A_577 = arith.index_cast %add3A_576 : i32 to index
          %get3A_578 = tpu.vector_load %arg13[%get3A_577] {strides = array<i32>} : memref<20080xi32, #tpu.memory_space<vmem>>, vector<16xi32>,
          %swap3A_579 = arith.constant 64 : index
          %swap3A_580 = tpu.vector_load %arg15[%swap3A_579] {strides = array<i32>} : memref<80xi32, #tpu.memory_space<vmem>>, vector<16xi32>,
          tpu.vector_store %arg15[%swap3A_579], %get3A_578 {strides = array<i32>} : memref<80xi32, #tpu.memory_space<vmem>>, vector<16xi32>,
          %add3A_581 = arith.constant 1 : i32
          %add3A_582 = arith.addi %mul3A_506, %add3A_581 : i32
          %mul3A_583 = arith.constant 80 : i32
          %mul3A_584 = arith.muli %add3A_582, %mul3A_583 : i32
          %dma_start3A_585 = arith.constant 1 : i32
          %dma_start3A_586 = tpu.memref_slice %arg12[%mul3A_584] : memref<20080xi32, #tpu.memory_space<vmem>> -> memref<80xi32, #tpu.memory_space<vmem>>
          %dma_start3A_587 = arith.constant 0 : i32
          %dma_start3A_588 = arith.constant 0 : i32
          %dma_start3A_589 = tpu.memref_slice %arg2[%dma_start3A_587, %dma_start3A_588] : memref<10000x128xf32, #tpu.memory_space<hbm>> -> memref<10000x128xf32, #tpu.memory_space<hbm>>
          %dma_start3A_590 = tpu.memref_slice %arg19[%dma_start3A_585] : memref<2x!tpu.dma_semaphore, #tpu.memory_space<semaphore_mem>> -> memref<1x!tpu.dma_semaphore, #tpu.memory_space<semaphore_mem>>
          %dma_start3A_591 = tpu.memref_squeeze %dma_start3A_590 : memref<1x!tpu.dma_semaphore, #tpu.memory_space<semaphore_mem>> -> memref<!tpu.dma_semaphore, #tpu.memory_space<semaphore_mem>>
          tpu.enqueue_indirect_dma source(%dma_start3A_589 : memref<10000x128xf32, #tpu.memory_space<hbm>>) target(%arg17 : memref<80x128xf32, #tpu.memory_space<vmem>>) offsets(%dma_start3A_586 : memref<80xi32, #tpu.memory_space<vmem>>) semaphore(%dma_start3A_591 : memref<!tpu.dma_semaphore, #tpu.memory_space<semaphore_mem>>)
        } else {
        }
        %dma_wait3A_533 = arith.constant 0 : i32
        %dma_wait3A_534 = arith.constant 0 : i32
        %dma_wait3A_535 = tpu.memref_slice %arg12[%dma_wait3A_534] : memref<20080xi32, #tpu.memory_space<vmem>> -> memref<80xi32, #tpu.memory_space<vmem>>
        %dma_wait3A_536 = arith.constant 0 : i32
        %dma_wait3A_537 = arith.constant 0 : i32
        %dma_wait3A_538 = tpu.memref_slice %arg2[%dma_wait3A_536, %dma_wait3A_537] : memref<10000x128xf32, #tpu.memory_space<hbm>> -> memref<10000x128xf32, #tpu.memory_space<hbm>>
        %dma_wait3A_539 = tpu.memref_slice %arg19[%dma_wait3A_533] : memref<2x!tpu.dma_semaphore, #tpu.memory_space<semaphore_mem>> -> memref<1x!tpu.dma_semaphore, #tpu.memory_space<semaphore_mem>>
        %dma_wait3A_540 = tpu.memref_squeeze %dma_wait3A_539 : memref<1x!tpu.dma_semaphore, #tpu.memory_space<semaphore_mem>> -> memref<!tpu.dma_semaphore, #tpu.memory_space<semaphore_mem>>
        tpu.wait_indirect_dma semaphore(%dma_wait3A_540 : memref<!tpu.dma_semaphore, #tpu.memory_space<semaphore_mem>>) src(%dma_wait3A_538 : memref<10000x128xf32, #tpu.memory_space<hbm>>) dst(%arg16 : memref<80x128xf32, #tpu.memory_space<vmem>>)
        %dma_start3A_541 = arith.constant 0 : i32
        %dma_start3A_542 = arith.constant 0 : i32
        %dma_start3A_543 = arith.constant 0 : i32
        %dma_start3A_544 = tpu.memref_slice %arg7[%dma_start3A_542, %dma_start3A_543] : memref<5128x128xf32, #tpu.memory_space<vmem_shared>> -> memref<5128x128xf32, #tpu.memory_space<vmem_shared>>
        %dma_start3A_545 = tpu.memref_slice %arg20[%dma_start3A_541] : memref<2x!tpu.dma_semaphore, #tpu.memory_space<semaphore_mem>> -> memref<1x!tpu.dma_semaphore, #tpu.memory_space<semaphore_mem>>
        %dma_start3A_546 = tpu.memref_squeeze %dma_start3A_545 : memref<1x!tpu.dma_semaphore, #tpu.memory_space<semaphore_mem>> -> memref<!tpu.dma_semaphore, #tpu.memory_space<semaphore_mem>>
        tpu.enqueue_indirect_dma source(%arg16 : memref<80x128xf32, #tpu.memory_space<vmem>>) target(%dma_start3A_544 : memref<5128x128xf32, #tpu.memory_space<vmem_shared>>) offsets(%arg14 : memref<80xi32, #tpu.memory_space<vmem>>) semaphore(%dma_start3A_546 : memref<!tpu.dma_semaphore, #tpu.memory_space<semaphore_mem>>) {add = true}
      } else {
      }
      %add3A_512 = arith.constant 1 : i32
      %add3A_513 = arith.addi %mul3A_506, %add3A_512 : i32
      %sub3A_514 = arith.constant 2 : i32
      %sub3A_515 = arith.subi %add3A_410, %sub3A_514 : i32
      %le3A_516 = arith.cmpi sle, %add3A_513, %sub3A_515 : i32
      %convert_element_type3A_517 = arith.extui %le3A_516 : i1 to i32
      %cond3A_518 = arith.constant 0 : i32
      %cond3A_519 = arith.cmpi ne, %convert_element_type3A_517, %cond3A_518 : i32
      scf.if %cond3A_519 {
        %add3A_520 = arith.constant 1 : i32
        %add3A_521 = arith.addi %mul3A_506, %add3A_520 : i32
        %ge3A_522 = arith.constant 1 : i32
        %ge3A_523 = arith.cmpi sge, %add3A_521, %ge3A_522 : i32
        %convert_element_type3A_524 = arith.extui %ge3A_523 : i1 to i32
        %cond3A_525 = arith.constant 0 : i32
        %cond3A_526 = arith.cmpi ne, %convert_element_type3A_524, %cond3A_525 : i32
        scf.if %cond3A_526 {
          %dma_wait3A_549 = arith.constant 0 : i32
          %dma_wait3A_550 = arith.constant 0 : i32
          %dma_wait3A_551 = arith.constant 0 : i32
          %dma_wait3A_552 = tpu.memref_slice %arg7[%dma_wait3A_550, %dma_wait3A_551] : memref<5128x128xf32, #tpu.memory_space<vmem_shared>> -> memref<5128x128xf32, #tpu.memory_space<vmem_shared>>
          %dma_wait3A_553 = tpu.memref_slice %arg20[%dma_wait3A_549] : memref<2x!tpu.dma_semaphore, #tpu.memory_space<semaphore_mem>> -> memref<1x!tpu.dma_semaphore, #tpu.memory_space<semaphore_mem>>
          %dma_wait3A_554 = tpu.memref_squeeze %dma_wait3A_553 : memref<1x!tpu.dma_semaphore, #tpu.memory_space<semaphore_mem>> -> memref<!tpu.dma_semaphore, #tpu.memory_space<semaphore_mem>>
          tpu.wait_indirect_dma semaphore(%dma_wait3A_554 : memref<!tpu.dma_semaphore, #tpu.memory_space<semaphore_mem>>) src(%arg16 : memref<80x128xf32, #tpu.memory_space<vmem>>) dst(%dma_wait3A_552 : memref<5128x128xf32, #tpu.memory_space<vmem_shared>>)
        } else {
        }
        %add3A_527 = arith.constant 1 : i32
        %add3A_528 = arith.addi %add3A_521, %add3A_527 : i32
        %sub3A_529 = arith.constant 1 : i32
        %sub3A_530 = arith.subi %add3A_410, %sub3A_529 : i32
        %le3A_531 = arith.cmpi sle, %add3A_528, %sub3A_530 : i32
        %convert_element_type3A_532 = arith.extui %le3A_531 : i1 to i32
        %cond3A_533 = arith.constant 0 : i32
        %cond3A_534 = arith.cmpi ne, %convert_element_type3A_532, %cond3A_533 : i32
        scf.if %cond3A_534 {
          %add3A_549 = arith.constant 1 : i32
          %add3A_550 = arith.addi %add3A_521, %add3A_549 : i32
          %mul3A_551 = arith.constant 80 : i32
          %mul3A_552 = arith.muli %add3A_550, %mul3A_551 : i32
          %add3A_553 = arith.constant 0 : i32
          %add3A_554 = arith.addi %mul3A_552, %add3A_553 : i32
          %get3A_555 = arith.index_cast %add3A_554 : i32 to index
          %get3A_556 = tpu.vector_load %arg13[%get3A_555] {strides = array<i32>} : memref<20080xi32, #tpu.memory_space<vmem>>, vector<16xi32>,
          %swap3A_557 = arith.constant 0 : index
          %swap3A_558 = tpu.vector_load %arg14[%swap3A_557] {strides = array<i32>} : memref<80xi32, #tpu.memory_space<vmem>>, vector<16xi32>,
          tpu.vector_store %arg14[%swap3A_557], %get3A_556 {strides = array<i32>} : memref<80xi32, #tpu.memory_space<vmem>>, vector<16xi32>,
          %add3A_559 = arith.constant 16 : i32
          %add3A_560 = arith.addi %mul3A_552, %add3A_559 : i32
          %get3A_561 = arith.index_cast %add3A_560 : i32 to index
          %get3A_562 = tpu.vector_load %arg13[%get3A_561] {strides = array<i32>} : memref<20080xi32, #tpu.memory_space<vmem>>, vector<16xi32>,
          %swap3A_563 = arith.constant 16 : index
          %swap3A_564 = tpu.vector_load %arg14[%swap3A_563] {strides = array<i32>} : memref<80xi32, #tpu.memory_space<vmem>>, vector<16xi32>,
          tpu.vector_store %arg14[%swap3A_563], %get3A_562 {strides = array<i32>} : memref<80xi32, #tpu.memory_space<vmem>>, vector<16xi32>,
          %add3A_565 = arith.constant 32 : i32
          %add3A_566 = arith.addi %mul3A_552, %add3A_565 : i32
          %get3A_567 = arith.index_cast %add3A_566 : i32 to index
          %get3A_568 = tpu.vector_load %arg13[%get3A_567] {strides = array<i32>} : memref<20080xi32, #tpu.memory_space<vmem>>, vector<16xi32>,
          %swap3A_569 = arith.constant 32 : index
          %swap3A_570 = tpu.vector_load %arg14[%swap3A_569] {strides = array<i32>} : memref<80xi32, #tpu.memory_space<vmem>>, vector<16xi32>,
          tpu.vector_store %arg14[%swap3A_569], %get3A_568 {strides = array<i32>} : memref<80xi32, #tpu.memory_space<vmem>>, vector<16xi32>,
          %add3A_571 = arith.constant 48 : i32
          %add3A_572 = arith.addi %mul3A_552, %add3A_571 : i32
          %get3A_573 = arith.index_cast %add3A_572 : i32 to index
          %get3A_574 = tpu.vector_load %arg13[%get3A_573] {strides = array<i32>} : memref<20080xi32, #tpu.memory_space<vmem>>, vector<16xi32>,
          %swap3A_575 = arith.constant 48 : index
          %swap3A_576 = tpu.vector_load %arg14[%swap3A_575] {strides = array<i32>} : memref<80xi32, #tpu.memory_space<vmem>>, vector<16xi32>,
          tpu.vector_store %arg14[%swap3A_575], %get3A_574 {strides = array<i32>} : memref<80xi32, #tpu.memory_space<vmem>>, vector<16xi32>,
          %add3A_577 = arith.constant 64 : i32
          %add3A_578 = arith.addi %mul3A_552, %add3A_577 : i32
          %get3A_579 = arith.index_cast %add3A_578 : i32 to index
          %get3A_580 = tpu.vector_load %arg13[%get3A_579] {strides = array<i32>} : memref<20080xi32, #tpu.memory_space<vmem>>, vector<16xi32>,
          %swap3A_581 = arith.constant 64 : index
          %swap3A_582 = tpu.vector_load %arg14[%swap3A_581] {strides = array<i32>} : memref<80xi32, #tpu.memory_space<vmem>>, vector<16xi32>,
          tpu.vector_store %arg14[%swap3A_581], %get3A_580 {strides = array<i32>} : memref<80xi32, #tpu.memory_space<vmem>>, vector<16xi32>,
          %add3A_583 = arith.constant 1 : i32
          %add3A_584 = arith.addi %add3A_521, %add3A_583 : i32
          %mul3A_585 = arith.constant 80 : i32
          %mul3A_586 = arith.muli %add3A_584, %mul3A_585 : i32
          %dma_start3A_587 = arith.constant 0 : i32
          %dma_start3A_588 = tpu.memref_slice %arg12[%mul3A_586] : memref<20080xi32, #tpu.memory_space<vmem>> -> memref<80xi32, #tpu.memory_space<vmem>>
          %dma_start3A_589 = arith.constant 0 : i32
          %dma_start3A_590 = arith.constant 0 : i32
          %dma_start3A_591 = tpu.memref_slice %arg2[%dma_start3A_589, %dma_start3A_590] : memref<10000x128xf32, #tpu.memory_space<hbm>> -> memref<10000x128xf32, #tpu.memory_space<hbm>>
          %dma_start3A_592 = tpu.memref_slice %arg19[%dma_start3A_587] : memref<2x!tpu.dma_semaphore, #tpu.memory_space<semaphore_mem>> -> memref<1x!tpu.dma_semaphore, #tpu.memory_space<semaphore_mem>>
          %dma_start3A_593 = tpu.memref_squeeze %dma_start3A_592 : memref<1x!tpu.dma_semaphore, #tpu.memory_space<semaphore_mem>> -> memref<!tpu.dma_semaphore, #tpu.memory_space<semaphore_mem>>
          tpu.enqueue_indirect_dma source(%dma_start3A_591 : memref<10000x128xf32, #tpu.memory_space<hbm>>) target(%arg16 : memref<80x128xf32, #tpu.memory_space<vmem>>) offsets(%dma_start3A_588 : memref<80xi32, #tpu.memory_space<vmem>>) semaphore(%dma_start3A_593 : memref<!tpu.dma_semaphore, #tpu.memory_space<semaphore_mem>>)
        } else {
        }
        %dma_wait3A_535 = arith.constant 1 : i32
        %dma_wait3A_536 = arith.constant 0 : i32
        %dma_wait3A_537 = tpu.memref_slice %arg12[%dma_wait3A_536] : memref<20080xi32, #tpu.memory_space<vmem>> -> memref<80xi32, #tpu.memory_space<vmem>>
        %dma_wait3A_538 = arith.constant 0 : i32
        %dma_wait3A_539 = arith.constant 0 : i32
        %dma_wait3A_540 = tpu.memref_slice %arg2[%dma_wait3A_538, %dma_wait3A_539] : memref<10000x128xf32, #tpu.memory_space<hbm>> -> memref<10000x128xf32, #tpu.memory_space<hbm>>
        %dma_wait3A_541 = tpu.memref_slice %arg19[%dma_wait3A_535] : memref<2x!tpu.dma_semaphore, #tpu.memory_space<semaphore_mem>> -> memref<1x!tpu.dma_semaphore, #tpu.memory_space<semaphore_mem>>
        %dma_wait3A_542 = tpu.memref_squeeze %dma_wait3A_541 : memref<1x!tpu.dma_semaphore, #tpu.memory_space<semaphore_mem>> -> memref<!tpu.dma_semaphore, #tpu.memory_space<semaphore_mem>>
        tpu.wait_indirect_dma semaphore(%dma_wait3A_542 : memref<!tpu.dma_semaphore, #tpu.memory_space<semaphore_mem>>) src(%dma_wait3A_540 : memref<10000x128xf32, #tpu.memory_space<hbm>>) dst(%arg17 : memref<80x128xf32, #tpu.memory_space<vmem>>)
        %dma_start3A_543 = arith.constant 1 : i32
        %dma_start3A_544 = arith.constant 0 : i32
        %dma_start3A_545 = arith.constant 0 : i32
        %dma_start3A_546 = tpu.memref_slice %arg7[%dma_start3A_544, %dma_start3A_545] : memref<5128x128xf32, #tpu.memory_space<vmem_shared>> -> memref<5128x128xf32, #tpu.memory_space<vmem_shared>>
        %dma_start3A_547 = tpu.memref_slice %arg20[%dma_start3A_543] : memref<2x!tpu.dma_semaphore, #tpu.memory_space<semaphore_mem>> -> memref<1x!tpu.dma_semaphore, #tpu.memory_space<semaphore_mem>>
        %dma_start3A_548 = tpu.memref_squeeze %dma_start3A_547 : memref<1x!tpu.dma_semaphore, #tpu.memory_space<semaphore_mem>> -> memref<!tpu.dma_semaphore, #tpu.memory_space<semaphore_mem>>
        tpu.enqueue_indirect_dma source(%arg17 : memref<80x128xf32, #tpu.memory_space<vmem>>) target(%dma_start3A_546 : memref<5128x128xf32, #tpu.memory_space<vmem_shared>>) offsets(%arg15 : memref<80xi32, #tpu.memory_space<vmem>>) semaphore(%dma_start3A_548 : memref<!tpu.dma_semaphore, #tpu.memory_space<semaphore_mem>>) {add = true}
      } else {
      }
    }
    %while3A_470 = arith.constant 1 : i32
    scf.for %while3A_504 = %while3A_468 to %while3A_464 step %while3A_470  : i32 {
      %mul3A_505 = arith.constant 2 : i32
      %mul3A_506 = arith.muli %mul3A_505, %while3A_504 : i32
      %sub3A_507 = arith.constant 2 : i32
      %sub3A_508 = arith.subi %add3A_410, %sub3A_507 : i32
      %le3A = arith.cmpi sle, %mul3A_506, %sub3A_508 : i32
      %convert_element_type3A_509 = arith.extui %le3A : i1 to i32
      %cond3A_510 = arith.constant 0 : i32
      %cond3A_511 = arith.cmpi ne, %convert_element_type3A_509, %cond3A_510 : i32
      scf.if %cond3A_511 {
        %ge3A_520 = arith.constant 1 : i32
        %ge3A_521 = arith.cmpi sge, %mul3A_506, %ge3A_520 : i32
        %convert_element_type3A_522 = arith.extui %ge3A_521 : i1 to i32
        %cond3A_523 = arith.constant 0 : i32
        %cond3A_524 = arith.cmpi ne, %convert_element_type3A_522, %cond3A_523 : i32
        scf.if %cond3A_524 {
          %dma_wait3A_547 = arith.constant 1 : i32
          %dma_wait3A_548 = arith.constant 0 : i32
          %dma_wait3A_549 = arith.constant 0 : i32
          %dma_wait3A_550 = tpu.memref_slice %arg7[%dma_wait3A_548, %dma_wait3A_549] : memref<5128x128xf32, #tpu.memory_space<vmem_shared>> -> memref<5128x128xf32, #tpu.memory_space<vmem_shared>>
          %dma_wait3A_551 = tpu.memref_slice %arg20[%dma_wait3A_547] : memref<2x!tpu.dma_semaphore, #tpu.memory_space<semaphore_mem>> -> memref<1x!tpu.dma_semaphore, #tpu.memory_space<semaphore_mem>>
          %dma_wait3A_552 = tpu.memref_squeeze %dma_wait3A_551 : memref<1x!tpu.dma_semaphore, #tpu.memory_space<semaphore_mem>> -> memref<!tpu.dma_semaphore, #tpu.memory_space<semaphore_mem>>
          tpu.wait_indirect_dma semaphore(%dma_wait3A_552 : memref<!tpu.dma_semaphore, #tpu.memory_space<semaphore_mem>>) src(%arg17 : memref<80x128xf32, #tpu.memory_space<vmem>>) dst(%dma_wait3A_550 : memref<5128x128xf32, #tpu.memory_space<vmem_shared>>)
        } else {
        }
        %add3A_525 = arith.constant 1 : i32
        %add3A_526 = arith.addi %mul3A_506, %add3A_525 : i32
        %sub3A_527 = arith.constant 1 : i32
        %sub3A_528 = arith.subi %add3A_410, %sub3A_527 : i32
        %le3A_529 = arith.cmpi sle, %add3A_526, %sub3A_528 : i32
        %convert_element_type3A_530 = arith.extui %le3A_529 : i1 to i32
        %cond3A_531 = arith.constant 0 : i32
        %cond3A_532 = arith.cmpi ne, %convert_element_type3A_530, %cond3A_531 : i32
        scf.if %cond3A_532 {
          %add3A_547 = arith.constant 1 : i32
          %add3A_548 = arith.addi %mul3A_506, %add3A_547 : i32
          %mul3A_549 = arith.constant 80 : i32
          %mul3A_550 = arith.muli %add3A_548, %mul3A_549 : i32
          %add3A_551 = arith.constant 0 : i32
          %add3A_552 = arith.addi %mul3A_550, %add3A_551 : i32
          %get3A_553 = arith.index_cast %add3A_552 : i32 to index
          %get3A_554 = tpu.vector_load %arg13[%get3A_553] {strides = array<i32>} : memref<20080xi32, #tpu.memory_space<vmem>>, vector<16xi32>,
          %swap3A_555 = arith.constant 0 : index
          %swap3A_556 = tpu.vector_load %arg15[%swap3A_555] {strides = array<i32>} : memref<80xi32, #tpu.memory_space<vmem>>, vector<16xi32>,
          tpu.vector_store %arg15[%swap3A_555], %get3A_554 {strides = array<i32>} : memref<80xi32, #tpu.memory_space<vmem>>, vector<16xi32>,
          %add3A_557 = arith.constant 16 : i32
          %add3A_558 = arith.addi %mul3A_550, %add3A_557 : i32
          %get3A_559 = arith.index_cast %add3A_558 : i32 to index
          %get3A_560 = tpu.vector_load %arg13[%get3A_559] {strides = array<i32>} : memref<20080xi32, #tpu.memory_space<vmem>>, vector<16xi32>,
          %swap3A_561 = arith.constant 16 : index
          %swap3A_562 = tpu.vector_load %arg15[%swap3A_561] {strides = array<i32>} : memref<80xi32, #tpu.memory_space<vmem>>, vector<16xi32>,
          tpu.vector_store %arg15[%swap3A_561], %get3A_560 {strides = array<i32>} : memref<80xi32, #tpu.memory_space<vmem>>, vector<16xi32>,
          %add3A_563 = arith.constant 32 : i32
          %add3A_564 = arith.addi %mul3A_550, %add3A_563 : i32
          %get3A_565 = arith.index_cast %add3A_564 : i32 to index
          %get3A_566 = tpu.vector_load %arg13[%get3A_565] {strides = array<i32>} : memref<20080xi32, #tpu.memory_space<vmem>>, vector<16xi32>,
          %swap3A_567 = arith.constant 32 : index
          %swap3A_568 = tpu.vector_load %arg15[%swap3A_567] {strides = array<i32>} : memref<80xi32, #tpu.memory_space<vmem>>, vector<16xi32>,
          tpu.vector_store %arg15[%swap3A_567], %get3A_566 {strides = array<i32>} : memref<80xi32, #tpu.memory_space<vmem>>, vector<16xi32>,
          %add3A_569 = arith.constant 48 : i32
          %add3A_570 = arith.addi %mul3A_550, %add3A_569 : i32
          %get3A_571 = arith.index_cast %add3A_570 : i32 to index
          %get3A_572 = tpu.vector_load %arg13[%get3A_571] {strides = array<i32>} : memref<20080xi32, #tpu.memory_space<vmem>>, vector<16xi32>,
          %swap3A_573 = arith.constant 48 : index
          %swap3A_574 = tpu.vector_load %arg15[%swap3A_573] {strides = array<i32>} : memref<80xi32, #tpu.memory_space<vmem>>, vector<16xi32>,
          tpu.vector_store %arg15[%swap3A_573], %get3A_572 {strides = array<i32>} : memref<80xi32, #tpu.memory_space<vmem>>, vector<16xi32>,
          %add3A_575 = arith.constant 64 : i32
          %add3A_576 = arith.addi %mul3A_550, %add3A_575 : i32
          %get3A_577 = arith.index_cast %add3A_576 : i32 to index
          %get3A_578 = tpu.vector_load %arg13[%get3A_577] {strides = array<i32>} : memref<20080xi32, #tpu.memory_space<vmem>>, vector<16xi32>,
          %swap3A_579 = arith.constant 64 : index
          %swap3A_580 = tpu.vector_load %arg15[%swap3A_579] {strides = array<i32>} : memref<80xi32, #tpu.memory_space<vmem>>, vector<16xi32>,
          tpu.vector_store %arg15[%swap3A_579], %get3A_578 {strides = array<i32>} : memref<80xi32, #tpu.memory_space<vmem>>, vector<16xi32>,
          %add3A_581 = arith.constant 1 : i32
          %add3A_582 = arith.addi %mul3A_506, %add3A_581 : i32
          %mul3A_583 = arith.constant 80 : i32
          %mul3A_584 = arith.muli %add3A_582, %mul3A_583 : i32
          %dma_start3A_585 = arith.constant 1 : i32
          %dma_start3A_586 = tpu.memref_slice %arg12[%mul3A_584] : memref<20080xi32, #tpu.memory_space<vmem>> -> memref<80xi32, #tpu.memory_space<vmem>>
          %dma_start3A_587 = arith.constant 0 : i32
          %dma_start3A_588 = arith.constant 0 : i32
          %dma_start3A_589 = tpu.memref_slice %arg2[%dma_start3A_587, %dma_start3A_588] : memref<10000x128xf32, #tpu.memory_space<hbm>> -> memref<10000x128xf32, #tpu.memory_space<hbm>>
          %dma_start3A_590 = tpu.memref_slice %arg19[%dma_start3A_585] : memref<2x!tpu.dma_semaphore, #tpu.memory_space<semaphore_mem>> -> memref<1x!tpu.dma_semaphore, #tpu.memory_space<semaphore_mem>>
          %dma_start3A_591 = tpu.memref_squeeze %dma_start3A_590 : memref<1x!tpu.dma_semaphore, #tpu.memory_space<semaphore_mem>> -> memref<!tpu.dma_semaphore, #tpu.memory_space<semaphore_mem>>
          tpu.enqueue_indirect_dma source(%dma_start3A_589 : memref<10000x128xf32, #tpu.memory_space<hbm>>) target(%arg17 : memref<80x128xf32, #tpu.memory_space<vmem>>) offsets(%dma_start3A_586 : memref<80xi32, #tpu.memory_space<vmem>>) semaphore(%dma_start3A_591 : memref<!tpu.dma_semaphore, #tpu.memory_space<semaphore_mem>>)
        } else {
        }
        %dma_wait3A_533 = arith.constant 0 : i32
        %dma_wait3A_534 = arith.constant 0 : i32
        %dma_wait3A_535 = tpu.memref_slice %arg12[%dma_wait3A_534] : memref<20080xi32, #tpu.memory_space<vmem>> -> memref<80xi32, #tpu.memory_space<vmem>>
        %dma_wait3A_536 = arith.constant 0 : i32
        %dma_wait3A_537 = arith.constant 0 : i32
        %dma_wait3A_538 = tpu.memref_slice %arg2[%dma_wait3A_536, %dma_wait3A_537] : memref<10000x128xf32, #tpu.memory_space<hbm>> -> memref<10000x128xf32, #tpu.memory_space<hbm>>
        %dma_wait3A_539 = tpu.memref_slice %arg19[%dma_wait3A_533] : memref<2x!tpu.dma_semaphore, #tpu.memory_space<semaphore_mem>> -> memref<1x!tpu.dma_semaphore, #tpu.memory_space<semaphore_mem>>
        %dma_wait3A_540 = tpu.memref_squeeze %dma_wait3A_539 : memref<1x!tpu.dma_semaphore, #tpu.memory_space<semaphore_mem>> -> memref<!tpu.dma_semaphore, #tpu.memory_space<semaphore_mem>>
        tpu.wait_indirect_dma semaphore(%dma_wait3A_540 : memref<!tpu.dma_semaphore, #tpu.memory_space<semaphore_mem>>) src(%dma_wait3A_538 : memref<10000x128xf32, #tpu.memory_space<hbm>>) dst(%arg16 : memref<80x128xf32, #tpu.memory_space<vmem>>)
        %dma_start3A_541 = arith.constant 0 : i32
        %dma_start3A_542 = arith.constant 0 : i32
        %dma_start3A_543 = arith.constant 0 : i32
        %dma_start3A_544 = tpu.memref_slice %arg7[%dma_start3A_542, %dma_start3A_543] : memref<5128x128xf32, #tpu.memory_space<vmem_shared>> -> memref<5128x128xf32, #tpu.memory_space<vmem_shared>>
        %dma_start3A_545 = tpu.memref_slice %arg20[%dma_start3A_541] : memref<2x!tpu.dma_semaphore, #tpu.memory_space<semaphore_mem>> -> memref<1x!tpu.dma_semaphore, #tpu.memory_space<semaphore_mem>>
        %dma_start3A_546 = tpu.memref_squeeze %dma_start3A_545 : memref<1x!tpu.dma_semaphore, #tpu.memory_space<semaphore_mem>> -> memref<!tpu.dma_semaphore, #tpu.memory_space<semaphore_mem>>
        tpu.enqueue_indirect_dma source(%arg16 : memref<80x128xf32, #tpu.memory_space<vmem>>) target(%dma_start3A_544 : memref<5128x128xf32, #tpu.memory_space<vmem_shared>>) offsets(%arg14 : memref<80xi32, #tpu.memory_space<vmem>>) semaphore(%dma_start3A_546 : memref<!tpu.dma_semaphore, #tpu.memory_space<semaphore_mem>>) {add = true}
      } else {
      }
      %add3A_512 = arith.constant 1 : i32
      %add3A_513 = arith.addi %mul3A_506, %add3A_512 : i32
      %sub3A_514 = arith.constant 2 : i32
      %sub3A_515 = arith.subi %add3A_410, %sub3A_514 : i32
      %le3A_516 = arith.cmpi sle, %add3A_513, %sub3A_515 : i32
      %convert_element_type3A_517 = arith.extui %le3A_516 : i1 to i32
      %cond3A_518 = arith.constant 0 : i32
      %cond3A_519 = arith.cmpi ne, %convert_element_type3A_517, %cond3A_518 : i32
      scf.if %cond3A_519 {
        %add3A_520 = arith.constant 1 : i32
        %add3A_521 = arith.addi %mul3A_506, %add3A_520 : i32
        %ge3A_522 = arith.constant 1 : i32
        %ge3A_523 = arith.cmpi sge, %add3A_521, %ge3A_522 : i32
        %convert_element_type3A_524 = arith.extui %ge3A_523 : i1 to i32
        %cond3A_525 = arith.constant 0 : i32
        %cond3A_526 = arith.cmpi ne, %convert_element_type3A_524, %cond3A_525 : i32
        scf.if %cond3A_526 {
          %dma_wait3A_549 = arith.constant 0 : i32
          %dma_wait3A_550 = arith.constant 0 : i32
          %dma_wait3A_551 = arith.constant 0 : i32
          %dma_wait3A_552 = tpu.memref_slice %arg7[%dma_wait3A_550, %dma_wait3A_551] : memref<5128x128xf32, #tpu.memory_space<vmem_shared>> -> memref<5128x128xf32, #tpu.memory_space<vmem_shared>>
          %dma_wait3A_553 = tpu.memref_slice %arg20[%dma_wait3A_549] : memref<2x!tpu.dma_semaphore, #tpu.memory_space<semaphore_mem>> -> memref<1x!tpu.dma_semaphore, #tpu.memory_space<semaphore_mem>>
          %dma_wait3A_554 = tpu.memref_squeeze %dma_wait3A_553 : memref<1x!tpu.dma_semaphore, #tpu.memory_space<semaphore_mem>> -> memref<!tpu.dma_semaphore, #tpu.memory_space<semaphore_mem>>
          tpu.wait_indirect_dma semaphore(%dma_wait3A_554 : memref<!tpu.dma_semaphore, #tpu.memory_space<semaphore_mem>>) src(%arg16 : memref<80x128xf32, #tpu.memory_space<vmem>>) dst(%dma_wait3A_552 : memref<5128x128xf32, #tpu.memory_space<vmem_shared>>)
        } else {
        }
        %add3A_527 = arith.constant 1 : i32
        %add3A_528 = arith.addi %add3A_521, %add3A_527 : i32
        %sub3A_529 = arith.constant 1 : i32
        %sub3A_530 = arith.subi %add3A_410, %sub3A_529 : i32
        %le3A_531 = arith.cmpi sle, %add3A_528, %sub3A_530 : i32
        %convert_element_type3A_532 = arith.extui %le3A_531 : i1 to i32
        %cond3A_533 = arith.constant 0 : i32
        %cond3A_534 = arith.cmpi ne, %convert_element_type3A_532, %cond3A_533 : i32
        scf.if %cond3A_534 {
          %add3A_549 = arith.constant 1 : i32
          %add3A_550 = arith.addi %add3A_521, %add3A_549 : i32
          %mul3A_551 = arith.constant 80 : i32
          %mul3A_552 = arith.muli %add3A_550, %mul3A_551 : i32
          %add3A_553 = arith.constant 0 : i32
          %add3A_554 = arith.addi %mul3A_552, %add3A_553 : i32
          %get3A_555 = arith.index_cast %add3A_554 : i32 to index
          %get3A_556 = tpu.vector_load %arg13[%get3A_555] {strides = array<i32>} : memref<20080xi32, #tpu.memory_space<vmem>>, vector<16xi32>,
          %swap3A_557 = arith.constant 0 : index
          %swap3A_558 = tpu.vector_load %arg14[%swap3A_557] {strides = array<i32>} : memref<80xi32, #tpu.memory_space<vmem>>, vector<16xi32>,
          tpu.vector_store %arg14[%swap3A_557], %get3A_556 {strides = array<i32>} : memref<80xi32, #tpu.memory_space<vmem>>, vector<16xi32>,
          %add3A_559 = arith.constant 16 : i32
          %add3A_560 = arith.addi %mul3A_552, %add3A_559 : i32
          %get3A_561 = arith.index_cast %add3A_560 : i32 to index
          %get3A_562 = tpu.vector_load %arg13[%get3A_561] {strides = array<i32>} : memref<20080xi32, #tpu.memory_space<vmem>>, vector<16xi32>,
          %swap3A_563 = arith.constant 16 : index
          %swap3A_564 = tpu.vector_load %arg14[%swap3A_563] {strides = array<i32>} : memref<80xi32, #tpu.memory_space<vmem>>, vector<16xi32>,
          tpu.vector_store %arg14[%swap3A_563], %get3A_562 {strides = array<i32>} : memref<80xi32, #tpu.memory_space<vmem>>, vector<16xi32>,
          %add3A_565 = arith.constant 32 : i32
          %add3A_566 = arith.addi %mul3A_552, %add3A_565 : i32
          %get3A_567 = arith.index_cast %add3A_566 : i32 to index
          %get3A_568 = tpu.vector_load %arg13[%get3A_567] {strides = array<i32>} : memref<20080xi32, #tpu.memory_space<vmem>>, vector<16xi32>,
          %swap3A_569 = arith.constant 32 : index
          %swap3A_570 = tpu.vector_load %arg14[%swap3A_569] {strides = array<i32>} : memref<80xi32, #tpu.memory_space<vmem>>, vector<16xi32>,
          tpu.vector_store %arg14[%swap3A_569], %get3A_568 {strides = array<i32>} : memref<80xi32, #tpu.memory_space<vmem>>, vector<16xi32>,
          %add3A_571 = arith.constant 48 : i32
          %add3A_572 = arith.addi %mul3A_552, %add3A_571 : i32
          %get3A_573 = arith.index_cast %add3A_572 : i32 to index
          %get3A_574 = tpu.vector_load %arg13[%get3A_573] {strides = array<i32>} : memref<20080xi32, #tpu.memory_space<vmem>>, vector<16xi32>,
          %swap3A_575 = arith.constant 48 : index
          %swap3A_576 = tpu.vector_load %arg14[%swap3A_575] {strides = array<i32>} : memref<80xi32, #tpu.memory_space<vmem>>, vector<16xi32>,
          tpu.vector_store %arg14[%swap3A_575], %get3A_574 {strides = array<i32>} : memref<80xi32, #tpu.memory_space<vmem>>, vector<16xi32>,
          %add3A_577 = arith.constant 64 : i32
          %add3A_578 = arith.addi %mul3A_552, %add3A_577 : i32
          %get3A_579 = arith.index_cast %add3A_578 : i32 to index
          %get3A_580 = tpu.vector_load %arg13[%get3A_579] {strides = array<i32>} : memref<20080xi32, #tpu.memory_space<vmem>>, vector<16xi32>,
          %swap3A_581 = arith.constant 64 : index
          %swap3A_582 = tpu.vector_load %arg14[%swap3A_581] {strides = array<i32>} : memref<80xi32, #tpu.memory_space<vmem>>, vector<16xi32>,
          tpu.vector_store %arg14[%swap3A_581], %get3A_580 {strides = array<i32>} : memref<80xi32, #tpu.memory_space<vmem>>, vector<16xi32>,
          %add3A_583 = arith.constant 1 : i32
          %add3A_584 = arith.addi %add3A_521, %add3A_583 : i32
          %mul3A_585 = arith.constant 80 : i32
          %mul3A_586 = arith.muli %add3A_584, %mul3A_585 : i32
          %dma_start3A_587 = arith.constant 0 : i32
          %dma_start3A_588 = tpu.memref_slice %arg12[%mul3A_586] : memref<20080xi32, #tpu.memory_space<vmem>> -> memref<80xi32, #tpu.memory_space<vmem>>
          %dma_start3A_589 = arith.constant 0 : i32
          %dma_start3A_590 = arith.constant 0 : i32
          %dma_start3A_591 = tpu.memref_slice %arg2[%dma_start3A_589, %dma_start3A_590] : memref<10000x128xf32, #tpu.memory_space<hbm>> -> memref<10000x128xf32, #tpu.memory_space<hbm>>
          %dma_start3A_592 = tpu.memref_slice %arg19[%dma_start3A_587] : memref<2x!tpu.dma_semaphore, #tpu.memory_space<semaphore_mem>> -> memref<1x!tpu.dma_semaphore, #tpu.memory_space<semaphore_mem>>
          %dma_start3A_593 = tpu.memref_squeeze %dma_start3A_592 : memref<1x!tpu.dma_semaphore, #tpu.memory_space<semaphore_mem>> -> memref<!tpu.dma_semaphore, #tpu.memory_space<semaphore_mem>>
          tpu.enqueue_indirect_dma source(%dma_start3A_591 : memref<10000x128xf32, #tpu.memory_space<hbm>>) target(%arg16 : memref<80x128xf32, #tpu.memory_space<vmem>>) offsets(%dma_start3A_588 : memref<80xi32, #tpu.memory_space<vmem>>) semaphore(%dma_start3A_593 : memref<!tpu.dma_semaphore, #tpu.memory_space<semaphore_mem>>)
        } else {
        }
        %dma_wait3A_535 = arith.constant 1 : i32
        %dma_wait3A_536 = arith.constant 0 : i32
        %dma_wait3A_537 = tpu.memref_slice %arg12[%dma_wait3A_536] : memref<20080xi32, #tpu.memory_space<vmem>> -> memref<80xi32, #tpu.memory_space<vmem>>
        %dma_wait3A_538 = arith.constant 0 : i32
        %dma_wait3A_539 = arith.constant 0 : i32
        %dma_wait3A_540 = tpu.memref_slice %arg2[%dma_wait3A_538, %dma_wait3A_539] : memref<10000x128xf32, #tpu.memory_space<hbm>> -> memref<10000x128xf32, #tpu.memory_space<hbm>>
        %dma_wait3A_541 = tpu.memref_slice %arg19[%dma_wait3A_535] : memref<2x!tpu.dma_semaphore, #tpu.memory_space<semaphore_mem>> -> memref<1x!tpu.dma_semaphore, #tpu.memory_space<semaphore_mem>>
        %dma_wait3A_542 = tpu.memref_squeeze %dma_wait3A_541 : memref<1x!tpu.dma_semaphore, #tpu.memory_space<semaphore_mem>> -> memref<!tpu.dma_semaphore, #tpu.memory_space<semaphore_mem>>
        tpu.wait_indirect_dma semaphore(%dma_wait3A_542 : memref<!tpu.dma_semaphore, #tpu.memory_space<semaphore_mem>>) src(%dma_wait3A_540 : memref<10000x128xf32, #tpu.memory_space<hbm>>) dst(%arg17 : memref<80x128xf32, #tpu.memory_space<vmem>>)
        %dma_start3A_543 = arith.constant 1 : i32
        %dma_start3A_544 = arith.constant 0 : i32
        %dma_start3A_545 = arith.constant 0 : i32
        %dma_start3A_546 = tpu.memref_slice %arg7[%dma_start3A_544, %dma_start3A_545] : memref<5128x128xf32, #tpu.memory_space<vmem_shared>> -> memref<5128x128xf32, #tpu.memory_space<vmem_shared>>
        %dma_start3A_547 = tpu.memref_slice %arg20[%dma_start3A_543] : memref<2x!tpu.dma_semaphore, #tpu.memory_space<semaphore_mem>> -> memref<1x!tpu.dma_semaphore, #tpu.memory_space<semaphore_mem>>
        %dma_start3A_548 = tpu.memref_squeeze %dma_start3A_547 : memref<1x!tpu.dma_semaphore, #tpu.memory_space<semaphore_mem>> -> memref<!tpu.dma_semaphore, #tpu.memory_space<semaphore_mem>>
        tpu.enqueue_indirect_dma source(%arg17 : memref<80x128xf32, #tpu.memory_space<vmem>>) target(%dma_start3A_546 : memref<5128x128xf32, #tpu.memory_space<vmem_shared>>) offsets(%arg15 : memref<80xi32, #tpu.memory_space<vmem>>) semaphore(%dma_start3A_548 : memref<!tpu.dma_semaphore, #tpu.memory_space<semaphore_mem>>) {add = true}
      } else {
      }
    }
    %sub3A_471 = arith.constant 1 : i32
    %sub3A_472 = arith.subi %add3A_410, %sub3A_471 : i32
    %rem3A_473 = arith.constant 2 : i32
    %rem3A_474 = arith.remsi %sub3A_472, %rem3A_473 : i32
    %ge3A = arith.constant 2 : i32
    %ge3A_475 = arith.cmpi sge, %add3A_410, %ge3A : i32
    %eq3A = arith.constant 0 : i32
    %eq3A_476 = arith.cmpi eq, %rem3A_474, %eq3A : i32
    %and3A_477 = arith.andi %ge3A_475, %eq3A_476 : i1
    %convert_element_type3A = arith.extui %and3A_477 : i1 to i32
    %cond3A = arith.constant 0 : i32
    %cond3A_478 = arith.cmpi ne, %convert_element_type3A, %cond3A : i32
    scf.if %cond3A_478 {
      %dma_wait3A_504 = arith.constant 1 : i32
      %dma_wait3A_505 = arith.constant 0 : i32
      %dma_wait3A_506 = arith.constant 0 : i32
      %dma_wait3A_507 = tpu.memref_slice %arg7[%dma_wait3A_505, %dma_wait3A_506] : memref<5128x128xf32, #tpu.memory_space<vmem_shared>> -> memref<5128x128xf32, #tpu.memory_space<vmem_shared>>
      %dma_wait3A_508 = tpu.memref_slice %arg20[%dma_wait3A_504] : memref<2x!tpu.dma_semaphore, #tpu.memory_space<semaphore_mem>> -> memref<1x!tpu.dma_semaphore, #tpu.memory_space<semaphore_mem>>
      %dma_wait3A_509 = tpu.memref_squeeze %dma_wait3A_508 : memref<1x!tpu.dma_semaphore, #tpu.memory_space<semaphore_mem>> -> memref<!tpu.dma_semaphore, #tpu.memory_space<semaphore_mem>>
      tpu.wait_indirect_dma semaphore(%dma_wait3A_509 : memref<!tpu.dma_semaphore, #tpu.memory_space<semaphore_mem>>) src(%arg17 : memref<80x128xf32, #tpu.memory_space<vmem>>) dst(%dma_wait3A_507 : memref<5128x128xf32, #tpu.memory_space<vmem_shared>>)
    } else {
    }
    %ge3A_479 = arith.constant 2 : i32
    %ge3A_480 = arith.cmpi sge, %add3A_410, %ge3A_479 : i32
    %eq3A_481 = arith.constant 1 : i32
    %eq3A_482 = arith.cmpi eq, %rem3A_474, %eq3A_481 : i32
    %and3A_483 = arith.andi %ge3A_480, %eq3A_482 : i1
    %convert_element_type3A_484 = arith.extui %and3A_483 : i1 to i32
    %cond3A_485 = arith.constant 0 : i32
    %cond3A_486 = arith.cmpi ne, %convert_element_type3A_484, %cond3A_485 : i32
    scf.if %cond3A_486 {
      %dma_wait3A_504 = arith.constant 0 : i32
      %dma_wait3A_505 = arith.constant 0 : i32
      %dma_wait3A_506 = arith.constant 0 : i32
      %dma_wait3A_507 = tpu.memref_slice %arg7[%dma_wait3A_505, %dma_wait3A_506] : memref<5128x128xf32, #tpu.memory_space<vmem_shared>> -> memref<5128x128xf32, #tpu.memory_space<vmem_shared>>
      %dma_wait3A_508 = tpu.memref_slice %arg20[%dma_wait3A_504] : memref<2x!tpu.dma_semaphore, #tpu.memory_space<semaphore_mem>> -> memref<1x!tpu.dma_semaphore, #tpu.memory_space<semaphore_mem>>
      %dma_wait3A_509 = tpu.memref_squeeze %dma_wait3A_508 : memref<1x!tpu.dma_semaphore, #tpu.memory_space<semaphore_mem>> -> memref<!tpu.dma_semaphore, #tpu.memory_space<semaphore_mem>>
      tpu.wait_indirect_dma semaphore(%dma_wait3A_509 : memref<!tpu.dma_semaphore, #tpu.memory_space<semaphore_mem>>) src(%arg16 : memref<80x128xf32, #tpu.memory_space<vmem>>) dst(%dma_wait3A_507 : memref<5128x128xf32, #tpu.memory_space<vmem_shared>>)
    } else {
    }
    %eq3A_487 = arith.constant 0 : i32
    %eq3A_488 = arith.cmpi eq, %rem3A_474, %eq3A_487 : i32
    %convert_element_type3A_489 = arith.extui %eq3A_488 : i1 to i32
    %cond3A_490 = arith.constant 0 : i32
    %cond3A_491 = arith.cmpi ne, %convert_element_type3A_489, %cond3A_490 : i32
    scf.if %cond3A_491 {
      %dma_wait3A_504 = arith.constant 0 : i32
      %dma_wait3A_505 = arith.constant 0 : i32
      %dma_wait3A_506 = tpu.memref_slice %arg12[%dma_wait3A_505] : memref<20080xi32, #tpu.memory_space<vmem>> -> memref<80xi32, #tpu.memory_space<vmem>>
      %dma_wait3A_507 = arith.constant 0 : i32
      %dma_wait3A_508 = arith.constant 0 : i32
      %dma_wait3A_509 = tpu.memref_slice %arg2[%dma_wait3A_507, %dma_wait3A_508] : memref<10000x128xf32, #tpu.memory_space<hbm>> -> memref<10000x128xf32, #tpu.memory_space<hbm>>
      %dma_wait3A_510 = tpu.memref_slice %arg19[%dma_wait3A_504] : memref<2x!tpu.dma_semaphore, #tpu.memory_space<semaphore_mem>> -> memref<1x!tpu.dma_semaphore, #tpu.memory_space<semaphore_mem>>
      %dma_wait3A_511 = tpu.memref_squeeze %dma_wait3A_510 : memref<1x!tpu.dma_semaphore, #tpu.memory_space<semaphore_mem>> -> memref<!tpu.dma_semaphore, #tpu.memory_space<semaphore_mem>>
      tpu.wait_indirect_dma semaphore(%dma_wait3A_511 : memref<!tpu.dma_semaphore, #tpu.memory_space<semaphore_mem>>) src(%dma_wait3A_509 : memref<10000x128xf32, #tpu.memory_space<hbm>>) dst(%arg16 : memref<80x128xf32, #tpu.memory_space<vmem>>)
      %dma_start3A_512 = arith.constant 0 : i32
      %dma_start3A_513 = arith.constant 0 : i32
      %dma_start3A_514 = arith.constant 0 : i32
      %dma_start3A_515 = tpu.memref_slice %arg7[%dma_start3A_513, %dma_start3A_514] : memref<5128x128xf32, #tpu.memory_space<vmem_shared>> -> memref<5128x128xf32, #tpu.memory_space<vmem_shared>>
      %dma_start3A_516 = tpu.memref_slice %arg20[%dma_start3A_512] : memref<2x!tpu.dma_semaphore, #tpu.memory_space<semaphore_mem>> -> memref<1x!tpu.dma_semaphore, #tpu.memory_space<semaphore_mem>>
      %dma_start3A_517 = tpu.memref_squeeze %dma_start3A_516 : memref<1x!tpu.dma_semaphore, #tpu.memory_space<semaphore_mem>> -> memref<!tpu.dma_semaphore, #tpu.memory_space<semaphore_mem>>
      tpu.enqueue_indirect_dma source(%arg16 : memref<80x128xf32, #tpu.memory_space<vmem>>) target(%dma_start3A_515 : memref<5128x128xf32, #tpu.memory_space<vmem_shared>>) offsets(%arg14 : memref<80xi32, #tpu.memory_space<vmem>>) semaphore(%dma_start3A_517 : memref<!tpu.dma_semaphore, #tpu.memory_space<semaphore_mem>>) {add = true}
      %dma_wait3A_518 = arith.constant 0 : i32
      %dma_wait3A_519 = arith.constant 0 : i32
      %dma_wait3A_520 = arith.constant 0 : i32
      %dma_wait3A_521 = tpu.memref_slice %arg7[%dma_wait3A_519, %dma_wait3A_520] : memref<5128x128xf32, #tpu.memory_space<vmem_shared>> -> memref<5128x128xf32, #tpu.memory_space<vmem_shared>>
      %dma_wait3A_522 = tpu.memref_slice %arg20[%dma_wait3A_518] : memref<2x!tpu.dma_semaphore, #tpu.memory_space<semaphore_mem>> -> memref<1x!tpu.dma_semaphore, #tpu.memory_space<semaphore_mem>>
      %dma_wait3A_523 = tpu.memref_squeeze %dma_wait3A_522 : memref<1x!tpu.dma_semaphore, #tpu.memory_space<semaphore_mem>> -> memref<!tpu.dma_semaphore, #tpu.memory_space<semaphore_mem>>
      tpu.wait_indirect_dma semaphore(%dma_wait3A_523 : memref<!tpu.dma_semaphore, #tpu.memory_space<semaphore_mem>>) src(%arg16 : memref<80x128xf32, #tpu.memory_space<vmem>>) dst(%dma_wait3A_521 : memref<5128x128xf32, #tpu.memory_space<vmem_shared>>)
    } else {
    }
    %eq3A_492 = arith.constant 1 : i32
    %eq3A_493 = arith.cmpi eq, %rem3A_474, %eq3A_492 : i32
    %convert_element_type3A_494 = arith.extui %eq3A_493 : i1 to i32
    %cond3A_495 = arith.constant 0 : i32
    %cond3A_496 = arith.cmpi ne, %convert_element_type3A_494, %cond3A_495 : i32
    scf.if %cond3A_496 {
      %dma_wait3A_504 = arith.constant 1 : i32
      %dma_wait3A_505 = arith.constant 0 : i32
      %dma_wait3A_506 = tpu.memref_slice %arg12[%dma_wait3A_505] : memref<20080xi32, #tpu.memory_space<vmem>> -> memref<80xi32, #tpu.memory_space<vmem>>
      %dma_wait3A_507 = arith.constant 0 : i32
      %dma_wait3A_508 = arith.constant 0 : i32
      %dma_wait3A_509 = tpu.memref_slice %arg2[%dma_wait3A_507, %dma_wait3A_508] : memref<10000x128xf32, #tpu.memory_space<hbm>> -> memref<10000x128xf32, #tpu.memory_space<hbm>>
      %dma_wait3A_510 = tpu.memref_slice %arg19[%dma_wait3A_504] : memref<2x!tpu.dma_semaphore, #tpu.memory_space<semaphore_mem>> -> memref<1x!tpu.dma_semaphore, #tpu.memory_space<semaphore_mem>>
      %dma_wait3A_511 = tpu.memref_squeeze %dma_wait3A_510 : memref<1x!tpu.dma_semaphore, #tpu.memory_space<semaphore_mem>> -> memref<!tpu.dma_semaphore, #tpu.memory_space<semaphore_mem>>
      tpu.wait_indirect_dma semaphore(%dma_wait3A_511 : memref<!tpu.dma_semaphore, #tpu.memory_space<semaphore_mem>>) src(%dma_wait3A_509 : memref<10000x128xf32, #tpu.memory_space<hbm>>) dst(%arg17 : memref<80x128xf32, #tpu.memory_space<vmem>>)
      %dma_start3A_512 = arith.constant 1 : i32
      %dma_start3A_513 = arith.constant 0 : i32
      %dma_start3A_514 = arith.constant 0 : i32
      %dma_start3A_515 = tpu.memref_slice %arg7[%dma_start3A_513, %dma_start3A_514] : memref<5128x128xf32, #tpu.memory_space<vmem_shared>> -> memref<5128x128xf32, #tpu.memory_space<vmem_shared>>
      %dma_start3A_516 = tpu.memref_slice %arg20[%dma_start3A_512] : memref<2x!tpu.dma_semaphore, #tpu.memory_space<semaphore_mem>> -> memref<1x!tpu.dma_semaphore, #tpu.memory_space<semaphore_mem>>
      %dma_start3A_517 = tpu.memref_squeeze %dma_start3A_516 : memref<1x!tpu.dma_semaphore, #tpu.memory_space<semaphore_mem>> -> memref<!tpu.dma_semaphore, #tpu.memory_space<semaphore_mem>>
      tpu.enqueue_indirect_dma source(%arg17 : memref<80x128xf32, #tpu.memory_space<vmem>>) target(%dma_start3A_515 : memref<5128x128xf32, #tpu.memory_space<vmem_shared>>) offsets(%arg15 : memref<80xi32, #tpu.memory_space<vmem>>) semaphore(%dma_start3A_517 : memref<!tpu.dma_semaphore, #tpu.memory_space<semaphore_mem>>) {add = true}
      %dma_wait3A_518 = arith.constant 1 : i32
      %dma_wait3A_519 = arith.constant 0 : i32
      %dma_wait3A_520 = arith.constant 0 : i32
      %dma_wait3A_521 = tpu.memref_slice %arg7[%dma_wait3A_519, %dma_wait3A_520] : memref<5128x128xf32, #tpu.memory_space<vmem_shared>> -> memref<5128x128xf32, #tpu.memory_space<vmem_shared>>
      %dma_wait3A_522 = tpu.memref_slice %arg20[%dma_wait3A_518] : memref<2x!tpu.dma_semaphore, #tpu.memory_space<semaphore_mem>> -> memref<1x!tpu.dma_semaphore, #tpu.memory_space<semaphore_mem>>
      %dma_wait3A_523 = tpu.memref_squeeze %dma_wait3A_522 : memref<1x!tpu.dma_semaphore, #tpu.memory_space<semaphore_mem>> -> memref<!tpu.dma_semaphore, #tpu.memory_space<semaphore_mem>>
      tpu.wait_indirect_dma semaphore(%dma_wait3A_523 : memref<!tpu.dma_semaphore, #tpu.memory_space<semaphore_mem>>) src(%arg17 : memref<80x128xf32, #tpu.memory_space<vmem>>) dst(%dma_wait3A_521 : memref<5128x128xf32, #tpu.memory_space<vmem_shared>>)
    } else {
    }
    %barrier3A_497 = arith.constant 0 : index
    tpu.barrier barrier_id(%barrier3A_497)
    %mul3A_498 = arith.constant 5120 : i32
    %mul3A_499 = arith.muli %arg0, %mul3A_498 : i32
    %mul3A_500 = arith.constant 320 : i32
    %mul3A_501 = arith.muli %arg1, %mul3A_500 : i32
    %add3A_502 = arith.addi %mul3A_499, %mul3A_501 : i32
    %multiple_of3A_503 = tpu.assume_multiple %add3A_502, 320 : i32
    "tpu.region"() ({
      %run_scoped3A = tpu.sem_alloc : memref<!tpu.dma_semaphore, #tpu.memory_space<semaphore_mem>>
      %dma_start3A_504 = arith.constant 0 : i32
      %dma_start3A_505 = tpu.memref_slice %arg6[%multiple_of3A_503, %dma_start3A_504] : memref<10240x128xf32, #tpu.memory_space<hbm>> -> memref<320x128xf32, #tpu.memory_space<hbm>>
      %dma_start3A_506 = arith.constant 0 : i32
      %dma_start3A_507 = tpu.memref_slice %arg7[%multiple_of3A, %dma_start3A_506] : memref<5128x128xf32, #tpu.memory_space<vmem_shared>> -> memref<320x128xf32, #tpu.memory_space<vmem_shared>>
      tpu.enqueue_dma source(%dma_start3A_507 : memref<320x128xf32, #tpu.memory_space<vmem_shared>>) target(%dma_start3A_505 : memref<320x128xf32, #tpu.memory_space<hbm>>) target_semaphore(%run_scoped3A : memref<!tpu.dma_semaphore, #tpu.memory_space<semaphore_mem>>)
      %dma_wait3A_508 = arith.constant 0 : i32
      %dma_wait3A_509 = tpu.memref_slice %arg6[%multiple_of3A_503, %dma_wait3A_508] : memref<10240x128xf32, #tpu.memory_space<hbm>> -> memref<320x128xf32, #tpu.memory_space<hbm>>
      %dma_wait3A_510 = arith.constant 0 : i32
      %dma_wait3A_511 = tpu.memref_slice %arg7[%multiple_of3A, %dma_wait3A_510] : memref<5128x128xf32, #tpu.memory_space<vmem_shared>> -> memref<320x128xf32, #tpu.memory_space<vmem_shared>>
      tpu.wait_dma2 semaphore(%run_scoped3A : memref<!tpu.dma_semaphore, #tpu.memory_space<semaphore_mem>>) src(%dma_wait3A_511 : memref<320x128xf32, #tpu.memory_space<vmem_shared>>) dst(%dma_wait3A_509 : memref<320x128xf32, #tpu.memory_space<hbm>>)
      tpu.yield
    }) : () -> ()
    return
  }
}

#map = affine_map<(d0, d1) -> (0, 0)>
#map1 = affine_map<(d0, d1) -> (0)>
module attributes {stable_mosaic.version = 14 : i64} {
  func.func @body(%arg0: i32, %arg1: i32, %arg2: memref<10000x128xf32, #tpu.memory_space<hbm>>, %arg3: memref<320000xi32, #tpu.memory_space<hbm>>, %arg4: memref<320000xi32, #tpu.memory_space<hbm>>, %arg5: memref<320x128xf32, #tpu.memory_space<hbm>>, %arg6: memref<10240x128xf32, #tpu.memory_space<hbm>>, %arg7: memref<164352xf32, #tpu.memory_space<hbm>>, %arg8: memref<5128x128xf32, #tpu.memory_space<vmem_shared>>, %arg9: memref<5136xf32, #tpu.memory_space<vmem>>, %arg10: memref<2000xi32, #tpu.memory_space<vmem>>, %arg11: memref<2000xi32, #tpu.memory_space<vmem>>, %arg12: memref<2000xi32, #tpu.memory_space<vmem>>, %arg13: memref<2000xi32, #tpu.memory_space<vmem>>, %arg14: memref<20080xi32, #tpu.memory_space<vmem>>, %arg15: memref<20080xi32, #tpu.memory_space<vmem>>, %arg16: memref<80xi32, #tpu.memory_space<vmem>>, %arg17: memref<80xi32, #tpu.memory_space<vmem>>, %arg18: memref<80x128xf32, #tpu.memory_space<vmem>>, %arg19: memref<80x128xf32, #tpu.memory_space<vmem>>, %arg20: memref<4x!tpu.dma_semaphore, #tpu.memory_space<semaphore_mem>>, %arg21: memref<2x!tpu.dma_semaphore, #tpu.memory_space<semaphore_mem>>, %arg22: memref<2x!tpu.dma_semaphore, #tpu.memory_space<semaphore_mem>>) attributes {dimension_semantics = [#tpu.dimension_semantics<core_parallel>, #tpu.dimension_semantics<subcore_parallel>], iteration_bounds = array<i64: 2, 16>, scalar_prefetch = 0 : i64, scratch_operands = 15 : i64, tpu.core_type = #tpu.core_type<sc_vector_subcore>, window_params = [{transform_indices = #map}, {transform_indices = #map1}, {transform_indices = #map1}, {transform_indices = #map}, {transform_indices = #map}, {transform_indices = #map1}]} {
    %mul3A = arith.constant 320 : i32
    %mul3A_0 = arith.muli %arg1, %mul3A : i32
    %multiple_of3A = tpu.assume_multiple %mul3A_0, 320 : i32
    %mul3A_1 = arith.constant 20000 : i32
    %mul3A_2 = arith.muli %arg1, %mul3A_1 : i32
    %multiple_of3A_3 = tpu.assume_multiple %mul3A_2, 16 : i32
    %add3A = arith.constant 0 : i32
    %add3A_4 = arith.addi %multiple_of3A_3, %add3A : i32
    %multiple_of3A_5 = tpu.assume_multiple %add3A_4, 16 : i32
    %dma_start3A = arith.constant 0 : i32
    %dma_start3A_6 = tpu.memref_slice %arg3[%multiple_of3A_5] : memref<320000xi32, #tpu.memory_space<hbm>> -> memref<2000xi32, #tpu.memory_space<hbm>>
    %dma_start3A_7 = tpu.memref_slice %arg20[%dma_start3A] : memref<4x!tpu.dma_semaphore, #tpu.memory_space<semaphore_mem>> -> memref<1x!tpu.dma_semaphore, #tpu.memory_space<semaphore_mem>>
    %dma_start3A_8 = tpu.memref_squeeze %dma_start3A_7 : memref<1x!tpu.dma_semaphore, #tpu.memory_space<semaphore_mem>> -> memref<!tpu.dma_semaphore, #tpu.memory_space<semaphore_mem>>
    %dma_start3A_9 = tpu.memref_slice %arg3[%multiple_of3A_5] : memref<320000xi32, #tpu.memory_space<hbm>> -> memref<2000xi32, #tpu.memory_space<hbm>>
    tpu.enqueue_dma source(%dma_start3A_9 : memref<2000xi32, #tpu.memory_space<hbm>>) target(%arg10 : memref<2000xi32, #tpu.memory_space<vmem>>) target_semaphore(%dma_start3A_8 : memref<!tpu.dma_semaphore, #tpu.memory_space<semaphore_mem>>)
    %dma_start3A_10 = arith.constant 1 : i32
    %dma_start3A_11 = tpu.memref_slice %arg4[%multiple_of3A_5] : memref<320000xi32, #tpu.memory_space<hbm>> -> memref<2000xi32, #tpu.memory_space<hbm>>
    %dma_start3A_12 = tpu.memref_slice %arg20[%dma_start3A_10] : memref<4x!tpu.dma_semaphore, #tpu.memory_space<semaphore_mem>> -> memref<1x!tpu.dma_semaphore, #tpu.memory_space<semaphore_mem>>
    %dma_start3A_13 = tpu.memref_squeeze %dma_start3A_12 : memref<1x!tpu.dma_semaphore, #tpu.memory_space<semaphore_mem>> -> memref<!tpu.dma_semaphore, #tpu.memory_space<semaphore_mem>>
    %dma_start3A_14 = tpu.memref_slice %arg4[%multiple_of3A_5] : memref<320000xi32, #tpu.memory_space<hbm>> -> memref<2000xi32, #tpu.memory_space<hbm>>
    tpu.enqueue_dma source(%dma_start3A_14 : memref<2000xi32, #tpu.memory_space<hbm>>) target(%arg11 : memref<2000xi32, #tpu.memory_space<vmem>>) target_semaphore(%dma_start3A_13 : memref<!tpu.dma_semaphore, #tpu.memory_space<semaphore_mem>>)
    "tpu.region"() ({
      %run_scoped3A = tpu.sem_alloc : memref<!tpu.dma_semaphore, #tpu.memory_space<semaphore_mem>>
      %dma_start3A_516 = arith.constant 0 : i32
      %dma_start3A_517 = tpu.memref_slice %arg8[%multiple_of3A, %dma_start3A_516] : memref<5128x128xf32, #tpu.memory_space<vmem_shared>> -> memref<320x128xf32, #tpu.memory_space<vmem_shared>>
      tpu.enqueue_dma source(%arg5 : memref<320x128xf32, #tpu.memory_space<hbm>>) target(%dma_start3A_517 : memref<320x128xf32, #tpu.memory_space<vmem_shared>>) target_semaphore(%run_scoped3A : memref<!tpu.dma_semaphore, #tpu.memory_space<semaphore_mem>>)
      %dma_wait3A_518 = arith.constant 0 : i32
      %dma_wait3A_519 = tpu.memref_slice %arg8[%multiple_of3A, %dma_wait3A_518] : memref<5128x128xf32, #tpu.memory_space<vmem_shared>> -> memref<320x128xf32, #tpu.memory_space<vmem_shared>>
      tpu.wait_dma2 semaphore(%run_scoped3A : memref<!tpu.dma_semaphore, #tpu.memory_space<semaphore_mem>>) src(%arg5 : memref<320x128xf32, #tpu.memory_space<hbm>>) dst(%dma_wait3A_519 : memref<320x128xf32, #tpu.memory_space<vmem_shared>>)
      tpu.yield
    }) : () -> ()
    %scan3A = arith.constant 0 : i32
    %scan3A_15 = arith.constant 0 : i32
    %scan3A_16 = arith.constant 321 : i32
    %scan3A_17 = arith.addi %scan3A_15, %scan3A_16 : i32
    %scan3A_18 = arith.constant 1 : i32
    scf.for %scan3A_516 = %scan3A_15 to %scan3A_17 step %scan3A_18  : i32 {
      %broadcast_in_dim3A_517 = arith.constant 0.000000e+00 : f32
      %broadcast_in_dim3A_518 = vector.broadcast %broadcast_in_dim3A_517 : f32 to vector<16xf32>
      %mul3A_519 = arith.constant 16 : i32
      %mul3A_520 = arith.muli %scan3A_516, %mul3A_519 : i32
      %swap3A_521 = arith.index_cast %mul3A_520 : i32 to index
      %swap3A_522 = tpu.vector_load %arg9[%swap3A_521] {strides = array<i32>} : memref<5136xf32, #tpu.memory_space<vmem>>, vector<16xf32>,
      tpu.vector_store %arg9[%swap3A_521], %broadcast_in_dim3A_518 {strides = array<i32>} : memref<5136xf32, #tpu.memory_space<vmem>>, vector<16xf32>,
    }
    %scan3A_19 = arith.constant 321 : i32
    %barrier3A = arith.constant 0 : index
    tpu.barrier barrier_id(%barrier3A)
    %mul3A_20 = arith.constant 5120 : i32
    %mul3A_21 = arith.muli %arg0, %mul3A_20 : i32
    %broadcast_in_dim3A = arith.constant 1.000000e+00 : f32
    %broadcast_in_dim3A_22 = vector.broadcast %broadcast_in_dim3A : f32 to vector<16xf32>
    %dma_wait3A = arith.constant 0 : i32
    %dma_wait3A_23 = arith.constant 0 : i32
    %dma_wait3A_24 = tpu.memref_slice %arg3[%dma_wait3A_23] : memref<320000xi32, #tpu.memory_space<hbm>> -> memref<2000xi32, #tpu.memory_space<hbm>>
    %dma_wait3A_25 = tpu.memref_slice %arg20[%dma_wait3A] : memref<4x!tpu.dma_semaphore, #tpu.memory_space<semaphore_mem>> -> memref<1x!tpu.dma_semaphore, #tpu.memory_space<semaphore_mem>>
    %dma_wait3A_26 = tpu.memref_squeeze %dma_wait3A_25 : memref<1x!tpu.dma_semaphore, #tpu.memory_space<semaphore_mem>> -> memref<!tpu.dma_semaphore, #tpu.memory_space<semaphore_mem>>
    %dma_wait3A_27 = arith.constant 0 : i32
    %dma_wait3A_28 = tpu.memref_slice %arg3[%dma_wait3A_27] : memref<320000xi32, #tpu.memory_space<hbm>> -> memref<2000xi32, #tpu.memory_space<hbm>>
    tpu.wait_dma2 semaphore(%dma_wait3A_26 : memref<!tpu.dma_semaphore, #tpu.memory_space<semaphore_mem>>) src(%dma_wait3A_28 : memref<2000xi32, #tpu.memory_space<hbm>>) dst(%arg10 : memref<2000xi32, #tpu.memory_space<vmem>>)
    %dma_wait3A_29 = arith.constant 1 : i32
    %dma_wait3A_30 = arith.constant 0 : i32
    %dma_wait3A_31 = tpu.memref_slice %arg4[%dma_wait3A_30] : memref<320000xi32, #tpu.memory_space<hbm>> -> memref<2000xi32, #tpu.memory_space<hbm>>
    %dma_wait3A_32 = tpu.memref_slice %arg20[%dma_wait3A_29] : memref<4x!tpu.dma_semaphore, #tpu.memory_space<semaphore_mem>> -> memref<1x!tpu.dma_semaphore, #tpu.memory_space<semaphore_mem>>
    %dma_wait3A_33 = tpu.memref_squeeze %dma_wait3A_32 : memref<1x!tpu.dma_semaphore, #tpu.memory_space<semaphore_mem>> -> memref<!tpu.dma_semaphore, #tpu.memory_space<semaphore_mem>>
    %dma_wait3A_34 = arith.constant 0 : i32
    %dma_wait3A_35 = tpu.memref_slice %arg4[%dma_wait3A_34] : memref<320000xi32, #tpu.memory_space<hbm>> -> memref<2000xi32, #tpu.memory_space<hbm>>
    tpu.wait_dma2 semaphore(%dma_wait3A_33 : memref<!tpu.dma_semaphore, #tpu.memory_space<semaphore_mem>>) src(%dma_wait3A_35 : memref<2000xi32, #tpu.memory_space<hbm>>) dst(%arg11 : memref<2000xi32, #tpu.memory_space<vmem>>)
    %add3A_36 = arith.constant 2000 : i32
    %add3A_37 = arith.addi %multiple_of3A_3, %add3A_36 : i32
    %multiple_of3A_38 = tpu.assume_multiple %add3A_37, 16 : i32
    %dma_start3A_39 = arith.constant 2 : i32
    %dma_start3A_40 = tpu.memref_slice %arg3[%multiple_of3A_38] : memref<320000xi32, #tpu.memory_space<hbm>> -> memref<2000xi32, #tpu.memory_space<hbm>>
    %dma_start3A_41 = tpu.memref_slice %arg20[%dma_start3A_39] : memref<4x!tpu.dma_semaphore, #tpu.memory_space<semaphore_mem>> -> memref<1x!tpu.dma_semaphore, #tpu.memory_space<semaphore_mem>>
    %dma_start3A_42 = tpu.memref_squeeze %dma_start3A_41 : memref<1x!tpu.dma_semaphore, #tpu.memory_space<semaphore_mem>> -> memref<!tpu.dma_semaphore, #tpu.memory_space<semaphore_mem>>
    %dma_start3A_43 = tpu.memref_slice %arg3[%multiple_of3A_38] : memref<320000xi32, #tpu.memory_space<hbm>> -> memref<2000xi32, #tpu.memory_space<hbm>>
    tpu.enqueue_dma source(%dma_start3A_43 : memref<2000xi32, #tpu.memory_space<hbm>>) target(%arg12 : memref<2000xi32, #tpu.memory_space<vmem>>) target_semaphore(%dma_start3A_42 : memref<!tpu.dma_semaphore, #tpu.memory_space<semaphore_mem>>)
    %dma_start3A_44 = arith.constant 3 : i32
    %dma_start3A_45 = tpu.memref_slice %arg4[%multiple_of3A_38] : memref<320000xi32, #tpu.memory_space<hbm>> -> memref<2000xi32, #tpu.memory_space<hbm>>
    %dma_start3A_46 = tpu.memref_slice %arg20[%dma_start3A_44] : memref<4x!tpu.dma_semaphore, #tpu.memory_space<semaphore_mem>> -> memref<1x!tpu.dma_semaphore, #tpu.memory_space<semaphore_mem>>
    %dma_start3A_47 = tpu.memref_squeeze %dma_start3A_46 : memref<1x!tpu.dma_semaphore, #tpu.memory_space<semaphore_mem>> -> memref<!tpu.dma_semaphore, #tpu.memory_space<semaphore_mem>>
    %dma_start3A_48 = tpu.memref_slice %arg4[%multiple_of3A_38] : memref<320000xi32, #tpu.memory_space<hbm>> -> memref<2000xi32, #tpu.memory_space<hbm>>
    tpu.enqueue_dma source(%dma_start3A_48 : memref<2000xi32, #tpu.memory_space<hbm>>) target(%arg13 : memref<2000xi32, #tpu.memory_space<vmem>>) target_semaphore(%dma_start3A_47 : memref<!tpu.dma_semaphore, #tpu.memory_space<semaphore_mem>>)
    %scan3A_49 = arith.constant 0 : i32
    %scan3A_50 = arith.constant 0 : i32
    %scan3A_51 = arith.constant 125 : i32
    %scan3A_52 = arith.addi %scan3A_50, %scan3A_51 : i32
    %scan3A_53 = arith.constant 1 : i32
    %scan3A_54 = scf.for %scan3A_516 = %scan3A_50 to %scan3A_52 step %scan3A_53 iter_args(%scan3A_517 = %scan3A_49) -> (i32)  : i32 {
      %mul3A_518 = arith.constant 16 : i32
      %mul3A_519 = arith.muli %scan3A_516, %mul3A_518 : i32
      %get3A_520 = arith.index_cast %mul3A_519 : i32 to index
      %get3A_521 = tpu.vector_load %arg10[%get3A_520] {strides = array<i32>} : memref<2000xi32, #tpu.memory_space<vmem>>, vector<16xi32>,
      %mul3A_522 = arith.constant 16 : i32
      %mul3A_523 = arith.muli %scan3A_516, %mul3A_522 : i32
      %get3A_524 = arith.index_cast %mul3A_523 : i32 to index
      %get3A_525 = tpu.vector_load %arg11[%get3A_524] {strides = array<i32>} : memref<2000xi32, #tpu.memory_space<vmem>>, vector<16xi32>,
      %sub3A_526 = vector.broadcast %mul3A_21 : i32 to vector<16xi32>
      %sub3A_527 = arith.subi %get3A_525, %sub3A_526 : vector<16xi32>
      %ge3A_528 = arith.constant 0 : i32
      %ge3A_529 = vector.broadcast %ge3A_528 : i32 to vector<16xi32>
      %ge3A_530 = arith.cmpi sge, %sub3A_527, %ge3A_529 : vector<16xi32>
      %lt3A = arith.constant 5120 : i32
      %lt3A_531 = vector.broadcast %lt3A : i32 to vector<16xi32>
      %lt3A_532 = arith.cmpi slt, %sub3A_527, %lt3A_531 : vector<16xi32>
      %and3A_533 = arith.andi %ge3A_530, %lt3A_532 : vector<16xi1>
      %swap3A_534 = arith.index_cast %scan3A_517 : i32 to index
      %swap3A_535 = tpu.vector_load %arg14[%swap3A_534] masked %and3A_533 {strides = array<i32>} : memref<20080xi32, #tpu.memory_space<vmem>>, vector<16xi32>, vector<16xi1>
      tpu.vector_store %arg14[%swap3A_534], %get3A_521 masked %and3A_533 {strides = array<i32>} : memref<20080xi32, #tpu.memory_space<vmem>>, vector<16xi32>, vector<16xi1>
      %swap3A_536 = arith.index_cast %scan3A_517 : i32 to index
      %swap3A_537 = tpu.vector_load %arg15[%swap3A_536] masked %and3A_533 {strides = array<i32>} : memref<20080xi32, #tpu.memory_space<vmem>>, vector<16xi32>, vector<16xi1>
      tpu.vector_store %arg15[%swap3A_536], %sub3A_527 masked %and3A_533 {strides = array<i32>} : memref<20080xi32, #tpu.memory_space<vmem>>, vector<16xi32>, vector<16xi1>
      tpu.vector_store_idx %arg9[%sub3A_527], %broadcast_in_dim3A_22 masked %and3A_533 {add = true} : memref<5136xf32, #tpu.memory_space<vmem>>[vector<16xi32>], vector<16xf32>, vector<16xi1>
      %all_reduce_population_count3A = tpu.all_reduce %and3A_533 {dim = 0 : i64, kind = #tpu.reduction_kind<sum>} : vector<16xi1> -> vector<16xi32>
      %slice3A = vector.extract_strided_slice %all_reduce_population_count3A {offsets = [0], sizes = [1], strides = [1]} : vector<16xi32> to vector<1xi32>
      %squeeze3A = vector.extract %slice3A[0] : i32 from vector<1xi32>
      %add3A_538 = arith.addi %scan3A_517, %squeeze3A : i32
      scf.yield %add3A_538 : i32
    }
    %scan3A_55 = arith.constant 125 : i32
    %dma_wait3A_56 = arith.constant 2 : i32
    %dma_wait3A_57 = arith.constant 0 : i32
    %dma_wait3A_58 = tpu.memref_slice %arg3[%dma_wait3A_57] : memref<320000xi32, #tpu.memory_space<hbm>> -> memref<2000xi32, #tpu.memory_space<hbm>>
    %dma_wait3A_59 = tpu.memref_slice %arg20[%dma_wait3A_56] : memref<4x!tpu.dma_semaphore, #tpu.memory_space<semaphore_mem>> -> memref<1x!tpu.dma_semaphore, #tpu.memory_space<semaphore_mem>>
    %dma_wait3A_60 = tpu.memref_squeeze %dma_wait3A_59 : memref<1x!tpu.dma_semaphore, #tpu.memory_space<semaphore_mem>> -> memref<!tpu.dma_semaphore, #tpu.memory_space<semaphore_mem>>
    %dma_wait3A_61 = arith.constant 0 : i32
    %dma_wait3A_62 = tpu.memref_slice %arg3[%dma_wait3A_61] : memref<320000xi32, #tpu.memory_space<hbm>> -> memref<2000xi32, #tpu.memory_space<hbm>>
    tpu.wait_dma2 semaphore(%dma_wait3A_60 : memref<!tpu.dma_semaphore, #tpu.memory_space<semaphore_mem>>) src(%dma_wait3A_62 : memref<2000xi32, #tpu.memory_space<hbm>>) dst(%arg12 : memref<2000xi32, #tpu.memory_space<vmem>>)
    %dma_wait3A_63 = arith.constant 3 : i32
    %dma_wait3A_64 = arith.constant 0 : i32
    %dma_wait3A_65 = tpu.memref_slice %arg4[%dma_wait3A_64] : memref<320000xi32, #tpu.memory_space<hbm>> -> memref<2000xi32, #tpu.memory_space<hbm>>
    %dma_wait3A_66 = tpu.memref_slice %arg20[%dma_wait3A_63] : memref<4x!tpu.dma_semaphore, #tpu.memory_space<semaphore_mem>> -> memref<1x!tpu.dma_semaphore, #tpu.memory_space<semaphore_mem>>
    %dma_wait3A_67 = tpu.memref_squeeze %dma_wait3A_66 : memref<1x!tpu.dma_semaphore, #tpu.memory_space<semaphore_mem>> -> memref<!tpu.dma_semaphore, #tpu.memory_space<semaphore_mem>>
    %dma_wait3A_68 = arith.constant 0 : i32
    %dma_wait3A_69 = tpu.memref_slice %arg4[%dma_wait3A_68] : memref<320000xi32, #tpu.memory_space<hbm>> -> memref<2000xi32, #tpu.memory_space<hbm>>
    tpu.wait_dma2 semaphore(%dma_wait3A_67 : memref<!tpu.dma_semaphore, #tpu.memory_space<semaphore_mem>>) src(%dma_wait3A_69 : memref<2000xi32, #tpu.memory_space<hbm>>) dst(%arg13 : memref<2000xi32, #tpu.memory_space<vmem>>)
    %add3A_70 = arith.constant 4000 : i32
    %add3A_71 = arith.addi %multiple_of3A_3, %add3A_70 : i32
    %multiple_of3A_72 = tpu.assume_multiple %add3A_71, 16 : i32
    %dma_start3A_73 = arith.constant 0 : i32
    %dma_start3A_74 = tpu.memref_slice %arg3[%multiple_of3A_72] : memref<320000xi32, #tpu.memory_space<hbm>> -> memref<2000xi32, #tpu.memory_space<hbm>>
    %dma_start3A_75 = tpu.memref_slice %arg20[%dma_start3A_73] : memref<4x!tpu.dma_semaphore, #tpu.memory_space<semaphore_mem>> -> memref<1x!tpu.dma_semaphore, #tpu.memory_space<semaphore_mem>>
    %dma_start3A_76 = tpu.memref_squeeze %dma_start3A_75 : memref<1x!tpu.dma_semaphore, #tpu.memory_space<semaphore_mem>> -> memref<!tpu.dma_semaphore, #tpu.memory_space<semaphore_mem>>
    %dma_start3A_77 = tpu.memref_slice %arg3[%multiple_of3A_72] : memref<320000xi32, #tpu.memory_space<hbm>> -> memref<2000xi32, #tpu.memory_space<hbm>>
    tpu.enqueue_dma source(%dma_start3A_77 : memref<2000xi32, #tpu.memory_space<hbm>>) target(%arg10 : memref<2000xi32, #tpu.memory_space<vmem>>) target_semaphore(%dma_start3A_76 : memref<!tpu.dma_semaphore, #tpu.memory_space<semaphore_mem>>)
    %dma_start3A_78 = arith.constant 1 : i32
    %dma_start3A_79 = tpu.memref_slice %arg4[%multiple_of3A_72] : memref<320000xi32, #tpu.memory_space<hbm>> -> memref<2000xi32, #tpu.memory_space<hbm>>
    %dma_start3A_80 = tpu.memref_slice %arg20[%dma_start3A_78] : memref<4x!tpu.dma_semaphore, #tpu.memory_space<semaphore_mem>> -> memref<1x!tpu.dma_semaphore, #tpu.memory_space<semaphore_mem>>
    %dma_start3A_81 = tpu.memref_squeeze %dma_start3A_80 : memref<1x!tpu.dma_semaphore, #tpu.memory_space<semaphore_mem>> -> memref<!tpu.dma_semaphore, #tpu.memory_space<semaphore_mem>>
    %dma_start3A_82 = tpu.memref_slice %arg4[%multiple_of3A_72] : memref<320000xi32, #tpu.memory_space<hbm>> -> memref<2000xi32, #tpu.memory_space<hbm>>
    tpu.enqueue_dma source(%dma_start3A_82 : memref<2000xi32, #tpu.memory_space<hbm>>) target(%arg11 : memref<2000xi32, #tpu.memory_space<vmem>>) target_semaphore(%dma_start3A_81 : memref<!tpu.dma_semaphore, #tpu.memory_space<semaphore_mem>>)
    %scan3A_83 = arith.constant 0 : i32
    %scan3A_84 = arith.constant 125 : i32
    %scan3A_85 = arith.addi %scan3A_83, %scan3A_84 : i32
    %scan3A_86 = arith.constant 1 : i32
    %scan3A_87 = scf.for %scan3A_516 = %scan3A_83 to %scan3A_85 step %scan3A_86 iter_args(%scan3A_517 = %scan3A_54) -> (i32)  : i32 {
      %mul3A_518 = arith.constant 16 : i32
      %mul3A_519 = arith.muli %scan3A_516, %mul3A_518 : i32
      %get3A_520 = arith.index_cast %mul3A_519 : i32 to index
      %get3A_521 = tpu.vector_load %arg12[%get3A_520] {strides = array<i32>} : memref<2000xi32, #tpu.memory_space<vmem>>, vector<16xi32>,
      %mul3A_522 = arith.constant 16 : i32
      %mul3A_523 = arith.muli %scan3A_516, %mul3A_522 : i32
      %get3A_524 = arith.index_cast %mul3A_523 : i32 to index
      %get3A_525 = tpu.vector_load %arg13[%get3A_524] {strides = array<i32>} : memref<2000xi32, #tpu.memory_space<vmem>>, vector<16xi32>,
      %sub3A_526 = vector.broadcast %mul3A_21 : i32 to vector<16xi32>
      %sub3A_527 = arith.subi %get3A_525, %sub3A_526 : vector<16xi32>
      %ge3A_528 = arith.constant 0 : i32
      %ge3A_529 = vector.broadcast %ge3A_528 : i32 to vector<16xi32>
      %ge3A_530 = arith.cmpi sge, %sub3A_527, %ge3A_529 : vector<16xi32>
      %lt3A = arith.constant 5120 : i32
      %lt3A_531 = vector.broadcast %lt3A : i32 to vector<16xi32>
      %lt3A_532 = arith.cmpi slt, %sub3A_527, %lt3A_531 : vector<16xi32>
      %and3A_533 = arith.andi %ge3A_530, %lt3A_532 : vector<16xi1>
      %swap3A_534 = arith.index_cast %scan3A_517 : i32 to index
      %swap3A_535 = tpu.vector_load %arg14[%swap3A_534] masked %and3A_533 {strides = array<i32>} : memref<20080xi32, #tpu.memory_space<vmem>>, vector<16xi32>, vector<16xi1>
      tpu.vector_store %arg14[%swap3A_534], %get3A_521 masked %and3A_533 {strides = array<i32>} : memref<20080xi32, #tpu.memory_space<vmem>>, vector<16xi32>, vector<16xi1>
      %swap3A_536 = arith.index_cast %scan3A_517 : i32 to index
      %swap3A_537 = tpu.vector_load %arg15[%swap3A_536] masked %and3A_533 {strides = array<i32>} : memref<20080xi32, #tpu.memory_space<vmem>>, vector<16xi32>, vector<16xi1>
      tpu.vector_store %arg15[%swap3A_536], %sub3A_527 masked %and3A_533 {strides = array<i32>} : memref<20080xi32, #tpu.memory_space<vmem>>, vector<16xi32>, vector<16xi1>
      tpu.vector_store_idx %arg9[%sub3A_527], %broadcast_in_dim3A_22 masked %and3A_533 {add = true} : memref<5136xf32, #tpu.memory_space<vmem>>[vector<16xi32>], vector<16xf32>, vector<16xi1>
      %all_reduce_population_count3A = tpu.all_reduce %and3A_533 {dim = 0 : i64, kind = #tpu.reduction_kind<sum>} : vector<16xi1> -> vector<16xi32>
      %slice3A = vector.extract_strided_slice %all_reduce_population_count3A {offsets = [0], sizes = [1], strides = [1]} : vector<16xi32> to vector<1xi32>
      %squeeze3A = vector.extract %slice3A[0] : i32 from vector<1xi32>
      %add3A_538 = arith.addi %scan3A_517, %squeeze3A : i32
      scf.yield %add3A_538 : i32
    }
    %scan3A_88 = arith.constant 125 : i32
    %dma_wait3A_89 = arith.constant 0 : i32
    %dma_wait3A_90 = arith.constant 0 : i32
    %dma_wait3A_91 = tpu.memref_slice %arg3[%dma_wait3A_90] : memref<320000xi32, #tpu.memory_space<hbm>> -> memref<2000xi32, #tpu.memory_space<hbm>>
    %dma_wait3A_92 = tpu.memref_slice %arg20[%dma_wait3A_89] : memref<4x!tpu.dma_semaphore, #tpu.memory_space<semaphore_mem>> -> memref<1x!tpu.dma_semaphore, #tpu.memory_space<semaphore_mem>>
    %dma_wait3A_93 = tpu.memref_squeeze %dma_wait3A_92 : memref<1x!tpu.dma_semaphore, #tpu.memory_space<semaphore_mem>> -> memref<!tpu.dma_semaphore, #tpu.memory_space<semaphore_mem>>
    %dma_wait3A_94 = arith.constant 0 : i32
    %dma_wait3A_95 = tpu.memref_slice %arg3[%dma_wait3A_94] : memref<320000xi32, #tpu.memory_space<hbm>> -> memref<2000xi32, #tpu.memory_space<hbm>>
    tpu.wait_dma2 semaphore(%dma_wait3A_93 : memref<!tpu.dma_semaphore, #tpu.memory_space<semaphore_mem>>) src(%dma_wait3A_95 : memref<2000xi32, #tpu.memory_space<hbm>>) dst(%arg10 : memref<2000xi32, #tpu.memory_space<vmem>>)
    %dma_wait3A_96 = arith.constant 1 : i32
    %dma_wait3A_97 = arith.constant 0 : i32
    %dma_wait3A_98 = tpu.memref_slice %arg4[%dma_wait3A_97] : memref<320000xi32, #tpu.memory_space<hbm>> -> memref<2000xi32, #tpu.memory_space<hbm>>
    %dma_wait3A_99 = tpu.memref_slice %arg20[%dma_wait3A_96] : memref<4x!tpu.dma_semaphore, #tpu.memory_space<semaphore_mem>> -> memref<1x!tpu.dma_semaphore, #tpu.memory_space<semaphore_mem>>
    %dma_wait3A_100 = tpu.memref_squeeze %dma_wait3A_99 : memref<1x!tpu.dma_semaphore, #tpu.memory_space<semaphore_mem>> -> memref<!tpu.dma_semaphore, #tpu.memory_space<semaphore_mem>>
    %dma_wait3A_101 = arith.constant 0 : i32
    %dma_wait3A_102 = tpu.memref_slice %arg4[%dma_wait3A_101] : memref<320000xi32, #tpu.memory_space<hbm>> -> memref<2000xi32, #tpu.memory_space<hbm>>
    tpu.wait_dma2 semaphore(%dma_wait3A_100 : memref<!tpu.dma_semaphore, #tpu.memory_space<semaphore_mem>>) src(%dma_wait3A_102 : memref<2000xi32, #tpu.memory_space<hbm>>) dst(%arg11 : memref<2000xi32, #tpu.memory_space<vmem>>)
    %add3A_103 = arith.constant 6000 : i32
    %add3A_104 = arith.addi %multiple_of3A_3, %add3A_103 : i32
    %multiple_of3A_105 = tpu.assume_multiple %add3A_104, 16 : i32
    %dma_start3A_106 = arith.constant 2 : i32
    %dma_start3A_107 = tpu.memref_slice %arg3[%multiple_of3A_105] : memref<320000xi32, #tpu.memory_space<hbm>> -> memref<2000xi32, #tpu.memory_space<hbm>>
    %dma_start3A_108 = tpu.memref_slice %arg20[%dma_start3A_106] : memref<4x!tpu.dma_semaphore, #tpu.memory_space<semaphore_mem>> -> memref<1x!tpu.dma_semaphore, #tpu.memory_space<semaphore_mem>>
    %dma_start3A_109 = tpu.memref_squeeze %dma_start3A_108 : memref<1x!tpu.dma_semaphore, #tpu.memory_space<semaphore_mem>> -> memref<!tpu.dma_semaphore, #tpu.memory_space<semaphore_mem>>
    %dma_start3A_110 = tpu.memref_slice %arg3[%multiple_of3A_105] : memref<320000xi32, #tpu.memory_space<hbm>> -> memref<2000xi32, #tpu.memory_space<hbm>>
    tpu.enqueue_dma source(%dma_start3A_110 : memref<2000xi32, #tpu.memory_space<hbm>>) target(%arg12 : memref<2000xi32, #tpu.memory_space<vmem>>) target_semaphore(%dma_start3A_109 : memref<!tpu.dma_semaphore, #tpu.memory_space<semaphore_mem>>)
    %dma_start3A_111 = arith.constant 3 : i32
    %dma_start3A_112 = tpu.memref_slice %arg4[%multiple_of3A_105] : memref<320000xi32, #tpu.memory_space<hbm>> -> memref<2000xi32, #tpu.memory_space<hbm>>
    %dma_start3A_113 = tpu.memref_slice %arg20[%dma_start3A_111] : memref<4x!tpu.dma_semaphore, #tpu.memory_space<semaphore_mem>> -> memref<1x!tpu.dma_semaphore, #tpu.memory_space<semaphore_mem>>
    %dma_start3A_114 = tpu.memref_squeeze %dma_start3A_113 : memref<1x!tpu.dma_semaphore, #tpu.memory_space<semaphore_mem>> -> memref<!tpu.dma_semaphore, #tpu.memory_space<semaphore_mem>>
    %dma_start3A_115 = tpu.memref_slice %arg4[%multiple_of3A_105] : memref<320000xi32, #tpu.memory_space<hbm>> -> memref<2000xi32, #tpu.memory_space<hbm>>
    tpu.enqueue_dma source(%dma_start3A_115 : memref<2000xi32, #tpu.memory_space<hbm>>) target(%arg13 : memref<2000xi32, #tpu.memory_space<vmem>>) target_semaphore(%dma_start3A_114 : memref<!tpu.dma_semaphore, #tpu.memory_space<semaphore_mem>>)
    %scan3A_116 = arith.constant 0 : i32
    %scan3A_117 = arith.constant 125 : i32
    %scan3A_118 = arith.addi %scan3A_116, %scan3A_117 : i32
    %scan3A_119 = arith.constant 1 : i32
    %scan3A_120 = scf.for %scan3A_516 = %scan3A_116 to %scan3A_118 step %scan3A_119 iter_args(%scan3A_517 = %scan3A_87) -> (i32)  : i32 {
      %mul3A_518 = arith.constant 16 : i32
      %mul3A_519 = arith.muli %scan3A_516, %mul3A_518 : i32
      %get3A_520 = arith.index_cast %mul3A_519 : i32 to index
      %get3A_521 = tpu.vector_load %arg10[%get3A_520] {strides = array<i32>} : memref<2000xi32, #tpu.memory_space<vmem>>, vector<16xi32>,
      %mul3A_522 = arith.constant 16 : i32
      %mul3A_523 = arith.muli %scan3A_516, %mul3A_522 : i32
      %get3A_524 = arith.index_cast %mul3A_523 : i32 to index
      %get3A_525 = tpu.vector_load %arg11[%get3A_524] {strides = array<i32>} : memref<2000xi32, #tpu.memory_space<vmem>>, vector<16xi32>,
      %sub3A_526 = vector.broadcast %mul3A_21 : i32 to vector<16xi32>
      %sub3A_527 = arith.subi %get3A_525, %sub3A_526 : vector<16xi32>
      %ge3A_528 = arith.constant 0 : i32
      %ge3A_529 = vector.broadcast %ge3A_528 : i32 to vector<16xi32>
      %ge3A_530 = arith.cmpi sge, %sub3A_527, %ge3A_529 : vector<16xi32>
      %lt3A = arith.constant 5120 : i32
      %lt3A_531 = vector.broadcast %lt3A : i32 to vector<16xi32>
      %lt3A_532 = arith.cmpi slt, %sub3A_527, %lt3A_531 : vector<16xi32>
      %and3A_533 = arith.andi %ge3A_530, %lt3A_532 : vector<16xi1>
      %swap3A_534 = arith.index_cast %scan3A_517 : i32 to index
      %swap3A_535 = tpu.vector_load %arg14[%swap3A_534] masked %and3A_533 {strides = array<i32>} : memref<20080xi32, #tpu.memory_space<vmem>>, vector<16xi32>, vector<16xi1>
      tpu.vector_store %arg14[%swap3A_534], %get3A_521 masked %and3A_533 {strides = array<i32>} : memref<20080xi32, #tpu.memory_space<vmem>>, vector<16xi32>, vector<16xi1>
      %swap3A_536 = arith.index_cast %scan3A_517 : i32 to index
      %swap3A_537 = tpu.vector_load %arg15[%swap3A_536] masked %and3A_533 {strides = array<i32>} : memref<20080xi32, #tpu.memory_space<vmem>>, vector<16xi32>, vector<16xi1>
      tpu.vector_store %arg15[%swap3A_536], %sub3A_527 masked %and3A_533 {strides = array<i32>} : memref<20080xi32, #tpu.memory_space<vmem>>, vector<16xi32>, vector<16xi1>
      tpu.vector_store_idx %arg9[%sub3A_527], %broadcast_in_dim3A_22 masked %and3A_533 {add = true} : memref<5136xf32, #tpu.memory_space<vmem>>[vector<16xi32>], vector<16xf32>, vector<16xi1>
      %all_reduce_population_count3A = tpu.all_reduce %and3A_533 {dim = 0 : i64, kind = #tpu.reduction_kind<sum>} : vector<16xi1> -> vector<16xi32>
      %slice3A = vector.extract_strided_slice %all_reduce_population_count3A {offsets = [0], sizes = [1], strides = [1]} : vector<16xi32> to vector<1xi32>
      %squeeze3A = vector.extract %slice3A[0] : i32 from vector<1xi32>
      %add3A_538 = arith.addi %scan3A_517, %squeeze3A : i32
      scf.yield %add3A_538 : i32
    }
    %scan3A_121 = arith.constant 125 : i32
    %dma_wait3A_122 = arith.constant 2 : i32
    %dma_wait3A_123 = arith.constant 0 : i32
    %dma_wait3A_124 = tpu.memref_slice %arg3[%dma_wait3A_123] : memref<320000xi32, #tpu.memory_space<hbm>> -> memref<2000xi32, #tpu.memory_space<hbm>>
    %dma_wait3A_125 = tpu.memref_slice %arg20[%dma_wait3A_122] : memref<4x!tpu.dma_semaphore, #tpu.memory_space<semaphore_mem>> -> memref<1x!tpu.dma_semaphore, #tpu.memory_space<semaphore_mem>>
    %dma_wait3A_126 = tpu.memref_squeeze %dma_wait3A_125 : memref<1x!tpu.dma_semaphore, #tpu.memory_space<semaphore_mem>> -> memref<!tpu.dma_semaphore, #tpu.memory_space<semaphore_mem>>
    %dma_wait3A_127 = arith.constant 0 : i32
    %dma_wait3A_128 = tpu.memref_slice %arg3[%dma_wait3A_127] : memref<320000xi32, #tpu.memory_space<hbm>> -> memref<2000xi32, #tpu.memory_space<hbm>>
    tpu.wait_dma2 semaphore(%dma_wait3A_126 : memref<!tpu.dma_semaphore, #tpu.memory_space<semaphore_mem>>) src(%dma_wait3A_128 : memref<2000xi32, #tpu.memory_space<hbm>>) dst(%arg12 : memref<2000xi32, #tpu.memory_space<vmem>>)
    %dma_wait3A_129 = arith.constant 3 : i32
    %dma_wait3A_130 = arith.constant 0 : i32
    %dma_wait3A_131 = tpu.memref_slice %arg4[%dma_wait3A_130] : memref<320000xi32, #tpu.memory_space<hbm>> -> memref<2000xi32, #tpu.memory_space<hbm>>
    %dma_wait3A_132 = tpu.memref_slice %arg20[%dma_wait3A_129] : memref<4x!tpu.dma_semaphore, #tpu.memory_space<semaphore_mem>> -> memref<1x!tpu.dma_semaphore, #tpu.memory_space<semaphore_mem>>
    %dma_wait3A_133 = tpu.memref_squeeze %dma_wait3A_132 : memref<1x!tpu.dma_semaphore, #tpu.memory_space<semaphore_mem>> -> memref<!tpu.dma_semaphore, #tpu.memory_space<semaphore_mem>>
    %dma_wait3A_134 = arith.constant 0 : i32
    %dma_wait3A_135 = tpu.memref_slice %arg4[%dma_wait3A_134] : memref<320000xi32, #tpu.memory_space<hbm>> -> memref<2000xi32, #tpu.memory_space<hbm>>
    tpu.wait_dma2 semaphore(%dma_wait3A_133 : memref<!tpu.dma_semaphore, #tpu.memory_space<semaphore_mem>>) src(%dma_wait3A_135 : memref<2000xi32, #tpu.memory_space<hbm>>) dst(%arg13 : memref<2000xi32, #tpu.memory_space<vmem>>)
    %add3A_136 = arith.constant 8000 : i32
    %add3A_137 = arith.addi %multiple_of3A_3, %add3A_136 : i32
    %multiple_of3A_138 = tpu.assume_multiple %add3A_137, 16 : i32
    %dma_start3A_139 = arith.constant 0 : i32
    %dma_start3A_140 = tpu.memref_slice %arg3[%multiple_of3A_138] : memref<320000xi32, #tpu.memory_space<hbm>> -> memref<2000xi32, #tpu.memory_space<hbm>>
    %dma_start3A_141 = tpu.memref_slice %arg20[%dma_start3A_139] : memref<4x!tpu.dma_semaphore, #tpu.memory_space<semaphore_mem>> -> memref<1x!tpu.dma_semaphore, #tpu.memory_space<semaphore_mem>>
    %dma_start3A_142 = tpu.memref_squeeze %dma_start3A_141 : memref<1x!tpu.dma_semaphore, #tpu.memory_space<semaphore_mem>> -> memref<!tpu.dma_semaphore, #tpu.memory_space<semaphore_mem>>
    %dma_start3A_143 = tpu.memref_slice %arg3[%multiple_of3A_138] : memref<320000xi32, #tpu.memory_space<hbm>> -> memref<2000xi32, #tpu.memory_space<hbm>>
    tpu.enqueue_dma source(%dma_start3A_143 : memref<2000xi32, #tpu.memory_space<hbm>>) target(%arg10 : memref<2000xi32, #tpu.memory_space<vmem>>) target_semaphore(%dma_start3A_142 : memref<!tpu.dma_semaphore, #tpu.memory_space<semaphore_mem>>)
    %dma_start3A_144 = arith.constant 1 : i32
    %dma_start3A_145 = tpu.memref_slice %arg4[%multiple_of3A_138] : memref<320000xi32, #tpu.memory_space<hbm>> -> memref<2000xi32, #tpu.memory_space<hbm>>
    %dma_start3A_146 = tpu.memref_slice %arg20[%dma_start3A_144] : memref<4x!tpu.dma_semaphore, #tpu.memory_space<semaphore_mem>> -> memref<1x!tpu.dma_semaphore, #tpu.memory_space<semaphore_mem>>
    %dma_start3A_147 = tpu.memref_squeeze %dma_start3A_146 : memref<1x!tpu.dma_semaphore, #tpu.memory_space<semaphore_mem>> -> memref<!tpu.dma_semaphore, #tpu.memory_space<semaphore_mem>>
    %dma_start3A_148 = tpu.memref_slice %arg4[%multiple_of3A_138] : memref<320000xi32, #tpu.memory_space<hbm>> -> memref<2000xi32, #tpu.memory_space<hbm>>
    tpu.enqueue_dma source(%dma_start3A_148 : memref<2000xi32, #tpu.memory_space<hbm>>) target(%arg11 : memref<2000xi32, #tpu.memory_space<vmem>>) target_semaphore(%dma_start3A_147 : memref<!tpu.dma_semaphore, #tpu.memory_space<semaphore_mem>>)
    %scan3A_149 = arith.constant 0 : i32
    %scan3A_150 = arith.constant 125 : i32
    %scan3A_151 = arith.addi %scan3A_149, %scan3A_150 : i32
    %scan3A_152 = arith.constant 1 : i32
    %scan3A_153 = scf.for %scan3A_516 = %scan3A_149 to %scan3A_151 step %scan3A_152 iter_args(%scan3A_517 = %scan3A_120) -> (i32)  : i32 {
      %mul3A_518 = arith.constant 16 : i32
      %mul3A_519 = arith.muli %scan3A_516, %mul3A_518 : i32
      %get3A_520 = arith.index_cast %mul3A_519 : i32 to index
      %get3A_521 = tpu.vector_load %arg12[%get3A_520] {strides = array<i32>} : memref<2000xi32, #tpu.memory_space<vmem>>, vector<16xi32>,
      %mul3A_522 = arith.constant 16 : i32
      %mul3A_523 = arith.muli %scan3A_516, %mul3A_522 : i32
      %get3A_524 = arith.index_cast %mul3A_523 : i32 to index
      %get3A_525 = tpu.vector_load %arg13[%get3A_524] {strides = array<i32>} : memref<2000xi32, #tpu.memory_space<vmem>>, vector<16xi32>,
      %sub3A_526 = vector.broadcast %mul3A_21 : i32 to vector<16xi32>
      %sub3A_527 = arith.subi %get3A_525, %sub3A_526 : vector<16xi32>
      %ge3A_528 = arith.constant 0 : i32
      %ge3A_529 = vector.broadcast %ge3A_528 : i32 to vector<16xi32>
      %ge3A_530 = arith.cmpi sge, %sub3A_527, %ge3A_529 : vector<16xi32>
      %lt3A = arith.constant 5120 : i32
      %lt3A_531 = vector.broadcast %lt3A : i32 to vector<16xi32>
      %lt3A_532 = arith.cmpi slt, %sub3A_527, %lt3A_531 : vector<16xi32>
      %and3A_533 = arith.andi %ge3A_530, %lt3A_532 : vector<16xi1>
      %swap3A_534 = arith.index_cast %scan3A_517 : i32 to index
      %swap3A_535 = tpu.vector_load %arg14[%swap3A_534] masked %and3A_533 {strides = array<i32>} : memref<20080xi32, #tpu.memory_space<vmem>>, vector<16xi32>, vector<16xi1>
      tpu.vector_store %arg14[%swap3A_534], %get3A_521 masked %and3A_533 {strides = array<i32>} : memref<20080xi32, #tpu.memory_space<vmem>>, vector<16xi32>, vector<16xi1>
      %swap3A_536 = arith.index_cast %scan3A_517 : i32 to index
      %swap3A_537 = tpu.vector_load %arg15[%swap3A_536] masked %and3A_533 {strides = array<i32>} : memref<20080xi32, #tpu.memory_space<vmem>>, vector<16xi32>, vector<16xi1>
      tpu.vector_store %arg15[%swap3A_536], %sub3A_527 masked %and3A_533 {strides = array<i32>} : memref<20080xi32, #tpu.memory_space<vmem>>, vector<16xi32>, vector<16xi1>
      tpu.vector_store_idx %arg9[%sub3A_527], %broadcast_in_dim3A_22 masked %and3A_533 {add = true} : memref<5136xf32, #tpu.memory_space<vmem>>[vector<16xi32>], vector<16xf32>, vector<16xi1>
      %all_reduce_population_count3A = tpu.all_reduce %and3A_533 {dim = 0 : i64, kind = #tpu.reduction_kind<sum>} : vector<16xi1> -> vector<16xi32>
      %slice3A = vector.extract_strided_slice %all_reduce_population_count3A {offsets = [0], sizes = [1], strides = [1]} : vector<16xi32> to vector<1xi32>
      %squeeze3A = vector.extract %slice3A[0] : i32 from vector<1xi32>
      %add3A_538 = arith.addi %scan3A_517, %squeeze3A : i32
      scf.yield %add3A_538 : i32
    }
    %scan3A_154 = arith.constant 125 : i32
    %dma_wait3A_155 = arith.constant 0 : i32
    %dma_wait3A_156 = arith.constant 0 : i32
    %dma_wait3A_157 = tpu.memref_slice %arg3[%dma_wait3A_156] : memref<320000xi32, #tpu.memory_space<hbm>> -> memref<2000xi32, #tpu.memory_space<hbm>>
    %dma_wait3A_158 = tpu.memref_slice %arg20[%dma_wait3A_155] : memref<4x!tpu.dma_semaphore, #tpu.memory_space<semaphore_mem>> -> memref<1x!tpu.dma_semaphore, #tpu.memory_space<semaphore_mem>>
    %dma_wait3A_159 = tpu.memref_squeeze %dma_wait3A_158 : memref<1x!tpu.dma_semaphore, #tpu.memory_space<semaphore_mem>> -> memref<!tpu.dma_semaphore, #tpu.memory_space<semaphore_mem>>
    %dma_wait3A_160 = arith.constant 0 : i32
    %dma_wait3A_161 = tpu.memref_slice %arg3[%dma_wait3A_160] : memref<320000xi32, #tpu.memory_space<hbm>> -> memref<2000xi32, #tpu.memory_space<hbm>>
    tpu.wait_dma2 semaphore(%dma_wait3A_159 : memref<!tpu.dma_semaphore, #tpu.memory_space<semaphore_mem>>) src(%dma_wait3A_161 : memref<2000xi32, #tpu.memory_space<hbm>>) dst(%arg10 : memref<2000xi32, #tpu.memory_space<vmem>>)
    %dma_wait3A_162 = arith.constant 1 : i32
    %dma_wait3A_163 = arith.constant 0 : i32
    %dma_wait3A_164 = tpu.memref_slice %arg4[%dma_wait3A_163] : memref<320000xi32, #tpu.memory_space<hbm>> -> memref<2000xi32, #tpu.memory_space<hbm>>
    %dma_wait3A_165 = tpu.memref_slice %arg20[%dma_wait3A_162] : memref<4x!tpu.dma_semaphore, #tpu.memory_space<semaphore_mem>> -> memref<1x!tpu.dma_semaphore, #tpu.memory_space<semaphore_mem>>
    %dma_wait3A_166 = tpu.memref_squeeze %dma_wait3A_165 : memref<1x!tpu.dma_semaphore, #tpu.memory_space<semaphore_mem>> -> memref<!tpu.dma_semaphore, #tpu.memory_space<semaphore_mem>>
    %dma_wait3A_167 = arith.constant 0 : i32
    %dma_wait3A_168 = tpu.memref_slice %arg4[%dma_wait3A_167] : memref<320000xi32, #tpu.memory_space<hbm>> -> memref<2000xi32, #tpu.memory_space<hbm>>
    tpu.wait_dma2 semaphore(%dma_wait3A_166 : memref<!tpu.dma_semaphore, #tpu.memory_space<semaphore_mem>>) src(%dma_wait3A_168 : memref<2000xi32, #tpu.memory_space<hbm>>) dst(%arg11 : memref<2000xi32, #tpu.memory_space<vmem>>)
    %add3A_169 = arith.constant 10000 : i32
    %add3A_170 = arith.addi %multiple_of3A_3, %add3A_169 : i32
    %multiple_of3A_171 = tpu.assume_multiple %add3A_170, 16 : i32
    %dma_start3A_172 = arith.constant 2 : i32
    %dma_start3A_173 = tpu.memref_slice %arg3[%multiple_of3A_171] : memref<320000xi32, #tpu.memory_space<hbm>> -> memref<2000xi32, #tpu.memory_space<hbm>>
    %dma_start3A_174 = tpu.memref_slice %arg20[%dma_start3A_172] : memref<4x!tpu.dma_semaphore, #tpu.memory_space<semaphore_mem>> -> memref<1x!tpu.dma_semaphore, #tpu.memory_space<semaphore_mem>>
    %dma_start3A_175 = tpu.memref_squeeze %dma_start3A_174 : memref<1x!tpu.dma_semaphore, #tpu.memory_space<semaphore_mem>> -> memref<!tpu.dma_semaphore, #tpu.memory_space<semaphore_mem>>
    %dma_start3A_176 = tpu.memref_slice %arg3[%multiple_of3A_171] : memref<320000xi32, #tpu.memory_space<hbm>> -> memref<2000xi32, #tpu.memory_space<hbm>>
    tpu.enqueue_dma source(%dma_start3A_176 : memref<2000xi32, #tpu.memory_space<hbm>>) target(%arg12 : memref<2000xi32, #tpu.memory_space<vmem>>) target_semaphore(%dma_start3A_175 : memref<!tpu.dma_semaphore, #tpu.memory_space<semaphore_mem>>)
    %dma_start3A_177 = arith.constant 3 : i32
    %dma_start3A_178 = tpu.memref_slice %arg4[%multiple_of3A_171] : memref<320000xi32, #tpu.memory_space<hbm>> -> memref<2000xi32, #tpu.memory_space<hbm>>
    %dma_start3A_179 = tpu.memref_slice %arg20[%dma_start3A_177] : memref<4x!tpu.dma_semaphore, #tpu.memory_space<semaphore_mem>> -> memref<1x!tpu.dma_semaphore, #tpu.memory_space<semaphore_mem>>
    %dma_start3A_180 = tpu.memref_squeeze %dma_start3A_179 : memref<1x!tpu.dma_semaphore, #tpu.memory_space<semaphore_mem>> -> memref<!tpu.dma_semaphore, #tpu.memory_space<semaphore_mem>>
    %dma_start3A_181 = tpu.memref_slice %arg4[%multiple_of3A_171] : memref<320000xi32, #tpu.memory_space<hbm>> -> memref<2000xi32, #tpu.memory_space<hbm>>
    tpu.enqueue_dma source(%dma_start3A_181 : memref<2000xi32, #tpu.memory_space<hbm>>) target(%arg13 : memref<2000xi32, #tpu.memory_space<vmem>>) target_semaphore(%dma_start3A_180 : memref<!tpu.dma_semaphore, #tpu.memory_space<semaphore_mem>>)
    %scan3A_182 = arith.constant 0 : i32
    %scan3A_183 = arith.constant 125 : i32
    %scan3A_184 = arith.addi %scan3A_182, %scan3A_183 : i32
    %scan3A_185 = arith.constant 1 : i32
    %scan3A_186 = scf.for %scan3A_516 = %scan3A_182 to %scan3A_184 step %scan3A_185 iter_args(%scan3A_517 = %scan3A_153) -> (i32)  : i32 {
      %mul3A_518 = arith.constant 16 : i32
      %mul3A_519 = arith.muli %scan3A_516, %mul3A_518 : i32
      %get3A_520 = arith.index_cast %mul3A_519 : i32 to index
      %get3A_521 = tpu.vector_load %arg10[%get3A_520] {strides = array<i32>} : memref<2000xi32, #tpu.memory_space<vmem>>, vector<16xi32>,
      %mul3A_522 = arith.constant 16 : i32
      %mul3A_523 = arith.muli %scan3A_516, %mul3A_522 : i32
      %get3A_524 = arith.index_cast %mul3A_523 : i32 to index
      %get3A_525 = tpu.vector_load %arg11[%get3A_524] {strides = array<i32>} : memref<2000xi32, #tpu.memory_space<vmem>>, vector<16xi32>,
      %sub3A_526 = vector.broadcast %mul3A_21 : i32 to vector<16xi32>
      %sub3A_527 = arith.subi %get3A_525, %sub3A_526 : vector<16xi32>
      %ge3A_528 = arith.constant 0 : i32
      %ge3A_529 = vector.broadcast %ge3A_528 : i32 to vector<16xi32>
      %ge3A_530 = arith.cmpi sge, %sub3A_527, %ge3A_529 : vector<16xi32>
      %lt3A = arith.constant 5120 : i32
      %lt3A_531 = vector.broadcast %lt3A : i32 to vector<16xi32>
      %lt3A_532 = arith.cmpi slt, %sub3A_527, %lt3A_531 : vector<16xi32>
      %and3A_533 = arith.andi %ge3A_530, %lt3A_532 : vector<16xi1>
      %swap3A_534 = arith.index_cast %scan3A_517 : i32 to index
      %swap3A_535 = tpu.vector_load %arg14[%swap3A_534] masked %and3A_533 {strides = array<i32>} : memref<20080xi32, #tpu.memory_space<vmem>>, vector<16xi32>, vector<16xi1>
      tpu.vector_store %arg14[%swap3A_534], %get3A_521 masked %and3A_533 {strides = array<i32>} : memref<20080xi32, #tpu.memory_space<vmem>>, vector<16xi32>, vector<16xi1>
      %swap3A_536 = arith.index_cast %scan3A_517 : i32 to index
      %swap3A_537 = tpu.vector_load %arg15[%swap3A_536] masked %and3A_533 {strides = array<i32>} : memref<20080xi32, #tpu.memory_space<vmem>>, vector<16xi32>, vector<16xi1>
      tpu.vector_store %arg15[%swap3A_536], %sub3A_527 masked %and3A_533 {strides = array<i32>} : memref<20080xi32, #tpu.memory_space<vmem>>, vector<16xi32>, vector<16xi1>
      tpu.vector_store_idx %arg9[%sub3A_527], %broadcast_in_dim3A_22 masked %and3A_533 {add = true} : memref<5136xf32, #tpu.memory_space<vmem>>[vector<16xi32>], vector<16xf32>, vector<16xi1>
      %all_reduce_population_count3A = tpu.all_reduce %and3A_533 {dim = 0 : i64, kind = #tpu.reduction_kind<sum>} : vector<16xi1> -> vector<16xi32>
      %slice3A = vector.extract_strided_slice %all_reduce_population_count3A {offsets = [0], sizes = [1], strides = [1]} : vector<16xi32> to vector<1xi32>
      %squeeze3A = vector.extract %slice3A[0] : i32 from vector<1xi32>
      %add3A_538 = arith.addi %scan3A_517, %squeeze3A : i32
      scf.yield %add3A_538 : i32
    }
    %scan3A_187 = arith.constant 125 : i32
    %dma_wait3A_188 = arith.constant 2 : i32
    %dma_wait3A_189 = arith.constant 0 : i32
    %dma_wait3A_190 = tpu.memref_slice %arg3[%dma_wait3A_189] : memref<320000xi32, #tpu.memory_space<hbm>> -> memref<2000xi32, #tpu.memory_space<hbm>>
    %dma_wait3A_191 = tpu.memref_slice %arg20[%dma_wait3A_188] : memref<4x!tpu.dma_semaphore, #tpu.memory_space<semaphore_mem>> -> memref<1x!tpu.dma_semaphore, #tpu.memory_space<semaphore_mem>>
    %dma_wait3A_192 = tpu.memref_squeeze %dma_wait3A_191 : memref<1x!tpu.dma_semaphore, #tpu.memory_space<semaphore_mem>> -> memref<!tpu.dma_semaphore, #tpu.memory_space<semaphore_mem>>
    %dma_wait3A_193 = arith.constant 0 : i32
    %dma_wait3A_194 = tpu.memref_slice %arg3[%dma_wait3A_193] : memref<320000xi32, #tpu.memory_space<hbm>> -> memref<2000xi32, #tpu.memory_space<hbm>>
    tpu.wait_dma2 semaphore(%dma_wait3A_192 : memref<!tpu.dma_semaphore, #tpu.memory_space<semaphore_mem>>) src(%dma_wait3A_194 : memref<2000xi32, #tpu.memory_space<hbm>>) dst(%arg12 : memref<2000xi32, #tpu.memory_space<vmem>>)
    %dma_wait3A_195 = arith.constant 3 : i32
    %dma_wait3A_196 = arith.constant 0 : i32
    %dma_wait3A_197 = tpu.memref_slice %arg4[%dma_wait3A_196] : memref<320000xi32, #tpu.memory_space<hbm>> -> memref<2000xi32, #tpu.memory_space<hbm>>
    %dma_wait3A_198 = tpu.memref_slice %arg20[%dma_wait3A_195] : memref<4x!tpu.dma_semaphore, #tpu.memory_space<semaphore_mem>> -> memref<1x!tpu.dma_semaphore, #tpu.memory_space<semaphore_mem>>
    %dma_wait3A_199 = tpu.memref_squeeze %dma_wait3A_198 : memref<1x!tpu.dma_semaphore, #tpu.memory_space<semaphore_mem>> -> memref<!tpu.dma_semaphore, #tpu.memory_space<semaphore_mem>>
    %dma_wait3A_200 = arith.constant 0 : i32
    %dma_wait3A_201 = tpu.memref_slice %arg4[%dma_wait3A_200] : memref<320000xi32, #tpu.memory_space<hbm>> -> memref<2000xi32, #tpu.memory_space<hbm>>
    tpu.wait_dma2 semaphore(%dma_wait3A_199 : memref<!tpu.dma_semaphore, #tpu.memory_space<semaphore_mem>>) src(%dma_wait3A_201 : memref<2000xi32, #tpu.memory_space<hbm>>) dst(%arg13 : memref<2000xi32, #tpu.memory_space<vmem>>)
    %add3A_202 = arith.constant 12000 : i32
    %add3A_203 = arith.addi %multiple_of3A_3, %add3A_202 : i32
    %multiple_of3A_204 = tpu.assume_multiple %add3A_203, 16 : i32
    %dma_start3A_205 = arith.constant 0 : i32
    %dma_start3A_206 = tpu.memref_slice %arg3[%multiple_of3A_204] : memref<320000xi32, #tpu.memory_space<hbm>> -> memref<2000xi32, #tpu.memory_space<hbm>>
    %dma_start3A_207 = tpu.memref_slice %arg20[%dma_start3A_205] : memref<4x!tpu.dma_semaphore, #tpu.memory_space<semaphore_mem>> -> memref<1x!tpu.dma_semaphore, #tpu.memory_space<semaphore_mem>>
    %dma_start3A_208 = tpu.memref_squeeze %dma_start3A_207 : memref<1x!tpu.dma_semaphore, #tpu.memory_space<semaphore_mem>> -> memref<!tpu.dma_semaphore, #tpu.memory_space<semaphore_mem>>
    %dma_start3A_209 = tpu.memref_slice %arg3[%multiple_of3A_204] : memref<320000xi32, #tpu.memory_space<hbm>> -> memref<2000xi32, #tpu.memory_space<hbm>>
    tpu.enqueue_dma source(%dma_start3A_209 : memref<2000xi32, #tpu.memory_space<hbm>>) target(%arg10 : memref<2000xi32, #tpu.memory_space<vmem>>) target_semaphore(%dma_start3A_208 : memref<!tpu.dma_semaphore, #tpu.memory_space<semaphore_mem>>)
    %dma_start3A_210 = arith.constant 1 : i32
    %dma_start3A_211 = tpu.memref_slice %arg4[%multiple_of3A_204] : memref<320000xi32, #tpu.memory_space<hbm>> -> memref<2000xi32, #tpu.memory_space<hbm>>
    %dma_start3A_212 = tpu.memref_slice %arg20[%dma_start3A_210] : memref<4x!tpu.dma_semaphore, #tpu.memory_space<semaphore_mem>> -> memref<1x!tpu.dma_semaphore, #tpu.memory_space<semaphore_mem>>
    %dma_start3A_213 = tpu.memref_squeeze %dma_start3A_212 : memref<1x!tpu.dma_semaphore, #tpu.memory_space<semaphore_mem>> -> memref<!tpu.dma_semaphore, #tpu.memory_space<semaphore_mem>>
    %dma_start3A_214 = tpu.memref_slice %arg4[%multiple_of3A_204] : memref<320000xi32, #tpu.memory_space<hbm>> -> memref<2000xi32, #tpu.memory_space<hbm>>
    tpu.enqueue_dma source(%dma_start3A_214 : memref<2000xi32, #tpu.memory_space<hbm>>) target(%arg11 : memref<2000xi32, #tpu.memory_space<vmem>>) target_semaphore(%dma_start3A_213 : memref<!tpu.dma_semaphore, #tpu.memory_space<semaphore_mem>>)
    %scan3A_215 = arith.constant 0 : i32
    %scan3A_216 = arith.constant 125 : i32
    %scan3A_217 = arith.addi %scan3A_215, %scan3A_216 : i32
    %scan3A_218 = arith.constant 1 : i32
    %scan3A_219 = scf.for %scan3A_516 = %scan3A_215 to %scan3A_217 step %scan3A_218 iter_args(%scan3A_517 = %scan3A_186) -> (i32)  : i32 {
      %mul3A_518 = arith.constant 16 : i32
      %mul3A_519 = arith.muli %scan3A_516, %mul3A_518 : i32
      %get3A_520 = arith.index_cast %mul3A_519 : i32 to index
      %get3A_521 = tpu.vector_load %arg12[%get3A_520] {strides = array<i32>} : memref<2000xi32, #tpu.memory_space<vmem>>, vector<16xi32>,
      %mul3A_522 = arith.constant 16 : i32
      %mul3A_523 = arith.muli %scan3A_516, %mul3A_522 : i32
      %get3A_524 = arith.index_cast %mul3A_523 : i32 to index
      %get3A_525 = tpu.vector_load %arg13[%get3A_524] {strides = array<i32>} : memref<2000xi32, #tpu.memory_space<vmem>>, vector<16xi32>,
      %sub3A_526 = vector.broadcast %mul3A_21 : i32 to vector<16xi32>
      %sub3A_527 = arith.subi %get3A_525, %sub3A_526 : vector<16xi32>
      %ge3A_528 = arith.constant 0 : i32
      %ge3A_529 = vector.broadcast %ge3A_528 : i32 to vector<16xi32>
      %ge3A_530 = arith.cmpi sge, %sub3A_527, %ge3A_529 : vector<16xi32>
      %lt3A = arith.constant 5120 : i32
      %lt3A_531 = vector.broadcast %lt3A : i32 to vector<16xi32>
      %lt3A_532 = arith.cmpi slt, %sub3A_527, %lt3A_531 : vector<16xi32>
      %and3A_533 = arith.andi %ge3A_530, %lt3A_532 : vector<16xi1>
      %swap3A_534 = arith.index_cast %scan3A_517 : i32 to index
      %swap3A_535 = tpu.vector_load %arg14[%swap3A_534] masked %and3A_533 {strides = array<i32>} : memref<20080xi32, #tpu.memory_space<vmem>>, vector<16xi32>, vector<16xi1>
      tpu.vector_store %arg14[%swap3A_534], %get3A_521 masked %and3A_533 {strides = array<i32>} : memref<20080xi32, #tpu.memory_space<vmem>>, vector<16xi32>, vector<16xi1>
      %swap3A_536 = arith.index_cast %scan3A_517 : i32 to index
      %swap3A_537 = tpu.vector_load %arg15[%swap3A_536] masked %and3A_533 {strides = array<i32>} : memref<20080xi32, #tpu.memory_space<vmem>>, vector<16xi32>, vector<16xi1>
      tpu.vector_store %arg15[%swap3A_536], %sub3A_527 masked %and3A_533 {strides = array<i32>} : memref<20080xi32, #tpu.memory_space<vmem>>, vector<16xi32>, vector<16xi1>
      tpu.vector_store_idx %arg9[%sub3A_527], %broadcast_in_dim3A_22 masked %and3A_533 {add = true} : memref<5136xf32, #tpu.memory_space<vmem>>[vector<16xi32>], vector<16xf32>, vector<16xi1>
      %all_reduce_population_count3A = tpu.all_reduce %and3A_533 {dim = 0 : i64, kind = #tpu.reduction_kind<sum>} : vector<16xi1> -> vector<16xi32>
      %slice3A = vector.extract_strided_slice %all_reduce_population_count3A {offsets = [0], sizes = [1], strides = [1]} : vector<16xi32> to vector<1xi32>
      %squeeze3A = vector.extract %slice3A[0] : i32 from vector<1xi32>
      %add3A_538 = arith.addi %scan3A_517, %squeeze3A : i32
      scf.yield %add3A_538 : i32
    }
    %scan3A_220 = arith.constant 125 : i32
    %dma_wait3A_221 = arith.constant 0 : i32
    %dma_wait3A_222 = arith.constant 0 : i32
    %dma_wait3A_223 = tpu.memref_slice %arg3[%dma_wait3A_222] : memref<320000xi32, #tpu.memory_space<hbm>> -> memref<2000xi32, #tpu.memory_space<hbm>>
    %dma_wait3A_224 = tpu.memref_slice %arg20[%dma_wait3A_221] : memref<4x!tpu.dma_semaphore, #tpu.memory_space<semaphore_mem>> -> memref<1x!tpu.dma_semaphore, #tpu.memory_space<semaphore_mem>>
    %dma_wait3A_225 = tpu.memref_squeeze %dma_wait3A_224 : memref<1x!tpu.dma_semaphore, #tpu.memory_space<semaphore_mem>> -> memref<!tpu.dma_semaphore, #tpu.memory_space<semaphore_mem>>
    %dma_wait3A_226 = arith.constant 0 : i32
    %dma_wait3A_227 = tpu.memref_slice %arg3[%dma_wait3A_226] : memref<320000xi32, #tpu.memory_space<hbm>> -> memref<2000xi32, #tpu.memory_space<hbm>>
    tpu.wait_dma2 semaphore(%dma_wait3A_225 : memref<!tpu.dma_semaphore, #tpu.memory_space<semaphore_mem>>) src(%dma_wait3A_227 : memref<2000xi32, #tpu.memory_space<hbm>>) dst(%arg10 : memref<2000xi32, #tpu.memory_space<vmem>>)
    %dma_wait3A_228 = arith.constant 1 : i32
    %dma_wait3A_229 = arith.constant 0 : i32
    %dma_wait3A_230 = tpu.memref_slice %arg4[%dma_wait3A_229] : memref<320000xi32, #tpu.memory_space<hbm>> -> memref<2000xi32, #tpu.memory_space<hbm>>
    %dma_wait3A_231 = tpu.memref_slice %arg20[%dma_wait3A_228] : memref<4x!tpu.dma_semaphore, #tpu.memory_space<semaphore_mem>> -> memref<1x!tpu.dma_semaphore, #tpu.memory_space<semaphore_mem>>
    %dma_wait3A_232 = tpu.memref_squeeze %dma_wait3A_231 : memref<1x!tpu.dma_semaphore, #tpu.memory_space<semaphore_mem>> -> memref<!tpu.dma_semaphore, #tpu.memory_space<semaphore_mem>>
    %dma_wait3A_233 = arith.constant 0 : i32
    %dma_wait3A_234 = tpu.memref_slice %arg4[%dma_wait3A_233] : memref<320000xi32, #tpu.memory_space<hbm>> -> memref<2000xi32, #tpu.memory_space<hbm>>
    tpu.wait_dma2 semaphore(%dma_wait3A_232 : memref<!tpu.dma_semaphore, #tpu.memory_space<semaphore_mem>>) src(%dma_wait3A_234 : memref<2000xi32, #tpu.memory_space<hbm>>) dst(%arg11 : memref<2000xi32, #tpu.memory_space<vmem>>)
    %add3A_235 = arith.constant 14000 : i32
    %add3A_236 = arith.addi %multiple_of3A_3, %add3A_235 : i32
    %multiple_of3A_237 = tpu.assume_multiple %add3A_236, 16 : i32
    %dma_start3A_238 = arith.constant 2 : i32
    %dma_start3A_239 = tpu.memref_slice %arg3[%multiple_of3A_237] : memref<320000xi32, #tpu.memory_space<hbm>> -> memref<2000xi32, #tpu.memory_space<hbm>>
    %dma_start3A_240 = tpu.memref_slice %arg20[%dma_start3A_238] : memref<4x!tpu.dma_semaphore, #tpu.memory_space<semaphore_mem>> -> memref<1x!tpu.dma_semaphore, #tpu.memory_space<semaphore_mem>>
    %dma_start3A_241 = tpu.memref_squeeze %dma_start3A_240 : memref<1x!tpu.dma_semaphore, #tpu.memory_space<semaphore_mem>> -> memref<!tpu.dma_semaphore, #tpu.memory_space<semaphore_mem>>
    %dma_start3A_242 = tpu.memref_slice %arg3[%multiple_of3A_237] : memref<320000xi32, #tpu.memory_space<hbm>> -> memref<2000xi32, #tpu.memory_space<hbm>>
    tpu.enqueue_dma source(%dma_start3A_242 : memref<2000xi32, #tpu.memory_space<hbm>>) target(%arg12 : memref<2000xi32, #tpu.memory_space<vmem>>) target_semaphore(%dma_start3A_241 : memref<!tpu.dma_semaphore, #tpu.memory_space<semaphore_mem>>)
    %dma_start3A_243 = arith.constant 3 : i32
    %dma_start3A_244 = tpu.memref_slice %arg4[%multiple_of3A_237] : memref<320000xi32, #tpu.memory_space<hbm>> -> memref<2000xi32, #tpu.memory_space<hbm>>
    %dma_start3A_245 = tpu.memref_slice %arg20[%dma_start3A_243] : memref<4x!tpu.dma_semaphore, #tpu.memory_space<semaphore_mem>> -> memref<1x!tpu.dma_semaphore, #tpu.memory_space<semaphore_mem>>
    %dma_start3A_246 = tpu.memref_squeeze %dma_start3A_245 : memref<1x!tpu.dma_semaphore, #tpu.memory_space<semaphore_mem>> -> memref<!tpu.dma_semaphore, #tpu.memory_space<semaphore_mem>>
    %dma_start3A_247 = tpu.memref_slice %arg4[%multiple_of3A_237] : memref<320000xi32, #tpu.memory_space<hbm>> -> memref<2000xi32, #tpu.memory_space<hbm>>
    tpu.enqueue_dma source(%dma_start3A_247 : memref<2000xi32, #tpu.memory_space<hbm>>) target(%arg13 : memref<2000xi32, #tpu.memory_space<vmem>>) target_semaphore(%dma_start3A_246 : memref<!tpu.dma_semaphore, #tpu.memory_space<semaphore_mem>>)
    %scan3A_248 = arith.constant 0 : i32
    %scan3A_249 = arith.constant 125 : i32
    %scan3A_250 = arith.addi %scan3A_248, %scan3A_249 : i32
    %scan3A_251 = arith.constant 1 : i32
    %scan3A_252 = scf.for %scan3A_516 = %scan3A_248 to %scan3A_250 step %scan3A_251 iter_args(%scan3A_517 = %scan3A_219) -> (i32)  : i32 {
      %mul3A_518 = arith.constant 16 : i32
      %mul3A_519 = arith.muli %scan3A_516, %mul3A_518 : i32
      %get3A_520 = arith.index_cast %mul3A_519 : i32 to index
      %get3A_521 = tpu.vector_load %arg10[%get3A_520] {strides = array<i32>} : memref<2000xi32, #tpu.memory_space<vmem>>, vector<16xi32>,
      %mul3A_522 = arith.constant 16 : i32
      %mul3A_523 = arith.muli %scan3A_516, %mul3A_522 : i32
      %get3A_524 = arith.index_cast %mul3A_523 : i32 to index
      %get3A_525 = tpu.vector_load %arg11[%get3A_524] {strides = array<i32>} : memref<2000xi32, #tpu.memory_space<vmem>>, vector<16xi32>,
      %sub3A_526 = vector.broadcast %mul3A_21 : i32 to vector<16xi32>
      %sub3A_527 = arith.subi %get3A_525, %sub3A_526 : vector<16xi32>
      %ge3A_528 = arith.constant 0 : i32
      %ge3A_529 = vector.broadcast %ge3A_528 : i32 to vector<16xi32>
      %ge3A_530 = arith.cmpi sge, %sub3A_527, %ge3A_529 : vector<16xi32>
      %lt3A = arith.constant 5120 : i32
      %lt3A_531 = vector.broadcast %lt3A : i32 to vector<16xi32>
      %lt3A_532 = arith.cmpi slt, %sub3A_527, %lt3A_531 : vector<16xi32>
      %and3A_533 = arith.andi %ge3A_530, %lt3A_532 : vector<16xi1>
      %swap3A_534 = arith.index_cast %scan3A_517 : i32 to index
      %swap3A_535 = tpu.vector_load %arg14[%swap3A_534] masked %and3A_533 {strides = array<i32>} : memref<20080xi32, #tpu.memory_space<vmem>>, vector<16xi32>, vector<16xi1>
      tpu.vector_store %arg14[%swap3A_534], %get3A_521 masked %and3A_533 {strides = array<i32>} : memref<20080xi32, #tpu.memory_space<vmem>>, vector<16xi32>, vector<16xi1>
      %swap3A_536 = arith.index_cast %scan3A_517 : i32 to index
      %swap3A_537 = tpu.vector_load %arg15[%swap3A_536] masked %and3A_533 {strides = array<i32>} : memref<20080xi32, #tpu.memory_space<vmem>>, vector<16xi32>, vector<16xi1>
      tpu.vector_store %arg15[%swap3A_536], %sub3A_527 masked %and3A_533 {strides = array<i32>} : memref<20080xi32, #tpu.memory_space<vmem>>, vector<16xi32>, vector<16xi1>
      tpu.vector_store_idx %arg9[%sub3A_527], %broadcast_in_dim3A_22 masked %and3A_533 {add = true} : memref<5136xf32, #tpu.memory_space<vmem>>[vector<16xi32>], vector<16xf32>, vector<16xi1>
      %all_reduce_population_count3A = tpu.all_reduce %and3A_533 {dim = 0 : i64, kind = #tpu.reduction_kind<sum>} : vector<16xi1> -> vector<16xi32>
      %slice3A = vector.extract_strided_slice %all_reduce_population_count3A {offsets = [0], sizes = [1], strides = [1]} : vector<16xi32> to vector<1xi32>
      %squeeze3A = vector.extract %slice3A[0] : i32 from vector<1xi32>
      %add3A_538 = arith.addi %scan3A_517, %squeeze3A : i32
      scf.yield %add3A_538 : i32
    }
    %scan3A_253 = arith.constant 125 : i32
    %dma_wait3A_254 = arith.constant 2 : i32
    %dma_wait3A_255 = arith.constant 0 : i32
    %dma_wait3A_256 = tpu.memref_slice %arg3[%dma_wait3A_255] : memref<320000xi32, #tpu.memory_space<hbm>> -> memref<2000xi32, #tpu.memory_space<hbm>>
    %dma_wait3A_257 = tpu.memref_slice %arg20[%dma_wait3A_254] : memref<4x!tpu.dma_semaphore, #tpu.memory_space<semaphore_mem>> -> memref<1x!tpu.dma_semaphore, #tpu.memory_space<semaphore_mem>>
    %dma_wait3A_258 = tpu.memref_squeeze %dma_wait3A_257 : memref<1x!tpu.dma_semaphore, #tpu.memory_space<semaphore_mem>> -> memref<!tpu.dma_semaphore, #tpu.memory_space<semaphore_mem>>
    %dma_wait3A_259 = arith.constant 0 : i32
    %dma_wait3A_260 = tpu.memref_slice %arg3[%dma_wait3A_259] : memref<320000xi32, #tpu.memory_space<hbm>> -> memref<2000xi32, #tpu.memory_space<hbm>>
    tpu.wait_dma2 semaphore(%dma_wait3A_258 : memref<!tpu.dma_semaphore, #tpu.memory_space<semaphore_mem>>) src(%dma_wait3A_260 : memref<2000xi32, #tpu.memory_space<hbm>>) dst(%arg12 : memref<2000xi32, #tpu.memory_space<vmem>>)
    %dma_wait3A_261 = arith.constant 3 : i32
    %dma_wait3A_262 = arith.constant 0 : i32
    %dma_wait3A_263 = tpu.memref_slice %arg4[%dma_wait3A_262] : memref<320000xi32, #tpu.memory_space<hbm>> -> memref<2000xi32, #tpu.memory_space<hbm>>
    %dma_wait3A_264 = tpu.memref_slice %arg20[%dma_wait3A_261] : memref<4x!tpu.dma_semaphore, #tpu.memory_space<semaphore_mem>> -> memref<1x!tpu.dma_semaphore, #tpu.memory_space<semaphore_mem>>
    %dma_wait3A_265 = tpu.memref_squeeze %dma_wait3A_264 : memref<1x!tpu.dma_semaphore, #tpu.memory_space<semaphore_mem>> -> memref<!tpu.dma_semaphore, #tpu.memory_space<semaphore_mem>>
    %dma_wait3A_266 = arith.constant 0 : i32
    %dma_wait3A_267 = tpu.memref_slice %arg4[%dma_wait3A_266] : memref<320000xi32, #tpu.memory_space<hbm>> -> memref<2000xi32, #tpu.memory_space<hbm>>
    tpu.wait_dma2 semaphore(%dma_wait3A_265 : memref<!tpu.dma_semaphore, #tpu.memory_space<semaphore_mem>>) src(%dma_wait3A_267 : memref<2000xi32, #tpu.memory_space<hbm>>) dst(%arg13 : memref<2000xi32, #tpu.memory_space<vmem>>)
    %add3A_268 = arith.constant 16000 : i32
    %add3A_269 = arith.addi %multiple_of3A_3, %add3A_268 : i32
    %multiple_of3A_270 = tpu.assume_multiple %add3A_269, 16 : i32
    %dma_start3A_271 = arith.constant 0 : i32
    %dma_start3A_272 = tpu.memref_slice %arg3[%multiple_of3A_270] : memref<320000xi32, #tpu.memory_space<hbm>> -> memref<2000xi32, #tpu.memory_space<hbm>>
    %dma_start3A_273 = tpu.memref_slice %arg20[%dma_start3A_271] : memref<4x!tpu.dma_semaphore, #tpu.memory_space<semaphore_mem>> -> memref<1x!tpu.dma_semaphore, #tpu.memory_space<semaphore_mem>>
    %dma_start3A_274 = tpu.memref_squeeze %dma_start3A_273 : memref<1x!tpu.dma_semaphore, #tpu.memory_space<semaphore_mem>> -> memref<!tpu.dma_semaphore, #tpu.memory_space<semaphore_mem>>
    %dma_start3A_275 = tpu.memref_slice %arg3[%multiple_of3A_270] : memref<320000xi32, #tpu.memory_space<hbm>> -> memref<2000xi32, #tpu.memory_space<hbm>>
    tpu.enqueue_dma source(%dma_start3A_275 : memref<2000xi32, #tpu.memory_space<hbm>>) target(%arg10 : memref<2000xi32, #tpu.memory_space<vmem>>) target_semaphore(%dma_start3A_274 : memref<!tpu.dma_semaphore, #tpu.memory_space<semaphore_mem>>)
    %dma_start3A_276 = arith.constant 1 : i32
    %dma_start3A_277 = tpu.memref_slice %arg4[%multiple_of3A_270] : memref<320000xi32, #tpu.memory_space<hbm>> -> memref<2000xi32, #tpu.memory_space<hbm>>
    %dma_start3A_278 = tpu.memref_slice %arg20[%dma_start3A_276] : memref<4x!tpu.dma_semaphore, #tpu.memory_space<semaphore_mem>> -> memref<1x!tpu.dma_semaphore, #tpu.memory_space<semaphore_mem>>
    %dma_start3A_279 = tpu.memref_squeeze %dma_start3A_278 : memref<1x!tpu.dma_semaphore, #tpu.memory_space<semaphore_mem>> -> memref<!tpu.dma_semaphore, #tpu.memory_space<semaphore_mem>>
    %dma_start3A_280 = tpu.memref_slice %arg4[%multiple_of3A_270] : memref<320000xi32, #tpu.memory_space<hbm>> -> memref<2000xi32, #tpu.memory_space<hbm>>
    tpu.enqueue_dma source(%dma_start3A_280 : memref<2000xi32, #tpu.memory_space<hbm>>) target(%arg11 : memref<2000xi32, #tpu.memory_space<vmem>>) target_semaphore(%dma_start3A_279 : memref<!tpu.dma_semaphore, #tpu.memory_space<semaphore_mem>>)
    %scan3A_281 = arith.constant 0 : i32
    %scan3A_282 = arith.constant 125 : i32
    %scan3A_283 = arith.addi %scan3A_281, %scan3A_282 : i32
    %scan3A_284 = arith.constant 1 : i32
    %scan3A_285 = scf.for %scan3A_516 = %scan3A_281 to %scan3A_283 step %scan3A_284 iter_args(%scan3A_517 = %scan3A_252) -> (i32)  : i32 {
      %mul3A_518 = arith.constant 16 : i32
      %mul3A_519 = arith.muli %scan3A_516, %mul3A_518 : i32
      %get3A_520 = arith.index_cast %mul3A_519 : i32 to index
      %get3A_521 = tpu.vector_load %arg12[%get3A_520] {strides = array<i32>} : memref<2000xi32, #tpu.memory_space<vmem>>, vector<16xi32>,
      %mul3A_522 = arith.constant 16 : i32
      %mul3A_523 = arith.muli %scan3A_516, %mul3A_522 : i32
      %get3A_524 = arith.index_cast %mul3A_523 : i32 to index
      %get3A_525 = tpu.vector_load %arg13[%get3A_524] {strides = array<i32>} : memref<2000xi32, #tpu.memory_space<vmem>>, vector<16xi32>,
      %sub3A_526 = vector.broadcast %mul3A_21 : i32 to vector<16xi32>
      %sub3A_527 = arith.subi %get3A_525, %sub3A_526 : vector<16xi32>
      %ge3A_528 = arith.constant 0 : i32
      %ge3A_529 = vector.broadcast %ge3A_528 : i32 to vector<16xi32>
      %ge3A_530 = arith.cmpi sge, %sub3A_527, %ge3A_529 : vector<16xi32>
      %lt3A = arith.constant 5120 : i32
      %lt3A_531 = vector.broadcast %lt3A : i32 to vector<16xi32>
      %lt3A_532 = arith.cmpi slt, %sub3A_527, %lt3A_531 : vector<16xi32>
      %and3A_533 = arith.andi %ge3A_530, %lt3A_532 : vector<16xi1>
      %swap3A_534 = arith.index_cast %scan3A_517 : i32 to index
      %swap3A_535 = tpu.vector_load %arg14[%swap3A_534] masked %and3A_533 {strides = array<i32>} : memref<20080xi32, #tpu.memory_space<vmem>>, vector<16xi32>, vector<16xi1>
      tpu.vector_store %arg14[%swap3A_534], %get3A_521 masked %and3A_533 {strides = array<i32>} : memref<20080xi32, #tpu.memory_space<vmem>>, vector<16xi32>, vector<16xi1>
      %swap3A_536 = arith.index_cast %scan3A_517 : i32 to index
      %swap3A_537 = tpu.vector_load %arg15[%swap3A_536] masked %and3A_533 {strides = array<i32>} : memref<20080xi32, #tpu.memory_space<vmem>>, vector<16xi32>, vector<16xi1>
      tpu.vector_store %arg15[%swap3A_536], %sub3A_527 masked %and3A_533 {strides = array<i32>} : memref<20080xi32, #tpu.memory_space<vmem>>, vector<16xi32>, vector<16xi1>
      tpu.vector_store_idx %arg9[%sub3A_527], %broadcast_in_dim3A_22 masked %and3A_533 {add = true} : memref<5136xf32, #tpu.memory_space<vmem>>[vector<16xi32>], vector<16xf32>, vector<16xi1>
      %all_reduce_population_count3A = tpu.all_reduce %and3A_533 {dim = 0 : i64, kind = #tpu.reduction_kind<sum>} : vector<16xi1> -> vector<16xi32>
      %slice3A = vector.extract_strided_slice %all_reduce_population_count3A {offsets = [0], sizes = [1], strides = [1]} : vector<16xi32> to vector<1xi32>
      %squeeze3A = vector.extract %slice3A[0] : i32 from vector<1xi32>
      %add3A_538 = arith.addi %scan3A_517, %squeeze3A : i32
      scf.yield %add3A_538 : i32
    }
    %scan3A_286 = arith.constant 125 : i32
    %dma_wait3A_287 = arith.constant 0 : i32
    %dma_wait3A_288 = arith.constant 0 : i32
    %dma_wait3A_289 = tpu.memref_slice %arg3[%dma_wait3A_288] : memref<320000xi32, #tpu.memory_space<hbm>> -> memref<2000xi32, #tpu.memory_space<hbm>>
    %dma_wait3A_290 = tpu.memref_slice %arg20[%dma_wait3A_287] : memref<4x!tpu.dma_semaphore, #tpu.memory_space<semaphore_mem>> -> memref<1x!tpu.dma_semaphore, #tpu.memory_space<semaphore_mem>>
    %dma_wait3A_291 = tpu.memref_squeeze %dma_wait3A_290 : memref<1x!tpu.dma_semaphore, #tpu.memory_space<semaphore_mem>> -> memref<!tpu.dma_semaphore, #tpu.memory_space<semaphore_mem>>
    %dma_wait3A_292 = arith.constant 0 : i32
    %dma_wait3A_293 = tpu.memref_slice %arg3[%dma_wait3A_292] : memref<320000xi32, #tpu.memory_space<hbm>> -> memref<2000xi32, #tpu.memory_space<hbm>>
    tpu.wait_dma2 semaphore(%dma_wait3A_291 : memref<!tpu.dma_semaphore, #tpu.memory_space<semaphore_mem>>) src(%dma_wait3A_293 : memref<2000xi32, #tpu.memory_space<hbm>>) dst(%arg10 : memref<2000xi32, #tpu.memory_space<vmem>>)
    %dma_wait3A_294 = arith.constant 1 : i32
    %dma_wait3A_295 = arith.constant 0 : i32
    %dma_wait3A_296 = tpu.memref_slice %arg4[%dma_wait3A_295] : memref<320000xi32, #tpu.memory_space<hbm>> -> memref<2000xi32, #tpu.memory_space<hbm>>
    %dma_wait3A_297 = tpu.memref_slice %arg20[%dma_wait3A_294] : memref<4x!tpu.dma_semaphore, #tpu.memory_space<semaphore_mem>> -> memref<1x!tpu.dma_semaphore, #tpu.memory_space<semaphore_mem>>
    %dma_wait3A_298 = tpu.memref_squeeze %dma_wait3A_297 : memref<1x!tpu.dma_semaphore, #tpu.memory_space<semaphore_mem>> -> memref<!tpu.dma_semaphore, #tpu.memory_space<semaphore_mem>>
    %dma_wait3A_299 = arith.constant 0 : i32
    %dma_wait3A_300 = tpu.memref_slice %arg4[%dma_wait3A_299] : memref<320000xi32, #tpu.memory_space<hbm>> -> memref<2000xi32, #tpu.memory_space<hbm>>
    tpu.wait_dma2 semaphore(%dma_wait3A_298 : memref<!tpu.dma_semaphore, #tpu.memory_space<semaphore_mem>>) src(%dma_wait3A_300 : memref<2000xi32, #tpu.memory_space<hbm>>) dst(%arg11 : memref<2000xi32, #tpu.memory_space<vmem>>)
    %add3A_301 = arith.constant 18000 : i32
    %add3A_302 = arith.addi %multiple_of3A_3, %add3A_301 : i32
    %multiple_of3A_303 = tpu.assume_multiple %add3A_302, 16 : i32
    %dma_start3A_304 = arith.constant 2 : i32
    %dma_start3A_305 = tpu.memref_slice %arg3[%multiple_of3A_303] : memref<320000xi32, #tpu.memory_space<hbm>> -> memref<2000xi32, #tpu.memory_space<hbm>>
    %dma_start3A_306 = tpu.memref_slice %arg20[%dma_start3A_304] : memref<4x!tpu.dma_semaphore, #tpu.memory_space<semaphore_mem>> -> memref<1x!tpu.dma_semaphore, #tpu.memory_space<semaphore_mem>>
    %dma_start3A_307 = tpu.memref_squeeze %dma_start3A_306 : memref<1x!tpu.dma_semaphore, #tpu.memory_space<semaphore_mem>> -> memref<!tpu.dma_semaphore, #tpu.memory_space<semaphore_mem>>
    %dma_start3A_308 = tpu.memref_slice %arg3[%multiple_of3A_303] : memref<320000xi32, #tpu.memory_space<hbm>> -> memref<2000xi32, #tpu.memory_space<hbm>>
    tpu.enqueue_dma source(%dma_start3A_308 : memref<2000xi32, #tpu.memory_space<hbm>>) target(%arg12 : memref<2000xi32, #tpu.memory_space<vmem>>) target_semaphore(%dma_start3A_307 : memref<!tpu.dma_semaphore, #tpu.memory_space<semaphore_mem>>)
    %dma_start3A_309 = arith.constant 3 : i32
    %dma_start3A_310 = tpu.memref_slice %arg4[%multiple_of3A_303] : memref<320000xi32, #tpu.memory_space<hbm>> -> memref<2000xi32, #tpu.memory_space<hbm>>
    %dma_start3A_311 = tpu.memref_slice %arg20[%dma_start3A_309] : memref<4x!tpu.dma_semaphore, #tpu.memory_space<semaphore_mem>> -> memref<1x!tpu.dma_semaphore, #tpu.memory_space<semaphore_mem>>
    %dma_start3A_312 = tpu.memref_squeeze %dma_start3A_311 : memref<1x!tpu.dma_semaphore, #tpu.memory_space<semaphore_mem>> -> memref<!tpu.dma_semaphore, #tpu.memory_space<semaphore_mem>>
    %dma_start3A_313 = tpu.memref_slice %arg4[%multiple_of3A_303] : memref<320000xi32, #tpu.memory_space<hbm>> -> memref<2000xi32, #tpu.memory_space<hbm>>
    tpu.enqueue_dma source(%dma_start3A_313 : memref<2000xi32, #tpu.memory_space<hbm>>) target(%arg13 : memref<2000xi32, #tpu.memory_space<vmem>>) target_semaphore(%dma_start3A_312 : memref<!tpu.dma_semaphore, #tpu.memory_space<semaphore_mem>>)
    %scan3A_314 = arith.constant 0 : i32
    %scan3A_315 = arith.constant 125 : i32
    %scan3A_316 = arith.addi %scan3A_314, %scan3A_315 : i32
    %scan3A_317 = arith.constant 1 : i32
    %scan3A_318 = scf.for %scan3A_516 = %scan3A_314 to %scan3A_316 step %scan3A_317 iter_args(%scan3A_517 = %scan3A_285) -> (i32)  : i32 {
      %mul3A_518 = arith.constant 16 : i32
      %mul3A_519 = arith.muli %scan3A_516, %mul3A_518 : i32
      %get3A_520 = arith.index_cast %mul3A_519 : i32 to index
      %get3A_521 = tpu.vector_load %arg10[%get3A_520] {strides = array<i32>} : memref<2000xi32, #tpu.memory_space<vmem>>, vector<16xi32>,
      %mul3A_522 = arith.constant 16 : i32
      %mul3A_523 = arith.muli %scan3A_516, %mul3A_522 : i32
      %get3A_524 = arith.index_cast %mul3A_523 : i32 to index
      %get3A_525 = tpu.vector_load %arg11[%get3A_524] {strides = array<i32>} : memref<2000xi32, #tpu.memory_space<vmem>>, vector<16xi32>,
      %sub3A_526 = vector.broadcast %mul3A_21 : i32 to vector<16xi32>
      %sub3A_527 = arith.subi %get3A_525, %sub3A_526 : vector<16xi32>
      %ge3A_528 = arith.constant 0 : i32
      %ge3A_529 = vector.broadcast %ge3A_528 : i32 to vector<16xi32>
      %ge3A_530 = arith.cmpi sge, %sub3A_527, %ge3A_529 : vector<16xi32>
      %lt3A = arith.constant 5120 : i32
      %lt3A_531 = vector.broadcast %lt3A : i32 to vector<16xi32>
      %lt3A_532 = arith.cmpi slt, %sub3A_527, %lt3A_531 : vector<16xi32>
      %and3A_533 = arith.andi %ge3A_530, %lt3A_532 : vector<16xi1>
      %swap3A_534 = arith.index_cast %scan3A_517 : i32 to index
      %swap3A_535 = tpu.vector_load %arg14[%swap3A_534] masked %and3A_533 {strides = array<i32>} : memref<20080xi32, #tpu.memory_space<vmem>>, vector<16xi32>, vector<16xi1>
      tpu.vector_store %arg14[%swap3A_534], %get3A_521 masked %and3A_533 {strides = array<i32>} : memref<20080xi32, #tpu.memory_space<vmem>>, vector<16xi32>, vector<16xi1>
      %swap3A_536 = arith.index_cast %scan3A_517 : i32 to index
      %swap3A_537 = tpu.vector_load %arg15[%swap3A_536] masked %and3A_533 {strides = array<i32>} : memref<20080xi32, #tpu.memory_space<vmem>>, vector<16xi32>, vector<16xi1>
      tpu.vector_store %arg15[%swap3A_536], %sub3A_527 masked %and3A_533 {strides = array<i32>} : memref<20080xi32, #tpu.memory_space<vmem>>, vector<16xi32>, vector<16xi1>
      tpu.vector_store_idx %arg9[%sub3A_527], %broadcast_in_dim3A_22 masked %and3A_533 {add = true} : memref<5136xf32, #tpu.memory_space<vmem>>[vector<16xi32>], vector<16xf32>, vector<16xi1>
      %all_reduce_population_count3A = tpu.all_reduce %and3A_533 {dim = 0 : i64, kind = #tpu.reduction_kind<sum>} : vector<16xi1> -> vector<16xi32>
      %slice3A = vector.extract_strided_slice %all_reduce_population_count3A {offsets = [0], sizes = [1], strides = [1]} : vector<16xi32> to vector<1xi32>
      %squeeze3A = vector.extract %slice3A[0] : i32 from vector<1xi32>
      %add3A_538 = arith.addi %scan3A_517, %squeeze3A : i32
      scf.yield %add3A_538 : i32
    }
    %scan3A_319 = arith.constant 125 : i32
    %dma_wait3A_320 = arith.constant 2 : i32
    %dma_wait3A_321 = arith.constant 0 : i32
    %dma_wait3A_322 = tpu.memref_slice %arg3[%dma_wait3A_321] : memref<320000xi32, #tpu.memory_space<hbm>> -> memref<2000xi32, #tpu.memory_space<hbm>>
    %dma_wait3A_323 = tpu.memref_slice %arg20[%dma_wait3A_320] : memref<4x!tpu.dma_semaphore, #tpu.memory_space<semaphore_mem>> -> memref<1x!tpu.dma_semaphore, #tpu.memory_space<semaphore_mem>>
    %dma_wait3A_324 = tpu.memref_squeeze %dma_wait3A_323 : memref<1x!tpu.dma_semaphore, #tpu.memory_space<semaphore_mem>> -> memref<!tpu.dma_semaphore, #tpu.memory_space<semaphore_mem>>
    %dma_wait3A_325 = arith.constant 0 : i32
    %dma_wait3A_326 = tpu.memref_slice %arg3[%dma_wait3A_325] : memref<320000xi32, #tpu.memory_space<hbm>> -> memref<2000xi32, #tpu.memory_space<hbm>>
    tpu.wait_dma2 semaphore(%dma_wait3A_324 : memref<!tpu.dma_semaphore, #tpu.memory_space<semaphore_mem>>) src(%dma_wait3A_326 : memref<2000xi32, #tpu.memory_space<hbm>>) dst(%arg12 : memref<2000xi32, #tpu.memory_space<vmem>>)
    %dma_wait3A_327 = arith.constant 3 : i32
    %dma_wait3A_328 = arith.constant 0 : i32
    %dma_wait3A_329 = tpu.memref_slice %arg4[%dma_wait3A_328] : memref<320000xi32, #tpu.memory_space<hbm>> -> memref<2000xi32, #tpu.memory_space<hbm>>
    %dma_wait3A_330 = tpu.memref_slice %arg20[%dma_wait3A_327] : memref<4x!tpu.dma_semaphore, #tpu.memory_space<semaphore_mem>> -> memref<1x!tpu.dma_semaphore, #tpu.memory_space<semaphore_mem>>
    %dma_wait3A_331 = tpu.memref_squeeze %dma_wait3A_330 : memref<1x!tpu.dma_semaphore, #tpu.memory_space<semaphore_mem>> -> memref<!tpu.dma_semaphore, #tpu.memory_space<semaphore_mem>>
    %dma_wait3A_332 = arith.constant 0 : i32
    %dma_wait3A_333 = tpu.memref_slice %arg4[%dma_wait3A_332] : memref<320000xi32, #tpu.memory_space<hbm>> -> memref<2000xi32, #tpu.memory_space<hbm>>
    tpu.wait_dma2 semaphore(%dma_wait3A_331 : memref<!tpu.dma_semaphore, #tpu.memory_space<semaphore_mem>>) src(%dma_wait3A_333 : memref<2000xi32, #tpu.memory_space<hbm>>) dst(%arg13 : memref<2000xi32, #tpu.memory_space<vmem>>)
    %scan3A_334 = arith.constant 0 : i32
    %scan3A_335 = arith.constant 125 : i32
    %scan3A_336 = arith.addi %scan3A_334, %scan3A_335 : i32
    %scan3A_337 = arith.constant 1 : i32
    %scan3A_338 = scf.for %scan3A_516 = %scan3A_334 to %scan3A_336 step %scan3A_337 iter_args(%scan3A_517 = %scan3A_318) -> (i32)  : i32 {
      %mul3A_518 = arith.constant 16 : i32
      %mul3A_519 = arith.muli %scan3A_516, %mul3A_518 : i32
      %get3A_520 = arith.index_cast %mul3A_519 : i32 to index
      %get3A_521 = tpu.vector_load %arg12[%get3A_520] {strides = array<i32>} : memref<2000xi32, #tpu.memory_space<vmem>>, vector<16xi32>,
      %mul3A_522 = arith.constant 16 : i32
      %mul3A_523 = arith.muli %scan3A_516, %mul3A_522 : i32
      %get3A_524 = arith.index_cast %mul3A_523 : i32 to index
      %get3A_525 = tpu.vector_load %arg13[%get3A_524] {strides = array<i32>} : memref<2000xi32, #tpu.memory_space<vmem>>, vector<16xi32>,
      %sub3A_526 = vector.broadcast %mul3A_21 : i32 to vector<16xi32>
      %sub3A_527 = arith.subi %get3A_525, %sub3A_526 : vector<16xi32>
      %ge3A_528 = arith.constant 0 : i32
      %ge3A_529 = vector.broadcast %ge3A_528 : i32 to vector<16xi32>
      %ge3A_530 = arith.cmpi sge, %sub3A_527, %ge3A_529 : vector<16xi32>
      %lt3A = arith.constant 5120 : i32
      %lt3A_531 = vector.broadcast %lt3A : i32 to vector<16xi32>
      %lt3A_532 = arith.cmpi slt, %sub3A_527, %lt3A_531 : vector<16xi32>
      %and3A_533 = arith.andi %ge3A_530, %lt3A_532 : vector<16xi1>
      %swap3A_534 = arith.index_cast %scan3A_517 : i32 to index
      %swap3A_535 = tpu.vector_load %arg14[%swap3A_534] masked %and3A_533 {strides = array<i32>} : memref<20080xi32, #tpu.memory_space<vmem>>, vector<16xi32>, vector<16xi1>
      tpu.vector_store %arg14[%swap3A_534], %get3A_521 masked %and3A_533 {strides = array<i32>} : memref<20080xi32, #tpu.memory_space<vmem>>, vector<16xi32>, vector<16xi1>
      %swap3A_536 = arith.index_cast %scan3A_517 : i32 to index
      %swap3A_537 = tpu.vector_load %arg15[%swap3A_536] masked %and3A_533 {strides = array<i32>} : memref<20080xi32, #tpu.memory_space<vmem>>, vector<16xi32>, vector<16xi1>
      tpu.vector_store %arg15[%swap3A_536], %sub3A_527 masked %and3A_533 {strides = array<i32>} : memref<20080xi32, #tpu.memory_space<vmem>>, vector<16xi32>, vector<16xi1>
      tpu.vector_store_idx %arg9[%sub3A_527], %broadcast_in_dim3A_22 masked %and3A_533 {add = true} : memref<5136xf32, #tpu.memory_space<vmem>>[vector<16xi32>], vector<16xf32>, vector<16xi1>
      %all_reduce_population_count3A = tpu.all_reduce %and3A_533 {dim = 0 : i64, kind = #tpu.reduction_kind<sum>} : vector<16xi1> -> vector<16xi32>
      %slice3A = vector.extract_strided_slice %all_reduce_population_count3A {offsets = [0], sizes = [1], strides = [1]} : vector<16xi32> to vector<1xi32>
      %squeeze3A = vector.extract %slice3A[0] : i32 from vector<1xi32>
      %add3A_538 = arith.addi %scan3A_517, %squeeze3A : i32
      scf.yield %add3A_538 : i32
    }
    %scan3A_339 = arith.constant 125 : i32
    %broadcast_in_dim3A_340 = arith.constant 0 : i32
    %broadcast_in_dim3A_341 = vector.broadcast %broadcast_in_dim3A_340 : i32 to vector<16xi32>
    %add3A_342 = arith.constant 0 : i32
    %add3A_343 = arith.addi %scan3A_338, %add3A_342 : i32
    %swap3A = arith.index_cast %add3A_343 : i32 to index
    %swap3A_344 = tpu.vector_load %arg14[%swap3A] {strides = array<i32>} : memref<20080xi32, #tpu.memory_space<vmem>>, vector<16xi32>,
    tpu.vector_store %arg14[%swap3A], %broadcast_in_dim3A_341 {strides = array<i32>} : memref<20080xi32, #tpu.memory_space<vmem>>, vector<16xi32>,
    %broadcast_in_dim3A_345 = arith.constant 5120 : i32
    %broadcast_in_dim3A_346 = vector.broadcast %broadcast_in_dim3A_345 : i32 to vector<16xi32>
    %add3A_347 = arith.constant 0 : i32
    %add3A_348 = arith.addi %scan3A_338, %add3A_347 : i32
    %swap3A_349 = arith.index_cast %add3A_348 : i32 to index
    %swap3A_350 = tpu.vector_load %arg15[%swap3A_349] {strides = array<i32>} : memref<20080xi32, #tpu.memory_space<vmem>>, vector<16xi32>,
    tpu.vector_store %arg15[%swap3A_349], %broadcast_in_dim3A_346 {strides = array<i32>} : memref<20080xi32, #tpu.memory_space<vmem>>, vector<16xi32>,
    %broadcast_in_dim3A_351 = arith.constant 0 : i32
    %broadcast_in_dim3A_352 = vector.broadcast %broadcast_in_dim3A_351 : i32 to vector<16xi32>
    %add3A_353 = arith.constant 16 : i32
    %add3A_354 = arith.addi %scan3A_338, %add3A_353 : i32
    %swap3A_355 = arith.index_cast %add3A_354 : i32 to index
    %swap3A_356 = tpu.vector_load %arg14[%swap3A_355] {strides = array<i32>} : memref<20080xi32, #tpu.memory_space<vmem>>, vector<16xi32>,
    tpu.vector_store %arg14[%swap3A_355], %broadcast_in_dim3A_352 {strides = array<i32>} : memref<20080xi32, #tpu.memory_space<vmem>>, vector<16xi32>,
    %broadcast_in_dim3A_357 = arith.constant 5120 : i32
    %broadcast_in_dim3A_358 = vector.broadcast %broadcast_in_dim3A_357 : i32 to vector<16xi32>
    %add3A_359 = arith.constant 16 : i32
    %add3A_360 = arith.addi %scan3A_338, %add3A_359 : i32
    %swap3A_361 = arith.index_cast %add3A_360 : i32 to index
    %swap3A_362 = tpu.vector_load %arg15[%swap3A_361] {strides = array<i32>} : memref<20080xi32, #tpu.memory_space<vmem>>, vector<16xi32>,
    tpu.vector_store %arg15[%swap3A_361], %broadcast_in_dim3A_358 {strides = array<i32>} : memref<20080xi32, #tpu.memory_space<vmem>>, vector<16xi32>,
    %broadcast_in_dim3A_363 = arith.constant 0 : i32
    %broadcast_in_dim3A_364 = vector.broadcast %broadcast_in_dim3A_363 : i32 to vector<16xi32>
    %add3A_365 = arith.constant 32 : i32
    %add3A_366 = arith.addi %scan3A_338, %add3A_365 : i32
    %swap3A_367 = arith.index_cast %add3A_366 : i32 to index
    %swap3A_368 = tpu.vector_load %arg14[%swap3A_367] {strides = array<i32>} : memref<20080xi32, #tpu.memory_space<vmem>>, vector<16xi32>,
    tpu.vector_store %arg14[%swap3A_367], %broadcast_in_dim3A_364 {strides = array<i32>} : memref<20080xi32, #tpu.memory_space<vmem>>, vector<16xi32>,
    %broadcast_in_dim3A_369 = arith.constant 5120 : i32
    %broadcast_in_dim3A_370 = vector.broadcast %broadcast_in_dim3A_369 : i32 to vector<16xi32>
    %add3A_371 = arith.constant 32 : i32
    %add3A_372 = arith.addi %scan3A_338, %add3A_371 : i32
    %swap3A_373 = arith.index_cast %add3A_372 : i32 to index
    %swap3A_374 = tpu.vector_load %arg15[%swap3A_373] {strides = array<i32>} : memref<20080xi32, #tpu.memory_space<vmem>>, vector<16xi32>,
    tpu.vector_store %arg15[%swap3A_373], %broadcast_in_dim3A_370 {strides = array<i32>} : memref<20080xi32, #tpu.memory_space<vmem>>, vector<16xi32>,
    %broadcast_in_dim3A_375 = arith.constant 0 : i32
    %broadcast_in_dim3A_376 = vector.broadcast %broadcast_in_dim3A_375 : i32 to vector<16xi32>
    %add3A_377 = arith.constant 48 : i32
    %add3A_378 = arith.addi %scan3A_338, %add3A_377 : i32
    %swap3A_379 = arith.index_cast %add3A_378 : i32 to index
    %swap3A_380 = tpu.vector_load %arg14[%swap3A_379] {strides = array<i32>} : memref<20080xi32, #tpu.memory_space<vmem>>, vector<16xi32>,
    tpu.vector_store %arg14[%swap3A_379], %broadcast_in_dim3A_376 {strides = array<i32>} : memref<20080xi32, #tpu.memory_space<vmem>>, vector<16xi32>,
    %broadcast_in_dim3A_381 = arith.constant 5120 : i32
    %broadcast_in_dim3A_382 = vector.broadcast %broadcast_in_dim3A_381 : i32 to vector<16xi32>
    %add3A_383 = arith.constant 48 : i32
    %add3A_384 = arith.addi %scan3A_338, %add3A_383 : i32
    %swap3A_385 = arith.index_cast %add3A_384 : i32 to index
    %swap3A_386 = tpu.vector_load %arg15[%swap3A_385] {strides = array<i32>} : memref<20080xi32, #tpu.memory_space<vmem>>, vector<16xi32>,
    tpu.vector_store %arg15[%swap3A_385], %broadcast_in_dim3A_382 {strides = array<i32>} : memref<20080xi32, #tpu.memory_space<vmem>>, vector<16xi32>,
    %broadcast_in_dim3A_387 = arith.constant 0 : i32
    %broadcast_in_dim3A_388 = vector.broadcast %broadcast_in_dim3A_387 : i32 to vector<16xi32>
    %add3A_389 = arith.constant 64 : i32
    %add3A_390 = arith.addi %scan3A_338, %add3A_389 : i32
    %swap3A_391 = arith.index_cast %add3A_390 : i32 to index
    %swap3A_392 = tpu.vector_load %arg14[%swap3A_391] {strides = array<i32>} : memref<20080xi32, #tpu.memory_space<vmem>>, vector<16xi32>,
    tpu.vector_store %arg14[%swap3A_391], %broadcast_in_dim3A_388 {strides = array<i32>} : memref<20080xi32, #tpu.memory_space<vmem>>, vector<16xi32>,
    %broadcast_in_dim3A_393 = arith.constant 5120 : i32
    %broadcast_in_dim3A_394 = vector.broadcast %broadcast_in_dim3A_393 : i32 to vector<16xi32>
    %add3A_395 = arith.constant 64 : i32
    %add3A_396 = arith.addi %scan3A_338, %add3A_395 : i32
    %swap3A_397 = arith.index_cast %add3A_396 : i32 to index
    %swap3A_398 = tpu.vector_load %arg15[%swap3A_397] {strides = array<i32>} : memref<20080xi32, #tpu.memory_space<vmem>>, vector<16xi32>,
    tpu.vector_store %arg15[%swap3A_397], %broadcast_in_dim3A_394 {strides = array<i32>} : memref<20080xi32, #tpu.memory_space<vmem>>, vector<16xi32>,
    %jit3A = arith.constant 80 : i32
    %div3A = arith.divsi %scan3A_338, %jit3A : i32
    %sign3A = arith.constant 0 : i32
    %sign3A_399 = arith.cmpi sgt, %scan3A_338, %sign3A : i32
    %sign3A_400 = arith.extui %sign3A_399 : i1 to i32
    %sign3A_401 = arith.constant 0 : i32
    %sign3A_402 = arith.cmpi slt, %scan3A_338, %sign3A_401 : i32
    %sign3A_403 = arith.extui %sign3A_402 : i1 to i32
    %sign3A_404 = arith.subi %sign3A_400, %sign3A_403 : i32
    %sign3A_405 = arith.constant 0 : i32
    %sign3A_406 = arith.cmpi sgt, %jit3A, %sign3A_405 : i32
    %sign3A_407 = arith.extui %sign3A_406 : i1 to i32
    %sign3A_408 = arith.constant 0 : i32
    %sign3A_409 = arith.cmpi slt, %jit3A, %sign3A_408 : i32
    %sign3A_410 = arith.extui %sign3A_409 : i1 to i32
    %sign3A_411 = arith.subi %sign3A_407, %sign3A_410 : i32
    %ne3A = arith.cmpi ne, %sign3A_404, %sign3A_411 : i32
    %rem3A = arith.remsi %scan3A_338, %jit3A : i32
    %ne3A_412 = arith.constant 0 : i32
    %ne3A_413 = arith.cmpi ne, %rem3A, %ne3A_412 : i32
    %and3A = arith.andi %ne3A, %ne3A_413 : i1
    %sub3A = arith.constant 1 : i32
    %sub3A_414 = arith.subi %div3A, %sub3A : i32
    %select_n3A = arith.select %and3A, %sub3A_414, %div3A : i32
    %add3A_415 = arith.constant 1 : i32
    %add3A_416 = arith.addi %select_n3A, %add3A_415 : i32
    %get3A = arith.constant 0 : index
    %get3A_417 = tpu.vector_load %arg15[%get3A] {strides = array<i32>} : memref<20080xi32, #tpu.memory_space<vmem>>, vector<16xi32>,
    %swap3A_418 = arith.constant 0 : index
    %swap3A_419 = tpu.vector_load %arg16[%swap3A_418] {strides = array<i32>} : memref<80xi32, #tpu.memory_space<vmem>>, vector<16xi32>,
    tpu.vector_store %arg16[%swap3A_418], %get3A_417 {strides = array<i32>} : memref<80xi32, #tpu.memory_space<vmem>>, vector<16xi32>,
    %get3A_420 = arith.constant 16 : index
    %get3A_421 = tpu.vector_load %arg15[%get3A_420] {strides = array<i32>} : memref<20080xi32, #tpu.memory_space<vmem>>, vector<16xi32>,
    %swap3A_422 = arith.constant 16 : index
    %swap3A_423 = tpu.vector_load %arg16[%swap3A_422] {strides = array<i32>} : memref<80xi32, #tpu.memory_space<vmem>>, vector<16xi32>,
    tpu.vector_store %arg16[%swap3A_422], %get3A_421 {strides = array<i32>} : memref<80xi32, #tpu.memory_space<vmem>>, vector<16xi32>,
    %get3A_424 = arith.constant 32 : index
    %get3A_425 = tpu.vector_load %arg15[%get3A_424] {strides = array<i32>} : memref<20080xi32, #tpu.memory_space<vmem>>, vector<16xi32>,
    %swap3A_426 = arith.constant 32 : index
    %swap3A_427 = tpu.vector_load %arg16[%swap3A_426] {strides = array<i32>} : memref<80xi32, #tpu.memory_space<vmem>>, vector<16xi32>,
    tpu.vector_store %arg16[%swap3A_426], %get3A_425 {strides = array<i32>} : memref<80xi32, #tpu.memory_space<vmem>>, vector<16xi32>,
    %get3A_428 = arith.constant 48 : index
    %get3A_429 = tpu.vector_load %arg15[%get3A_428] {strides = array<i32>} : memref<20080xi32, #tpu.memory_space<vmem>>, vector<16xi32>,
    %swap3A_430 = arith.constant 48 : index
    %swap3A_431 = tpu.vector_load %arg16[%swap3A_430] {strides = array<i32>} : memref<80xi32, #tpu.memory_space<vmem>>, vector<16xi32>,
    tpu.vector_store %arg16[%swap3A_430], %get3A_429 {strides = array<i32>} : memref<80xi32, #tpu.memory_space<vmem>>, vector<16xi32>,
    %get3A_432 = arith.constant 64 : index
    %get3A_433 = tpu.vector_load %arg15[%get3A_432] {strides = array<i32>} : memref<20080xi32, #tpu.memory_space<vmem>>, vector<16xi32>,
    %swap3A_434 = arith.constant 64 : index
    %swap3A_435 = tpu.vector_load %arg16[%swap3A_434] {strides = array<i32>} : memref<80xi32, #tpu.memory_space<vmem>>, vector<16xi32>,
    tpu.vector_store %arg16[%swap3A_434], %get3A_433 {strides = array<i32>} : memref<80xi32, #tpu.memory_space<vmem>>, vector<16xi32>,
    %dma_start3A_436 = arith.constant 0 : i32
    %dma_start3A_437 = arith.constant 0 : i32
    %dma_start3A_438 = tpu.memref_slice %arg14[%dma_start3A_437] : memref<20080xi32, #tpu.memory_space<vmem>> -> memref<80xi32, #tpu.memory_space<vmem>>
    %dma_start3A_439 = arith.constant 0 : i32
    %dma_start3A_440 = arith.constant 0 : i32
    %dma_start3A_441 = tpu.memref_slice %arg2[%dma_start3A_439, %dma_start3A_440] : memref<10000x128xf32, #tpu.memory_space<hbm>> -> memref<10000x128xf32, #tpu.memory_space<hbm>>
    %dma_start3A_442 = tpu.memref_slice %arg21[%dma_start3A_436] : memref<2x!tpu.dma_semaphore, #tpu.memory_space<semaphore_mem>> -> memref<1x!tpu.dma_semaphore, #tpu.memory_space<semaphore_mem>>
    %dma_start3A_443 = tpu.memref_squeeze %dma_start3A_442 : memref<1x!tpu.dma_semaphore, #tpu.memory_space<semaphore_mem>> -> memref<!tpu.dma_semaphore, #tpu.memory_space<semaphore_mem>>
    tpu.enqueue_indirect_dma source(%dma_start3A_441 : memref<10000x128xf32, #tpu.memory_space<hbm>>) target(%arg18 : memref<80x128xf32, #tpu.memory_space<vmem>>) offsets(%dma_start3A_438 : memref<80xi32, #tpu.memory_space<vmem>>) semaphore(%dma_start3A_443 : memref<!tpu.dma_semaphore, #tpu.memory_space<semaphore_mem>>)
    %jit3A_444 = arith.constant 2 : i32
    %div3A_445 = arith.divsi %add3A_416, %jit3A_444 : i32
    %sign3A_446 = arith.constant 0 : i32
    %sign3A_447 = arith.cmpi sgt, %add3A_416, %sign3A_446 : i32
    %sign3A_448 = arith.extui %sign3A_447 : i1 to i32
    %sign3A_449 = arith.constant 0 : i32
    %sign3A_450 = arith.cmpi slt, %add3A_416, %sign3A_449 : i32
    %sign3A_451 = arith.extui %sign3A_450 : i1 to i32
    %sign3A_452 = arith.subi %sign3A_448, %sign3A_451 : i32
    %sign3A_453 = arith.constant 0 : i32
    %sign3A_454 = arith.cmpi sgt, %jit3A_444, %sign3A_453 : i32
    %sign3A_455 = arith.extui %sign3A_454 : i1 to i32
    %sign3A_456 = arith.constant 0 : i32
    %sign3A_457 = arith.cmpi slt, %jit3A_444, %sign3A_456 : i32
    %sign3A_458 = arith.extui %sign3A_457 : i1 to i32
    %sign3A_459 = arith.subi %sign3A_455, %sign3A_458 : i32
    %ne3A_460 = arith.cmpi ne, %sign3A_452, %sign3A_459 : i32
    %rem3A_461 = arith.remsi %add3A_416, %jit3A_444 : i32
    %ne3A_462 = arith.constant 0 : i32
    %ne3A_463 = arith.cmpi ne, %rem3A_461, %ne3A_462 : i32
    %and3A_464 = arith.andi %ne3A_460, %ne3A_463 : i1
    %sub3A_465 = arith.constant 1 : i32
    %sub3A_466 = arith.subi %div3A_445, %sub3A_465 : i32
    %select_n3A_467 = arith.select %and3A_464, %sub3A_466, %div3A_445 : i32
    %while3A = arith.constant 0 : i32
    %while3A_468 = arith.constant 0 : i32
    %while3A_469 = arith.subi %select_n3A_467, %while3A_468 : i32
    %while3A_470 = arith.addi %while3A_468, %while3A_469 : i32
    %while3A_471 = arith.constant 1 : i32
    %while3A_472 = arith.divsi %while3A_469, %while3A_471 : i32
    %while3A_473 = arith.muli %while3A_472, %while3A_471 : i32
    %while3A_474 = arith.addi %while3A_468, %while3A_473 : i32
    %while3A_475 = arith.constant 1 : i32
    scf.for %while3A_516 = %while3A_468 to %while3A_474 step %while3A_475  : i32 {
      %mul3A_517 = arith.constant 2 : i32
      %mul3A_518 = arith.muli %mul3A_517, %while3A_516 : i32
      %sub3A_519 = arith.constant 2 : i32
      %sub3A_520 = arith.subi %add3A_416, %sub3A_519 : i32
      %le3A = arith.cmpi sle, %mul3A_518, %sub3A_520 : i32
      %convert_element_type3A_521 = arith.extui %le3A : i1 to i32
      %cond3A_522 = arith.constant 0 : i32
      %cond3A_523 = arith.cmpi ne, %convert_element_type3A_521, %cond3A_522 : i32
      scf.if %cond3A_523 {
        %ge3A_532 = arith.constant 1 : i32
        %ge3A_533 = arith.cmpi sge, %mul3A_518, %ge3A_532 : i32
        %convert_element_type3A_534 = arith.extui %ge3A_533 : i1 to i32
        %cond3A_535 = arith.constant 0 : i32
        %cond3A_536 = arith.cmpi ne, %convert_element_type3A_534, %cond3A_535 : i32
        scf.if %cond3A_536 {
          %dma_wait3A_559 = arith.constant 1 : i32
          %dma_wait3A_560 = arith.constant 0 : i32
          %dma_wait3A_561 = arith.constant 0 : i32
          %dma_wait3A_562 = tpu.memref_slice %arg8[%dma_wait3A_560, %dma_wait3A_561] : memref<5128x128xf32, #tpu.memory_space<vmem_shared>> -> memref<5128x128xf32, #tpu.memory_space<vmem_shared>>
          %dma_wait3A_563 = tpu.memref_slice %arg22[%dma_wait3A_559] : memref<2x!tpu.dma_semaphore, #tpu.memory_space<semaphore_mem>> -> memref<1x!tpu.dma_semaphore, #tpu.memory_space<semaphore_mem>>
          %dma_wait3A_564 = tpu.memref_squeeze %dma_wait3A_563 : memref<1x!tpu.dma_semaphore, #tpu.memory_space<semaphore_mem>> -> memref<!tpu.dma_semaphore, #tpu.memory_space<semaphore_mem>>
          tpu.wait_indirect_dma semaphore(%dma_wait3A_564 : memref<!tpu.dma_semaphore, #tpu.memory_space<semaphore_mem>>) src(%arg19 : memref<80x128xf32, #tpu.memory_space<vmem>>) dst(%dma_wait3A_562 : memref<5128x128xf32, #tpu.memory_space<vmem_shared>>)
        } else {
        }
        %add3A_537 = arith.constant 1 : i32
        %add3A_538 = arith.addi %mul3A_518, %add3A_537 : i32
        %sub3A_539 = arith.constant 1 : i32
        %sub3A_540 = arith.subi %add3A_416, %sub3A_539 : i32
        %le3A_541 = arith.cmpi sle, %add3A_538, %sub3A_540 : i32
        %convert_element_type3A_542 = arith.extui %le3A_541 : i1 to i32
        %cond3A_543 = arith.constant 0 : i32
        %cond3A_544 = arith.cmpi ne, %convert_element_type3A_542, %cond3A_543 : i32
        scf.if %cond3A_544 {
          %add3A_559 = arith.constant 1 : i32
          %add3A_560 = arith.addi %mul3A_518, %add3A_559 : i32
          %mul3A_561 = arith.constant 80 : i32
          %mul3A_562 = arith.muli %add3A_560, %mul3A_561 : i32
          %add3A_563 = arith.constant 0 : i32
          %add3A_564 = arith.addi %mul3A_562, %add3A_563 : i32
          %get3A_565 = arith.index_cast %add3A_564 : i32 to index
          %get3A_566 = tpu.vector_load %arg15[%get3A_565] {strides = array<i32>} : memref<20080xi32, #tpu.memory_space<vmem>>, vector<16xi32>,
          %swap3A_567 = arith.constant 0 : index
          %swap3A_568 = tpu.vector_load %arg17[%swap3A_567] {strides = array<i32>} : memref<80xi32, #tpu.memory_space<vmem>>, vector<16xi32>,
          tpu.vector_store %arg17[%swap3A_567], %get3A_566 {strides = array<i32>} : memref<80xi32, #tpu.memory_space<vmem>>, vector<16xi32>,
          %add3A_569 = arith.constant 16 : i32
          %add3A_570 = arith.addi %mul3A_562, %add3A_569 : i32
          %get3A_571 = arith.index_cast %add3A_570 : i32 to index
          %get3A_572 = tpu.vector_load %arg15[%get3A_571] {strides = array<i32>} : memref<20080xi32, #tpu.memory_space<vmem>>, vector<16xi32>,
          %swap3A_573 = arith.constant 16 : index
          %swap3A_574 = tpu.vector_load %arg17[%swap3A_573] {strides = array<i32>} : memref<80xi32, #tpu.memory_space<vmem>>, vector<16xi32>,
          tpu.vector_store %arg17[%swap3A_573], %get3A_572 {strides = array<i32>} : memref<80xi32, #tpu.memory_space<vmem>>, vector<16xi32>,
          %add3A_575 = arith.constant 32 : i32
          %add3A_576 = arith.addi %mul3A_562, %add3A_575 : i32
          %get3A_577 = arith.index_cast %add3A_576 : i32 to index
          %get3A_578 = tpu.vector_load %arg15[%get3A_577] {strides = array<i32>} : memref<20080xi32, #tpu.memory_space<vmem>>, vector<16xi32>,
          %swap3A_579 = arith.constant 32 : index
          %swap3A_580 = tpu.vector_load %arg17[%swap3A_579] {strides = array<i32>} : memref<80xi32, #tpu.memory_space<vmem>>, vector<16xi32>,
          tpu.vector_store %arg17[%swap3A_579], %get3A_578 {strides = array<i32>} : memref<80xi32, #tpu.memory_space<vmem>>, vector<16xi32>,
          %add3A_581 = arith.constant 48 : i32
          %add3A_582 = arith.addi %mul3A_562, %add3A_581 : i32
          %get3A_583 = arith.index_cast %add3A_582 : i32 to index
          %get3A_584 = tpu.vector_load %arg15[%get3A_583] {strides = array<i32>} : memref<20080xi32, #tpu.memory_space<vmem>>, vector<16xi32>,
          %swap3A_585 = arith.constant 48 : index
          %swap3A_586 = tpu.vector_load %arg17[%swap3A_585] {strides = array<i32>} : memref<80xi32, #tpu.memory_space<vmem>>, vector<16xi32>,
          tpu.vector_store %arg17[%swap3A_585], %get3A_584 {strides = array<i32>} : memref<80xi32, #tpu.memory_space<vmem>>, vector<16xi32>,
          %add3A_587 = arith.constant 64 : i32
          %add3A_588 = arith.addi %mul3A_562, %add3A_587 : i32
          %get3A_589 = arith.index_cast %add3A_588 : i32 to index
          %get3A_590 = tpu.vector_load %arg15[%get3A_589] {strides = array<i32>} : memref<20080xi32, #tpu.memory_space<vmem>>, vector<16xi32>,
          %swap3A_591 = arith.constant 64 : index
          %swap3A_592 = tpu.vector_load %arg17[%swap3A_591] {strides = array<i32>} : memref<80xi32, #tpu.memory_space<vmem>>, vector<16xi32>,
          tpu.vector_store %arg17[%swap3A_591], %get3A_590 {strides = array<i32>} : memref<80xi32, #tpu.memory_space<vmem>>, vector<16xi32>,
          %add3A_593 = arith.constant 1 : i32
          %add3A_594 = arith.addi %mul3A_518, %add3A_593 : i32
          %mul3A_595 = arith.constant 80 : i32
          %mul3A_596 = arith.muli %add3A_594, %mul3A_595 : i32
          %dma_start3A_597 = arith.constant 1 : i32
          %dma_start3A_598 = tpu.memref_slice %arg14[%mul3A_596] : memref<20080xi32, #tpu.memory_space<vmem>> -> memref<80xi32, #tpu.memory_space<vmem>>
          %dma_start3A_599 = arith.constant 0 : i32
          %dma_start3A_600 = arith.constant 0 : i32
          %dma_start3A_601 = tpu.memref_slice %arg2[%dma_start3A_599, %dma_start3A_600] : memref<10000x128xf32, #tpu.memory_space<hbm>> -> memref<10000x128xf32, #tpu.memory_space<hbm>>
          %dma_start3A_602 = tpu.memref_slice %arg21[%dma_start3A_597] : memref<2x!tpu.dma_semaphore, #tpu.memory_space<semaphore_mem>> -> memref<1x!tpu.dma_semaphore, #tpu.memory_space<semaphore_mem>>
          %dma_start3A_603 = tpu.memref_squeeze %dma_start3A_602 : memref<1x!tpu.dma_semaphore, #tpu.memory_space<semaphore_mem>> -> memref<!tpu.dma_semaphore, #tpu.memory_space<semaphore_mem>>
          tpu.enqueue_indirect_dma source(%dma_start3A_601 : memref<10000x128xf32, #tpu.memory_space<hbm>>) target(%arg19 : memref<80x128xf32, #tpu.memory_space<vmem>>) offsets(%dma_start3A_598 : memref<80xi32, #tpu.memory_space<vmem>>) semaphore(%dma_start3A_603 : memref<!tpu.dma_semaphore, #tpu.memory_space<semaphore_mem>>)
        } else {
        }
        %dma_wait3A_545 = arith.constant 0 : i32
        %dma_wait3A_546 = arith.constant 0 : i32
        %dma_wait3A_547 = tpu.memref_slice %arg14[%dma_wait3A_546] : memref<20080xi32, #tpu.memory_space<vmem>> -> memref<80xi32, #tpu.memory_space<vmem>>
        %dma_wait3A_548 = arith.constant 0 : i32
        %dma_wait3A_549 = arith.constant 0 : i32
        %dma_wait3A_550 = tpu.memref_slice %arg2[%dma_wait3A_548, %dma_wait3A_549] : memref<10000x128xf32, #tpu.memory_space<hbm>> -> memref<10000x128xf32, #tpu.memory_space<hbm>>
        %dma_wait3A_551 = tpu.memref_slice %arg21[%dma_wait3A_545] : memref<2x!tpu.dma_semaphore, #tpu.memory_space<semaphore_mem>> -> memref<1x!tpu.dma_semaphore, #tpu.memory_space<semaphore_mem>>
        %dma_wait3A_552 = tpu.memref_squeeze %dma_wait3A_551 : memref<1x!tpu.dma_semaphore, #tpu.memory_space<semaphore_mem>> -> memref<!tpu.dma_semaphore, #tpu.memory_space<semaphore_mem>>
        tpu.wait_indirect_dma semaphore(%dma_wait3A_552 : memref<!tpu.dma_semaphore, #tpu.memory_space<semaphore_mem>>) src(%dma_wait3A_550 : memref<10000x128xf32, #tpu.memory_space<hbm>>) dst(%arg18 : memref<80x128xf32, #tpu.memory_space<vmem>>)
        %dma_start3A_553 = arith.constant 0 : i32
        %dma_start3A_554 = arith.constant 0 : i32
        %dma_start3A_555 = arith.constant 0 : i32
        %dma_start3A_556 = tpu.memref_slice %arg8[%dma_start3A_554, %dma_start3A_555] : memref<5128x128xf32, #tpu.memory_space<vmem_shared>> -> memref<5128x128xf32, #tpu.memory_space<vmem_shared>>
        %dma_start3A_557 = tpu.memref_slice %arg22[%dma_start3A_553] : memref<2x!tpu.dma_semaphore, #tpu.memory_space<semaphore_mem>> -> memref<1x!tpu.dma_semaphore, #tpu.memory_space<semaphore_mem>>
        %dma_start3A_558 = tpu.memref_squeeze %dma_start3A_557 : memref<1x!tpu.dma_semaphore, #tpu.memory_space<semaphore_mem>> -> memref<!tpu.dma_semaphore, #tpu.memory_space<semaphore_mem>>
        tpu.enqueue_indirect_dma source(%arg18 : memref<80x128xf32, #tpu.memory_space<vmem>>) target(%dma_start3A_556 : memref<5128x128xf32, #tpu.memory_space<vmem_shared>>) offsets(%arg16 : memref<80xi32, #tpu.memory_space<vmem>>) semaphore(%dma_start3A_558 : memref<!tpu.dma_semaphore, #tpu.memory_space<semaphore_mem>>) {add = true}
      } else {
      }
      %add3A_524 = arith.constant 1 : i32
      %add3A_525 = arith.addi %mul3A_518, %add3A_524 : i32
      %sub3A_526 = arith.constant 2 : i32
      %sub3A_527 = arith.subi %add3A_416, %sub3A_526 : i32
      %le3A_528 = arith.cmpi sle, %add3A_525, %sub3A_527 : i32
      %convert_element_type3A_529 = arith.extui %le3A_528 : i1 to i32
      %cond3A_530 = arith.constant 0 : i32
      %cond3A_531 = arith.cmpi ne, %convert_element_type3A_529, %cond3A_530 : i32
      scf.if %cond3A_531 {
        %add3A_532 = arith.constant 1 : i32
        %add3A_533 = arith.addi %mul3A_518, %add3A_532 : i32
        %ge3A_534 = arith.constant 1 : i32
        %ge3A_535 = arith.cmpi sge, %add3A_533, %ge3A_534 : i32
        %convert_element_type3A_536 = arith.extui %ge3A_535 : i1 to i32
        %cond3A_537 = arith.constant 0 : i32
        %cond3A_538 = arith.cmpi ne, %convert_element_type3A_536, %cond3A_537 : i32
        scf.if %cond3A_538 {
          %dma_wait3A_561 = arith.constant 0 : i32
          %dma_wait3A_562 = arith.constant 0 : i32
          %dma_wait3A_563 = arith.constant 0 : i32
          %dma_wait3A_564 = tpu.memref_slice %arg8[%dma_wait3A_562, %dma_wait3A_563] : memref<5128x128xf32, #tpu.memory_space<vmem_shared>> -> memref<5128x128xf32, #tpu.memory_space<vmem_shared>>
          %dma_wait3A_565 = tpu.memref_slice %arg22[%dma_wait3A_561] : memref<2x!tpu.dma_semaphore, #tpu.memory_space<semaphore_mem>> -> memref<1x!tpu.dma_semaphore, #tpu.memory_space<semaphore_mem>>
          %dma_wait3A_566 = tpu.memref_squeeze %dma_wait3A_565 : memref<1x!tpu.dma_semaphore, #tpu.memory_space<semaphore_mem>> -> memref<!tpu.dma_semaphore, #tpu.memory_space<semaphore_mem>>
          tpu.wait_indirect_dma semaphore(%dma_wait3A_566 : memref<!tpu.dma_semaphore, #tpu.memory_space<semaphore_mem>>) src(%arg18 : memref<80x128xf32, #tpu.memory_space<vmem>>) dst(%dma_wait3A_564 : memref<5128x128xf32, #tpu.memory_space<vmem_shared>>)
        } else {
        }
        %add3A_539 = arith.constant 1 : i32
        %add3A_540 = arith.addi %add3A_533, %add3A_539 : i32
        %sub3A_541 = arith.constant 1 : i32
        %sub3A_542 = arith.subi %add3A_416, %sub3A_541 : i32
        %le3A_543 = arith.cmpi sle, %add3A_540, %sub3A_542 : i32
        %convert_element_type3A_544 = arith.extui %le3A_543 : i1 to i32
        %cond3A_545 = arith.constant 0 : i32
        %cond3A_546 = arith.cmpi ne, %convert_element_type3A_544, %cond3A_545 : i32
        scf.if %cond3A_546 {
          %add3A_561 = arith.constant 1 : i32
          %add3A_562 = arith.addi %add3A_533, %add3A_561 : i32
          %mul3A_563 = arith.constant 80 : i32
          %mul3A_564 = arith.muli %add3A_562, %mul3A_563 : i32
          %add3A_565 = arith.constant 0 : i32
          %add3A_566 = arith.addi %mul3A_564, %add3A_565 : i32
          %get3A_567 = arith.index_cast %add3A_566 : i32 to index
          %get3A_568 = tpu.vector_load %arg15[%get3A_567] {strides = array<i32>} : memref<20080xi32, #tpu.memory_space<vmem>>, vector<16xi32>,
          %swap3A_569 = arith.constant 0 : index
          %swap3A_570 = tpu.vector_load %arg16[%swap3A_569] {strides = array<i32>} : memref<80xi32, #tpu.memory_space<vmem>>, vector<16xi32>,
          tpu.vector_store %arg16[%swap3A_569], %get3A_568 {strides = array<i32>} : memref<80xi32, #tpu.memory_space<vmem>>, vector<16xi32>,
          %add3A_571 = arith.constant 16 : i32
          %add3A_572 = arith.addi %mul3A_564, %add3A_571 : i32
          %get3A_573 = arith.index_cast %add3A_572 : i32 to index
          %get3A_574 = tpu.vector_load %arg15[%get3A_573] {strides = array<i32>} : memref<20080xi32, #tpu.memory_space<vmem>>, vector<16xi32>,
          %swap3A_575 = arith.constant 16 : index
          %swap3A_576 = tpu.vector_load %arg16[%swap3A_575] {strides = array<i32>} : memref<80xi32, #tpu.memory_space<vmem>>, vector<16xi32>,
          tpu.vector_store %arg16[%swap3A_575], %get3A_574 {strides = array<i32>} : memref<80xi32, #tpu.memory_space<vmem>>, vector<16xi32>,
          %add3A_577 = arith.constant 32 : i32
          %add3A_578 = arith.addi %mul3A_564, %add3A_577 : i32
          %get3A_579 = arith.index_cast %add3A_578 : i32 to index
          %get3A_580 = tpu.vector_load %arg15[%get3A_579] {strides = array<i32>} : memref<20080xi32, #tpu.memory_space<vmem>>, vector<16xi32>,
          %swap3A_581 = arith.constant 32 : index
          %swap3A_582 = tpu.vector_load %arg16[%swap3A_581] {strides = array<i32>} : memref<80xi32, #tpu.memory_space<vmem>>, vector<16xi32>,
          tpu.vector_store %arg16[%swap3A_581], %get3A_580 {strides = array<i32>} : memref<80xi32, #tpu.memory_space<vmem>>, vector<16xi32>,
          %add3A_583 = arith.constant 48 : i32
          %add3A_584 = arith.addi %mul3A_564, %add3A_583 : i32
          %get3A_585 = arith.index_cast %add3A_584 : i32 to index
          %get3A_586 = tpu.vector_load %arg15[%get3A_585] {strides = array<i32>} : memref<20080xi32, #tpu.memory_space<vmem>>, vector<16xi32>,
          %swap3A_587 = arith.constant 48 : index
          %swap3A_588 = tpu.vector_load %arg16[%swap3A_587] {strides = array<i32>} : memref<80xi32, #tpu.memory_space<vmem>>, vector<16xi32>,
          tpu.vector_store %arg16[%swap3A_587], %get3A_586 {strides = array<i32>} : memref<80xi32, #tpu.memory_space<vmem>>, vector<16xi32>,
          %add3A_589 = arith.constant 64 : i32
          %add3A_590 = arith.addi %mul3A_564, %add3A_589 : i32
          %get3A_591 = arith.index_cast %add3A_590 : i32 to index
          %get3A_592 = tpu.vector_load %arg15[%get3A_591] {strides = array<i32>} : memref<20080xi32, #tpu.memory_space<vmem>>, vector<16xi32>,
          %swap3A_593 = arith.constant 64 : index
          %swap3A_594 = tpu.vector_load %arg16[%swap3A_593] {strides = array<i32>} : memref<80xi32, #tpu.memory_space<vmem>>, vector<16xi32>,
          tpu.vector_store %arg16[%swap3A_593], %get3A_592 {strides = array<i32>} : memref<80xi32, #tpu.memory_space<vmem>>, vector<16xi32>,
          %add3A_595 = arith.constant 1 : i32
          %add3A_596 = arith.addi %add3A_533, %add3A_595 : i32
          %mul3A_597 = arith.constant 80 : i32
          %mul3A_598 = arith.muli %add3A_596, %mul3A_597 : i32
          %dma_start3A_599 = arith.constant 0 : i32
          %dma_start3A_600 = tpu.memref_slice %arg14[%mul3A_598] : memref<20080xi32, #tpu.memory_space<vmem>> -> memref<80xi32, #tpu.memory_space<vmem>>
          %dma_start3A_601 = arith.constant 0 : i32
          %dma_start3A_602 = arith.constant 0 : i32
          %dma_start3A_603 = tpu.memref_slice %arg2[%dma_start3A_601, %dma_start3A_602] : memref<10000x128xf32, #tpu.memory_space<hbm>> -> memref<10000x128xf32, #tpu.memory_space<hbm>>
          %dma_start3A_604 = tpu.memref_slice %arg21[%dma_start3A_599] : memref<2x!tpu.dma_semaphore, #tpu.memory_space<semaphore_mem>> -> memref<1x!tpu.dma_semaphore, #tpu.memory_space<semaphore_mem>>
          %dma_start3A_605 = tpu.memref_squeeze %dma_start3A_604 : memref<1x!tpu.dma_semaphore, #tpu.memory_space<semaphore_mem>> -> memref<!tpu.dma_semaphore, #tpu.memory_space<semaphore_mem>>
          tpu.enqueue_indirect_dma source(%dma_start3A_603 : memref<10000x128xf32, #tpu.memory_space<hbm>>) target(%arg18 : memref<80x128xf32, #tpu.memory_space<vmem>>) offsets(%dma_start3A_600 : memref<80xi32, #tpu.memory_space<vmem>>) semaphore(%dma_start3A_605 : memref<!tpu.dma_semaphore, #tpu.memory_space<semaphore_mem>>)
        } else {
        }
        %dma_wait3A_547 = arith.constant 1 : i32
        %dma_wait3A_548 = arith.constant 0 : i32
        %dma_wait3A_549 = tpu.memref_slice %arg14[%dma_wait3A_548] : memref<20080xi32, #tpu.memory_space<vmem>> -> memref<80xi32, #tpu.memory_space<vmem>>
        %dma_wait3A_550 = arith.constant 0 : i32
        %dma_wait3A_551 = arith.constant 0 : i32
        %dma_wait3A_552 = tpu.memref_slice %arg2[%dma_wait3A_550, %dma_wait3A_551] : memref<10000x128xf32, #tpu.memory_space<hbm>> -> memref<10000x128xf32, #tpu.memory_space<hbm>>
        %dma_wait3A_553 = tpu.memref_slice %arg21[%dma_wait3A_547] : memref<2x!tpu.dma_semaphore, #tpu.memory_space<semaphore_mem>> -> memref<1x!tpu.dma_semaphore, #tpu.memory_space<semaphore_mem>>
        %dma_wait3A_554 = tpu.memref_squeeze %dma_wait3A_553 : memref<1x!tpu.dma_semaphore, #tpu.memory_space<semaphore_mem>> -> memref<!tpu.dma_semaphore, #tpu.memory_space<semaphore_mem>>
        tpu.wait_indirect_dma semaphore(%dma_wait3A_554 : memref<!tpu.dma_semaphore, #tpu.memory_space<semaphore_mem>>) src(%dma_wait3A_552 : memref<10000x128xf32, #tpu.memory_space<hbm>>) dst(%arg19 : memref<80x128xf32, #tpu.memory_space<vmem>>)
        %dma_start3A_555 = arith.constant 1 : i32
        %dma_start3A_556 = arith.constant 0 : i32
        %dma_start3A_557 = arith.constant 0 : i32
        %dma_start3A_558 = tpu.memref_slice %arg8[%dma_start3A_556, %dma_start3A_557] : memref<5128x128xf32, #tpu.memory_space<vmem_shared>> -> memref<5128x128xf32, #tpu.memory_space<vmem_shared>>
        %dma_start3A_559 = tpu.memref_slice %arg22[%dma_start3A_555] : memref<2x!tpu.dma_semaphore, #tpu.memory_space<semaphore_mem>> -> memref<1x!tpu.dma_semaphore, #tpu.memory_space<semaphore_mem>>
        %dma_start3A_560 = tpu.memref_squeeze %dma_start3A_559 : memref<1x!tpu.dma_semaphore, #tpu.memory_space<semaphore_mem>> -> memref<!tpu.dma_semaphore, #tpu.memory_space<semaphore_mem>>
        tpu.enqueue_indirect_dma source(%arg19 : memref<80x128xf32, #tpu.memory_space<vmem>>) target(%dma_start3A_558 : memref<5128x128xf32, #tpu.memory_space<vmem_shared>>) offsets(%arg17 : memref<80xi32, #tpu.memory_space<vmem>>) semaphore(%dma_start3A_560 : memref<!tpu.dma_semaphore, #tpu.memory_space<semaphore_mem>>) {add = true}
      } else {
      }
    }
    %while3A_476 = arith.constant 1 : i32
    scf.for %while3A_516 = %while3A_474 to %while3A_470 step %while3A_476  : i32 {
      %mul3A_517 = arith.constant 2 : i32
      %mul3A_518 = arith.muli %mul3A_517, %while3A_516 : i32
      %sub3A_519 = arith.constant 2 : i32
      %sub3A_520 = arith.subi %add3A_416, %sub3A_519 : i32
      %le3A = arith.cmpi sle, %mul3A_518, %sub3A_520 : i32
      %convert_element_type3A_521 = arith.extui %le3A : i1 to i32
      %cond3A_522 = arith.constant 0 : i32
      %cond3A_523 = arith.cmpi ne, %convert_element_type3A_521, %cond3A_522 : i32
      scf.if %cond3A_523 {
        %ge3A_532 = arith.constant 1 : i32
        %ge3A_533 = arith.cmpi sge, %mul3A_518, %ge3A_532 : i32
        %convert_element_type3A_534 = arith.extui %ge3A_533 : i1 to i32
        %cond3A_535 = arith.constant 0 : i32
        %cond3A_536 = arith.cmpi ne, %convert_element_type3A_534, %cond3A_535 : i32
        scf.if %cond3A_536 {
          %dma_wait3A_559 = arith.constant 1 : i32
          %dma_wait3A_560 = arith.constant 0 : i32
          %dma_wait3A_561 = arith.constant 0 : i32
          %dma_wait3A_562 = tpu.memref_slice %arg8[%dma_wait3A_560, %dma_wait3A_561] : memref<5128x128xf32, #tpu.memory_space<vmem_shared>> -> memref<5128x128xf32, #tpu.memory_space<vmem_shared>>
          %dma_wait3A_563 = tpu.memref_slice %arg22[%dma_wait3A_559] : memref<2x!tpu.dma_semaphore, #tpu.memory_space<semaphore_mem>> -> memref<1x!tpu.dma_semaphore, #tpu.memory_space<semaphore_mem>>
          %dma_wait3A_564 = tpu.memref_squeeze %dma_wait3A_563 : memref<1x!tpu.dma_semaphore, #tpu.memory_space<semaphore_mem>> -> memref<!tpu.dma_semaphore, #tpu.memory_space<semaphore_mem>>
          tpu.wait_indirect_dma semaphore(%dma_wait3A_564 : memref<!tpu.dma_semaphore, #tpu.memory_space<semaphore_mem>>) src(%arg19 : memref<80x128xf32, #tpu.memory_space<vmem>>) dst(%dma_wait3A_562 : memref<5128x128xf32, #tpu.memory_space<vmem_shared>>)
        } else {
        }
        %add3A_537 = arith.constant 1 : i32
        %add3A_538 = arith.addi %mul3A_518, %add3A_537 : i32
        %sub3A_539 = arith.constant 1 : i32
        %sub3A_540 = arith.subi %add3A_416, %sub3A_539 : i32
        %le3A_541 = arith.cmpi sle, %add3A_538, %sub3A_540 : i32
        %convert_element_type3A_542 = arith.extui %le3A_541 : i1 to i32
        %cond3A_543 = arith.constant 0 : i32
        %cond3A_544 = arith.cmpi ne, %convert_element_type3A_542, %cond3A_543 : i32
        scf.if %cond3A_544 {
          %add3A_559 = arith.constant 1 : i32
          %add3A_560 = arith.addi %mul3A_518, %add3A_559 : i32
          %mul3A_561 = arith.constant 80 : i32
          %mul3A_562 = arith.muli %add3A_560, %mul3A_561 : i32
          %add3A_563 = arith.constant 0 : i32
          %add3A_564 = arith.addi %mul3A_562, %add3A_563 : i32
          %get3A_565 = arith.index_cast %add3A_564 : i32 to index
          %get3A_566 = tpu.vector_load %arg15[%get3A_565] {strides = array<i32>} : memref<20080xi32, #tpu.memory_space<vmem>>, vector<16xi32>,
          %swap3A_567 = arith.constant 0 : index
          %swap3A_568 = tpu.vector_load %arg17[%swap3A_567] {strides = array<i32>} : memref<80xi32, #tpu.memory_space<vmem>>, vector<16xi32>,
          tpu.vector_store %arg17[%swap3A_567], %get3A_566 {strides = array<i32>} : memref<80xi32, #tpu.memory_space<vmem>>, vector<16xi32>,
          %add3A_569 = arith.constant 16 : i32
          %add3A_570 = arith.addi %mul3A_562, %add3A_569 : i32
          %get3A_571 = arith.index_cast %add3A_570 : i32 to index
          %get3A_572 = tpu.vector_load %arg15[%get3A_571] {strides = array<i32>} : memref<20080xi32, #tpu.memory_space<vmem>>, vector<16xi32>,
          %swap3A_573 = arith.constant 16 : index
          %swap3A_574 = tpu.vector_load %arg17[%swap3A_573] {strides = array<i32>} : memref<80xi32, #tpu.memory_space<vmem>>, vector<16xi32>,
          tpu.vector_store %arg17[%swap3A_573], %get3A_572 {strides = array<i32>} : memref<80xi32, #tpu.memory_space<vmem>>, vector<16xi32>,
          %add3A_575 = arith.constant 32 : i32
          %add3A_576 = arith.addi %mul3A_562, %add3A_575 : i32
          %get3A_577 = arith.index_cast %add3A_576 : i32 to index
          %get3A_578 = tpu.vector_load %arg15[%get3A_577] {strides = array<i32>} : memref<20080xi32, #tpu.memory_space<vmem>>, vector<16xi32>,
          %swap3A_579 = arith.constant 32 : index
          %swap3A_580 = tpu.vector_load %arg17[%swap3A_579] {strides = array<i32>} : memref<80xi32, #tpu.memory_space<vmem>>, vector<16xi32>,
          tpu.vector_store %arg17[%swap3A_579], %get3A_578 {strides = array<i32>} : memref<80xi32, #tpu.memory_space<vmem>>, vector<16xi32>,
          %add3A_581 = arith.constant 48 : i32
          %add3A_582 = arith.addi %mul3A_562, %add3A_581 : i32
          %get3A_583 = arith.index_cast %add3A_582 : i32 to index
          %get3A_584 = tpu.vector_load %arg15[%get3A_583] {strides = array<i32>} : memref<20080xi32, #tpu.memory_space<vmem>>, vector<16xi32>,
          %swap3A_585 = arith.constant 48 : index
          %swap3A_586 = tpu.vector_load %arg17[%swap3A_585] {strides = array<i32>} : memref<80xi32, #tpu.memory_space<vmem>>, vector<16xi32>,
          tpu.vector_store %arg17[%swap3A_585], %get3A_584 {strides = array<i32>} : memref<80xi32, #tpu.memory_space<vmem>>, vector<16xi32>,
          %add3A_587 = arith.constant 64 : i32
          %add3A_588 = arith.addi %mul3A_562, %add3A_587 : i32
          %get3A_589 = arith.index_cast %add3A_588 : i32 to index
          %get3A_590 = tpu.vector_load %arg15[%get3A_589] {strides = array<i32>} : memref<20080xi32, #tpu.memory_space<vmem>>, vector<16xi32>,
          %swap3A_591 = arith.constant 64 : index
          %swap3A_592 = tpu.vector_load %arg17[%swap3A_591] {strides = array<i32>} : memref<80xi32, #tpu.memory_space<vmem>>, vector<16xi32>,
          tpu.vector_store %arg17[%swap3A_591], %get3A_590 {strides = array<i32>} : memref<80xi32, #tpu.memory_space<vmem>>, vector<16xi32>,
          %add3A_593 = arith.constant 1 : i32
          %add3A_594 = arith.addi %mul3A_518, %add3A_593 : i32
          %mul3A_595 = arith.constant 80 : i32
          %mul3A_596 = arith.muli %add3A_594, %mul3A_595 : i32
          %dma_start3A_597 = arith.constant 1 : i32
          %dma_start3A_598 = tpu.memref_slice %arg14[%mul3A_596] : memref<20080xi32, #tpu.memory_space<vmem>> -> memref<80xi32, #tpu.memory_space<vmem>>
          %dma_start3A_599 = arith.constant 0 : i32
          %dma_start3A_600 = arith.constant 0 : i32
          %dma_start3A_601 = tpu.memref_slice %arg2[%dma_start3A_599, %dma_start3A_600] : memref<10000x128xf32, #tpu.memory_space<hbm>> -> memref<10000x128xf32, #tpu.memory_space<hbm>>
          %dma_start3A_602 = tpu.memref_slice %arg21[%dma_start3A_597] : memref<2x!tpu.dma_semaphore, #tpu.memory_space<semaphore_mem>> -> memref<1x!tpu.dma_semaphore, #tpu.memory_space<semaphore_mem>>
          %dma_start3A_603 = tpu.memref_squeeze %dma_start3A_602 : memref<1x!tpu.dma_semaphore, #tpu.memory_space<semaphore_mem>> -> memref<!tpu.dma_semaphore, #tpu.memory_space<semaphore_mem>>
          tpu.enqueue_indirect_dma source(%dma_start3A_601 : memref<10000x128xf32, #tpu.memory_space<hbm>>) target(%arg19 : memref<80x128xf32, #tpu.memory_space<vmem>>) offsets(%dma_start3A_598 : memref<80xi32, #tpu.memory_space<vmem>>) semaphore(%dma_start3A_603 : memref<!tpu.dma_semaphore, #tpu.memory_space<semaphore_mem>>)
        } else {
        }
        %dma_wait3A_545 = arith.constant 0 : i32
        %dma_wait3A_546 = arith.constant 0 : i32
        %dma_wait3A_547 = tpu.memref_slice %arg14[%dma_wait3A_546] : memref<20080xi32, #tpu.memory_space<vmem>> -> memref<80xi32, #tpu.memory_space<vmem>>
        %dma_wait3A_548 = arith.constant 0 : i32
        %dma_wait3A_549 = arith.constant 0 : i32
        %dma_wait3A_550 = tpu.memref_slice %arg2[%dma_wait3A_548, %dma_wait3A_549] : memref<10000x128xf32, #tpu.memory_space<hbm>> -> memref<10000x128xf32, #tpu.memory_space<hbm>>
        %dma_wait3A_551 = tpu.memref_slice %arg21[%dma_wait3A_545] : memref<2x!tpu.dma_semaphore, #tpu.memory_space<semaphore_mem>> -> memref<1x!tpu.dma_semaphore, #tpu.memory_space<semaphore_mem>>
        %dma_wait3A_552 = tpu.memref_squeeze %dma_wait3A_551 : memref<1x!tpu.dma_semaphore, #tpu.memory_space<semaphore_mem>> -> memref<!tpu.dma_semaphore, #tpu.memory_space<semaphore_mem>>
        tpu.wait_indirect_dma semaphore(%dma_wait3A_552 : memref<!tpu.dma_semaphore, #tpu.memory_space<semaphore_mem>>) src(%dma_wait3A_550 : memref<10000x128xf32, #tpu.memory_space<hbm>>) dst(%arg18 : memref<80x128xf32, #tpu.memory_space<vmem>>)
        %dma_start3A_553 = arith.constant 0 : i32
        %dma_start3A_554 = arith.constant 0 : i32
        %dma_start3A_555 = arith.constant 0 : i32
        %dma_start3A_556 = tpu.memref_slice %arg8[%dma_start3A_554, %dma_start3A_555] : memref<5128x128xf32, #tpu.memory_space<vmem_shared>> -> memref<5128x128xf32, #tpu.memory_space<vmem_shared>>
        %dma_start3A_557 = tpu.memref_slice %arg22[%dma_start3A_553] : memref<2x!tpu.dma_semaphore, #tpu.memory_space<semaphore_mem>> -> memref<1x!tpu.dma_semaphore, #tpu.memory_space<semaphore_mem>>
        %dma_start3A_558 = tpu.memref_squeeze %dma_start3A_557 : memref<1x!tpu.dma_semaphore, #tpu.memory_space<semaphore_mem>> -> memref<!tpu.dma_semaphore, #tpu.memory_space<semaphore_mem>>
        tpu.enqueue_indirect_dma source(%arg18 : memref<80x128xf32, #tpu.memory_space<vmem>>) target(%dma_start3A_556 : memref<5128x128xf32, #tpu.memory_space<vmem_shared>>) offsets(%arg16 : memref<80xi32, #tpu.memory_space<vmem>>) semaphore(%dma_start3A_558 : memref<!tpu.dma_semaphore, #tpu.memory_space<semaphore_mem>>) {add = true}
      } else {
      }
      %add3A_524 = arith.constant 1 : i32
      %add3A_525 = arith.addi %mul3A_518, %add3A_524 : i32
      %sub3A_526 = arith.constant 2 : i32
      %sub3A_527 = arith.subi %add3A_416, %sub3A_526 : i32
      %le3A_528 = arith.cmpi sle, %add3A_525, %sub3A_527 : i32
      %convert_element_type3A_529 = arith.extui %le3A_528 : i1 to i32
      %cond3A_530 = arith.constant 0 : i32
      %cond3A_531 = arith.cmpi ne, %convert_element_type3A_529, %cond3A_530 : i32
      scf.if %cond3A_531 {
        %add3A_532 = arith.constant 1 : i32
        %add3A_533 = arith.addi %mul3A_518, %add3A_532 : i32
        %ge3A_534 = arith.constant 1 : i32
        %ge3A_535 = arith.cmpi sge, %add3A_533, %ge3A_534 : i32
        %convert_element_type3A_536 = arith.extui %ge3A_535 : i1 to i32
        %cond3A_537 = arith.constant 0 : i32
        %cond3A_538 = arith.cmpi ne, %convert_element_type3A_536, %cond3A_537 : i32
        scf.if %cond3A_538 {
          %dma_wait3A_561 = arith.constant 0 : i32
          %dma_wait3A_562 = arith.constant 0 : i32
          %dma_wait3A_563 = arith.constant 0 : i32
          %dma_wait3A_564 = tpu.memref_slice %arg8[%dma_wait3A_562, %dma_wait3A_563] : memref<5128x128xf32, #tpu.memory_space<vmem_shared>> -> memref<5128x128xf32, #tpu.memory_space<vmem_shared>>
          %dma_wait3A_565 = tpu.memref_slice %arg22[%dma_wait3A_561] : memref<2x!tpu.dma_semaphore, #tpu.memory_space<semaphore_mem>> -> memref<1x!tpu.dma_semaphore, #tpu.memory_space<semaphore_mem>>
          %dma_wait3A_566 = tpu.memref_squeeze %dma_wait3A_565 : memref<1x!tpu.dma_semaphore, #tpu.memory_space<semaphore_mem>> -> memref<!tpu.dma_semaphore, #tpu.memory_space<semaphore_mem>>
          tpu.wait_indirect_dma semaphore(%dma_wait3A_566 : memref<!tpu.dma_semaphore, #tpu.memory_space<semaphore_mem>>) src(%arg18 : memref<80x128xf32, #tpu.memory_space<vmem>>) dst(%dma_wait3A_564 : memref<5128x128xf32, #tpu.memory_space<vmem_shared>>)
        } else {
        }
        %add3A_539 = arith.constant 1 : i32
        %add3A_540 = arith.addi %add3A_533, %add3A_539 : i32
        %sub3A_541 = arith.constant 1 : i32
        %sub3A_542 = arith.subi %add3A_416, %sub3A_541 : i32
        %le3A_543 = arith.cmpi sle, %add3A_540, %sub3A_542 : i32
        %convert_element_type3A_544 = arith.extui %le3A_543 : i1 to i32
        %cond3A_545 = arith.constant 0 : i32
        %cond3A_546 = arith.cmpi ne, %convert_element_type3A_544, %cond3A_545 : i32
        scf.if %cond3A_546 {
          %add3A_561 = arith.constant 1 : i32
          %add3A_562 = arith.addi %add3A_533, %add3A_561 : i32
          %mul3A_563 = arith.constant 80 : i32
          %mul3A_564 = arith.muli %add3A_562, %mul3A_563 : i32
          %add3A_565 = arith.constant 0 : i32
          %add3A_566 = arith.addi %mul3A_564, %add3A_565 : i32
          %get3A_567 = arith.index_cast %add3A_566 : i32 to index
          %get3A_568 = tpu.vector_load %arg15[%get3A_567] {strides = array<i32>} : memref<20080xi32, #tpu.memory_space<vmem>>, vector<16xi32>,
          %swap3A_569 = arith.constant 0 : index
          %swap3A_570 = tpu.vector_load %arg16[%swap3A_569] {strides = array<i32>} : memref<80xi32, #tpu.memory_space<vmem>>, vector<16xi32>,
          tpu.vector_store %arg16[%swap3A_569], %get3A_568 {strides = array<i32>} : memref<80xi32, #tpu.memory_space<vmem>>, vector<16xi32>,
          %add3A_571 = arith.constant 16 : i32
          %add3A_572 = arith.addi %mul3A_564, %add3A_571 : i32
          %get3A_573 = arith.index_cast %add3A_572 : i32 to index
          %get3A_574 = tpu.vector_load %arg15[%get3A_573] {strides = array<i32>} : memref<20080xi32, #tpu.memory_space<vmem>>, vector<16xi32>,
          %swap3A_575 = arith.constant 16 : index
          %swap3A_576 = tpu.vector_load %arg16[%swap3A_575] {strides = array<i32>} : memref<80xi32, #tpu.memory_space<vmem>>, vector<16xi32>,
          tpu.vector_store %arg16[%swap3A_575], %get3A_574 {strides = array<i32>} : memref<80xi32, #tpu.memory_space<vmem>>, vector<16xi32>,
          %add3A_577 = arith.constant 32 : i32
          %add3A_578 = arith.addi %mul3A_564, %add3A_577 : i32
          %get3A_579 = arith.index_cast %add3A_578 : i32 to index
          %get3A_580 = tpu.vector_load %arg15[%get3A_579] {strides = array<i32>} : memref<20080xi32, #tpu.memory_space<vmem>>, vector<16xi32>,
          %swap3A_581 = arith.constant 32 : index
          %swap3A_582 = tpu.vector_load %arg16[%swap3A_581] {strides = array<i32>} : memref<80xi32, #tpu.memory_space<vmem>>, vector<16xi32>,
          tpu.vector_store %arg16[%swap3A_581], %get3A_580 {strides = array<i32>} : memref<80xi32, #tpu.memory_space<vmem>>, vector<16xi32>,
          %add3A_583 = arith.constant 48 : i32
          %add3A_584 = arith.addi %mul3A_564, %add3A_583 : i32
          %get3A_585 = arith.index_cast %add3A_584 : i32 to index
          %get3A_586 = tpu.vector_load %arg15[%get3A_585] {strides = array<i32>} : memref<20080xi32, #tpu.memory_space<vmem>>, vector<16xi32>,
          %swap3A_587 = arith.constant 48 : index
          %swap3A_588 = tpu.vector_load %arg16[%swap3A_587] {strides = array<i32>} : memref<80xi32, #tpu.memory_space<vmem>>, vector<16xi32>,
          tpu.vector_store %arg16[%swap3A_587], %get3A_586 {strides = array<i32>} : memref<80xi32, #tpu.memory_space<vmem>>, vector<16xi32>,
          %add3A_589 = arith.constant 64 : i32
          %add3A_590 = arith.addi %mul3A_564, %add3A_589 : i32
          %get3A_591 = arith.index_cast %add3A_590 : i32 to index
          %get3A_592 = tpu.vector_load %arg15[%get3A_591] {strides = array<i32>} : memref<20080xi32, #tpu.memory_space<vmem>>, vector<16xi32>,
          %swap3A_593 = arith.constant 64 : index
          %swap3A_594 = tpu.vector_load %arg16[%swap3A_593] {strides = array<i32>} : memref<80xi32, #tpu.memory_space<vmem>>, vector<16xi32>,
          tpu.vector_store %arg16[%swap3A_593], %get3A_592 {strides = array<i32>} : memref<80xi32, #tpu.memory_space<vmem>>, vector<16xi32>,
          %add3A_595 = arith.constant 1 : i32
          %add3A_596 = arith.addi %add3A_533, %add3A_595 : i32
          %mul3A_597 = arith.constant 80 : i32
          %mul3A_598 = arith.muli %add3A_596, %mul3A_597 : i32
          %dma_start3A_599 = arith.constant 0 : i32
          %dma_start3A_600 = tpu.memref_slice %arg14[%mul3A_598] : memref<20080xi32, #tpu.memory_space<vmem>> -> memref<80xi32, #tpu.memory_space<vmem>>
          %dma_start3A_601 = arith.constant 0 : i32
          %dma_start3A_602 = arith.constant 0 : i32
          %dma_start3A_603 = tpu.memref_slice %arg2[%dma_start3A_601, %dma_start3A_602] : memref<10000x128xf32, #tpu.memory_space<hbm>> -> memref<10000x128xf32, #tpu.memory_space<hbm>>
          %dma_start3A_604 = tpu.memref_slice %arg21[%dma_start3A_599] : memref<2x!tpu.dma_semaphore, #tpu.memory_space<semaphore_mem>> -> memref<1x!tpu.dma_semaphore, #tpu.memory_space<semaphore_mem>>
          %dma_start3A_605 = tpu.memref_squeeze %dma_start3A_604 : memref<1x!tpu.dma_semaphore, #tpu.memory_space<semaphore_mem>> -> memref<!tpu.dma_semaphore, #tpu.memory_space<semaphore_mem>>
          tpu.enqueue_indirect_dma source(%dma_start3A_603 : memref<10000x128xf32, #tpu.memory_space<hbm>>) target(%arg18 : memref<80x128xf32, #tpu.memory_space<vmem>>) offsets(%dma_start3A_600 : memref<80xi32, #tpu.memory_space<vmem>>) semaphore(%dma_start3A_605 : memref<!tpu.dma_semaphore, #tpu.memory_space<semaphore_mem>>)
        } else {
        }
        %dma_wait3A_547 = arith.constant 1 : i32
        %dma_wait3A_548 = arith.constant 0 : i32
        %dma_wait3A_549 = tpu.memref_slice %arg14[%dma_wait3A_548] : memref<20080xi32, #tpu.memory_space<vmem>> -> memref<80xi32, #tpu.memory_space<vmem>>
        %dma_wait3A_550 = arith.constant 0 : i32
        %dma_wait3A_551 = arith.constant 0 : i32
        %dma_wait3A_552 = tpu.memref_slice %arg2[%dma_wait3A_550, %dma_wait3A_551] : memref<10000x128xf32, #tpu.memory_space<hbm>> -> memref<10000x128xf32, #tpu.memory_space<hbm>>
        %dma_wait3A_553 = tpu.memref_slice %arg21[%dma_wait3A_547] : memref<2x!tpu.dma_semaphore, #tpu.memory_space<semaphore_mem>> -> memref<1x!tpu.dma_semaphore, #tpu.memory_space<semaphore_mem>>
        %dma_wait3A_554 = tpu.memref_squeeze %dma_wait3A_553 : memref<1x!tpu.dma_semaphore, #tpu.memory_space<semaphore_mem>> -> memref<!tpu.dma_semaphore, #tpu.memory_space<semaphore_mem>>
        tpu.wait_indirect_dma semaphore(%dma_wait3A_554 : memref<!tpu.dma_semaphore, #tpu.memory_space<semaphore_mem>>) src(%dma_wait3A_552 : memref<10000x128xf32, #tpu.memory_space<hbm>>) dst(%arg19 : memref<80x128xf32, #tpu.memory_space<vmem>>)
        %dma_start3A_555 = arith.constant 1 : i32
        %dma_start3A_556 = arith.constant 0 : i32
        %dma_start3A_557 = arith.constant 0 : i32
        %dma_start3A_558 = tpu.memref_slice %arg8[%dma_start3A_556, %dma_start3A_557] : memref<5128x128xf32, #tpu.memory_space<vmem_shared>> -> memref<5128x128xf32, #tpu.memory_space<vmem_shared>>
        %dma_start3A_559 = tpu.memref_slice %arg22[%dma_start3A_555] : memref<2x!tpu.dma_semaphore, #tpu.memory_space<semaphore_mem>> -> memref<1x!tpu.dma_semaphore, #tpu.memory_space<semaphore_mem>>
        %dma_start3A_560 = tpu.memref_squeeze %dma_start3A_559 : memref<1x!tpu.dma_semaphore, #tpu.memory_space<semaphore_mem>> -> memref<!tpu.dma_semaphore, #tpu.memory_space<semaphore_mem>>
        tpu.enqueue_indirect_dma source(%arg19 : memref<80x128xf32, #tpu.memory_space<vmem>>) target(%dma_start3A_558 : memref<5128x128xf32, #tpu.memory_space<vmem_shared>>) offsets(%arg17 : memref<80xi32, #tpu.memory_space<vmem>>) semaphore(%dma_start3A_560 : memref<!tpu.dma_semaphore, #tpu.memory_space<semaphore_mem>>) {add = true}
      } else {
      }
    }
    %sub3A_477 = arith.constant 1 : i32
    %sub3A_478 = arith.subi %add3A_416, %sub3A_477 : i32
    %rem3A_479 = arith.constant 2 : i32
    %rem3A_480 = arith.remsi %sub3A_478, %rem3A_479 : i32
    %ge3A = arith.constant 2 : i32
    %ge3A_481 = arith.cmpi sge, %add3A_416, %ge3A : i32
    %eq3A = arith.constant 0 : i32
    %eq3A_482 = arith.cmpi eq, %rem3A_480, %eq3A : i32
    %and3A_483 = arith.andi %ge3A_481, %eq3A_482 : i1
    %convert_element_type3A = arith.extui %and3A_483 : i1 to i32
    %cond3A = arith.constant 0 : i32
    %cond3A_484 = arith.cmpi ne, %convert_element_type3A, %cond3A : i32
    scf.if %cond3A_484 {
      %dma_wait3A_516 = arith.constant 1 : i32
      %dma_wait3A_517 = arith.constant 0 : i32
      %dma_wait3A_518 = arith.constant 0 : i32
      %dma_wait3A_519 = tpu.memref_slice %arg8[%dma_wait3A_517, %dma_wait3A_518] : memref<5128x128xf32, #tpu.memory_space<vmem_shared>> -> memref<5128x128xf32, #tpu.memory_space<vmem_shared>>
      %dma_wait3A_520 = tpu.memref_slice %arg22[%dma_wait3A_516] : memref<2x!tpu.dma_semaphore, #tpu.memory_space<semaphore_mem>> -> memref<1x!tpu.dma_semaphore, #tpu.memory_space<semaphore_mem>>
      %dma_wait3A_521 = tpu.memref_squeeze %dma_wait3A_520 : memref<1x!tpu.dma_semaphore, #tpu.memory_space<semaphore_mem>> -> memref<!tpu.dma_semaphore, #tpu.memory_space<semaphore_mem>>
      tpu.wait_indirect_dma semaphore(%dma_wait3A_521 : memref<!tpu.dma_semaphore, #tpu.memory_space<semaphore_mem>>) src(%arg19 : memref<80x128xf32, #tpu.memory_space<vmem>>) dst(%dma_wait3A_519 : memref<5128x128xf32, #tpu.memory_space<vmem_shared>>)
    } else {
    }
    %ge3A_485 = arith.constant 2 : i32
    %ge3A_486 = arith.cmpi sge, %add3A_416, %ge3A_485 : i32
    %eq3A_487 = arith.constant 1 : i32
    %eq3A_488 = arith.cmpi eq, %rem3A_480, %eq3A_487 : i32
    %and3A_489 = arith.andi %ge3A_486, %eq3A_488 : i1
    %convert_element_type3A_490 = arith.extui %and3A_489 : i1 to i32
    %cond3A_491 = arith.constant 0 : i32
    %cond3A_492 = arith.cmpi ne, %convert_element_type3A_490, %cond3A_491 : i32
    scf.if %cond3A_492 {
      %dma_wait3A_516 = arith.constant 0 : i32
      %dma_wait3A_517 = arith.constant 0 : i32
      %dma_wait3A_518 = arith.constant 0 : i32
      %dma_wait3A_519 = tpu.memref_slice %arg8[%dma_wait3A_517, %dma_wait3A_518] : memref<5128x128xf32, #tpu.memory_space<vmem_shared>> -> memref<5128x128xf32, #tpu.memory_space<vmem_shared>>
      %dma_wait3A_520 = tpu.memref_slice %arg22[%dma_wait3A_516] : memref<2x!tpu.dma_semaphore, #tpu.memory_space<semaphore_mem>> -> memref<1x!tpu.dma_semaphore, #tpu.memory_space<semaphore_mem>>
      %dma_wait3A_521 = tpu.memref_squeeze %dma_wait3A_520 : memref<1x!tpu.dma_semaphore, #tpu.memory_space<semaphore_mem>> -> memref<!tpu.dma_semaphore, #tpu.memory_space<semaphore_mem>>
      tpu.wait_indirect_dma semaphore(%dma_wait3A_521 : memref<!tpu.dma_semaphore, #tpu.memory_space<semaphore_mem>>) src(%arg18 : memref<80x128xf32, #tpu.memory_space<vmem>>) dst(%dma_wait3A_519 : memref<5128x128xf32, #tpu.memory_space<vmem_shared>>)
    } else {
    }
    %eq3A_493 = arith.constant 0 : i32
    %eq3A_494 = arith.cmpi eq, %rem3A_480, %eq3A_493 : i32
    %convert_element_type3A_495 = arith.extui %eq3A_494 : i1 to i32
    %cond3A_496 = arith.constant 0 : i32
    %cond3A_497 = arith.cmpi ne, %convert_element_type3A_495, %cond3A_496 : i32
    scf.if %cond3A_497 {
      %dma_wait3A_516 = arith.constant 0 : i32
      %dma_wait3A_517 = arith.constant 0 : i32
      %dma_wait3A_518 = tpu.memref_slice %arg14[%dma_wait3A_517] : memref<20080xi32, #tpu.memory_space<vmem>> -> memref<80xi32, #tpu.memory_space<vmem>>
      %dma_wait3A_519 = arith.constant 0 : i32
      %dma_wait3A_520 = arith.constant 0 : i32
      %dma_wait3A_521 = tpu.memref_slice %arg2[%dma_wait3A_519, %dma_wait3A_520] : memref<10000x128xf32, #tpu.memory_space<hbm>> -> memref<10000x128xf32, #tpu.memory_space<hbm>>
      %dma_wait3A_522 = tpu.memref_slice %arg21[%dma_wait3A_516] : memref<2x!tpu.dma_semaphore, #tpu.memory_space<semaphore_mem>> -> memref<1x!tpu.dma_semaphore, #tpu.memory_space<semaphore_mem>>
      %dma_wait3A_523 = tpu.memref_squeeze %dma_wait3A_522 : memref<1x!tpu.dma_semaphore, #tpu.memory_space<semaphore_mem>> -> memref<!tpu.dma_semaphore, #tpu.memory_space<semaphore_mem>>
      tpu.wait_indirect_dma semaphore(%dma_wait3A_523 : memref<!tpu.dma_semaphore, #tpu.memory_space<semaphore_mem>>) src(%dma_wait3A_521 : memref<10000x128xf32, #tpu.memory_space<hbm>>) dst(%arg18 : memref<80x128xf32, #tpu.memory_space<vmem>>)
      %dma_start3A_524 = arith.constant 0 : i32
      %dma_start3A_525 = arith.constant 0 : i32
      %dma_start3A_526 = arith.constant 0 : i32
      %dma_start3A_527 = tpu.memref_slice %arg8[%dma_start3A_525, %dma_start3A_526] : memref<5128x128xf32, #tpu.memory_space<vmem_shared>> -> memref<5128x128xf32, #tpu.memory_space<vmem_shared>>
      %dma_start3A_528 = tpu.memref_slice %arg22[%dma_start3A_524] : memref<2x!tpu.dma_semaphore, #tpu.memory_space<semaphore_mem>> -> memref<1x!tpu.dma_semaphore, #tpu.memory_space<semaphore_mem>>
      %dma_start3A_529 = tpu.memref_squeeze %dma_start3A_528 : memref<1x!tpu.dma_semaphore, #tpu.memory_space<semaphore_mem>> -> memref<!tpu.dma_semaphore, #tpu.memory_space<semaphore_mem>>
      tpu.enqueue_indirect_dma source(%arg18 : memref<80x128xf32, #tpu.memory_space<vmem>>) target(%dma_start3A_527 : memref<5128x128xf32, #tpu.memory_space<vmem_shared>>) offsets(%arg16 : memref<80xi32, #tpu.memory_space<vmem>>) semaphore(%dma_start3A_529 : memref<!tpu.dma_semaphore, #tpu.memory_space<semaphore_mem>>) {add = true}
      %dma_wait3A_530 = arith.constant 0 : i32
      %dma_wait3A_531 = arith.constant 0 : i32
      %dma_wait3A_532 = arith.constant 0 : i32
      %dma_wait3A_533 = tpu.memref_slice %arg8[%dma_wait3A_531, %dma_wait3A_532] : memref<5128x128xf32, #tpu.memory_space<vmem_shared>> -> memref<5128x128xf32, #tpu.memory_space<vmem_shared>>
      %dma_wait3A_534 = tpu.memref_slice %arg22[%dma_wait3A_530] : memref<2x!tpu.dma_semaphore, #tpu.memory_space<semaphore_mem>> -> memref<1x!tpu.dma_semaphore, #tpu.memory_space<semaphore_mem>>
      %dma_wait3A_535 = tpu.memref_squeeze %dma_wait3A_534 : memref<1x!tpu.dma_semaphore, #tpu.memory_space<semaphore_mem>> -> memref<!tpu.dma_semaphore, #tpu.memory_space<semaphore_mem>>
      tpu.wait_indirect_dma semaphore(%dma_wait3A_535 : memref<!tpu.dma_semaphore, #tpu.memory_space<semaphore_mem>>) src(%arg18 : memref<80x128xf32, #tpu.memory_space<vmem>>) dst(%dma_wait3A_533 : memref<5128x128xf32, #tpu.memory_space<vmem_shared>>)
    } else {
    }
    %eq3A_498 = arith.constant 1 : i32
    %eq3A_499 = arith.cmpi eq, %rem3A_480, %eq3A_498 : i32
    %convert_element_type3A_500 = arith.extui %eq3A_499 : i1 to i32
    %cond3A_501 = arith.constant 0 : i32
    %cond3A_502 = arith.cmpi ne, %convert_element_type3A_500, %cond3A_501 : i32
    scf.if %cond3A_502 {
      %dma_wait3A_516 = arith.constant 1 : i32
      %dma_wait3A_517 = arith.constant 0 : i32
      %dma_wait3A_518 = tpu.memref_slice %arg14[%dma_wait3A_517] : memref<20080xi32, #tpu.memory_space<vmem>> -> memref<80xi32, #tpu.memory_space<vmem>>
      %dma_wait3A_519 = arith.constant 0 : i32
      %dma_wait3A_520 = arith.constant 0 : i32
      %dma_wait3A_521 = tpu.memref_slice %arg2[%dma_wait3A_519, %dma_wait3A_520] : memref<10000x128xf32, #tpu.memory_space<hbm>> -> memref<10000x128xf32, #tpu.memory_space<hbm>>
      %dma_wait3A_522 = tpu.memref_slice %arg21[%dma_wait3A_516] : memref<2x!tpu.dma_semaphore, #tpu.memory_space<semaphore_mem>> -> memref<1x!tpu.dma_semaphore, #tpu.memory_space<semaphore_mem>>
      %dma_wait3A_523 = tpu.memref_squeeze %dma_wait3A_522 : memref<1x!tpu.dma_semaphore, #tpu.memory_space<semaphore_mem>> -> memref<!tpu.dma_semaphore, #tpu.memory_space<semaphore_mem>>
      tpu.wait_indirect_dma semaphore(%dma_wait3A_523 : memref<!tpu.dma_semaphore, #tpu.memory_space<semaphore_mem>>) src(%dma_wait3A_521 : memref<10000x128xf32, #tpu.memory_space<hbm>>) dst(%arg19 : memref<80x128xf32, #tpu.memory_space<vmem>>)
      %dma_start3A_524 = arith.constant 1 : i32
      %dma_start3A_525 = arith.constant 0 : i32
      %dma_start3A_526 = arith.constant 0 : i32
      %dma_start3A_527 = tpu.memref_slice %arg8[%dma_start3A_525, %dma_start3A_526] : memref<5128x128xf32, #tpu.memory_space<vmem_shared>> -> memref<5128x128xf32, #tpu.memory_space<vmem_shared>>
      %dma_start3A_528 = tpu.memref_slice %arg22[%dma_start3A_524] : memref<2x!tpu.dma_semaphore, #tpu.memory_space<semaphore_mem>> -> memref<1x!tpu.dma_semaphore, #tpu.memory_space<semaphore_mem>>
      %dma_start3A_529 = tpu.memref_squeeze %dma_start3A_528 : memref<1x!tpu.dma_semaphore, #tpu.memory_space<semaphore_mem>> -> memref<!tpu.dma_semaphore, #tpu.memory_space<semaphore_mem>>
      tpu.enqueue_indirect_dma source(%arg19 : memref<80x128xf32, #tpu.memory_space<vmem>>) target(%dma_start3A_527 : memref<5128x128xf32, #tpu.memory_space<vmem_shared>>) offsets(%arg17 : memref<80xi32, #tpu.memory_space<vmem>>) semaphore(%dma_start3A_529 : memref<!tpu.dma_semaphore, #tpu.memory_space<semaphore_mem>>) {add = true}
      %dma_wait3A_530 = arith.constant 1 : i32
      %dma_wait3A_531 = arith.constant 0 : i32
      %dma_wait3A_532 = arith.constant 0 : i32
      %dma_wait3A_533 = tpu.memref_slice %arg8[%dma_wait3A_531, %dma_wait3A_532] : memref<5128x128xf32, #tpu.memory_space<vmem_shared>> -> memref<5128x128xf32, #tpu.memory_space<vmem_shared>>
      %dma_wait3A_534 = tpu.memref_slice %arg22[%dma_wait3A_530] : memref<2x!tpu.dma_semaphore, #tpu.memory_space<semaphore_mem>> -> memref<1x!tpu.dma_semaphore, #tpu.memory_space<semaphore_mem>>
      %dma_wait3A_535 = tpu.memref_squeeze %dma_wait3A_534 : memref<1x!tpu.dma_semaphore, #tpu.memory_space<semaphore_mem>> -> memref<!tpu.dma_semaphore, #tpu.memory_space<semaphore_mem>>
      tpu.wait_indirect_dma semaphore(%dma_wait3A_535 : memref<!tpu.dma_semaphore, #tpu.memory_space<semaphore_mem>>) src(%arg19 : memref<80x128xf32, #tpu.memory_space<vmem>>) dst(%dma_wait3A_533 : memref<5128x128xf32, #tpu.memory_space<vmem_shared>>)
    } else {
    }
    %barrier3A_503 = arith.constant 0 : index
    tpu.barrier barrier_id(%barrier3A_503)
    %mul3A_504 = arith.constant 5120 : i32
    %mul3A_505 = arith.muli %arg0, %mul3A_504 : i32
    %mul3A_506 = arith.constant 320 : i32
    %mul3A_507 = arith.muli %arg1, %mul3A_506 : i32
    %add3A_508 = arith.addi %mul3A_505, %mul3A_507 : i32
    %multiple_of3A_509 = tpu.assume_multiple %add3A_508, 320 : i32
    "tpu.region"() ({
      %run_scoped3A = tpu.sem_alloc : memref<!tpu.dma_semaphore, #tpu.memory_space<semaphore_mem>>
      %dma_start3A_516 = arith.constant 0 : i32
      %dma_start3A_517 = tpu.memref_slice %arg6[%multiple_of3A_509, %dma_start3A_516] : memref<10240x128xf32, #tpu.memory_space<hbm>> -> memref<320x128xf32, #tpu.memory_space<hbm>>
      %dma_start3A_518 = arith.constant 0 : i32
      %dma_start3A_519 = tpu.memref_slice %arg8[%multiple_of3A, %dma_start3A_518] : memref<5128x128xf32, #tpu.memory_space<vmem_shared>> -> memref<320x128xf32, #tpu.memory_space<vmem_shared>>
      tpu.enqueue_dma source(%dma_start3A_519 : memref<320x128xf32, #tpu.memory_space<vmem_shared>>) target(%dma_start3A_517 : memref<320x128xf32, #tpu.memory_space<hbm>>) target_semaphore(%run_scoped3A : memref<!tpu.dma_semaphore, #tpu.memory_space<semaphore_mem>>)
      %dma_wait3A_520 = arith.constant 0 : i32
      %dma_wait3A_521 = tpu.memref_slice %arg6[%multiple_of3A_509, %dma_wait3A_520] : memref<10240x128xf32, #tpu.memory_space<hbm>> -> memref<320x128xf32, #tpu.memory_space<hbm>>
      %dma_wait3A_522 = arith.constant 0 : i32
      %dma_wait3A_523 = tpu.memref_slice %arg8[%multiple_of3A, %dma_wait3A_522] : memref<5128x128xf32, #tpu.memory_space<vmem_shared>> -> memref<320x128xf32, #tpu.memory_space<vmem_shared>>
      tpu.wait_dma2 semaphore(%run_scoped3A : memref<!tpu.dma_semaphore, #tpu.memory_space<semaphore_mem>>) src(%dma_wait3A_523 : memref<320x128xf32, #tpu.memory_space<vmem_shared>>) dst(%dma_wait3A_521 : memref<320x128xf32, #tpu.memory_space<hbm>>)
      tpu.yield
    }) : () -> ()
    %mul3A_510 = arith.constant 16 : i32
    %mul3A_511 = arith.muli %arg0, %mul3A_510 : i32
    %add3A_512 = arith.addi %mul3A_511, %arg1 : i32
    %mul3A_513 = arith.constant 5136 : i32
    %mul3A_514 = arith.muli %add3A_512, %mul3A_513 : i32
    %multiple_of3A_515 = tpu.assume_multiple %mul3A_514, 16 : i32
    "tpu.region"() ({
      %run_scoped3A = tpu.sem_alloc : memref<!tpu.dma_semaphore, #tpu.memory_space<semaphore_mem>>
      %dma_start3A_516 = tpu.memref_slice %arg7[%multiple_of3A_515] : memref<164352xf32, #tpu.memory_space<hbm>> -> memref<5136xf32, #tpu.memory_space<hbm>>
      %dma_start3A_517 = tpu.memref_slice %arg7[%multiple_of3A_515] : memref<164352xf32, #tpu.memory_space<hbm>> -> memref<5136xf32, #tpu.memory_space<hbm>>
      tpu.enqueue_dma source(%arg9 : memref<5136xf32, #tpu.memory_space<vmem>>) target(%dma_start3A_517 : memref<5136xf32, #tpu.memory_space<hbm>>) target_semaphore(%run_scoped3A : memref<!tpu.dma_semaphore, #tpu.memory_space<semaphore_mem>>)
      %dma_wait3A_518 = tpu.memref_slice %arg7[%multiple_of3A_515] : memref<164352xf32, #tpu.memory_space<hbm>> -> memref<5136xf32, #tpu.memory_space<hbm>>
      %dma_wait3A_519 = tpu.memref_slice %arg7[%multiple_of3A_515] : memref<164352xf32, #tpu.memory_space<hbm>> -> memref<5136xf32, #tpu.memory_space<hbm>>
      tpu.wait_dma2 semaphore(%run_scoped3A : memref<!tpu.dma_semaphore, #tpu.memory_space<semaphore_mem>>) src(%arg9 : memref<5136xf32, #tpu.memory_space<vmem>>) dst(%dma_wait3A_519 : memref<5136xf32, #tpu.memory_space<hbm>>)
      tpu.yield
    }) : () -> ()
    return
  }
}

module attributes {stable_mosaic.version = 14 : i64} {
  func.func @_mm2_body(%arg0: i32, %arg1: memref<2000x128xf32, #tpu.memory_space<vmem>>, %arg2: memref<128x128xf32, #tpu.memory_space<vmem>>, %arg3: memref<128x128xf32, #tpu.memory_space<vmem>>, %arg4: memref<2000x128xf32, #tpu.memory_space<vmem>>, %arg5: memref<2000x128xf32, #tpu.memory_space<vmem>>) attributes {dimension_semantics = [#tpu.dimension_semantics<arbitrary>], iteration_bounds = array<i64: 5>, scalar_prefetch = 0 : i64, scratch_operands = 0 : i64, tpu.core_type = #tpu.core_type<tc>, window_params = [{transform_indices = @transform_0, window_bounds = array<i64: 2000, 128>}, {pipeline_mode = #tpu.pipeline_mode<synchronous>, transform_indices = @transform_1, window_bounds = array<i64: 128, 128>}, {pipeline_mode = #tpu.pipeline_mode<synchronous>, transform_indices = @transform_2, window_bounds = array<i64: 128, 128>}, {transform_indices = @transform_3, window_bounds = array<i64: 2000, 128>}, {transform_indices = @transform_4, window_bounds = array<i64: 2000, 128>}]} {
    %get3A = arith.constant 0 : index
    %get3A_0 = arith.constant 0 : index
    %get3A_1 = vector.load %arg1[%get3A, %get3A_0] : memref<2000x128xf32, #tpu.memory_space<vmem>>, vector<2000x128xf32>
    %get3A_2 = arith.constant 0 : index
    %get3A_3 = arith.constant 0 : index
    %get3A_4 = vector.load %arg2[%get3A_2, %get3A_3] : memref<128x128xf32, #tpu.memory_space<vmem>>, vector<128x128xf32>
    %dot_general3A = arith.constant dense<0.000000e+00> : vector<2000x128xf32>
    %dot_general3A_5 = tpu.matmul %get3A_1, %get3A_4, %dot_general3A {dimension_numbers = #tpu.dot_dimension_numbers<[1], [1], [0], [0], [0, 0, 1, 0], [], []>, transpose_lhs_hint = false} : vector<2000x128xf32>, vector<128x128xf32>, vector<2000x128xf32> -> vector<2000x128xf32>
    %swap3A = arith.constant 0 : index
    %swap3A_6 = arith.constant 0 : index
    %swap3A_7 = vector.load %arg4[%swap3A, %swap3A_6] : memref<2000x128xf32, #tpu.memory_space<vmem>>, vector<2000x128xf32>
    tpu.vector_store %arg4[%swap3A, %swap3A_6], %dot_general3A_5 {strides = array<i32>} : memref<2000x128xf32, #tpu.memory_space<vmem>>, vector<2000x128xf32>,
    %get3A_8 = arith.constant 0 : index
    %get3A_9 = arith.constant 0 : index
    %get3A_10 = vector.load %arg3[%get3A_8, %get3A_9] : memref<128x128xf32, #tpu.memory_space<vmem>>, vector<128x128xf32>
    %dot_general3A_11 = arith.constant dense<0.000000e+00> : vector<2000x128xf32>
    %dot_general3A_12 = tpu.matmul %get3A_1, %get3A_10, %dot_general3A_11 {dimension_numbers = #tpu.dot_dimension_numbers<[1], [1], [0], [0], [0, 0, 1, 0], [], []>, transpose_lhs_hint = false} : vector<2000x128xf32>, vector<128x128xf32>, vector<2000x128xf32> -> vector<2000x128xf32>
    %swap3A_13 = arith.constant 0 : index
    %swap3A_14 = arith.constant 0 : index
    %swap3A_15 = vector.load %arg5[%swap3A_13, %swap3A_14] : memref<2000x128xf32, #tpu.memory_space<vmem>>, vector<2000x128xf32>
    tpu.vector_store %arg5[%swap3A_13, %swap3A_14], %dot_general3A_12 {strides = array<i32>} : memref<2000x128xf32, #tpu.memory_space<vmem>>, vector<2000x128xf32>,
    return
  }
  func.func @transform_0(%arg0: i32) -> (i32, i32) {
    %c0_i32 = arith.constant 0 : i32
    %c0_i32_0 = arith.constant 0 : i32
    return %arg0, %c0_i32 : i32, i32
  }
  func.func @transform_1(%arg0: i32) -> (i32, i32) {
    %c0_i32 = arith.constant 0 : i32
    %c0_i32_0 = arith.constant 0 : i32
    %c0_i32_1 = arith.constant 0 : i32
    return %c0_i32, %c0_i32_0 : i32, i32
  }
  func.func @transform_2(%arg0: i32) -> (i32, i32) {
    %c0_i32 = arith.constant 0 : i32
    %c0_i32_0 = arith.constant 0 : i32
    %c0_i32_1 = arith.constant 0 : i32
    return %c0_i32, %c0_i32_0 : i32, i32
  }
  func.func @transform_3(%arg0: i32) -> (i32, i32) {
    %c0_i32 = arith.constant 0 : i32
    %c0_i32_0 = arith.constant 0 : i32
    return %arg0, %c0_i32 : i32, i32
  }
  func.func @transform_4(%arg0: i32) -> (i32, i32) {
    %c0_i32 = arith.constant 0 : i32
    %c0_i32_0 = arith.constant 0 : i32
    return %arg0, %c0_i32 : i32, i32
  }
}

module attributes {stable_mosaic.version = 14 : i64} {
  func.func @_mid_body(%arg0: i32, %arg1: memref<2000x128xf32, #tpu.memory_space<vmem>>, %arg2: memref<2000x16xf32, #tpu.memory_space<vmem>>, %arg3: memref<1x128xf32, #tpu.memory_space<vmem>>, %arg4: memref<2000x128xf32, #tpu.memory_space<vmem>>, %arg5: memref<128x128xf32, #tpu.memory_space<vmem>>, %arg6: memref<128x128xf32, #tpu.memory_space<vmem>>, %arg7: memref<2000x128xf32, #tpu.memory_space<vmem>>, %arg8: memref<2000x128xf32, #tpu.memory_space<vmem>>) attributes {dimension_semantics = [#tpu.dimension_semantics<arbitrary>], iteration_bounds = array<i64: 5>, scalar_prefetch = 0 : i64, scratch_operands = 0 : i64, tpu.core_type = #tpu.core_type<tc>, window_params = [{transform_indices = @transform_0, window_bounds = array<i64: 2000, 128>}, {transform_indices = @transform_1, window_bounds = array<i64: 2000, 16>}, {pipeline_mode = #tpu.pipeline_mode<synchronous>, transform_indices = @transform_2, window_bounds = array<i64: 1, 128>}, {transform_indices = @transform_3, window_bounds = array<i64: 2000, 128>}, {pipeline_mode = #tpu.pipeline_mode<synchronous>, transform_indices = @transform_4, window_bounds = array<i64: 128, 128>}, {pipeline_mode = #tpu.pipeline_mode<synchronous>, transform_indices = @transform_5, window_bounds = array<i64: 128, 128>}, {transform_indices = @transform_6, window_bounds = array<i64: 2000, 128>}, {transform_indices = @transform_7, window_bounds = array<i64: 2000, 128>}]} {
    %get3A = arith.constant 0 : index
    %get3A_0 = arith.constant 0 : index
    %get3A_1 = vector.load %arg2[%get3A, %get3A_0] : memref<2000x16xf32, #tpu.memory_space<vmem>>, vector<2000x16xf32>
    %reduce_sum3A = arith.constant dense<0.000000e+00> : vector<2000xf32>
    %reduce_sum3A_2 = vector.multi_reduction <add>, %get3A_1, %reduce_sum3A [1] : vector<2000x16xf32> to vector<2000xf32>
    %broadcast_in_dim3A = vector.shape_cast %reduce_sum3A_2 : vector<2000xf32> to vector<2000x1xf32>
    %max3A = arith.constant 1.000000e+00 : f32
    %max3A_3 = vector.broadcast %max3A : f32 to vector<2000x1xf32>
    %max3A_4 = arith.maximumf %broadcast_in_dim3A, %max3A_3 : vector<2000x1xf32>
    %div3A = arith.constant 1.000000e+00 : f32
    %div3A_5 = vector.broadcast %div3A : f32 to vector<2000x1xf32>
    %div3A_6 = arith.divf %div3A_5, %max3A_4 : vector<2000x1xf32>
    %get3A_7 = arith.constant 0 : index
    %get3A_8 = arith.constant 0 : index
    %get3A_9 = vector.load %arg1[%get3A_7, %get3A_8] : memref<2000x128xf32, #tpu.memory_space<vmem>>, vector<2000x128xf32>
    %mul3A = vector.broadcast %div3A_6 : vector<2000x1xf32> to vector<2000x128xf32>
    %mul3A_10 = arith.mulf %get3A_9, %mul3A : vector<2000x128xf32>
    %get3A_11 = arith.constant 0 : index
    %get3A_12 = arith.constant 0 : index
    %get3A_13 = vector.load %arg3[%get3A_11, %get3A_12] : memref<1x128xf32, #tpu.memory_space<vmem>>, vector<1x128xf32>
    %add3A = vector.broadcast %get3A_13 : vector<1x128xf32> to vector<2000x128xf32>
    %add3A_14 = arith.addf %mul3A_10, %add3A : vector<2000x128xf32>
    %get3A_15 = arith.constant 0 : index
    %get3A_16 = arith.constant 0 : index
    %get3A_17 = vector.load %arg4[%get3A_15, %get3A_16] : memref<2000x128xf32, #tpu.memory_space<vmem>>, vector<2000x128xf32>
    %add3A_18 = arith.addf %add3A_14, %get3A_17 : vector<2000x128xf32>
    %max3A_19 = arith.constant 0.000000e+00 : f32
    %max3A_20 = vector.broadcast %max3A_19 : f32 to vector<2000x128xf32>
    %max3A_21 = arith.maximumf %add3A_18, %max3A_20 : vector<2000x128xf32>
    %get3A_22 = arith.constant 0 : index
    %get3A_23 = arith.constant 0 : index
    %get3A_24 = vector.load %arg5[%get3A_22, %get3A_23] : memref<128x128xf32, #tpu.memory_space<vmem>>, vector<128x128xf32>
    %dot_general3A = arith.constant dense<0.000000e+00> : vector<2000x128xf32>
    %dot_general3A_25 = tpu.matmul %max3A_21, %get3A_24, %dot_general3A {dimension_numbers = #tpu.dot_dimension_numbers<[1], [1], [0], [0], [0, 0, 1, 0], [], []>, transpose_lhs_hint = false} : vector<2000x128xf32>, vector<128x128xf32>, vector<2000x128xf32> -> vector<2000x128xf32>
    %swap3A = arith.constant 0 : index
    %swap3A_26 = arith.constant 0 : index
    %swap3A_27 = vector.load %arg7[%swap3A, %swap3A_26] : memref<2000x128xf32, #tpu.memory_space<vmem>>, vector<2000x128xf32>
    tpu.vector_store %arg7[%swap3A, %swap3A_26], %dot_general3A_25 {strides = array<i32>} : memref<2000x128xf32, #tpu.memory_space<vmem>>, vector<2000x128xf32>,
    %get3A_28 = arith.constant 0 : index
    %get3A_29 = arith.constant 0 : index
    %get3A_30 = vector.load %arg6[%get3A_28, %get3A_29] : memref<128x128xf32, #tpu.memory_space<vmem>>, vector<128x128xf32>
    %dot_general3A_31 = arith.constant dense<0.000000e+00> : vector<2000x128xf32>
    %dot_general3A_32 = tpu.matmul %max3A_21, %get3A_30, %dot_general3A_31 {dimension_numbers = #tpu.dot_dimension_numbers<[1], [1], [0], [0], [0, 0, 1, 0], [], []>, transpose_lhs_hint = false} : vector<2000x128xf32>, vector<128x128xf32>, vector<2000x128xf32> -> vector<2000x128xf32>
    %swap3A_33 = arith.constant 0 : index
    %swap3A_34 = arith.constant 0 : index
    %swap3A_35 = vector.load %arg8[%swap3A_33, %swap3A_34] : memref<2000x128xf32, #tpu.memory_space<vmem>>, vector<2000x128xf32>
    tpu.vector_store %arg8[%swap3A_33, %swap3A_34], %dot_general3A_32 {strides = array<i32>} : memref<2000x128xf32, #tpu.memory_space<vmem>>, vector<2000x128xf32>,
    return
  }
  func.func @transform_0(%arg0: i32) -> (i32, i32) {
    %c0_i32 = arith.constant 0 : i32
    %c0_i32_0 = arith.constant 0 : i32
    return %arg0, %c0_i32 : i32, i32
  }
  func.func @transform_1(%arg0: i32) -> (i32, i32) {
    %c0_i32 = arith.constant 0 : i32
    %c0_i32_0 = arith.constant 0 : i32
    return %arg0, %c0_i32 : i32, i32
  }
  func.func @transform_2(%arg0: i32) -> (i32, i32) {
    %c0_i32 = arith.constant 0 : i32
    %c0_i32_0 = arith.constant 0 : i32
    %c0_i32_1 = arith.constant 0 : i32
    return %c0_i32, %c0_i32_0 : i32, i32
  }
  func.func @transform_3(%arg0: i32) -> (i32, i32) {
    %c0_i32 = arith.constant 0 : i32
    %c0_i32_0 = arith.constant 0 : i32
    return %arg0, %c0_i32 : i32, i32
  }
  func.func @transform_4(%arg0: i32) -> (i32, i32) {
    %c0_i32 = arith.constant 0 : i32
    %c0_i32_0 = arith.constant 0 : i32
    %c0_i32_1 = arith.constant 0 : i32
    return %c0_i32, %c0_i32_0 : i32, i32
  }
  func.func @transform_5(%arg0: i32) -> (i32, i32) {
    %c0_i32 = arith.constant 0 : i32
    %c0_i32_0 = arith.constant 0 : i32
    %c0_i32_1 = arith.constant 0 : i32
    return %c0_i32, %c0_i32_0 : i32, i32
  }
  func.func @transform_6(%arg0: i32) -> (i32, i32) {
    %c0_i32 = arith.constant 0 : i32
    %c0_i32_0 = arith.constant 0 : i32
    return %arg0, %c0_i32 : i32, i32
  }
  func.func @transform_7(%arg0: i32) -> (i32, i32) {
    %c0_i32 = arith.constant 0 : i32
    %c0_i32_0 = arith.constant 0 : i32
    return %arg0, %c0_i32 : i32, i32
  }
}

module attributes {stable_mosaic.version = 14 : i64} {
  func.func @_fin_body(%arg0: i32, %arg1: memref<2000x128xf32, #tpu.memory_space<vmem>>, %arg2: memref<2000x16xf32, #tpu.memory_space<vmem>>, %arg3: memref<1x128xf32, #tpu.memory_space<vmem>>, %arg4: memref<2000x128xf32, #tpu.memory_space<vmem>>, %arg5: memref<2000x128xf32, #tpu.memory_space<vmem>>) attributes {dimension_semantics = [#tpu.dimension_semantics<arbitrary>], iteration_bounds = array<i64: 5>, scalar_prefetch = 0 : i64, scratch_operands = 0 : i64, tpu.core_type = #tpu.core_type<tc>, window_params = [{transform_indices = @transform_0, window_bounds = array<i64: 2000, 128>}, {transform_indices = @transform_1, window_bounds = array<i64: 2000, 16>}, {pipeline_mode = #tpu.pipeline_mode<synchronous>, transform_indices = @transform_2, window_bounds = array<i64: 1, 128>}, {transform_indices = @transform_3, window_bounds = array<i64: 2000, 128>}, {transform_indices = @transform_4, window_bounds = array<i64: 2000, 128>}]} {
    %get3A = arith.constant 0 : index
    %get3A_0 = arith.constant 0 : index
    %get3A_1 = vector.load %arg2[%get3A, %get3A_0] : memref<2000x16xf32, #tpu.memory_space<vmem>>, vector<2000x16xf32>
    %reduce_sum3A = arith.constant dense<0.000000e+00> : vector<2000xf32>
    %reduce_sum3A_2 = vector.multi_reduction <add>, %get3A_1, %reduce_sum3A [1] : vector<2000x16xf32> to vector<2000xf32>
    %broadcast_in_dim3A = vector.shape_cast %reduce_sum3A_2 : vector<2000xf32> to vector<2000x1xf32>
    %max3A = arith.constant 1.000000e+00 : f32
    %max3A_3 = vector.broadcast %max3A : f32 to vector<2000x1xf32>
    %max3A_4 = arith.maximumf %broadcast_in_dim3A, %max3A_3 : vector<2000x1xf32>
    %div3A = arith.constant 1.000000e+00 : f32
    %div3A_5 = vector.broadcast %div3A : f32 to vector<2000x1xf32>
    %div3A_6 = arith.divf %div3A_5, %max3A_4 : vector<2000x1xf32>
    %get3A_7 = arith.constant 0 : index
    %get3A_8 = arith.constant 0 : index
    %get3A_9 = vector.load %arg1[%get3A_7, %get3A_8] : memref<2000x128xf32, #tpu.memory_space<vmem>>, vector<2000x128xf32>
    %mul3A = vector.broadcast %div3A_6 : vector<2000x1xf32> to vector<2000x128xf32>
    %mul3A_10 = arith.mulf %get3A_9, %mul3A : vector<2000x128xf32>
    %get3A_11 = arith.constant 0 : index
    %get3A_12 = arith.constant 0 : index
    %get3A_13 = vector.load %arg3[%get3A_11, %get3A_12] : memref<1x128xf32, #tpu.memory_space<vmem>>, vector<1x128xf32>
    %add3A = vector.broadcast %get3A_13 : vector<1x128xf32> to vector<2000x128xf32>
    %add3A_14 = arith.addf %mul3A_10, %add3A : vector<2000x128xf32>
    %get3A_15 = arith.constant 0 : index
    %get3A_16 = arith.constant 0 : index
    %get3A_17 = vector.load %arg4[%get3A_15, %get3A_16] : memref<2000x128xf32, #tpu.memory_space<vmem>>, vector<2000x128xf32>
    %add3A_18 = arith.addf %add3A_14, %get3A_17 : vector<2000x128xf32>
    %swap3A = arith.constant 0 : index
    %swap3A_19 = arith.constant 0 : index
    %swap3A_20 = vector.load %arg5[%swap3A, %swap3A_19] : memref<2000x128xf32, #tpu.memory_space<vmem>>, vector<2000x128xf32>
    tpu.vector_store %arg5[%swap3A, %swap3A_19], %add3A_18 {strides = array<i32>} : memref<2000x128xf32, #tpu.memory_space<vmem>>, vector<2000x128xf32>,
    return
  }
  func.func @transform_0(%arg0: i32) -> (i32, i32) {
    %c0_i32 = arith.constant 0 : i32
    %c0_i32_0 = arith.constant 0 : i32
    return %arg0, %c0_i32 : i32, i32
  }
  func.func @transform_1(%arg0: i32) -> (i32, i32) {
    %c0_i32 = arith.constant 0 : i32
    %c0_i32_0 = arith.constant 0 : i32
    return %arg0, %c0_i32 : i32, i32
  }
  func.func @transform_2(%arg0: i32) -> (i32, i32) {
    %c0_i32 = arith.constant 0 : i32
    %c0_i32_0 = arith.constant 0 : i32
    %c0_i32_1 = arith.constant 0 : i32
    return %c0_i32, %c0_i32_0 : i32, i32
  }
  func.func @transform_3(%arg0: i32) -> (i32, i32) {
    %c0_i32 = arith.constant 0 : i32
    %c0_i32_0 = arith.constant 0 : i32
    return %arg0, %c0_i32 : i32, i32
  }
  func.func @transform_4(%arg0: i32) -> (i32, i32) {
    %c0_i32 = arith.constant 0 : i32
    %c0_i32_0 = arith.constant 0 : i32
    return %arg0, %c0_i32 : i32, i32
  }
}

</mosaic_0001>

<sc_bundles>
// kernel: kernel.10.cloned.1.call-start
scs
__scs_entry_jumppad:
0x0: {  	(pc) =	sbr.rel $0x88, $3  }
0x1: {  	(tag) =	ssettag $0x0;
	lr =	simm.s32 $0x1  }
0x2: {  	[smem:$0x3F99] =	sst lr;
	_ =	strace $0xD0000000  }
0x3: {  	_ = 	snop  }
0x4: {  	_ = 	snop  }
0x5: {  	_ = 	snop  }
0x6: {  	_ = 	snop  }
0x7: {  	_ = 	snop  }
__scs_overlays_trampoline_lowered:
0x8: {  	[smem:$0x3FA8] =	sst s0  }
0x9: {  	[smem:$0x3FA9] =	sst s1  }
0xa: {  	[smem:$0x3FAA] =	sst s2  }
0xb: {  	[smem:$0x3FAB] =	sst s3  }
0xc: {  	[smem:$0x3FAC] =	sst s4  }
0xd: {  	[smem:$0x3FAD] =	sst s5  }
0xe: {  	[smem:$0x3FAE] =	sst s6  }
0xf: {  	[smem:$0x3FAF] =	sst s7  }
0x10: {  	[smem:$0x3FB0] =	sst s8  }
0x11: {  	[smem:$0x3FB1] =	sst s9;
	s0 =	simm.s32 @!p0 $0x0  }
0x12: {  	s1 =	sld [smem:$0x3F97];
	s0 =	simm.s32 @p0 $0x1  }
0x13: {  	[smem:$0x3FB2] =	sst s0;
	s0 =	simm.s32 @!p1 $0x0  }
0x14: {  	s2 =	sld [smem:$0x3F96];
	s0 =	simm.s32 @p1 $0x1  }
0x15: {  	[smem:$0x3FB3] =	sst s0;
	s0 =	simm.s32 @!p2 $0x0  }
0x16: {  	s3 =	sld [smem:$0x3FDB];
	s0 =	simm.s32 @p2 $0x1  }
0x17: {  	s4 =	simm.s32 $0x1BF5;
	[smem:$0x3FB5] =	sst s0  }
0x18: {  	s0 =	sld [smem:$0x3F98];
	_ =	swait.ge [sflag:s4], $0x0  }
0x19: {  	s7 =	sld [smem:$0x3F99]  }
0x1a: {  	s8 =	sadd.s32 $0xFFFFE003, lr  }
0x1b: {  	s9 =	sadd.s32 $0xFFFFFEF7, lr;
	s5 =	simm.s32 $0xFFFFFFFF;
	p2 =	slt.u32 s8, $0xFFFFF086  }
0x1c: {  	p1 =	slt.u32 s9, $0xF7A;
	s5 =	simm.s32 @!p2 $0x0  }
0x1d: {  	s5 =	simm.s32 @p1 $0x1;
	p0 =	seq.s32 s7, s2  }
0x1e: {  	s7 =	smul.u32 @!p0 $0xF7A, s2;
	p2 =	seq.s32 @!p0 s5, $0x0  }
0x1f: {  	s9 =	smul.u32 $0xF7A, s1;
	s8 =	simm.s32 @!p0 $0x1BF5;
	p2 =	por !p2, p0  }
0x20: {  	[sflag:s8] =	ssyncset.s32 @!p0 $0xFFFFF086;
	s6 =	sadd.s32 @!p0 s3, s7;
	s7 =	simm.s32 @!p0 $0x108  }
0x21: {  	s3 =	sadd.s32 s3, s9;
	s6 =	sadd.s32 @!p0 $0x88, s6;
	s7 =	simm.s32 @p2 $0x1082  }
0x22: {  	[simem:s7], [sflag:s8] =	dma.local @!p0 [hbm:s6], $0xF7A  }
0x23: {  	s9 =	sor.u32 $0xD0000000, s2;
	s6 =	simm.s32 $0x108;
	_ =	swait.ge @!p0 [sflag:s8], $0x0  }
0x24: {  	s3 =	sadd.s32 $0x88, s3;
	s6 =	simm.s32 @!p1 $0x1082;
	[sflag:s4] =	ssyncset.s32 $0xFFFFF086  }
0x25: {  	[simem:s6], [sflag:s4] =	dma.local [hbm:s3], $0xF7A  }
0x26: {  	[smem:$0x3F99] =	sst s1;
	(tag) =	ssettag s2;
	_ =	strace s9  }
0x27: {  	s1 =	sld [smem:$0x3FA9]  }
0x28: {  	s2 =	sld [smem:$0x3FAA]  }
0x29: {  	s4 =	sld [smem:$0x3FAC]  }
0x2a: {  	p0 =	seq.s32 s5, $0x0;
	s5 =	sld [smem:$0x3FAD]  }
0x2b: {  	s6 =	sld [smem:$0x3FAE]  }
0x2c: {  	s7 =	sld [smem:$0x3FAF]  }
0x2d: {  	s3 =	simm.s32 $0x108;
	s8 =	sld [smem:$0x3FB0]  }
0x2e: {  	s3 =	simm.s32 @!p0 $0x1082;
	s9 =	sld [smem:$0x3FB1]  }
0x2f: {  	lr =	sadd.s32 s0, s3;
	s0 =	sld [smem:$0x3FA8]  }
0x30: {  	s3 =	sld [smem:$0x3FAB]  }
0x31: {  	[smem:$0x3FB4] =	sst s10  }
0x32: {  	s10 =	sld [smem:$0x3FB2];
	_ =	sdelay $0x3  }
0x33: {  	p0 =	seq.s32 s10, $0x1;
	s10 =	sld [smem:$0x3FB4];
	_ =	sdelay $0x3  }
0x34: {  	[smem:$0x3FB4] =	sst s10  }
0x35: {  	s10 =	sld [smem:$0x3FB3];
	_ =	sdelay $0x3  }
0x36: {  	p1 =	seq.s32 s10, $0x1;
	s10 =	sld [smem:$0x3FB4];
	_ =	sdelay $0x3  }
0x37: {  	[smem:$0x3FB4] =	sst s10  }
0x38: {  	s10 =	sld [smem:$0x3FB5]  }
0x39: {  	_ = 	snop;
	(pc) =	sbr.ind lr, $3  }
0x3a: {  	_ = 	snop  }
0x3b: {  	_ = 	snop  }
0x3c: {  	p2 =	seq.s32 s10, $0x1;
	s10 =	sld [smem:$0x3FB4]  }
0x3d: {  	_ =	shalt  }
0x3e: {  	_ =	shalt  }
0x3f: {  	_ =	shalt  }
0x40: {  	_ =	shalt  }
0x41: {  	_ =	shalt  }
0x42: {  	_ =	shalt  }
0x43: {  	_ =	shalt  }
0x44: {  	_ =	shalt  }
0x45: {  	_ =	shalt  }
0x46: {  	_ =	shalt  }
0x47: {  	_ =	shalt  }
0x48: {  	_ =	shalt  }
0x49: {  	_ =	shalt  }
0x4a: {  	_ =	shalt  }
0x4b: {  	_ =	shalt  }
0x4c: {  	_ =	shalt  }
0x4d: {  	_ =	shalt  }
0x4e: {  	_ =	shalt  }
0x4f: {  	_ =	shalt  }
0x50: {  	_ =	shalt  }
0x51: {  	_ =	shalt  }
0x52: {  	_ =	shalt  }
0x53: {  	_ =	shalt  }
0x54: {  	_ =	shalt  }
0x55: {  	_ =	shalt  }
0x56: {  	_ =	shalt  }
0x57: {  	_ =	shalt  }
0x58: {  	_ =	shalt  }
0x59: {  	_ =	shalt  }
0x5a: {  	_ =	shalt  }
0x5b: {  	_ =	shalt  }
0x5c: {  	_ =	shalt  }
0x5d: {  	_ =	shalt  }
0x5e: {  	_ =	shalt  }
0x5f: {  	_ =	shalt  }
0x60: {  	_ =	shalt  }
0x61: {  	_ =	shalt  }
0x62: {  	_ =	shalt  }
0x63: {  	_ =	shalt  }
0x64: {  	_ =	shalt  }
0x65: {  	_ =	shalt  }
0x66: {  	_ =	shalt  }
0x67: {  	_ =	shalt  }
0x68: {  	_ =	shalt  }
0x69: {  	_ =	shalt  }
0x6a: {  	_ =	shalt  }
0x6b: {  	_ =	shalt  }
0x6c: {  	_ =	shalt  }
0x6d: {  	_ =	shalt  }
0x6e: {  	_ =	shalt  }
0x6f: {  	_ =	shalt  }
0x70: {  	_ =	shalt  }
0x71: {  	_ =	shalt  }
0x72: {  	_ =	shalt  }
0x73: {  	_ =	shalt  }
0x74: {  	_ =	shalt  }
0x75: {  	_ =	shalt  }
0x76: {  	_ =	shalt  }
0x77: {  	_ =	shalt  }
0x78: {  	_ =	shalt  }
0x79: {  	_ =	shalt  }
0x7a: {  	_ =	shalt  }
0x7b: {  	_ =	shalt  }
0x7c: {  	_ =	shalt  }
0x7d: {  	_ =	shalt  }
0x7e: {  	_ =	shalt  }
0x7f: {  	_ =	shalt  }
0x80: {  	_ =	shalt  }
0x81: {  	_ =	shalt  }
0x82: {  	_ =	shalt  }
0x83: {  	_ =	shalt  }
0x84: {  	_ =	shalt  }
0x85: {  	_ =	shalt  }
0x86: {  	_ =	shalt  }
0x87: {  	_ =	shalt  }
.Lfunc_end0:
.L_simem_size_0:
called_computation.1_lowered:
.L_overlay_start_0:
0x88: {  	s2 =	sld [smem:$0x3FD9]  }
0x89: {  	s3 =	sld [smem:$0x3FFE];
	_ =	sdelay $0x1  }
0x8a: {  	s1 =	srdreg.scid  }
0x8b: {  	s0 =	sand.u32 $0x1, s1  }
0x8c: {  	s17 =	sshll.u32 s0, $0xA;
	s2 =	sadd.s32 s3, s2  }
0x8d: {  	s2 =	sadd.s32 s2, s17  }
0x8e: {  	[smem:$0x3FC0] =	sst s2  }
0x8f: {  	_ = 	snop  }
0x90: {  	s2 =	sld [smem:$0x3FD0];
	(tm) =	ssettm $0x1  }
0x91: {  	s18 =	sld [smem:$0x3FFB];
	_ =	sdelay $0x3  }
0x92: {  	_ =	strace s18  }
0x93: {  	s3 =	sld [smem:$0x3FFC];
	_ =	sdelay $0x3  }
0x94: {  	_ =	strace s3  }
0x95: {  	s3 =	sld [smem:$0x3FFD];
	_ =	sdelay $0x3  }
0x96: {  	_ =	strace s3  }
0x97: {  	_ =	strace $0x8FFFFFFF  }
0x98: {  	s19 =	sld [smem:$0x3FDB];
	_ =	sdelay $0x1  }
0x99: {  	s4 =	simm.s32 $_scs_section_size  }
0x9a: {  	s5 =	simm.s32 $_size__tile_overlayer_lowered;
	s6 =	simm.s32 $_tile_overlayer_lowered  }
0x9b: {  	s22 =	simm.s32 $0x1BFF;
	s21 =	sshll.u32 s6, $0x1;
	s3 =	sadd.s32 s4, s19  }
0x9c: {  	s7 =	simm.s32 $0x0;
	s20 =	sshll.u32 s5, $0x1;
	s5 =	sadd.s32 s21, s3  }
0x9d: {  	[timem:s7], [sflag:s22] =	dma.local [hbm:s5], s20  }
0x9e: {  	_ =	swait.ge [sflag:s22], s20  }
0x9f: {  	s4 =	ssub.s32 $0x0, s20;
	[sflag:s22] =	ssyncset.done $0x0  }
0xa0: {  	[sflag:s22] =	ssyncadd.s32 s4;
	_ =	sdelay $0x1  }
0xa1: {  	s23 =	simm.s32 $0x1B8B  }
0xa2: {  	_ =	swait.ge [sflag:s23], $0x1  }
0xa3: {  	[sflag:s23] =	ssyncset.done $0x0  }
0xa4: {  	s25 =	simm.s32 $0x1B8E;
	s24 =	sld [smem:$0x3FFE];
	[sflag:s23] =	ssyncadd.s32 $0xFFFFFFFF  }
0xa5: {  	s26 =	simm.s32 $execute0_lowered;
	[smem:$0x3FD2] =	sst s25  }
0xa6: {  	s5 =	sshll.u32 s26, $0x1;
	_ =	strace $0x80000049;
	[dreg:$0x1] =	wrdreg $0xFFFFFFFF  }
0xa7: {  	s28 =	simm.s32 $_size_execute0_lowered;
	s3 =	sadd.s32 s3, s5;
	[dreg:$0x0] =	wrdreg $0x0  }
0xa8: {  	s5 =	sshll.u32 s28, $0x1;
	[dreg:$0x2] =	wrdreg s3  }
0xa9: {  	[dreg:$0x3] =	wrdreg s5  }
0xaa: {  	[dreg:$0x4] =	wrdreg $0xC0  }
0xab: {  	_ =	task [dreg:s7], $0x5FFFF  }
0xac: {  	[dreg:$0x1] =	wrdreg $0xFFFFFFFF  }
0xad: {  	[dreg:$0x0] =	wrdreg $0x60  }
0xae: {  	[dreg:$0x2] =	wrdreg s2  }
0xaf: {  	[dreg:$0x3] =	wrdreg s24  }
0xb0: {  	[dreg:$0x4] =	wrdreg $0x0  }
0xb1: {  	[dreg:$0x5] =	wrdreg $0x9  }
0xb2: {  	_ =	task.clear_ibuf [dreg:s7], $0x6FFFF;
	_ =	strace $0x90000049  }
0xb3: {  	s29 =	simm.s32 $0x9;
	_ =	strace $0x8000004B  }
0xb4: {  	_ =	swait.ge [sflag:s29], $0x1  }
0xb5: {  	[sflag:s29] =	ssyncadd.s32 $0xFFFFFFFF  }
0xb6: {  	_ =	strace $0x9000004B  }
0xb7: {  	_ =	sfence  }
0xb8: {  	s30 =	sld [smem:$0x0];
	_ =	sdelay $0x2  }
0xb9: {  	s31 =	sshll.u32 s1, $0xD;
	s1 =	sshrl.u32 s1, $0x2  }
0xba: {  	s3 =	sand.u32 $0x4000, s31;
	s1 =	sadd.s32 s1, s30  }
0xbb: {  	s0 =	sor.u32 s3, s0;
	s1 =	sshll.u32 s1, $0x11  }
0xbc: {  	s0 =	sor.u32 s1, s0  }
0xbd: {  	s0 =	sadd.s32 $0x8F2B, s0  }
0xbe: {  	[sflag:s0] =	ssyncadd.remote.s32 $0x1  }
0xbf: {  	_ =	sfence.sel $0xFFFF  }
0xc0: {  	[dreg:$0x0] =	wrdreg $0xFFFFFFFF;
	(pc) =	sbr.abs _section_cstart, $3  }
0xc1: {  	[dreg:$0x1] =	wrdreg $0xFFFFFFFF  }
0xc2: {  	_ =	task.clear_ibuf [dreg:s7], $0x2FFFF;
	_ =	strace $0x9FFFFFFF  }
0xc3: {  	(tm) =	ssettm $0x7FFFFFFF  }
tec
execute0_lowered:
.L_overlay_start_1:
0x0: {  	(tag) =	ssettag $0x1  }
0x1: {  	s0 =	srdreg.scid  }
0x2: {  	s9 =	stileid.u32;
	s1 =	rddreg [dreg:$0x0]  }
0x3: {  	s4 =	rddreg [dreg:$0x1];
	s2 =	simm.s32 $0x0;
	s3 =	smul.u32 $0x140, s9  }
0x4: {  	s0 =	sand.u32 $0x1, s0;
	[smem:$0x7FF] =	sst s2;
	s5 =	smul.u32 $0x4E20, s9  }
0x5: {  	s6 =	sadd.s32 $0xC600, s4;
	s11 =	smul.u32 $0x1400, s0;
	s0 =	ssub.s32 $0x2, s0  }
0x6: {  	s7 =	sadd.s32 $0x2800, s4;
	s8 =	sshrl.u32 s0, $0x1;
	s5 =	sshrl.u32 s5, $0x3  }
0x7: {  	s3 =	sadd.s32 s3, s11;
	s0 =	ssub.s32 s0, s8;
	s12 =	sadd.s32 $0xFA, s5  }
0x8: {  	s13 =	sadd.s32 $0x1F4, s5;
	s14 =	sadd.s32 $0x2EE, s5;
	s15 =	sadd.s32 $0x3E8, s5  }
0x9: {  	s16 =	sadd.s32 $0x4E2, s5;
	s17 =	sadd.s32 $0x5DC, s5;
	s19 =	sadd.s32 $0x6D6, s5  }
0xa: {  	s22 =	sadd.s32 $0x7D0, s5;
	v0 =	vmov s11;
	s11 =	simm.s32 $0x0;
	s3 =	sshll.u32 s3, $0x4  }
0xb: {  	s20 =	sadd.s32 s6, s12;
	s21 =	sadd.s32 s7, s12;
	s23 =	sadd.s32 s6, s13  }
0xc: {  	s24 =	sadd.s32 s7, s13;
	s10 =	sadd.s32 s6, s14;
	s25 =	sadd.s32 s7, s14  }
0xd: {  	s26 =	sadd.s32 s6, s15;
	s18 =	sadd.s32 s7, s15;
	s28 =	sadd.s32 s6, s16  }
0xe: {  	s29 =	sadd.s32 s7, s16;
	s30 =	sadd.s32 s6, s17;
	s8 =	sadd.s32 s7, s19  }
0xf: {  	s31 =	sadd.s32 s7, s17;
	s13 =	sadd.s32 s6, s22;
	[dreg:$0x5] =	wrdreg s8  }
0x10: {  	s12 =	sadd.s32 s6, s19;
	s14 =	sadd.s32 s6, s5;
	[dreg:$0x6] =	wrdreg s13  }
0x11: {  	s15 =	sadd.s32 s7, s5;
	s5 =	sadd.s32 $0x8CA, s5;
	[dreg:$0x8] =	wrdreg s14  }
0x12: {  	s16 =	smul.u32 $0x28000, s9;
	s19 =	sshll.u32 s9, $0x6;
	[dreg:$0x9] =	wrdreg s15  }
0x13: {  	s0 =	smax.u32 s0, $0x1;
	s8 =	sadd.s32 s7, s22;
	s22 =	rddreg [dreg:$0x2]  }
0x14: {  	s9 =	simm.s32 $0xA040;
	s6 =	sadd.s32 s6, s5;
	[dreg:$0x7] =	wrdreg s8  }
0x15: {  	s5 =	sadd.s32 s7, s5;
	s3 =	sadd.s32 s3, s4;
	[dreg:$0xa] =	wrdreg s6  }
0x16: {  	s4 =	sadd.s32 $0x16400, s4;
	s14 =	simm.s32 $0x9;
	[dreg:$0xb] =	wrdreg s5  }
0x17: {  	s3 =	sadd.s32 $0x17800, s3;
	_ =	strace $0x8000004A;
	[dreg:$0xc] =	wrdreg s4  }
0x18: {  	s7 =	simm.s32 $0x3;
	s17 =	sshrl.u32 s16, $0x2;
	[dreg:$0xf] =	wrdreg s3  }
0x19: {  	s5 =	sor.u32 $0x1C09, s19;
	s16 =	simm.s32 $0xA840;
	[dreg:$0x10] =	wrdreg s0  }
0x1a: {  	s19 =	simm.s32 $0xB840;
	s8 =	simm.s32 $0x4;
	[dreg:$0x4] =	wrdreg s12  }
0x1b: {  	s6 =	sadd.s32 s17, s22;
	s3 =	simm.s32 $0x1;
	[dreg:$0xe] =	wrdreg s5  }
0x1c: {  	v1 =	vimm.s32 $0x0;
	v2 =	vimm.s32 $0x1400;
	s4 =	simm.s32 $0x2;
	s17 =	simm.s32 $0xB040;
	[dreg:$0xd] =	wrdreg s6  }
.LBB2_1:
0x1d: {  	s0 =	rddreg [dreg:$0x8]  }
0x1e: {  	[tilespmem:s9], [sflag:$0x1] =	stream.linear.gather [hbm4b:s0+s2], $0x7D0, $0x38;
	[tilespmem:$0x1AE40] =	vst v63  }
0x1f: {  	s13 =	rddreg [dreg:$0x9]  }
0x20: {  	[tilespmem:s16], [sflag:$0x2] =	stream.linear.gather [hbm4b:s13+s2], $0x7D0, $0x38;
	[tilespmem:$0x1AE40] =	vst v63  }
0x21: {  	s15 =	rddreg [dreg:$0xc];
	s13 =	sshrl.u32 s6, $0x3  }
0x22: {  	[dreg:$0x11] =	wrdreg s13  }
0x23: {  	[spmem:s13], [sflag:s5] =	dma.local [hbm:s15], $0x1400  }
0x24: {  	_ =	swait.ge [sflag:s14], $0x1400  }
0x25: {  	[sflag:s14] =	ssyncset.done $0x0  }
0x26: {  	[sflag:s14] =	ssyncadd.s32 $0xFFFFEC00  }
0x27: {  	[bflag:$0x0] =	sbarrier.arrive $0xFFFF  }
0x28: {  	_ =	swait.ge [sflag:s3], $0x7D0  }
0x29: {  	[sflag:s3] =	ssyncset.done $0x0  }
0x2a: {  	[sflag:s3] =	ssyncadd.s32 $0xFFFFF830  }
0x2b: {  	_ =	swait.ge [sflag:s4], $0x7D0  }
0x2c: {  	[sflag:s4] =	ssyncset.done $0x0  }
0x2d: {  	[sflag:s4] =	ssyncadd.s32 $0xFFFFF830  }
0x2e: {  	[tilespmem:s17], [sflag:$0x3] =	stream.linear.gather [hbm4b:s20+s2], $0x7D0, $0x38;
	[tilespmem:$0x1AE40] =	vst v63  }
0x2f: {  	s15 =	simm.s32 $0x0  }
0x30: {  	[tilespmem:s19], [sflag:$0x4] =	stream.linear.gather [hbm4b:s21+s2], $0x7D0, $0x38;
	[tilespmem:$0x1AE40] =	vst v63  }
0x31: {  	v3 =	vld [tilespmem:s15+$0xA840];
	_ =	sdelay $0x4  }
0x32: {  	v3 =	vsub.s32 v3, v0  }
0x33: {  	vm0 =	vlt.u32 v3, $0x1400  }
0x34: {  	v5 =	vmpcnt.ones.xlane vm0;
	_ =	sdelay $0x1  }
0x35: {  	v4 =	vld [tilespmem:s15+$0xA040];
	(v2sf) =	vpush v5, $0x0;
	_ =	sdelay $0x4  }
0x36: {  	[tilespmem:s2+$0xC040] =	vst.msk vm0, v4  }
0x37: {  	s13 =	simm.s32 $0x0;
	s14 =	simm.s32 $0x80;
	s15 =	simm.s32 $0x10;
	[tilespmem:s2+$0x10EC0] =	vst.msk vm0, v3  }
.LBB2_2:
0x38: {  	p0 =	sne.s32 s14, $0x1F00;
	v3 =	vld [tilespmem:s15+$0xA840];
	_ =	sdelay $0x4  }
0x39: {  	v4 =	vld [tilespmem:s15+$0xA040];
	v3 =	vsub.s32 v3, v0  }
0x3a: {  	vm0 =	vlt.u32 v3, $0x1400  }
0x3b: {  	v5 =	vmpcnt.ones.xlane vm0  }
0x3c: {  	s15 =	spop (v2sf)  }
0x3d: {  	(v2sf) =	vpush v5, $0x0;
	s13 =	sadd.s32 s13, s15  }
0x3e: {  	[tilespmem:s13+$0xC040] =	vst.msk vm0, v4  }
.Ltmp0:
0x3f: {  	[tilespmem:s13+$0x10EC0] =	vst.msk vm0, v3;
	(pc) =	sbr.rel @p0 .LBB2_2-.Ltmp0, $2  }
0x40: {  	_ =	sdelay $0x2  }
0x41: {  	s15 =	sshra.s32 s14, $0x2;
	s14 =	sadd.s32 $0x40, s14  }
0x42: {  	v3 =	vld [tilespmem:s15+$0xA840];
	_ =	sdelay $0x4  }
0x43: {  	v3 =	vsub.s32 v3, v0  }
0x44: {  	vm0 =	vlt.u32 v3, $0x1400  }
0x45: {  	v4 =	vmpcnt.ones.xlane vm0;
	_ =	sdelay $0x1  }
0x46: {  	(v2sf) =	vpush v4, $0x0;
	_ =	sdelay $0x8  }
0x47: {  	v62 =	vld [tilespmem:s15+$0xA040];
	_ =	sdelay $0x2  }
0x48: {  	s14 =	spop (v2sf)  }
0x49: {  	s13 =	sadd.s32 s13, s14  }
0x4a: {  	[tilespmem:s13+$0xC040] =	vst.msk vm0, v62  }
0x4b: {  	[tilespmem:s13+$0x10EC0] =	vst.msk vm0, v3;
	s14 =	spop (v2sf)  }
0x4c: {  	_ =	swait.ge [sflag:s7], $0x7D0  }
0x4d: {  	[sflag:s7] =	ssyncset.done $0x0  }
0x4e: {  	[sflag:s7] =	ssyncadd.s32 $0xFFFFF830  }
0x4f: {  	_ =	swait.ge [sflag:s8], $0x7D0  }
0x50: {  	[sflag:s8] =	ssyncset.done $0x0  }
0x51: {  	s0 =	simm.s32 $0x0;
	[sflag:s8] =	ssyncadd.s32 $0xFFFFF830  }
0x52: {  	[tilespmem:s9], [sflag:$0x1] =	stream.linear.gather [hbm4b:s23+s0], $0x7D0, $0x38;
	[tilespmem:$0x1AE40] =	vst v63  }
0x53: {  	_ = 	snop  }
0x54: {  	[tilespmem:s16], [sflag:$0x2] =	stream.linear.gather [hbm4b:s24+s0], $0x7D0, $0x38;
	[tilespmem:$0x1AE40] =	vst v63  }
0x55: {  	s0 =	simm.s32 $0x0  }
0x56: {  	v3 =	vld [tilespmem:s0+$0xB840];
	_ =	sdelay $0x4  }
0x57: {  	v3 =	vsub.s32 v3, v0  }
0x58: {  	vm15 =	vlt.u32 v3, $0x1400  }
0x59: {  	v5 =	vmpcnt.ones.xlane vm15;
	_ =	sdelay $0x1  }
0x5a: {  	v63 =	vld [tilespmem:s0+$0xB040];
	(v2sf) =	vpush v5, $0x0;
	_ =	sdelay $0x3  }
0x5b: {  	s13 =	sadd.s32 s13, s14  }
0x5c: {  	[tilespmem:s13+$0xC040] =	vst.msk vm15, v63  }
0x5d: {  	s15 =	simm.s32 $0x10;
	s14 =	simm.s32 $0x80;
	[tilespmem:s13+$0x10EC0] =	vst.msk vm15, v3  }
.LBB2_4:
0x5e: {  	p0 =	sne.s32 s14, $0x1F00;
	v3 =	vld [tilespmem:s15+$0xB840];
	_ =	sdelay $0x4  }
0x5f: {  	v4 =	vld [tilespmem:s15+$0xB040];
	v3 =	vsub.s32 v3, v0  }
0x60: {  	vm0 =	vlt.u32 v3, $0x1400  }
0x61: {  	v5 =	vmpcnt.ones.xlane vm0  }
0x62: {  	s15 =	spop (v2sf)  }
0x63: {  	(v2sf) =	vpush v5, $0x0;
	s13 =	sadd.s32 s13, s15  }
0x64: {  	[tilespmem:s13+$0xC040] =	vst.msk vm0, v4  }
.Ltmp1:
0x65: {  	[tilespmem:s13+$0x10EC0] =	vst.msk vm0, v3;
	(pc) =	sbr.rel @p0 .LBB2_4-.Ltmp1, $2  }
0x66: {  	_ =	sdelay $0x2  }
0x67: {  	s15 =	sshra.s32 s14, $0x2;
	s14 =	sadd.s32 $0x40, s14  }
0x68: {  	v3 =	vld [tilespmem:s15+$0xB840];
	_ =	sdelay $0x4  }
0x69: {  	v3 =	vsub.s32 v3, v0  }
0x6a: {  	vm0 =	vlt.u32 v3, $0x1400  }
0x6b: {  	v4 =	vmpcnt.ones.xlane vm0;
	_ =	sdelay $0x1  }
0x6c: {  	(v2sf) =	vpush v4, $0x0;
	_ =	sdelay $0x8  }
0x6d: {  	v62 =	vld [tilespmem:s15+$0xB040];
	_ =	sdelay $0x2  }
0x6e: {  	s14 =	spop (v2sf)  }
0x6f: {  	s13 =	sadd.s32 s13, s14  }
0x70: {  	[tilespmem:s13+$0xC040] =	vst.msk vm0, v62  }
0x71: {  	[tilespmem:s13+$0x10EC0] =	vst.msk vm0, v3;
	s14 =	spop (v2sf)  }
0x72: {  	_ =	swait.ge [sflag:s3], $0x7D0  }
0x73: {  	[sflag:s3] =	ssyncset.done $0x0  }
0x74: {  	[sflag:s3] =	ssyncadd.s32 $0xFFFFF830  }
0x75: {  	_ =	swait.ge [sflag:s4], $0x7D0  }
0x76: {  	[sflag:s4] =	ssyncset.done $0x0  }
0x77: {  	s0 =	simm.s32 $0x0;
	[sflag:s4] =	ssyncadd.s32 $0xFFFFF830  }
0x78: {  	[tilespmem:s17], [sflag:$0x3] =	stream.linear.gather [hbm4b:s10+s0], $0x7D0, $0x38;
	[tilespmem:$0x1AE40] =	vst v63  }
0x79: {  	_ = 	snop  }
0x7a: {  	[tilespmem:s19], [sflag:$0x4] =	stream.linear.gather [hbm4b:s25+s0], $0x7D0, $0x38;
	[tilespmem:$0x1AE40] =	vst v63  }
0x7b: {  	s0 =	simm.s32 $0x0  }
0x7c: {  	v3 =	vld [tilespmem:s0+$0xA840];
	_ =	sdelay $0x4  }
0x7d: {  	v3 =	vsub.s32 v3, v0  }
0x7e: {  	vm15 =	vlt.u32 v3, $0x1400  }
0x7f: {  	v5 =	vmpcnt.ones.xlane vm15;
	_ =	sdelay $0x1  }
0x80: {  	v63 =	vld [tilespmem:s0+$0xA040];
	(v2sf) =	vpush v5, $0x0;
	_ =	sdelay $0x3  }
0x81: {  	s13 =	sadd.s32 s13, s14  }
0x82: {  	[tilespmem:s13+$0xC040] =	vst.msk vm15, v63  }
0x83: {  	s15 =	simm.s32 $0x10;
	s14 =	simm.s32 $0x80;
	[tilespmem:s13+$0x10EC0] =	vst.msk vm15, v3  }
.LBB2_6:
0x84: {  	p0 =	sne.s32 s14, $0x1F00;
	v3 =	vld [tilespmem:s15+$0xA840];
	_ =	sdelay $0x4  }
0x85: {  	v4 =	vld [tilespmem:s15+$0xA040];
	v3 =	vsub.s32 v3, v0  }
0x86: {  	vm0 =	vlt.u32 v3, $0x1400  }
0x87: {  	v5 =	vmpcnt.ones.xlane vm0  }
0x88: {  	s15 =	spop (v2sf)  }
0x89: {  	(v2sf) =	vpush v5, $0x0;
	s13 =	sadd.s32 s13, s15  }
0x8a: {  	[tilespmem:s13+$0xC040] =	vst.msk vm0, v4  }
.Ltmp2:
0x8b: {  	[tilespmem:s13+$0x10EC0] =	vst.msk vm0, v3;
	(pc) =	sbr.rel @p0 .LBB2_6-.Ltmp2, $2  }
0x8c: {  	_ =	sdelay $0x2  }
0x8d: {  	s15 =	sshra.s32 s14, $0x2;
	s14 =	sadd.s32 $0x40, s14  }
0x8e: {  	v3 =	vld [tilespmem:s15+$0xA840];
	_ =	sdelay $0x4  }
0x8f: {  	v3 =	vsub.s32 v3, v0  }
0x90: {  	vm0 =	vlt.u32 v3, $0x1400  }
0x91: {  	v4 =	vmpcnt.ones.xlane vm0;
	_ =	sdelay $0x1  }
0x92: {  	(v2sf) =	vpush v4, $0x0;
	_ =	sdelay $0x8  }
0x93: {  	v62 =	vld [tilespmem:s15+$0xA040];
	_ =	sdelay $0x2  }
0x94: {  	s14 =	spop (v2sf)  }
0x95: {  	s13 =	sadd.s32 s13, s14  }
0x96: {  	[tilespmem:s13+$0xC040] =	vst.msk vm0, v62  }
0x97: {  	[tilespmem:s13+$0x10EC0] =	vst.msk vm0, v3;
	s14 =	spop (v2sf)  }
0x98: {  	_ =	swait.ge [sflag:s7], $0x7D0  }
0x99: {  	[sflag:s7] =	ssyncset.done $0x0  }
0x9a: {  	[sflag:s7] =	ssyncadd.s32 $0xFFFFF830  }
0x9b: {  	_ =	swait.ge [sflag:s8], $0x7D0  }
0x9c: {  	[sflag:s8] =	ssyncset.done $0x0  }
0x9d: {  	s0 =	simm.s32 $0x0;
	[sflag:s8] =	ssyncadd.s32 $0xFFFFF830  }
0x9e: {  	[tilespmem:s9], [sflag:$0x1] =	stream.linear.gather [hbm4b:s26+s0], $0x7D0, $0x38;
	[tilespmem:$0x1AE40] =	vst v63  }
0x9f: {  	_ = 	snop  }
0xa0: {  	[tilespmem:s16], [sflag:$0x2] =	stream.linear.gather [hbm4b:s18+s0], $0x7D0, $0x38;
	[tilespmem:$0x1AE40] =	vst v63  }
0xa1: {  	s0 =	simm.s32 $0x0  }
0xa2: {  	v3 =	vld [tilespmem:s0+$0xB840];
	_ =	sdelay $0x4  }
0xa3: {  	v3 =	vsub.s32 v3, v0  }
0xa4: {  	vm15 =	vlt.u32 v3, $0x1400  }
0xa5: {  	v5 =	vmpcnt.ones.xlane vm15;
	_ =	sdelay $0x1  }
0xa6: {  	v63 =	vld [tilespmem:s0+$0xB040];
	(v2sf) =	vpush v5, $0x0;
	_ =	sdelay $0x3  }
0xa7: {  	s13 =	sadd.s32 s13, s14  }
0xa8: {  	[tilespmem:s13+$0xC040] =	vst.msk vm15, v63  }
0xa9: {  	s15 =	simm.s32 $0x10;
	s14 =	simm.s32 $0x80;
	[tilespmem:s13+$0x10EC0] =	vst.msk vm15, v3  }
.LBB2_8:
0xaa: {  	p0 =	sne.s32 s14, $0x1F00;
	v3 =	vld [tilespmem:s15+$0xB840];
	_ =	sdelay $0x4  }
0xab: {  	v4 =	vld [tilespmem:s15+$0xB040];
	v3 =	vsub.s32 v3, v0  }
0xac: {  	vm0 =	vlt.u32 v3, $0x1400  }
0xad: {  	v5 =	vmpcnt.ones.xlane vm0  }
0xae: {  	s15 =	spop (v2sf)  }
0xaf: {  	(v2sf) =	vpush v5, $0x0;
	s13 =	sadd.s32 s13, s15  }
0xb0: {  	[tilespmem:s13+$0xC040] =	vst.msk vm0, v4  }
.Ltmp3:
0xb1: {  	[tilespmem:s13+$0x10EC0] =	vst.msk vm0, v3;
	(pc) =	sbr.rel @p0 .LBB2_8-.Ltmp3, $2  }
0xb2: {  	_ =	sdelay $0x2  }
0xb3: {  	s15 =	sshra.s32 s14, $0x2;
	s14 =	sadd.s32 $0x40, s14  }
0xb4: {  	v3 =	vld [tilespmem:s15+$0xB840];
	_ =	sdelay $0x4  }
0xb5: {  	v3 =	vsub.s32 v3, v0  }
0xb6: {  	vm0 =	vlt.u32 v3, $0x1400  }
0xb7: {  	v4 =	vmpcnt.ones.xlane vm0;
	_ =	sdelay $0x1  }
0xb8: {  	(v2sf) =	vpush v4, $0x0;
	_ =	sdelay $0x8  }
0xb9: {  	v62 =	vld [tilespmem:s15+$0xB040];
	_ =	sdelay $0x2  }
0xba: {  	s14 =	spop (v2sf)  }
0xbb: {  	s13 =	sadd.s32 s13, s14  }
0xbc: {  	[tilespmem:s13+$0xC040] =	vst.msk vm0, v62  }
0xbd: {  	[tilespmem:s13+$0x10EC0] =	vst.msk vm0, v3;
	s14 =	spop (v2sf)  }
0xbe: {  	_ =	swait.ge [sflag:s3], $0x7D0  }
0xbf: {  	[sflag:s3] =	ssyncset.done $0x0  }
0xc0: {  	[sflag:s3] =	ssyncadd.s32 $0xFFFFF830  }
0xc1: {  	_ =	swait.ge [sflag:s4], $0x7D0  }
0xc2: {  	[sflag:s4] =	ssyncset.done $0x0  }
0xc3: {  	s0 =	simm.s32 $0x0;
	[sflag:s4] =	ssyncadd.s32 $0xFFFFF830  }
0xc4: {  	[tilespmem:s17], [sflag:$0x3] =	stream.linear.gather [hbm4b:s28+s0], $0x7D0, $0x38;
	[tilespmem:$0x1AE40] =	vst v63  }
0xc5: {  	_ = 	snop  }
0xc6: {  	[tilespmem:s19], [sflag:$0x4] =	stream.linear.gather [hbm4b:s29+s0], $0x7D0, $0x38;
	[tilespmem:$0x1AE40] =	vst v63  }
0xc7: {  	s0 =	simm.s32 $0x0  }
0xc8: {  	v3 =	vld [tilespmem:s0+$0xA840];
	_ =	sdelay $0x4  }
0xc9: {  	v3 =	vsub.s32 v3, v0  }
0xca: {  	vm15 =	vlt.u32 v3, $0x1400  }
0xcb: {  	v5 =	vmpcnt.ones.xlane vm15;
	_ =	sdelay $0x1  }
0xcc: {  	v63 =	vld [tilespmem:s0+$0xA040];
	(v2sf) =	vpush v5, $0x0;
	_ =	sdelay $0x3  }
0xcd: {  	s13 =	sadd.s32 s13, s14  }
0xce: {  	[tilespmem:s13+$0xC040] =	vst.msk vm15, v63  }
0xcf: {  	s15 =	simm.s32 $0x10;
	s14 =	simm.s32 $0x80;
	[tilespmem:s13+$0x10EC0] =	vst.msk vm15, v3  }
.LBB2_10:
0xd0: {  	p0 =	sne.s32 s14, $0x1F00;
	v3 =	vld [tilespmem:s15+$0xA840];
	_ =	sdelay $0x4  }
0xd1: {  	v4 =	vld [tilespmem:s15+$0xA040];
	v3 =	vsub.s32 v3, v0  }
0xd2: {  	vm0 =	vlt.u32 v3, $0x1400  }
0xd3: {  	v5 =	vmpcnt.ones.xlane vm0  }
0xd4: {  	s15 =	spop (v2sf)  }
0xd5: {  	(v2sf) =	vpush v5, $0x0;
	s13 =	sadd.s32 s13, s15  }
0xd6: {  	[tilespmem:s13+$0xC040] =	vst.msk vm0, v4  }
.Ltmp4:
0xd7: {  	[tilespmem:s13+$0x10EC0] =	vst.msk vm0, v3;
	(pc) =	sbr.rel @p0 .LBB2_10-.Ltmp4, $2  }
0xd8: {  	_ =	sdelay $0x2  }
0xd9: {  	s15 =	sshra.s32 s14, $0x2;
	s14 =	sadd.s32 $0x40, s14  }
0xda: {  	v3 =	vld [tilespmem:s15+$0xA840];
	_ =	sdelay $0x4  }
0xdb: {  	v3 =	vsub.s32 v3, v0  }
0xdc: {  	vm0 =	vlt.u32 v3, $0x1400  }
0xdd: {  	v4 =	vmpcnt.ones.xlane vm0;
	_ =	sdelay $0x1  }
0xde: {  	(v2sf) =	vpush v4, $0x0;
	_ =	sdelay $0x8  }
0xdf: {  	v62 =	vld [tilespmem:s15+$0xA040];
	_ =	sdelay $0x2  }
0xe0: {  	s14 =	spop (v2sf)  }
0xe1: {  	s13 =	sadd.s32 s13, s14  }
0xe2: {  	[tilespmem:s13+$0xC040] =	vst.msk vm0, v62  }
0xe3: {  	[tilespmem:s13+$0x10EC0] =	vst.msk vm0, v3;
	s14 =	spop (v2sf)  }
0xe4: {  	_ =	swait.ge [sflag:s7], $0x7D0  }
0xe5: {  	[sflag:s7] =	ssyncset.done $0x0  }
0xe6: {  	[sflag:s7] =	ssyncadd.s32 $0xFFFFF830  }
0xe7: {  	_ =	swait.ge [sflag:s8], $0x7D0  }
0xe8: {  	[sflag:s8] =	ssyncset.done $0x0  }
0xe9: {  	s0 =	simm.s32 $0x0;
	[sflag:s8] =	ssyncadd.s32 $0xFFFFF830  }
0xea: {  	[tilespmem:s9], [sflag:$0x1] =	stream.linear.gather [hbm4b:s30+s0], $0x7D0, $0x38;
	[tilespmem:$0x1AE40] =	vst v63  }
0xeb: {  	_ = 	snop  }
0xec: {  	[tilespmem:s16], [sflag:$0x2] =	stream.linear.gather [hbm4b:s31+s0], $0x7D0, $0x38;
	[tilespmem:$0x1AE40] =	vst v63  }
0xed: {  	s0 =	simm.s32 $0x0  }
0xee: {  	v3 =	vld [tilespmem:s0+$0xB840];
	_ =	sdelay $0x4  }
0xef: {  	v3 =	vsub.s32 v3, v0  }
0xf0: {  	vm15 =	vlt.u32 v3, $0x1400  }
0xf1: {  	v5 =	vmpcnt.ones.xlane vm15;
	_ =	sdelay $0x1  }
0xf2: {  	v63 =	vld [tilespmem:s0+$0xB040];
	(v2sf) =	vpush v5, $0x0;
	_ =	sdelay $0x3  }
0xf3: {  	s13 =	sadd.s32 s13, s14  }
0xf4: {  	[tilespmem:s13+$0xC040] =	vst.msk vm15, v63  }
0xf5: {  	s15 =	simm.s32 $0x10;
	s14 =	simm.s32 $0x80;
	[tilespmem:s13+$0x10EC0] =	vst.msk vm15, v3  }
.LBB2_12:
0xf6: {  	p0 =	sne.s32 s14, $0x1F00;
	v3 =	vld [tilespmem:s15+$0xB840];
	_ =	sdelay $0x4  }
0xf7: {  	v4 =	vld [tilespmem:s15+$0xB040];
	v3 =	vsub.s32 v3, v0  }
0xf8: {  	vm0 =	vlt.u32 v3, $0x1400  }
0xf9: {  	v5 =	vmpcnt.ones.xlane vm0  }
0xfa: {  	s15 =	spop (v2sf)  }
0xfb: {  	(v2sf) =	vpush v5, $0x0;
	s13 =	sadd.s32 s13, s15  }
0xfc: {  	[tilespmem:s13+$0xC040] =	vst.msk vm0, v4  }
.Ltmp5:
0xfd: {  	[tilespmem:s13+$0x10EC0] =	vst.msk vm0, v3;
	(pc) =	sbr.rel @p0 .LBB2_12-.Ltmp5, $2  }
0xfe: {  	_ =	sdelay $0x2  }
0xff: {  	s15 =	sshra.s32 s14, $0x2;
	s14 =	sadd.s32 $0x40, s14  }
0x100: {  	v3 =	vld [tilespmem:s15+$0xB840];
	_ =	sdelay $0x4  }
0x101: {  	v3 =	vsub.s32 v3, v0  }
0x102: {  	vm0 =	vlt.u32 v3, $0x1400  }
0x103: {  	v4 =	vmpcnt.ones.xlane vm0;
	_ =	sdelay $0x1  }
0x104: {  	(v2sf) =	vpush v4, $0x0;
	_ =	sdelay $0x8  }
0x105: {  	v62 =	vld [tilespmem:s15+$0xB040];
	_ =	sdelay $0x2  }
0x106: {  	s14 =	spop (v2sf)  }
0x107: {  	s13 =	sadd.s32 s13, s14  }
0x108: {  	[tilespmem:s13+$0xC040] =	vst.msk vm0, v62  }
0x109: {  	[tilespmem:s13+$0x10EC0] =	vst.msk vm0, v3;
	s14 =	spop (v2sf)  }
0x10a: {  	_ =	swait.ge [sflag:s3], $0x7D0  }
0x10b: {  	[sflag:s3] =	ssyncset.done $0x0  }
0x10c: {  	[sflag:s3] =	ssyncadd.s32 $0xFFFFF830  }
0x10d: {  	_ =	swait.ge [sflag:s4], $0x7D0  }
0x10e: {  	[sflag:s4] =	ssyncset.done $0x0  }
0x10f: {  	s15 =	simm.s32 $0x0;
	[sflag:s4] =	ssyncadd.s32 $0xFFFFF830  }
0x110: {  	[tilespmem:s17], [sflag:$0x3] =	stream.linear.gather [hbm4b:s12+s15], $0x7D0, $0x38;
	[tilespmem:$0x1AE40] =	vst v63  }
0x111: {  	s0 =	rddreg [dreg:$0x5]  }
0x112: {  	[tilespmem:s19], [sflag:$0x4] =	stream.linear.gather [hbm4b:s0+s15], $0x7D0, $0x38;
	[tilespmem:$0x1AE40] =	vst v63  }
0x113: {  	s0 =	simm.s32 $0x0  }
0x114: {  	v3 =	vld [tilespmem:s0+$0xA840];
	_ =	sdelay $0x4  }
0x115: {  	v3 =	vsub.s32 v3, v0  }
0x116: {  	vm15 =	vlt.u32 v3, $0x1400  }
0x117: {  	v5 =	vmpcnt.ones.xlane vm15;
	_ =	sdelay $0x1  }
0x118: {  	v63 =	vld [tilespmem:s0+$0xA040];
	(v2sf) =	vpush v5, $0x0;
	_ =	sdelay $0x3  }
0x119: {  	s13 =	sadd.s32 s13, s14  }
0x11a: {  	[tilespmem:s13+$0xC040] =	vst.msk vm15, v63  }
0x11b: {  	s14 =	simm.s32 $0x80;
	s15 =	simm.s32 $0x10;
	[tilespmem:s13+$0x10EC0] =	vst.msk vm15, v3  }
.LBB2_14:
0x11c: {  	p0 =	sne.s32 s14, $0x1F00;
	v3 =	vld [tilespmem:s15+$0xA840];
	_ =	sdelay $0x4  }
0x11d: {  	v4 =	vld [tilespmem:s15+$0xA040];
	v3 =	vsub.s32 v3, v0  }
0x11e: {  	vm0 =	vlt.u32 v3, $0x1400  }
0x11f: {  	v5 =	vmpcnt.ones.xlane vm0  }
0x120: {  	s15 =	spop (v2sf)  }
0x121: {  	(v2sf) =	vpush v5, $0x0;
	s13 =	sadd.s32 s13, s15  }
0x122: {  	[tilespmem:s13+$0xC040] =	vst.msk vm0, v4  }
.Ltmp6:
0x123: {  	[tilespmem:s13+$0x10EC0] =	vst.msk vm0, v3;
	(pc) =	sbr.rel @p0 .LBB2_14-.Ltmp6, $2  }
0x124: {  	_ =	sdelay $0x2  }
0x125: {  	s15 =	sshra.s32 s14, $0x2;
	s14 =	sadd.s32 $0x40, s14  }
0x126: {  	v3 =	vld [tilespmem:s15+$0xA840];
	_ =	sdelay $0x4  }
0x127: {  	v3 =	vsub.s32 v3, v0  }
0x128: {  	vm0 =	vlt.u32 v3, $0x1400  }
0x129: {  	v4 =	vmpcnt.ones.xlane vm0;
	_ =	sdelay $0x1  }
0x12a: {  	(v2sf) =	vpush v4, $0x0;
	_ =	sdelay $0x8  }
0x12b: {  	v62 =	vld [tilespmem:s15+$0xA040];
	_ =	sdelay $0x2  }
0x12c: {  	s14 =	spop (v2sf)  }
0x12d: {  	s13 =	sadd.s32 s13, s14  }
0x12e: {  	[tilespmem:s13+$0xC040] =	vst.msk vm0, v62  }
0x12f: {  	[tilespmem:s13+$0x10EC0] =	vst.msk vm0, v3;
	s14 =	spop (v2sf)  }
0x130: {  	_ =	swait.ge [sflag:s7], $0x7D0  }
0x131: {  	[sflag:s7] =	ssyncset.done $0x0  }
0x132: {  	[sflag:s7] =	ssyncadd.s32 $0xFFFFF830  }
0x133: {  	_ =	swait.ge [sflag:s8], $0x7D0  }
0x134: {  	[sflag:s8] =	ssyncset.done $0x0  }
0x135: {  	s15 =	simm.s32 $0x0;
	s0 =	rddreg [dreg:$0x6];
	[sflag:s8] =	ssyncadd.s32 $0xFFFFF830  }
0x136: {  	[tilespmem:s9], [sflag:$0x1] =	stream.linear.gather [hbm4b:s0+s15], $0x7D0, $0x38;
	[tilespmem:$0x1AE40] =	vst v63  }
0x137: {  	s9 =	rddreg [dreg:$0x7]  }
0x138: {  	[tilespmem:s16], [sflag:$0x2] =	stream.linear.gather [hbm4b:s9+s15], $0x7D0, $0x38;
	[tilespmem:$0x1AE40] =	vst v63  }
0x139: {  	s16 =	simm.s32 $0x0  }
0x13a: {  	v3 =	vld [tilespmem:s16+$0xB840];
	_ =	sdelay $0x4  }
0x13b: {  	v3 =	vsub.s32 v3, v0  }
0x13c: {  	vm15 =	vlt.u32 v3, $0x1400  }
0x13d: {  	v5 =	vmpcnt.ones.xlane vm15;
	_ =	sdelay $0x1  }
0x13e: {  	v63 =	vld [tilespmem:s16+$0xB040];
	(v2sf) =	vpush v5, $0x0;
	_ =	sdelay $0x3  }
0x13f: {  	s13 =	sadd.s32 s13, s14  }
0x140: {  	[tilespmem:s13+$0xC040] =	vst.msk vm15, v63  }
0x141: {  	s14 =	simm.s32 $0x80;
	s15 =	simm.s32 $0x10;
	[tilespmem:s13+$0x10EC0] =	vst.msk vm15, v3  }
.LBB2_16:
0x142: {  	p0 =	sne.s32 s14, $0x1F00;
	v3 =	vld [tilespmem:s15+$0xB840];
	_ =	sdelay $0x4  }
0x143: {  	v4 =	vld [tilespmem:s15+$0xB040];
	v3 =	vsub.s32 v3, v0  }
0x144: {  	vm0 =	vlt.u32 v3, $0x1400  }
0x145: {  	v5 =	vmpcnt.ones.xlane vm0  }
0x146: {  	s15 =	spop (v2sf)  }
0x147: {  	(v2sf) =	vpush v5, $0x0;
	s13 =	sadd.s32 s13, s15  }
0x148: {  	[tilespmem:s13+$0xC040] =	vst.msk vm0, v4  }
.Ltmp7:
0x149: {  	[tilespmem:s13+$0x10EC0] =	vst.msk vm0, v3;
	(pc) =	sbr.rel @p0 .LBB2_16-.Ltmp7, $2  }
0x14a: {  	_ =	sdelay $0x2  }
0x14b: {  	s15 =	sshra.s32 s14, $0x2;
	s14 =	sadd.s32 $0x40, s14  }
0x14c: {  	v3 =	vld [tilespmem:s15+$0xB840];
	_ =	sdelay $0x4  }
0x14d: {  	v3 =	vsub.s32 v3, v0  }
0x14e: {  	vm0 =	vlt.u32 v3, $0x1400  }
0x14f: {  	v4 =	vmpcnt.ones.xlane vm0;
	_ =	sdelay $0x1  }
0x150: {  	(v2sf) =	vpush v4, $0x0;
	_ =	sdelay $0x8  }
0x151: {  	v62 =	vld [tilespmem:s15+$0xB040];
	_ =	sdelay $0x2  }
0x152: {  	s14 =	spop (v2sf)  }
0x153: {  	s13 =	sadd.s32 s13, s14  }
0x154: {  	[tilespmem:s13+$0xC040] =	vst.msk vm0, v62  }
0x155: {  	[tilespmem:s13+$0x10EC0] =	vst.msk vm0, v3;
	s9 =	spop (v2sf)  }
0x156: {  	_ =	swait.ge [sflag:s3], $0x7D0  }
0x157: {  	[sflag:s3] =	ssyncset.done $0x0  }
0x158: {  	[sflag:s3] =	ssyncadd.s32 $0xFFFFF830  }
0x159: {  	_ =	swait.ge [sflag:s4], $0x7D0  }
0x15a: {  	[sflag:s4] =	ssyncset.done $0x0  }
0x15b: {  	s16 =	simm.s32 $0x0;
	s0 =	rddreg [dreg:$0xa];
	[sflag:s4] =	ssyncadd.s32 $0xFFFFF830  }
0x15c: {  	[tilespmem:s17], [sflag:$0x3] =	stream.linear.gather [hbm4b:s0+s16], $0x7D0, $0x38;
	[tilespmem:$0x1AE40] =	vst v63  }
0x15d: {  	s17 =	rddreg [dreg:$0xb]  }
0x15e: {  	[tilespmem:s19], [sflag:$0x4] =	stream.linear.gather [hbm4b:s17+s16], $0x7D0, $0x38;
	[tilespmem:$0x1AE40] =	vst v63  }
0x15f: {  	s19 =	simm.s32 $0x0  }
0x160: {  	v3 =	vld [tilespmem:s19+$0xA840];
	_ =	sdelay $0x4  }
0x161: {  	v3 =	vsub.s32 v3, v0  }
0x162: {  	vm15 =	vlt.u32 v3, $0x1400  }
0x163: {  	v5 =	vmpcnt.ones.xlane vm15;
	_ =	sdelay $0x1  }
0x164: {  	v63 =	vld [tilespmem:s19+$0xA040];
	(v2sf) =	vpush v5, $0x0;
	_ =	sdelay $0x3  }
0x165: {  	s13 =	sadd.s32 s13, s9  }
0x166: {  	[tilespmem:s13+$0xC040] =	vst.msk vm15, v63  }
0x167: {  	s15 =	simm.s32 $0x10;
	s14 =	simm.s32 $0x80;
	[tilespmem:s13+$0x10EC0] =	vst.msk vm15, v3  }
.LBB2_18:
0x168: {  	p0 =	sne.s32 s14, $0x1F00;
	v3 =	vld [tilespmem:s15+$0xA840];
	_ =	sdelay $0x4  }
0x169: {  	v4 =	vld [tilespmem:s15+$0xA040];
	v3 =	vsub.s32 v3, v0  }
0x16a: {  	vm0 =	vlt.u32 v3, $0x1400  }
0x16b: {  	v5 =	vmpcnt.ones.xlane vm0  }
0x16c: {  	s15 =	spop (v2sf)  }
0x16d: {  	(v2sf) =	vpush v5, $0x0;
	s13 =	sadd.s32 s13, s15  }
0x16e: {  	[tilespmem:s13+$0xC040] =	vst.msk vm0, v4  }
.Ltmp8:
0x16f: {  	[tilespmem:s13+$0x10EC0] =	vst.msk vm0, v3;
	(pc) =	sbr.rel @p0 .LBB2_18-.Ltmp8, $2  }
0x170: {  	_ =	sdelay $0x2  }
0x171: {  	s15 =	sshra.s32 s14, $0x2;
	s14 =	sadd.s32 $0x40, s14  }
0x172: {  	v3 =	vld [tilespmem:s15+$0xA840];
	_ =	sdelay $0x4  }
0x173: {  	v3 =	vsub.s32 v3, v0  }
0x174: {  	vm0 =	vlt.u32 v3, $0x1400  }
0x175: {  	v4 =	vmpcnt.ones.xlane vm0;
	_ =	sdelay $0x1  }
0x176: {  	(v2sf) =	vpush v4, $0x0;
	_ =	sdelay $0x8  }
0x177: {  	v62 =	vld [tilespmem:s15+$0xA040];
	_ =	sdelay $0x2  }
0x178: {  	s14 =	spop (v2sf)  }
0x179: {  	s13 =	sadd.s32 s13, s14  }
0x17a: {  	[tilespmem:s13+$0xC040] =	vst.msk vm0, v62  }
0x17b: {  	[tilespmem:s13+$0x10EC0] =	vst.msk vm0, v3;
	s17 =	spop (v2sf)  }
0x17c: {  	_ =	swait.ge [sflag:s7], $0x7D0  }
0x17d: {  	[sflag:s7] =	ssyncset.done $0x0  }
0x17e: {  	[sflag:s7] =	ssyncadd.s32 $0xFFFFF830  }
0x17f: {  	_ =	swait.ge [sflag:s8], $0x7D0  }
0x180: {  	[sflag:s8] =	ssyncset.done $0x0  }
0x181: {  	s19 =	simm.s32 $0x0;
	[sflag:s8] =	ssyncadd.s32 $0xFFFFF830  }
0x182: {  	v3 =	vld [tilespmem:s19+$0xB840];
	_ =	sdelay $0x4  }
0x183: {  	v3 =	vsub.s32 v3, v0  }
0x184: {  	vm15 =	vlt.u32 v3, $0x1400  }
0x185: {  	v5 =	vmpcnt.ones.xlane vm15;
	_ =	sdelay $0x1  }
0x186: {  	v63 =	vld [tilespmem:s19+$0xB040];
	(v2sf) =	vpush v5, $0x0;
	_ =	sdelay $0x3  }
0x187: {  	s13 =	sadd.s32 s13, s17  }
0x188: {  	[tilespmem:s13+$0xC040] =	vst.msk vm15, v63  }
0x189: {  	s15 =	simm.s32 $0x10;
	s14 =	simm.s32 $0x80;
	[tilespmem:s13+$0x10EC0] =	vst.msk vm15, v3  }
.LBB2_20:
0x18a: {  	p0 =	sne.s32 s14, $0x1F00;
	v3 =	vld [tilespmem:s15+$0xB840];
	_ =	sdelay $0x4  }
0x18b: {  	v4 =	vld [tilespmem:s15+$0xB040];
	v3 =	vsub.s32 v3, v0  }
0x18c: {  	vm0 =	vlt.u32 v3, $0x1400  }
0x18d: {  	v5 =	vmpcnt.ones.xlane vm0  }
0x18e: {  	s15 =	spop (v2sf)  }
0x18f: {  	(v2sf) =	vpush v5, $0x0;
	s13 =	sadd.s32 s13, s15  }
0x190: {  	[tilespmem:s13+$0xC040] =	vst.msk vm0, v4  }
.Ltmp9:
0x191: {  	[tilespmem:s13+$0x10EC0] =	vst.msk vm0, v3;
	(pc) =	sbr.rel @p0 .LBB2_20-.Ltmp9, $2  }
0x192: {  	_ =	sdelay $0x2  }
0x193: {  	s15 =	sshra.s32 s14, $0x2;
	s14 =	sadd.s32 $0x40, s14  }
0x194: {  	v3 =	vld [tilespmem:s15+$0xB840];
	_ =	sdelay $0x4  }
0x195: {  	v3 =	vsub.s32 v3, v0  }
0x196: {  	vm0 =	vlt.u32 v3, $0x1400  }
0x197: {  	v4 =	vmpcnt.ones.xlane vm0;
	_ =	sdelay $0x1  }
0x198: {  	(v2sf) =	vpush v4, $0x0;
	_ =	sdelay $0x9  }
0x199: {  	v63 =	vld [tilespmem:s15+$0xB040];
	_ =	sdelay $0x2  }
0x19a: {  	s14 =	spop (v2sf)  }
0x19b: {  	s13 =	sadd.s32 s13, s14  }
0x19c: {  	[tilespmem:s13+$0xC040] =	vst.msk vm0, v63;
	s0 =	spop (v2sf)  }
0x19d: {  	[tilespmem:s13+$0x10EC0] =	vst.msk vm0, v3;
	s13 =	sadd.s32 s13, s0  }
0x19e: {  	[tilespmem:s13+$0xC040] =	vst v1  }
0x19f: {  	[tilespmem:s13+$0x10EC0] =	vst v2  }
0x1a0: {  	[tilespmem:s13+$0xC050] =	vst v1  }
0x1a1: {  	[tilespmem:s13+$0x10ED0] =	vst v2  }
0x1a2: {  	[tilespmem:s13+$0xC060] =	vst v1  }
0x1a3: {  	[tilespmem:s13+$0x10EE0] =	vst v2  }
0x1a4: {  	[tilespmem:s13+$0xC070] =	vst v1  }
0x1a5: {  	[tilespmem:s13+$0x10EF0] =	vst v2  }
0x1a6: {  	[tilespmem:s13+$0xC080] =	vst v1  }
0x1a7: {  	[tilespmem:s13+$0x10F00] =	vst v2  }
0x1a8: {  	s14 =	smulhi.u32 $0x66666667, s13;
	s9 =	sshra.s32 s13, $0x1F;
	v3 =	vld [tilespmem:$0x10EC0]  }
0x1a9: {  	s15 =	smul.u32 $0x66666667, s9;
	v4 =	vld [tilespmem:$0x10ED0]  }
0x1aa: {  	v5 =	vld [tilespmem:$0x10EE0]  }
0x1ab: {  	v6 =	vld [tilespmem:$0x10EF0];
	s14 =	sadd.s32 s15, s14  }
0x1ac: {  	v7 =	vld [tilespmem:$0x10F00];
	s15 =	sshrl.u32 s14, $0x1F;
	s14 =	sshra.s32 s14, $0x5  }
0x1ad: {  	s14 =	sadd.s32 s15, s14;
	[tilespmem:$0x15D40] =	vst v3  }
0x1ae: {  	s15 =	smul.u32 $0xFFFFFFB0, s14;
	[tilespmem:$0x15D50] =	vst v4  }
0x1af: {  	s16 =	ssub.s32 $0x0, s13;
	[tilespmem:$0x15D60] =	vst v5  }
0x1b0: {  	s0 =	simm.s32 $0x50;
	p0 =	slt.s32 s13, $0x1;
	[tilespmem:$0x15D70] =	vst v6;
	p1 =	sne.s32 s15, s16  }
0x1b1: {  	s9 =	simm.s32 $0xC040;
	[tilespmem:$0x15D80] =	vst v7;
	s16 =	simm.s32 $0x15E40;
	p0 =	por !p0, !p1  }
0x1b2: {  	[tilespmem:s16], [sflag:$0x5] =	stream.indirect.gather [hbm4b:s1+s0], $0x80, s9, s0, $0xb8;
	[tilespmem:$0x1AE40] =	vst v63  }
0x1b3: {  	s13 =	simm.s32 $0x1;
	p0 =	por !p0, !p0  }
0x1b4: {  	s13 =	simm.s32 @!p0 $0x0  }
0x1b5: {  	s13 =	ssub.s32 s14, s13  }
0x1b6: {  	s14 =	sadd.s32 $0x1, s13  }
0x1b7: {  	s17 =	sand.u32 $0x1, s14  }
0x1b8: {  	p5 =	slt.s32 s13, $0x0;
	p6 =	seq.s32 s17, $0x1  }
0x1b9: {  	s19 =	sshrl.u32 s14, $0x1F;
	p0 =	por !p5, !p6  }
0x1ba: {  	s15 =	simm.s32 $0x1;
	s14 =	sadd.s32 s19, s14;
	p0 =	por !p0, !p0  }
0x1bb: {  	s14 =	sshra.s32 s14, $0x1;
	s15 =	simm.s32 @!p0 $0x0  }
0x1bc: {  	s15 =	ssub.s32 s14, s15  }
0x1bd: {  	p1 =	slt.s32 s15, $0x1  }
0x1be: {  	p2 =	slt.s32 @!p1 s13, $0x1  }
0x1bf: {  	p3 =	por p2, p1  }
0x1c0: {  	v3 =	vld @!p3 [tilespmem:$0x10F10]  }
0x1c1: {  	v4 =	vld @!p3 [tilespmem:$0x10F20]  }
0x1c2: {  	v5 =	vld @!p3 [tilespmem:$0x10F30]  }
0x1c3: {  	v6 =	vld @!p3 [tilespmem:$0x10F40]  }
0x1c4: {  	v7 =	vld @!p3 [tilespmem:$0x10F50]  }
0x1c5: {  	[tilespmem:$0x15DC0] =	vst @!p3 v3  }
0x1c6: {  	[tilespmem:$0x15DD0] =	vst @!p3 v4  }
0x1c7: {  	[tilespmem:$0x15DE0] =	vst @!p3 v5  }
0x1c8: {  	[tilespmem:$0x15DF0] =	vst @!p3 v6  }
0x1c9: {  	s16 =	simm.s32 @!p3 $0x50;
	s17 =	simm.s32 @!p3 $0xC090;
	s19 =	simm.s32 @!p3 $0x18640;
	[tilespmem:$0x15E00] =	vst @!p3 v7  }
0x1ca: {  	[tilespmem:s19], [sflag:$0x6] =	stream.indirect.gather @!p3 [hbm4b:s1+s16], $0x80, s17, s16, $0xb8;
	[tilespmem:$0x1AE40] =	vst v63  }
0x1cb: {  	s17 =	simm.s32 @!p3 $0x5  }
0x1cc: {  	_ =	swait.ge @!p3 [sflag:s17], $0x2800  }
0x1cd: {  	[sflag:s17] =	ssyncset.done @!p3 $0x0  }
0x1ce: {  	s19 =	simm.s32 @!p3 $0x15E40;
	[sflag:s17] =	ssyncadd.s32 @!p3 $0xFFFFD800;
	s17 =	simm.s32 @!p3 $0x15D40  }
0x1cf: {  	[spmem:s22] =	stream.indirect.scatter.add.f32 @!p3 [tilespmem:s19], [sflag:$0x7], $0x80, s17, s16, $0xb8;
	[tilespmem:$0x1AE40] =	vst v63  }
0x1d0: {  	p3 =	seq.s32 @!p3 s13, $0x1  }
0x1d1: {  	p2 =	por @!p1 p3, p2  }
0x1d2: {  	p2 =	por p2, p1  }
0x1d3: {  	s16 =	simm.s32 @!p2 $0x7  }
0x1d4: {  	_ =	swait.ge @!p2 [sflag:s16], $0x2800  }
0x1d5: {  	[sflag:s16] =	ssyncset.done @!p2 $0x0  }
0x1d6: {  	[sflag:s16] =	ssyncadd.s32 @!p2 $0xFFFFD800  }
0x1d7: {  	v3 =	vld @!p2 [tilespmem:$0x10F60]  }
0x1d8: {  	v4 =	vld @!p2 [tilespmem:$0x10F70]  }
0x1d9: {  	v5 =	vld @!p2 [tilespmem:$0x10F80]  }
0x1da: {  	v6 =	vld @!p2 [tilespmem:$0x10F90]  }
0x1db: {  	v7 =	vld @!p2 [tilespmem:$0x10FA0]  }
0x1dc: {  	[tilespmem:$0x15D40] =	vst @!p2 v3  }
0x1dd: {  	[tilespmem:$0x15D50] =	vst @!p2 v4  }
0x1de: {  	[tilespmem:$0x15D60] =	vst @!p2 v5  }
0x1df: {  	[tilespmem:$0x15D70] =	vst @!p2 v6  }
0x1e0: {  	s17 =	simm.s32 @!p2 $0xC0E0;
	s19 =	simm.s32 @!p2 $0x15E40;
	s16 =	simm.s32 @!p2 $0x50;
	[tilespmem:$0x15D80] =	vst @!p2 v7  }
0x1e1: {  	[tilespmem:s19], [sflag:$0x5] =	stream.indirect.gather @!p2 [hbm4b:s1+s16], $0x80, s17, s16, $0xb8;
	[tilespmem:$0x1AE40] =	vst v63  }
0x1e2: {  	s17 =	simm.s32 @!p2 $0x6  }
0x1e3: {  	_ =	swait.ge @!p2 [sflag:s17], $0x2800  }
0x1e4: {  	[sflag:s17] =	ssyncset.done @!p2 $0x0  }
0x1e5: {  	s19 =	simm.s32 @!p2 $0x18640;
	[sflag:s17] =	ssyncadd.s32 @!p2 $0xFFFFD800;
	s17 =	simm.s32 @!p2 $0x15DC0  }
0x1e6: {  	[spmem:s22] =	stream.indirect.scatter.add.f32 @!p2 [tilespmem:s19], [sflag:$0x8], $0x80, s17, s16, $0xb8;
	[tilespmem:$0x1AE40] =	vst v63  }
0x1e7: {  	p2 =	seq.s32 @!p1 s15, $0x1  }
0x1e8: {  	p2 =	por p1, p2  }
.Ltmp10:
0x1e9: {  	_ = 	snop;
	(pc) =	sbr.rel @p2 .LBB2_28-.Ltmp10, $1  }
0x1ea: {  	_ =	sdelay $0x3  }
0x1eb: {  	s15 =	simm.s32 $0xFFFFFFFF  }
0x1ec: {  	s15 =	simm.s32 @!p0 $0x0  }
0x1ed: {  	s14 =	sadd.s32 s15, s14  }
0x1ee: {  	s12 =	smov.u32 s31;
	s14 =	sadd.s32 $0xFFFFFFFF, s14  }
0x1ef: {  	s0 =	smov.u32 s30;
	s2 =	smov.u32 s29;
	s19 =	sadd.s32 $0xFFFFFFFF, s14  }
0x1f0: {  	s6 =	smov.u32 s28;
	s5 =	smov.u32 s18;
	p2 =	sne.s32 s19, $0x0  }
.Ltmp11:
0x1f1: {  	s18 =	smov.u32 s26;
	s31 =	smov.u32 s25;
	(pc) =	sbr.rel @!p2 .LBB2_23-.Ltmp11, $4  }
0x1f2: {  	s28 =	smov.u32 s10;
	s10 =	smov.u32 s24;
	s30 =	smov.u32 s23  }
0x1f3: {  	s29 =	smov.u32 s21;
	s26 =	smov.u32 s20;
	s20 =	simm.s32 $0xC180  }
0x1f4: {  	s17 =	simm.s32 $0x2;
	s16 =	simm.s32 $0xA0;
	p0 =	sle.s32 s13, $0x2  }
0x1f5: {  	s15 =	sadd.s32 @!p1 $0xFFFFFFFF, s13;
	p1 =	por $0x0, $0x0;
	s14 =	simm.s32 $0x11040  }
0x1f6: {  	s17 =	simm.s32 @!p0 $0x8  }
0x1f7: {  	_ =	swait.ge @!p0 [sflag:s17], $0x2800  }
0x1f8: {  	[sflag:s17] =	ssyncset.done @!p0 $0x0  }
0x1f9: {  	[sflag:s17] =	ssyncadd.s32 @!p0 $0xFFFFD800  }
0x1fa: {  	v3 =	vld @!p0 [tilespmem:s14+$0xFFFFFF70];
	_ =	sdelay $0x4  }
0x1fb: {  	[tilespmem:$0x15DC0] =	vst @!p0 v3  }
0x1fc: {  	v3 =	vld @!p0 [tilespmem:s14+$0xFFFFFF80];
	_ =	sdelay $0x4  }
0x1fd: {  	[tilespmem:$0x15DD0] =	vst @!p0 v3  }
0x1fe: {  	v3 =	vld @!p0 [tilespmem:s14+$0xFFFFFF90];
	_ =	sdelay $0x4  }
0x1ff: {  	s16 =	sand.u32 @!p0 $0xFFFFFFE0, s16;
	[tilespmem:$0x15DE0] =	vst @!p0 v3  }
0x200: {  	v3 =	vld @!p0 [tilespmem:s16+$0x10F40];
	_ =	sdelay $0x4  }
0x201: {  	[tilespmem:$0x15DF0] =	vst @!p0 v3  }
0x202: {  	v3 =	vld @!p0 [tilespmem:s14+$0xFFFFFFB0];
	_ =	sdelay $0x3  }
0x203: {  	s21 =	simm.s32 @!p0 $0x50  }
0x204: {  	s23 =	simm.s32 @!p0 $0x18640;
	s17 =	simm.s32 @!p0 $0xC130;
	s16 =	simm.s32 @!p0 $0x5;
	[tilespmem:$0x15E00] =	vst @!p0 v3  }
0x205: {  	[tilespmem:s23], [sflag:$0x6] =	stream.indirect.gather @!p0 [hbm4b:s1+s21], $0x80, s17, s21, $0xb8;
	[tilespmem:$0x1AE40] =	vst v63  }
0x206: {  	_ =	swait.ge @!p0 [sflag:s16], $0x2800  }
0x207: {  	p3 =	sle.s32 s15, $0x2;
	s17 =	simm.s32 @!p0 $0x15E40;
	[sflag:s16] =	ssyncset.done @!p0 $0x0  }
0x208: {  	s23 =	simm.s32 @!p3 $0x7;
	[sflag:s16] =	ssyncadd.s32 @!p0 $0xFFFFD800;
	s16 =	simm.s32 @!p0 $0x15D40  }
0x209: {  	[spmem:s22] =	stream.indirect.scatter.add.f32 @!p0 [tilespmem:s17], [sflag:$0x7], $0x80, s16, s21, $0xb8;
	[tilespmem:$0x1AE40] =	vst v63  }
0x20a: {  	_ =	swait.ge @!p3 [sflag:s23], $0x2800  }
0x20b: {  	[sflag:s23] =	ssyncset.done @!p3 $0x0  }
0x20c: {  	[sflag:s23] =	ssyncadd.s32 @!p3 $0xFFFFD800  }
0x20d: {  	v3 =	vld @!p3 [tilespmem:s14+$0xFFFFFFC0];
	_ =	sdelay $0x4  }
0x20e: {  	[tilespmem:$0x15D40] =	vst @!p3 v3  }
0x20f: {  	v3 =	vld @!p3 [tilespmem:s14+$0xFFFFFFD0];
	_ =	sdelay $0x4  }
0x210: {  	[tilespmem:$0x15D50] =	vst @!p3 v3  }
0x211: {  	v3 =	vld @!p3 [tilespmem:s14+$0xFFFFFFE0];
	_ =	sdelay $0x4  }
0x212: {  	[tilespmem:$0x15D60] =	vst @!p3 v3  }
0x213: {  	v3 =	vld @!p3 [tilespmem:s14+$0xFFFFFFF0];
	_ =	sdelay $0x4  }
0x214: {  	[tilespmem:$0x15D70] =	vst @!p3 v3  }
0x215: {  	v3 =	vld @!p3 [tilespmem:s14+$0x0];
	_ =	sdelay $0x1  }
0x216: {  	s19 =	sadd.s32 $0xFFFFFFFF, s19  }
0x217: {  	p1 =	por $0x1, $0x1;
	p2 =	sne.s32 s19, $0x0;
	s24 =	simm.s32 @!p3 $0x6  }
.Ltmp12:
0x218: {  	s25 =	simm.s32 @!p3 $0x15DC0;
	s16 =	simm.s32 $0x140;
	(pc) =	sbr.rel @!p2 .LBB2_25-.Ltmp12, $4  }
0x219: {  	s21 =	simm.s32 @!p3 $0x18640;
	s23 =	simm.s32 @!p3 $0x50;
	s14 =	simm.s32 @!p3 $0x15E40;
	[tilespmem:$0x15D80] =	vst @!p3 v3  }
0x21a: {  	[tilespmem:s14], [sflag:$0x5] =	stream.indirect.gather @!p3 [hbm4b:s1+s23], $0x80, s20, s23, $0xb8;
	[tilespmem:$0x1AE40] =	vst v63  }
0x21b: {  	s17 =	simm.s32 $0x4;
	p0 =	sle.s32 s13, $0x4;
	_ =	swait.ge @!p3 [sflag:s24], $0x2800  }
0x21c: {  	s20 =	simm.s32 $0xC220;
	s14 =	simm.s32 $0x110E0;
	[sflag:s24] =	ssyncset.done @!p3 $0x0  }
.LBB2_26:
0x21d: {  	s19 =	sadd.s32 $0xFFFFFFFF, s19;
	s9 =	simm.s32 @!p0 $0x8;
	[sflag:s24] =	ssyncadd.s32 @!p3 $0xFFFFD800  }
0x21e: {  	[spmem:s22] =	stream.indirect.scatter.add.f32 @!p3 [tilespmem:s21], [sflag:$0x8], $0x80, s25, s23, $0xb8;
	[tilespmem:$0x1AE40] =	vst v63  }
0x21f: {  	p2 =	sne.s32 s19, $0x0;
	s21 =	smov.u32 s20;
	_ =	swait.ge @!p0 [sflag:s9], $0x2800  }
0x220: {  	[sflag:s9] =	ssyncset.done @!p0 $0x0  }
0x221: {  	[sflag:s9] =	ssyncadd.s32 @!p0 $0xFFFFD800  }
0x222: {  	v3 =	vld @!p0 [tilespmem:s14+$0xFFFFFF70];
	_ =	sdelay $0x4  }
0x223: {  	[tilespmem:$0x15DC0] =	vst @!p0 v3  }
0x224: {  	v3 =	vld @!p0 [tilespmem:s14+$0xFFFFFF80];
	_ =	sdelay $0x4  }
0x225: {  	[tilespmem:$0x15DD0] =	vst @!p0 v3  }
0x226: {  	v3 =	vld @!p0 [tilespmem:s14+$0xFFFFFF90];
	_ =	sdelay $0x4  }
0x227: {  	s9 =	sand.u32 @!p0 $0xFFFFFFE0, s16;
	[tilespmem:$0x15DE0] =	vst @!p0 v3  }
0x228: {  	v3 =	vld @!p0 [tilespmem:s9+$0x10F40];
	_ =	sdelay $0x4  }
0x229: {  	[tilespmem:$0x15DF0] =	vst @!p0 v3  }
0x22a: {  	v3 =	vld @!p0 [tilespmem:s14+$0xFFFFFFB0];
	_ =	sdelay $0x3  }
0x22b: {  	s9 =	simm.s32 @!p0 $0x5  }
0x22c: {  	s24 =	simm.s32 @!p0 $0x50;
	s23 =	sadd.s32 @!p0 $0xFFFFFFB0, s20;
	s25 =	simm.s32 @!p0 $0x18640;
	[tilespmem:$0x15E00] =	vst @!p0 v3  }
0x22d: {  	[tilespmem:s25], [sflag:$0x6] =	stream.indirect.gather @!p0 [hbm4b:s1+s24], $0x80, s23, s24, $0xb8;
	[tilespmem:$0x1AE40] =	vst v63  }
0x22e: {  	_ =	swait.ge @!p0 [sflag:s9], $0x2800  }
0x22f: {  	p3 =	sge.s32 s17, s15;
	s23 =	simm.s32 @!p0 $0x15E40;
	[sflag:s9] =	ssyncset.done @!p0 $0x0  }
0x230: {  	s25 =	simm.s32 @!p3 $0x7;
	[sflag:s9] =	ssyncadd.s32 @!p0 $0xFFFFD800;
	s9 =	simm.s32 @!p0 $0x15D40  }
0x231: {  	[spmem:s22] =	stream.indirect.scatter.add.f32 @!p0 [tilespmem:s23], [sflag:$0x7], $0x80, s9, s24, $0xb8;
	[tilespmem:$0x1AE40] =	vst v63  }
0x232: {  	_ =	swait.ge @!p3 [sflag:s25], $0x2800  }
0x233: {  	[sflag:s25] =	ssyncset.done @!p3 $0x0  }
0x234: {  	[sflag:s25] =	ssyncadd.s32 @!p3 $0xFFFFD800  }
0x235: {  	v3 =	vld @!p3 [tilespmem:s14+$0xFFFFFFC0];
	_ =	sdelay $0x4  }
0x236: {  	[tilespmem:$0x15D40] =	vst @!p3 v3  }
0x237: {  	v3 =	vld @!p3 [tilespmem:s14+$0xFFFFFFD0];
	_ =	sdelay $0x4  }
0x238: {  	[tilespmem:$0x15D50] =	vst @!p3 v3  }
0x239: {  	v3 =	vld @!p3 [tilespmem:s14+$0xFFFFFFE0];
	_ =	sdelay $0x4  }
0x23a: {  	[tilespmem:$0x15D60] =	vst @!p3 v3  }
0x23b: {  	v3 =	vld @!p3 [tilespmem:s14+$0xFFFFFFF0];
	_ =	sdelay $0x4  }
0x23c: {  	[tilespmem:$0x15D70] =	vst @!p3 v3  }
0x23d: {  	v3 =	vld @!p3 [tilespmem:s14+$0x0];
	_ =	sdelay $0x2  }
0x23e: {  	s16 =	sadd.s32 $0xA0, s16  }
.Ltmp13:
0x23f: {  	s20 =	sadd.s32 $0xA0, s20;
	s14 =	sadd.s32 $0xA0, s14;
	(pc) =	sbr.rel @p2 .LBB2_26-.Ltmp13, $4  }
0x240: {  	s23 =	simm.s32 @!p3 $0x50;
	s9 =	simm.s32 @!p3 $0x15E40;
	s24 =	simm.s32 @!p3 $0x6;
	[tilespmem:$0x15D80] =	vst @!p3 v3  }
0x241: {  	[tilespmem:s9], [sflag:$0x5] =	stream.indirect.gather @!p3 [hbm4b:s1+s23], $0x80, s21, s23, $0xb8;
	[tilespmem:$0x1AE40] =	vst v63  }
0x242: {  	s17 =	sadd.s32 $0x2, s17;
	s21 =	simm.s32 @!p3 $0x18640;
	_ =	swait.ge @!p3 [sflag:s24], $0x2800  }
0x243: {  	p0 =	sge.s32 s17, s13;
	s25 =	simm.s32 @!p3 $0x15DC0;
	[sflag:s24] =	ssyncset.done @!p3 $0x0  }
.LBB2_27:
0x244: {  	p1 =	por p3, !p1  }
0x245: {  	s9 =	simm.s32 @!p0 $0x8;
	[sflag:s24] =	ssyncadd.s32 @!p1 $0xFFFFD800  }
0x246: {  	[spmem:s22] =	stream.indirect.scatter.add.f32 @!p1 [tilespmem:s21], [sflag:$0x8], $0x80, s25, s23, $0xb8;
	[tilespmem:$0x1AE40] =	vst v63  }
0x247: {  	_ =	swait.ge @!p0 [sflag:s9], $0x2800  }
0x248: {  	[sflag:s9] =	ssyncset.done @!p0 $0x0  }
0x249: {  	[sflag:s9] =	ssyncadd.s32 @!p0 $0xFFFFD800  }
0x24a: {  	v3 =	vld @!p0 [tilespmem:s14+$0xFFFFFF70];
	_ =	sdelay $0x4  }
0x24b: {  	[tilespmem:$0x15DC0] =	vst @!p0 v3  }
0x24c: {  	v3 =	vld @!p0 [tilespmem:s14+$0xFFFFFF80];
	_ =	sdelay $0x4  }
0x24d: {  	[tilespmem:$0x15DD0] =	vst @!p0 v3  }
0x24e: {  	v3 =	vld @!p0 [tilespmem:s14+$0xFFFFFF90];
	_ =	sdelay $0x4  }
0x24f: {  	s9 =	sand.u32 @!p0 $0xFFFFFFE0, s16;
	[tilespmem:$0x15DE0] =	vst @!p0 v3  }
0x250: {  	v3 =	vld @!p0 [tilespmem:s9+$0x10F40];
	_ =	sdelay $0x4  }
0x251: {  	[tilespmem:$0x15DF0] =	vst @!p0 v3  }
0x252: {  	v3 =	vld @!p0 [tilespmem:s14+$0xFFFFFFB0];
	_ =	sdelay $0x3  }
0x253: {  	s19 =	simm.s32 @!p0 $0x50  }
0x254: {  	s21 =	simm.s32 @!p0 $0x18640;
	s16 =	sadd.s32 @!p0 $0xFFFFFFB0, s20;
	s9 =	simm.s32 @!p0 $0x5;
	[tilespmem:$0x15E00] =	vst @!p0 v3  }
0x255: {  	[tilespmem:s21], [sflag:$0x6] =	stream.indirect.gather @!p0 [hbm4b:s1+s19], $0x80, s16, s19, $0xb8;
	[tilespmem:$0x1AE40] =	vst v63  }
0x256: {  	p1 =	sge.s32 s17, s15;
	_ =	swait.ge @!p0 [sflag:s9], $0x2800  }
0x257: {  	s15 =	simm.s32 @!p1 $0x7;
	[sflag:s9] =	ssyncset.done @!p0 $0x0  }
0x258: {  	s16 =	simm.s32 @!p0 $0x15E40;
	[sflag:s9] =	ssyncadd.s32 @!p0 $0xFFFFD800;
	s9 =	simm.s32 @!p0 $0x15D40  }
0x259: {  	[spmem:s22] =	stream.indirect.scatter.add.f32 @!p0 [tilespmem:s16], [sflag:$0x7], $0x80, s9, s19, $0xb8;
	[tilespmem:$0x1AE40] =	vst v63  }
0x25a: {  	_ =	swait.ge @!p1 [sflag:s15], $0x2800  }
0x25b: {  	[sflag:s15] =	ssyncset.done @!p1 $0x0  }
0x25c: {  	[sflag:s15] =	ssyncadd.s32 @!p1 $0xFFFFD800  }
0x25d: {  	v3 =	vld @!p1 [tilespmem:s14+$0xFFFFFFC0];
	_ =	sdelay $0x4  }
0x25e: {  	[tilespmem:$0x15D40] =	vst @!p1 v3  }
0x25f: {  	v3 =	vld @!p1 [tilespmem:s14+$0xFFFFFFD0];
	_ =	sdelay $0x4  }
0x260: {  	[tilespmem:$0x15D50] =	vst @!p1 v3  }
0x261: {  	v3 =	vld @!p1 [tilespmem:s14+$0xFFFFFFE0];
	_ =	sdelay $0x4  }
0x262: {  	[tilespmem:$0x15D60] =	vst @!p1 v3  }
0x263: {  	v3 =	vld @!p1 [tilespmem:s14+$0xFFFFFFF0];
	_ =	sdelay $0x4  }
0x264: {  	[tilespmem:$0x15D70] =	vst @!p1 v3  }
0x265: {  	v3 =	vld @!p1 [tilespmem:s14+$0x0];
	_ =	sdelay $0x1  }
0x266: {  	s24 =	smov.u32 s10;
	s10 =	smov.u32 s28;
	s28 =	smov.u32 s6  }
0x267: {  	s23 =	smov.u32 s30;
	s25 =	smov.u32 s31;
	s30 =	smov.u32 s0  }
0x268: {  	s31 =	smov.u32 s12;
	s21 =	smov.u32 s29;
	s29 =	smov.u32 s2  }
0x269: {  	s9 =	simm.s32 @!p1 $0x50;
	s15 =	simm.s32 @!p1 $0x6;
	s14 =	simm.s32 @!p1 $0x15E40;
	[tilespmem:$0x15D80] =	vst @!p1 v3  }
0x26a: {  	[tilespmem:s14], [sflag:$0x5] =	stream.indirect.gather @!p1 [hbm4b:s1+s9], $0x80, s20, s9, $0xb8;
	[tilespmem:$0x1AE40] =	vst v63  }
0x26b: {  	s2 =	simm.s32 $0x0;
	s16 =	simm.s32 @!p1 $0x15DC0;
	_ =	swait.ge @!p1 [sflag:s15], $0x2800  }
0x26c: {  	s14 =	simm.s32 @!p1 $0x18640;
	s20 =	smov.u32 s26;
	s12 =	rddreg [dreg:$0x4]  }
0x26d: {  	s26 =	smov.u32 s18;
	[sflag:s15] =	ssyncset.done @!p1 $0x0;
	s6 =	rddreg [dreg:$0xd]  }
0x26e: {  	s18 =	smov.u32 s5;
	s5 =	rddreg [dreg:$0xe];
	[sflag:s15] =	ssyncadd.s32 @!p1 $0xFFFFD800  }
0x26f: {  	[spmem:s22] =	stream.indirect.scatter.add.f32 @!p1 [tilespmem:s14], [sflag:$0x8], $0x80, s16, s9, $0xb8;
	[tilespmem:$0x1AE40] =	vst v63  }
.LBB2_28:
0x270: {  	s9 =	sshrl.u32 s13, $0x1F  }
0x271: {  	s9 =	sadd.s32 s9, s13  }
0x272: {  	s9 =	sand.u32 $0xFFFFFFFE, s9  }
0x273: {  	p0 =	slt.s32 s13, $0x1;
	s14 =	ssub.s32 s13, s9  }
0x274: {  	p1 =	sne.s32 @!p0 s14, $0x0  }
0x275: {  	p1 =	por p0, p1  }
.Ltmp14:
0x276: {  	_ = 	snop;
	(pc) =	sbr.rel @p1 .LBB2_30-.Ltmp14, $2  }
0x277: {  	_ =	sdelay $0x2  }
0x278: {  	s16 =	simm.s32 $0xA840;
	s17 =	simm.s32 $0xB040;
	s19 =	simm.s32 $0xB840  }
0x279: {  	s0 =	simm.s32 $0x8  }
0x27a: {  	_ =	swait.ge [sflag:s0], $0x2800  }
0x27b: {  	[sflag:s0] =	ssyncset.done $0x0  }
0x27c: {  	s14 =	simm.s32 $0x5;
	[sflag:s0] =	ssyncadd.s32 $0xFFFFD800  }
.Ltmp15:
0x27d: {  	_ =	swait.ge [sflag:s14], $0x2800;
	(pc) =	sbr.rel .LBB2_36-.Ltmp15, $4  }
0x27e: {  	s15 =	simm.s32 $0x50;
	[sflag:s14] =	ssyncset.done $0x0  }
0x27f: {  	s9 =	simm.s32 $0x15E40;
	s13 =	simm.s32 $0x15D40;
	[sflag:s14] =	ssyncadd.s32 $0xFFFFD800  }
0x280: {  	[spmem:s22] =	stream.indirect.scatter.add.f32 [tilespmem:s9], [sflag:$0x7], $0x80, s13, s15, $0xb8;
	[tilespmem:$0x1AE40] =	vst v63  }
0x281: {  	s14 =	simm.s32 $0x9;
	s13 =	simm.s32 $0x7;
	s9 =	simm.s32 $0xA040  }
.LBB2_30:
0x282: {  	p1 =	sne.s32 @!p0 s14, $0x1  }
0x283: {  	p0 =	por p0, p1  }
.Ltmp16:
0x284: {  	_ = 	snop;
	(pc) =	sbr.rel @p0 .LBB2_33-.Ltmp16, $2  }
0x285: {  	_ =	sdelay $0x2  }
0x286: {  	s9 =	simm.s32 $0xA040  }
0x287: {  	s0 =	simm.s32 $0x7  }
0x288: {  	_ =	swait.ge [sflag:s0], $0x2800  }
0x289: {  	[sflag:s0] =	ssyncset.done $0x0  }
0x28a: {  	[sflag:s0] =	ssyncadd.s32 $0xFFFFD800  }
.LBB2_32:
0x28b: {  	s0 =	simm.s32 $0x6  }
0x28c: {  	_ =	swait.ge [sflag:s0], $0x2800  }
0x28d: {  	s15 =	simm.s32 $0x50;
	[sflag:s0] =	ssyncset.done $0x0  }
0x28e: {  	s13 =	simm.s32 $0x15DC0;
	s14 =	simm.s32 $0x18640;
	[sflag:s0] =	ssyncadd.s32 $0xFFFFD800  }
0x28f: {  	[spmem:s22] =	stream.indirect.scatter.add.f32 [tilespmem:s14], [sflag:$0x8], $0x80, s13, s15, $0xb8;
	[tilespmem:$0x1AE40] =	vst v63  }
0x290: {  	s13 =	simm.s32 $0x8;
	s14 =	simm.s32 $0x9  }
.LBB2_36:
0x291: {  	_ =	swait.ge [sflag:s13], $0x2800  }
0x292: {  	[sflag:s13] =	ssyncset.done $0x0  }
0x293: {  	[sflag:s13] =	ssyncadd.s32 $0xFFFFD800  }
.LBB2_37:
0x294: {  	[bflag:$0x0] =	sbarrier.arrive $0xFFFF  }
0x295: {  	s0 =	rddreg [dreg:$0xf]  }
0x296: {  	s13 =	rddreg [dreg:$0x11]  }
0x297: {  	[hbm:s0], [sflag:s5] =	dma.local [spmem:s13], $0x1400  }
0x298: {  	_ =	swait.ge [sflag:s14], $0x1400  }
0x299: {  	s11 =	sadd.s32 $0x1, s11;
	s15 =	rddreg [dreg:$0x10]  }
0x29a: {  	p0 =	sne.s32 s11, s15  }
.Ltmp17:
0x29b: {  	_ = 	snop;
	(pc) =	sbr.rel @p0 .LBB2_1-.Ltmp17, $4  }
.Ltmp18:
0x29c: {  	_ = 	snop;
	(pc) =	sbr.rel @!p0 .LBB2_38-.Ltmp18, $4  }
0x29d: {  	_ = 	snop  }
0x29e: {  	[sflag:s14] =	ssyncset.done $0x0  }
0x29f: {  	[sflag:s14] =	ssyncadd.s32 $0xFFFFEC00  }
0x2a0: {  	_ = 	snop  }
.LBB2_33:
0x2a1: {  	p0 =	seq.s32 s14, $0x1  }
.Ltmp19:
0x2a2: {  	_ = 	snop;
	(pc) =	sbr.rel @p0 .LBB2_32-.Ltmp19, $1  }
0x2a3: {  	_ =	sdelay $0x3  }
0x2a4: {  	p0 =	sne.s32 s14, $0x0  }
.Ltmp20:
0x2a5: {  	_ = 	snop;
	(pc) =	sbr.rel @p0 .LBB2_37-.Ltmp20, $2  }
0x2a6: {  	_ =	sdelay $0x2  }
0x2a7: {  	s14 =	simm.s32 $0x9  }
0x2a8: {  	s0 =	simm.s32 $0x5  }
.Ltmp21:
0x2a9: {  	_ =	swait.ge [sflag:s0], $0x2800;
	(pc) =	sbr.rel .LBB2_36-.Ltmp21, $4  }
0x2aa: {  	s13 =	simm.s32 $0x15E40;
	[sflag:s0] =	ssyncset.done $0x0  }
0x2ab: {  	s15 =	simm.s32 $0x15D40;
	[sflag:s0] =	ssyncadd.s32 $0xFFFFD800;
	s0 =	simm.s32 $0x50  }
0x2ac: {  	[spmem:s22] =	stream.indirect.scatter.add.f32 [tilespmem:s13], [sflag:$0x7], $0x80, s15, s0, $0xb8;
	[tilespmem:$0x1AE40] =	vst v63  }
0x2ad: {  	s13 =	simm.s32 $0x7  }
.LBB2_23:
.Ltmp22:
0x2ae: {  	(pc) =	sbr.rel .LBB2_27-.Ltmp22, $2  }
0x2af: {  	_ =	sdelay $0x2  }
0x2b0: {  	_ = 	snop  }
.LBB2_25:
.Ltmp23:
0x2b1: {  	(pc) =	sbr.rel .LBB2_27-.Ltmp23, $2  }
0x2b2: {  	_ =	sdelay $0x2  }
0x2b3: {  	s20 =	simm.s32 $0xC220  }
.LBB2_38:
0x2b4: {  	_ =	sfence.sel $0x180000  }
0x2b5: {  	[bflag:$0x0] =	sbarrier.arrive $0xFFFF  }
0x2b6: {  	_ =	strace $0x9000004A  }
0x2b7: {  	s0 =	stileid.u32;
	[bflag:$0x2] =	sbarrier.arrive $0xFFFF  }
0x2b8: {  	p0 =	sne.s32 s0, $0x0;
	s0 =	rddreg [dreg:$0x3]  }
0x2b9: {  	s0 =	sadd.s32 @!p0 $0x100000, s0  }
0x2ba: {  	[sflag:s0] =	ssyncadd.tile.s32 @!p0 $0x1;
	_ =	shalt  }
.Lfunc_end2:
_tile_overlayer_lowered:
.L_overlay_start_2:
0x2bb: {  	(tag) =	ssettag $0x2  }
0x2bc: {  	s0 =	rddreg [dreg:$0x0];
	s2 =	stileid.u32  }
0x2bd: {  	s1 =	rddreg [dreg:$0x1];
	p0 =	sne.s32 s2, $0x0  }
0x2be: {  	s3 =	rddreg [dreg:$0x2];
	[bflag:$0x3] =	sbarrier.arrive $0xFFFF;
	s2 =	simm.s32 @!p0 $0x1C09  }
0x2bf: {  	[timem:s3], [sflag:s2] =	dma.local @!p0 [hbm:s0], s1  }
0x2c0: {  	s0 =	simm.s32 @!p0 $0x9  }
0x2c1: {  	_ =	swait.ge @!p0 [sflag:s0], s1  }
0x2c2: {  	s1 =	ssub.s32 @!p0 $0x0, s1;
	[sflag:s0] =	ssyncset.done @!p0 $0x0  }
0x2c3: {  	[sflag:s0] =	ssyncadd.s32 @!p0 s1  }
0x2c4: {  	[bflag:$0x3] =	sbarrier.arrive $0xFFFF  }
0x2c5: {  	_ =	shalt  }

// kernel: kernel.7.cloned.1.call-start
scs
__scs_entry_jumppad:
0x0: {  	(pc) =	sbr.rel $0x88, $3  }
0x1: {  	(tag) =	ssettag $0x0;
	lr =	simm.s32 $0x1  }
0x2: {  	[smem:$0x3F99] =	sst lr;
	_ =	strace $0xD0000000  }
0x3: {  	_ = 	snop  }
0x4: {  	_ = 	snop  }
0x5: {  	_ = 	snop  }
0x6: {  	_ = 	snop  }
0x7: {  	_ = 	snop  }
__scs_overlays_trampoline_lowered:
0x8: {  	[smem:$0x3FA8] =	sst s0  }
0x9: {  	[smem:$0x3FA9] =	sst s1  }
0xa: {  	[smem:$0x3FAA] =	sst s2  }
0xb: {  	[smem:$0x3FAB] =	sst s3  }
0xc: {  	[smem:$0x3FAC] =	sst s4  }
0xd: {  	[smem:$0x3FAD] =	sst s5  }
0xe: {  	[smem:$0x3FAE] =	sst s6  }
0xf: {  	[smem:$0x3FAF] =	sst s7  }
0x10: {  	[smem:$0x3FB0] =	sst s8  }
0x11: {  	[smem:$0x3FB1] =	sst s9;
	s0 =	simm.s32 @!p0 $0x0  }
0x12: {  	s1 =	sld [smem:$0x3F97];
	s0 =	simm.s32 @p0 $0x1  }
0x13: {  	[smem:$0x3FB2] =	sst s0;
	s0 =	simm.s32 @!p1 $0x0  }
0x14: {  	s2 =	sld [smem:$0x3F96];
	s0 =	simm.s32 @p1 $0x1  }
0x15: {  	[smem:$0x3FB3] =	sst s0;
	s0 =	simm.s32 @!p2 $0x0  }
0x16: {  	s3 =	sld [smem:$0x3FDB];
	s0 =	simm.s32 @p2 $0x1  }
0x17: {  	s4 =	simm.s32 $0x1BF5;
	[smem:$0x3FB5] =	sst s0  }
0x18: {  	s0 =	sld [smem:$0x3F98];
	_ =	swait.ge [sflag:s4], $0x0  }
0x19: {  	s7 =	sld [smem:$0x3F99]  }
0x1a: {  	s8 =	sadd.s32 $0xFFFFE003, lr  }
0x1b: {  	s9 =	sadd.s32 $0xFFFFFEF7, lr;
	s5 =	simm.s32 $0xFFFFFFFF;
	p2 =	slt.u32 s8, $0xFFFFF086  }
0x1c: {  	p1 =	slt.u32 s9, $0xF7A;
	s5 =	simm.s32 @!p2 $0x0  }
0x1d: {  	s5 =	simm.s32 @p1 $0x1;
	p0 =	seq.s32 s7, s2  }
0x1e: {  	s7 =	smul.u32 @!p0 $0xF7A, s2;
	p2 =	seq.s32 @!p0 s5, $0x0  }
0x1f: {  	s9 =	smul.u32 $0xF7A, s1;
	s8 =	simm.s32 @!p0 $0x1BF5;
	p2 =	por !p2, p0  }
0x20: {  	[sflag:s8] =	ssyncset.s32 @!p0 $0xFFFFF086;
	s6 =	sadd.s32 @!p0 s3, s7;
	s7 =	simm.s32 @!p0 $0x108  }
0x21: {  	s3 =	sadd.s32 s3, s9;
	s6 =	sadd.s32 @!p0 $0x88, s6;
	s7 =	simm.s32 @p2 $0x1082  }
0x22: {  	[simem:s7], [sflag:s8] =	dma.local @!p0 [hbm:s6], $0xF7A  }
0x23: {  	s9 =	sor.u32 $0xD0000000, s2;
	s6 =	simm.s32 $0x108;
	_ =	swait.ge @!p0 [sflag:s8], $0x0  }
0x24: {  	s3 =	sadd.s32 $0x88, s3;
	s6 =	simm.s32 @!p1 $0x1082;
	[sflag:s4] =	ssyncset.s32 $0xFFFFF086  }
0x25: {  	[simem:s6], [sflag:s4] =	dma.local [hbm:s3], $0xF7A  }
0x26: {  	[smem:$0x3F99] =	sst s1;
	(tag) =	ssettag s2;
	_ =	strace s9  }
0x27: {  	s1 =	sld [smem:$0x3FA9]  }
0x28: {  	s2 =	sld [smem:$0x3FAA]  }
0x29: {  	s4 =	sld [smem:$0x3FAC]  }
0x2a: {  	p0 =	seq.s32 s5, $0x0;
	s5 =	sld [smem:$0x3FAD]  }
0x2b: {  	s6 =	sld [smem:$0x3FAE]  }
0x2c: {  	s7 =	sld [smem:$0x3FAF]  }
0x2d: {  	s3 =	simm.s32 $0x108;
	s8 =	sld [smem:$0x3FB0]  }
0x2e: {  	s3 =	simm.s32 @!p0 $0x1082;
	s9 =	sld [smem:$0x3FB1]  }
0x2f: {  	lr =	sadd.s32 s0, s3;
	s0 =	sld [smem:$0x3FA8]  }
0x30: {  	s3 =	sld [smem:$0x3FAB]  }
0x31: {  	[smem:$0x3FB4] =	sst s10  }
0x32: {  	s10 =	sld [smem:$0x3FB2];
	_ =	sdelay $0x3  }
0x33: {  	p0 =	seq.s32 s10, $0x1;
	s10 =	sld [smem:$0x3FB4];
	_ =	sdelay $0x3  }
0x34: {  	[smem:$0x3FB4] =	sst s10  }
0x35: {  	s10 =	sld [smem:$0x3FB3];
	_ =	sdelay $0x3  }
0x36: {  	p1 =	seq.s32 s10, $0x1;
	s10 =	sld [smem:$0x3FB4];
	_ =	sdelay $0x3  }
0x37: {  	[smem:$0x3FB4] =	sst s10  }
0x38: {  	s10 =	sld [smem:$0x3FB5]  }
0x39: {  	_ = 	snop;
	(pc) =	sbr.ind lr, $3  }
0x3a: {  	_ = 	snop  }
0x3b: {  	_ = 	snop  }
0x3c: {  	p2 =	seq.s32 s10, $0x1;
	s10 =	sld [smem:$0x3FB4]  }
0x3d: {  	_ =	shalt  }
0x3e: {  	_ =	shalt  }
0x3f: {  	_ =	shalt  }
0x40: {  	_ =	shalt  }
0x41: {  	_ =	shalt  }
0x42: {  	_ =	shalt  }
0x43: {  	_ =	shalt  }
0x44: {  	_ =	shalt  }
0x45: {  	_ =	shalt  }
0x46: {  	_ =	shalt  }
0x47: {  	_ =	shalt  }
0x48: {  	_ =	shalt  }
0x49: {  	_ =	shalt  }
0x4a: {  	_ =	shalt  }
0x4b: {  	_ =	shalt  }
0x4c: {  	_ =	shalt  }
0x4d: {  	_ =	shalt  }
0x4e: {  	_ =	shalt  }
0x4f: {  	_ =	shalt  }
0x50: {  	_ =	shalt  }
0x51: {  	_ =	shalt  }
0x52: {  	_ =	shalt  }
0x53: {  	_ =	shalt  }
0x54: {  	_ =	shalt  }
0x55: {  	_ =	shalt  }
0x56: {  	_ =	shalt  }
0x57: {  	_ =	shalt  }
0x58: {  	_ =	shalt  }
0x59: {  	_ =	shalt  }
0x5a: {  	_ =	shalt  }
0x5b: {  	_ =	shalt  }
0x5c: {  	_ =	shalt  }
0x5d: {  	_ =	shalt  }
0x5e: {  	_ =	shalt  }
0x5f: {  	_ =	shalt  }
0x60: {  	_ =	shalt  }
0x61: {  	_ =	shalt  }
0x62: {  	_ =	shalt  }
0x63: {  	_ =	shalt  }
0x64: {  	_ =	shalt  }
0x65: {  	_ =	shalt  }
0x66: {  	_ =	shalt  }
0x67: {  	_ =	shalt  }
0x68: {  	_ =	shalt  }
0x69: {  	_ =	shalt  }
0x6a: {  	_ =	shalt  }
0x6b: {  	_ =	shalt  }
0x6c: {  	_ =	shalt  }
0x6d: {  	_ =	shalt  }
0x6e: {  	_ =	shalt  }
0x6f: {  	_ =	shalt  }
0x70: {  	_ =	shalt  }
0x71: {  	_ =	shalt  }
0x72: {  	_ =	shalt  }
0x73: {  	_ =	shalt  }
0x74: {  	_ =	shalt  }
0x75: {  	_ =	shalt  }
0x76: {  	_ =	shalt  }
0x77: {  	_ =	shalt  }
0x78: {  	_ =	shalt  }
0x79: {  	_ =	shalt  }
0x7a: {  	_ =	shalt  }
0x7b: {  	_ =	shalt  }
0x7c: {  	_ =	shalt  }
0x7d: {  	_ =	shalt  }
0x7e: {  	_ =	shalt  }
0x7f: {  	_ =	shalt  }
0x80: {  	_ =	shalt  }
0x81: {  	_ =	shalt  }
0x82: {  	_ =	shalt  }
0x83: {  	_ =	shalt  }
0x84: {  	_ =	shalt  }
0x85: {  	_ =	shalt  }
0x86: {  	_ =	shalt  }
0x87: {  	_ =	shalt  }
.Lfunc_end0:
.L_simem_size_0:
called_computation_lowered:
.L_overlay_start_0:
0x88: {  	s2 =	sld [smem:$0x3FD9]  }
0x89: {  	s3 =	sld [smem:$0x3FFE];
	_ =	sdelay $0x1  }
0x8a: {  	s1 =	srdreg.scid  }
0x8b: {  	s0 =	sand.u32 $0x1, s1  }
0x8c: {  	s17 =	sshll.u32 s0, $0xA;
	s2 =	sadd.s32 s3, s2  }
0x8d: {  	s2 =	sadd.s32 s2, s17  }
0x8e: {  	[smem:$0x3FC0] =	sst s2  }
0x8f: {  	_ = 	snop  }
0x90: {  	s2 =	sld [smem:$0x3FD0];
	(tm) =	ssettm $0x1  }
0x91: {  	s18 =	sld [smem:$0x3FFB];
	_ =	sdelay $0x3  }
0x92: {  	_ =	strace s18  }
0x93: {  	s3 =	sld [smem:$0x3FFC];
	_ =	sdelay $0x3  }
0x94: {  	_ =	strace s3  }
0x95: {  	s3 =	sld [smem:$0x3FFD];
	_ =	sdelay $0x3  }
0x96: {  	_ =	strace s3  }
0x97: {  	_ =	strace $0x8FFFFFFF  }
0x98: {  	s19 =	sld [smem:$0x3FDB];
	_ =	sdelay $0x1  }
0x99: {  	s4 =	simm.s32 $_scs_section_size  }
0x9a: {  	s5 =	simm.s32 $_size__tile_overlayer_lowered;
	s6 =	simm.s32 $_tile_overlayer_lowered  }
0x9b: {  	s22 =	simm.s32 $0x1BFF;
	s21 =	sshll.u32 s6, $0x1;
	s3 =	sadd.s32 s4, s19  }
0x9c: {  	s7 =	simm.s32 $0x0;
	s20 =	sshll.u32 s5, $0x1;
	s5 =	sadd.s32 s21, s3  }
0x9d: {  	[timem:s7], [sflag:s22] =	dma.local [hbm:s5], s20  }
0x9e: {  	_ =	swait.ge [sflag:s22], s20  }
0x9f: {  	s4 =	ssub.s32 $0x0, s20;
	[sflag:s22] =	ssyncset.done $0x0  }
0xa0: {  	[sflag:s22] =	ssyncadd.s32 s4;
	_ =	sdelay $0x1  }
0xa1: {  	s23 =	simm.s32 $0x1B8B  }
0xa2: {  	_ =	swait.ge [sflag:s23], $0x1  }
0xa3: {  	[sflag:s23] =	ssyncset.done $0x0  }
0xa4: {  	s25 =	simm.s32 $0x1B8E;
	s24 =	sld [smem:$0x3FFE];
	[sflag:s23] =	ssyncadd.s32 $0xFFFFFFFF  }
0xa5: {  	s26 =	simm.s32 $execute0_lowered;
	[smem:$0x3FD2] =	sst s25  }
0xa6: {  	s5 =	sshll.u32 s26, $0x1;
	_ =	strace $0x80000046;
	[dreg:$0x1] =	wrdreg $0xFFFFFFFF  }
0xa7: {  	s28 =	simm.s32 $_size_execute0_lowered;
	s3 =	sadd.s32 s3, s5;
	[dreg:$0x0] =	wrdreg $0x0  }
0xa8: {  	s5 =	sshll.u32 s28, $0x1;
	[dreg:$0x2] =	wrdreg s3  }
0xa9: {  	[dreg:$0x3] =	wrdreg s5  }
0xaa: {  	[dreg:$0x4] =	wrdreg $0xC0  }
0xab: {  	_ =	task [dreg:s7], $0x5FFFF  }
0xac: {  	[dreg:$0x1] =	wrdreg $0xFFFFFFFF  }
0xad: {  	[dreg:$0x0] =	wrdreg $0x60  }
0xae: {  	[dreg:$0x2] =	wrdreg s2  }
0xaf: {  	[dreg:$0x3] =	wrdreg s24  }
0xb0: {  	[dreg:$0x4] =	wrdreg $0x0  }
0xb1: {  	[dreg:$0x5] =	wrdreg $0x9  }
0xb2: {  	_ =	task.clear_ibuf [dreg:s7], $0x6FFFF;
	_ =	strace $0x90000046  }
0xb3: {  	s29 =	simm.s32 $0x9;
	_ =	strace $0x80000048  }
0xb4: {  	_ =	swait.ge [sflag:s29], $0x1  }
0xb5: {  	[sflag:s29] =	ssyncadd.s32 $0xFFFFFFFF  }
0xb6: {  	_ =	strace $0x90000048  }
0xb7: {  	_ =	sfence  }
0xb8: {  	s30 =	sld [smem:$0x0];
	_ =	sdelay $0x2  }
0xb9: {  	s31 =	sshll.u32 s1, $0xD;
	s1 =	sshrl.u32 s1, $0x2  }
0xba: {  	s3 =	sand.u32 $0x4000, s31;
	s1 =	sadd.s32 s1, s30  }
0xbb: {  	s0 =	sor.u32 s3, s0;
	s1 =	sshll.u32 s1, $0x11  }
0xbc: {  	s0 =	sor.u32 s1, s0  }
0xbd: {  	s0 =	sadd.s32 $0x8F2B, s0  }
0xbe: {  	[sflag:s0] =	ssyncadd.remote.s32 $0x1  }
0xbf: {  	_ =	sfence.sel $0xFFFF  }
0xc0: {  	[dreg:$0x0] =	wrdreg $0xFFFFFFFF;
	(pc) =	sbr.abs _section_cstart, $3  }
0xc1: {  	[dreg:$0x1] =	wrdreg $0xFFFFFFFF  }
0xc2: {  	_ =	task.clear_ibuf [dreg:s7], $0x2FFFF;
	_ =	strace $0x9FFFFFFF  }
0xc3: {  	(tm) =	ssettm $0x7FFFFFFF  }
tec
execute0_lowered:
.L_overlay_start_1:
0x0: {  	(tag) =	ssettag $0x1  }
0x1: {  	s0 =	srdreg.scid  }
0x2: {  	s10 =	stileid.u32;
	s3 =	rddreg [dreg:$0x1]  }
0x3: {  	s1 =	simm.s32 $0x0;
	s0 =	sand.u32 $0x1, s0;
	s2 =	smul.u32 $0x140, s10  }
0x4: {  	[smem:$0x7FF] =	sst s1;
	s4 =	sadd.s32 $0xC600, s3;
	s7 =	smul.u32 $0x4E20, s10  }
0x5: {  	s12 =	smul.u32 $0x1400, s0;
	s6 =	sshll.u32 s0, $0x4;
	s0 =	ssub.s32 $0x2, s0  }
0x6: {  	s5 =	sadd.s32 $0x2800, s3;
	s6 =	sor.u32 s10, s6;
	s8 =	sshrl.u32 s0, $0x1  }
0x7: {  	s7 =	sshrl.u32 s7, $0x3;
	s2 =	sadd.s32 s2, s12;
	s6 =	smul.u32 $0x282, s6  }
0x8: {  	s0 =	ssub.s32 s0, s8;
	s14 =	sadd.s32 $0xFA, s7;
	s9 =	sadd.s32 $0x1F4, s7  }
0x9: {  	s15 =	sadd.s32 $0x2EE, s7;
	s16 =	sadd.s32 $0x3E8, s7;
	s17 =	sadd.s32 $0x4E2, s7  }
0xa: {  	s19 =	sadd.s32 $0x5DC, s7;
	s20 =	sadd.s32 $0x6D6, s7;
	s21 =	sadd.s32 $0x7D0, s7  }
0xb: {  	v0 =	vmov s12;
	s12 =	simm.s32 $0x0;
	s2 =	sshll.u32 s2, $0x4;
	s29 =	sadd.s32 s4, s14  }
0xc: {  	s30 =	sadd.s32 s5, s14;
	s31 =	sadd.s32 s4, s9;
	s13 =	sadd.s32 s4, s15  }
0xd: {  	s11 =	sadd.s32 s5, s9;
	s14 =	sadd.s32 s4, s20;
	[dreg:$0x15] =	wrdreg s13  }
0xe: {  	s23 =	sadd.s32 s5, s15;
	s8 =	sadd.s32 s5, s20;
	[dreg:$0x6] =	wrdreg s14  }
0xf: {  	s18 =	sadd.s32 s4, s16;
	s22 =	sadd.s32 s4, s21;
	[dreg:$0x7] =	wrdreg s8  }
0x10: {  	s24 =	sadd.s32 s5, s16;
	s9 =	sadd.s32 s5, s21;
	[dreg:$0x8] =	wrdreg s22  }
0x11: {  	s25 =	sadd.s32 s4, s17;
	s28 =	sadd.s32 s5, s19;
	[dreg:$0x9] =	wrdreg s9  }
0x12: {  	s15 =	sadd.s32 s5, s7;
	s13 =	sadd.s32 s4, s19;
	s19 =	rddreg [dreg:$0x0]  }
0x13: {  	s26 =	sadd.s32 s5, s17;
	s16 =	smul.u32 $0x28000, s10;
	[dreg:$0xb] =	wrdreg s15  }
0x14: {  	s14 =	sadd.s32 s4, s7;
	s7 =	sadd.s32 $0x8CA, s7;
	s22 =	rddreg [dreg:$0x2]  }
0x15: {  	s20 =	sshll.u32 s10, $0x6;
	[dreg:$0xa] =	wrdreg s14;
	s4 =	sadd.s32 s4, s7  }
0x16: {  	s2 =	sadd.s32 s2, s3;
	s5 =	sadd.s32 s5, s7;
	[dreg:$0xc] =	wrdreg s4  }
0x17: {  	s17 =	sadd.s32 s6, s3;
	s3 =	sadd.s32 $0x16400, s3;
	[dreg:$0xd] =	wrdreg s5  }
0x18: {  	s2 =	sadd.s32 $0x1CA00, s2;
	_ =	strace $0x80000047;
	[dreg:$0xe] =	wrdreg s3  }
0x19: {  	s0 =	smax.u32 s0, $0x1;
	s6 =	sor.u32 $0x1C09, s20;
	[dreg:$0x11] =	wrdreg s2  }
0x1a: {  	s20 =	simm.s32 $0xC4C0;
	s8 =	simm.s32 $0x3;
	[dreg:$0x13] =	wrdreg s0  }
0x1b: {  	s9 =	simm.s32 $0x4;
	s7 =	simm.s32 $0xA040;
	[dreg:$0x4] =	wrdreg s13  }
0x1c: {  	s4 =	sshrl.u32 s16, $0x2;
	s5 =	sadd.s32 $0x17800, s17;
	[dreg:$0x5] =	wrdreg s28  }
0x1d: {  	s16 =	simm.s32 $0xB4C0;
	s17 =	simm.s32 $0xBCC0;
	[dreg:$0x10] =	wrdreg s6  }
0x1e: {  	v1 =	vimm.f32 $0.0e+00;
	s21 =	sadd.s32 s4, s22;
	s2 =	simm.s32 $0x9;
	[dreg:$0x12] =	wrdreg s5  }
0x1f: {  	v2 =	vimm.f32 $1.000000000e+00;
	v3 =	vimm.s32 $0x0;
	v4 =	vimm.s32 $0x1400;
	s3 =	simm.s32 $0x1;
	s4 =	simm.s32 $0x2;
	[dreg:$0xf] =	wrdreg s21  }
.LBB2_1:
0x20: {  	s0 =	rddreg [dreg:$0xa]  }
0x21: {  	s14 =	rddreg [dreg:$0xb]  }
0x22: {  	s15 =	rddreg [dreg:$0xf]  }
0x23: {  	[tilespmem:s16], [sflag:$0x1] =	stream.linear.gather [hbm4b:s0+s1], $0x7D0, $0x38;
	[tilespmem:$0x1C2C0] =	vst v63  }
0x24: {  	s21 =	rddreg [dreg:$0xe];
	s10 =	sshrl.u32 s15, $0x3  }
0x25: {  	[dreg:$0x14] =	wrdreg s10  }
0x26: {  	[tilespmem:s17], [sflag:$0x2] =	stream.linear.gather [hbm4b:s14+s1], $0x7D0, $0x38;
	[tilespmem:$0x1C2C0] =	vst v63  }
0x27: {  	[spmem:s10], [sflag:s6] =	dma.local [hbm:s21], $0x1400  }
0x28: {  	_ =	swait.ge [sflag:s2], $0x1400  }
0x29: {  	[sflag:s2] =	ssyncset.done $0x0  }
0x2a: {  	s14 =	simm.s32 $0x0;
	s10 =	simm.s32 $0x40;
	[sflag:s2] =	ssyncadd.s32 $0xFFFFEC00  }
.LBB2_2:
0x2b: {  	p0 =	sne.s32 s10, $0x5000;
	[tilespmem:s14+$0xA040] =	vst v1;
	s14 =	smov.u32 s10;
	s10 =	sadd.s32 $0x40, s10  }
.Ltmp0:
0x2c: {  	(pc) =	sbr.rel @p0 .LBB2_2-.Ltmp0, $2  }
0x2d: {  	_ =	sdelay $0x2  }
0x2e: {  	s14 =	sshra.s32 s14, $0x2  }
0x2f: {  	[tilespmem:s14+$0xA040] =	vst v1  }
0x30: {  	[bflag:$0x0] =	sbarrier.arrive $0xFFFF  }
0x31: {  	_ =	swait.ge [sflag:s3], $0x7D0  }
0x32: {  	[sflag:s3] =	ssyncset.done $0x0  }
0x33: {  	[sflag:s3] =	ssyncadd.s32 $0xFFFFF830  }
0x34: {  	_ =	swait.ge [sflag:s4], $0x7D0  }
0x35: {  	[sflag:s4] =	ssyncset.done $0x0  }
0x36: {  	s14 =	simm.s32 $0x0;
	[sflag:s4] =	ssyncadd.s32 $0xFFFFF830  }
0x37: {  	[tilespmem:s20], [sflag:$0x3] =	stream.linear.gather [hbm4b:s29+s14], $0x7D0, $0x38;
	[tilespmem:$0x1C2C0] =	vst v63  }
0x38: {  	s0 =	simm.s32 $0xCCC0;
	s10 =	simm.s32 $0x0  }
0x39: {  	[tilespmem:s0], [sflag:$0x4] =	stream.linear.gather [hbm4b:s30+s14], $0x7D0, $0x38;
	[tilespmem:$0x1C2C0] =	vst v63  }
0x3a: {  	v5 =	vld [tilespmem:s10+$0xBCC0];
	_ =	sdelay $0x1  }
0x3b: {  	v6 =	vld [tilespmem:s10+$0xB4C0];
	_ =	sdelay $0x2  }
0x3c: {  	v7 =	vsub.s32 v5, v0  }
0x3d: {  	vm0 =	vlt.u32 v7, $0x1400  }
0x3e: {  	[tilespmem:s14+$0xD4C0] =	vst.msk vm0, v6;
	v6 =	vmpcnt.ones.xlane vm0  }
0x3f: {  	v5 =	vand.u32 $0x7F, v5;
	v8 =	vand.u32 $0xFFFFFF80, v7  }
0x40: {  	v5 =	vor.u32 v5, v8;
	(v2sf) =	vpush v6, $0x0;
	_ =	sdelay $0x3  }
0x41: {  	[tilespmem:s14+$0x12340] =	vst.msk vm0, v7  }
0x42: {  	s15 =	simm.s32 $0x10;
	[tilespmem:v5+s7+$0x0] =	vst.idx.add.f32.msk vm0, v2  }
0x43: {  	s10 =	simm.s32 $0x80;
	v5 =	vld [tilespmem:s15+$0xB4C0]  }
.LBB2_4:
0x44: {  	p0 =	sne.s32 s10, $0x1F00;
	v6 =	vld [tilespmem:s15+$0xBCC0];
	_ =	sdelay $0x4  }
0x45: {  	v7 =	vsub.s32 v6, v0;
	v6 =	vand.u32 $0x7F, v6  }
0x46: {  	vm0 =	vlt.u32 v7, $0x1400;
	v8 =	vand.u32 $0xFFFFFF80, v7  }
0x47: {  	v6 =	vor.u32 v6, v8;
	v8 =	vmpcnt.ones.xlane vm0  }
0x48: {  	s15 =	spop (v2sf)  }
0x49: {  	(v2sf) =	vpush v8, $0x0;
	s14 =	sadd.s32 s14, s15  }
0x4a: {  	[tilespmem:s14+$0xD4C0] =	vst.msk vm0, v5  }
.Ltmp1:
0x4b: {  	[tilespmem:s14+$0x12340] =	vst.msk vm0, v7;
	(pc) =	sbr.rel @p0 .LBB2_4-.Ltmp1, $3  }
0x4c: {  	s15 =	sshra.s32 s10, $0x2;
	[tilespmem:v6+s7+$0x0] =	vst.idx.add.f32.msk vm0, v2  }
0x4d: {  	v5 =	vld [tilespmem:s15+$0xB4C0];
	_ =	sdelay $0x1  }
0x4e: {  	s10 =	sadd.s32 $0x40, s10  }
0x4f: {  	v6 =	vld [tilespmem:s15+$0xBCC0];
	_ =	sdelay $0x4  }
0x50: {  	v7 =	vsub.s32 v6, v0  }
0x51: {  	vm0 =	vlt.u32 v7, $0x1400  }
0x52: {  	v8 =	vmpcnt.ones.xlane vm0;
	_ =	sdelay $0x1  }
0x53: {  	(v2sf) =	vpush v8, $0x0;
	_ =	sdelay $0x8  }
0x54: {  	v6 =	vand.u32 $0x7F, v6;
	v62 =	vand.u32 $0xFFFFFF80, v7  }
0x55: {  	v6 =	vor.u32 v6, v62  }
0x56: {  	s10 =	spop (v2sf)  }
0x57: {  	s10 =	sadd.s32 s14, s10  }
0x58: {  	[tilespmem:s10+$0xD4C0] =	vst.msk vm0, v5  }
0x59: {  	[tilespmem:s10+$0x12340] =	vst.msk vm0, v7  }
0x5a: {  	[tilespmem:v6+s7+$0x0] =	vst.idx.add.f32.msk vm0, v2;
	s14 =	spop (v2sf)  }
0x5b: {  	_ =	swait.ge [sflag:s8], $0x7D0  }
0x5c: {  	[sflag:s8] =	ssyncset.done $0x0  }
0x5d: {  	[sflag:s8] =	ssyncadd.s32 $0xFFFFF830  }
0x5e: {  	_ =	swait.ge [sflag:s9], $0x7D0  }
0x5f: {  	[sflag:s9] =	ssyncset.done $0x0  }
0x60: {  	s0 =	simm.s32 $0x0;
	[sflag:s9] =	ssyncadd.s32 $0xFFFFF830  }
0x61: {  	[tilespmem:s16], [sflag:$0x1] =	stream.linear.gather [hbm4b:s31+s0], $0x7D0, $0x38;
	[tilespmem:$0x1C2C0] =	vst v63  }
0x62: {  	s21 =	simm.s32 $0x0  }
0x63: {  	[tilespmem:s17], [sflag:$0x2] =	stream.linear.gather [hbm4b:s11+s0], $0x7D0, $0x38;
	[tilespmem:$0x1C2C0] =	vst v63  }
0x64: {  	v5 =	vld [tilespmem:s21+$0xCCC0];
	_ =	sdelay $0x1  }
0x65: {  	v6 =	vld [tilespmem:s21+$0xC4C0];
	_ =	sdelay $0x2  }
0x66: {  	v7 =	vsub.s32 v5, v0  }
0x67: {  	s14 =	sadd.s32 s10, s14;
	vm15 =	vlt.u32 v7, $0x1400  }
0x68: {  	[tilespmem:s14+$0xD4C0] =	vst.msk vm15, v6;
	v6 =	vmpcnt.ones.xlane vm15  }
0x69: {  	v5 =	vand.u32 $0x7F, v5;
	v63 =	vand.u32 $0xFFFFFF80, v7  }
0x6a: {  	v5 =	vor.u32 v5, v63;
	(v2sf) =	vpush v6, $0x0;
	_ =	sdelay $0x3  }
0x6b: {  	[tilespmem:s14+$0x12340] =	vst.msk vm15, v7  }
0x6c: {  	s15 =	simm.s32 $0x10;
	[tilespmem:v5+s7+$0x0] =	vst.idx.add.f32.msk vm15, v2  }
0x6d: {  	s10 =	simm.s32 $0x80;
	v5 =	vld [tilespmem:s15+$0xC4C0]  }
.LBB2_6:
0x6e: {  	p0 =	sne.s32 s10, $0x1F00;
	v6 =	vld [tilespmem:s15+$0xCCC0];
	_ =	sdelay $0x4  }
0x6f: {  	v7 =	vsub.s32 v6, v0;
	v6 =	vand.u32 $0x7F, v6  }
0x70: {  	vm0 =	vlt.u32 v7, $0x1400;
	v8 =	vand.u32 $0xFFFFFF80, v7  }
0x71: {  	v6 =	vor.u32 v6, v8;
	v8 =	vmpcnt.ones.xlane vm0  }
0x72: {  	s15 =	spop (v2sf)  }
0x73: {  	(v2sf) =	vpush v8, $0x0;
	s14 =	sadd.s32 s14, s15  }
0x74: {  	[tilespmem:s14+$0xD4C0] =	vst.msk vm0, v5  }
.Ltmp2:
0x75: {  	[tilespmem:s14+$0x12340] =	vst.msk vm0, v7;
	(pc) =	sbr.rel @p0 .LBB2_6-.Ltmp2, $3  }
0x76: {  	s15 =	sshra.s32 s10, $0x2;
	[tilespmem:v6+s7+$0x0] =	vst.idx.add.f32.msk vm0, v2  }
0x77: {  	v5 =	vld [tilespmem:s15+$0xC4C0];
	_ =	sdelay $0x1  }
0x78: {  	s10 =	sadd.s32 $0x40, s10  }
0x79: {  	v6 =	vld [tilespmem:s15+$0xCCC0];
	_ =	sdelay $0x4  }
0x7a: {  	v7 =	vsub.s32 v6, v0  }
0x7b: {  	vm0 =	vlt.u32 v7, $0x1400  }
0x7c: {  	v8 =	vmpcnt.ones.xlane vm0;
	_ =	sdelay $0x1  }
0x7d: {  	(v2sf) =	vpush v8, $0x0;
	_ =	sdelay $0x8  }
0x7e: {  	v6 =	vand.u32 $0x7F, v6;
	v62 =	vand.u32 $0xFFFFFF80, v7  }
0x7f: {  	v6 =	vor.u32 v6, v62  }
0x80: {  	s10 =	spop (v2sf)  }
0x81: {  	s10 =	sadd.s32 s14, s10  }
0x82: {  	[tilespmem:s10+$0xD4C0] =	vst.msk vm0, v5  }
0x83: {  	[tilespmem:s10+$0x12340] =	vst.msk vm0, v7  }
0x84: {  	[tilespmem:v6+s7+$0x0] =	vst.idx.add.f32.msk vm0, v2;
	s14 =	spop (v2sf)  }
0x85: {  	_ =	swait.ge [sflag:s3], $0x7D0  }
0x86: {  	[sflag:s3] =	ssyncset.done $0x0  }
0x87: {  	[sflag:s3] =	ssyncadd.s32 $0xFFFFF830  }
0x88: {  	_ =	swait.ge [sflag:s4], $0x7D0  }
0x89: {  	[sflag:s4] =	ssyncset.done $0x0  }
0x8a: {  	s15 =	simm.s32 $0x0;
	s0 =	rddreg [dreg:$0x15];
	[sflag:s4] =	ssyncadd.s32 $0xFFFFF830  }
0x8b: {  	[tilespmem:s20], [sflag:$0x3] =	stream.linear.gather [hbm4b:s0+s15], $0x7D0, $0x38;
	[tilespmem:$0x1C2C0] =	vst v63  }
0x8c: {  	s21 =	smov.u32 s11;
	s11 =	simm.s32 $0xCCC0  }
0x8d: {  	[tilespmem:s11], [sflag:$0x4] =	stream.linear.gather [hbm4b:s23+s15], $0x7D0, $0x38;
	[tilespmem:$0x1C2C0] =	vst v63  }
0x8e: {  	s11 =	simm.s32 $0x0  }
0x8f: {  	v5 =	vld [tilespmem:s11+$0xBCC0];
	_ =	sdelay $0x1  }
0x90: {  	v6 =	vld [tilespmem:s11+$0xB4C0];
	_ =	sdelay $0x2  }
0x91: {  	v7 =	vsub.s32 v5, v0  }
0x92: {  	s14 =	sadd.s32 s10, s14;
	vm15 =	vlt.u32 v7, $0x1400  }
0x93: {  	[tilespmem:s14+$0xD4C0] =	vst.msk vm15, v6;
	v6 =	vmpcnt.ones.xlane vm15  }
0x94: {  	v5 =	vand.u32 $0x7F, v5;
	v63 =	vand.u32 $0xFFFFFF80, v7  }
0x95: {  	v5 =	vor.u32 v5, v63;
	(v2sf) =	vpush v6, $0x0;
	_ =	sdelay $0x3  }
0x96: {  	[tilespmem:s14+$0x12340] =	vst.msk vm15, v7  }
0x97: {  	s15 =	simm.s32 $0x10;
	[tilespmem:v5+s7+$0x0] =	vst.idx.add.f32.msk vm15, v2  }
0x98: {  	s10 =	simm.s32 $0x80;
	v5 =	vld [tilespmem:s15+$0xB4C0]  }
.LBB2_8:
0x99: {  	p0 =	sne.s32 s10, $0x1F00;
	v6 =	vld [tilespmem:s15+$0xBCC0];
	_ =	sdelay $0x4  }
0x9a: {  	v7 =	vsub.s32 v6, v0;
	v6 =	vand.u32 $0x7F, v6  }
0x9b: {  	vm0 =	vlt.u32 v7, $0x1400;
	v8 =	vand.u32 $0xFFFFFF80, v7  }
0x9c: {  	v6 =	vor.u32 v6, v8;
	v8 =	vmpcnt.ones.xlane vm0  }
0x9d: {  	s15 =	spop (v2sf)  }
0x9e: {  	(v2sf) =	vpush v8, $0x0;
	s14 =	sadd.s32 s14, s15  }
0x9f: {  	[tilespmem:s14+$0xD4C0] =	vst.msk vm0, v5  }
.Ltmp3:
0xa0: {  	[tilespmem:s14+$0x12340] =	vst.msk vm0, v7;
	(pc) =	sbr.rel @p0 .LBB2_8-.Ltmp3, $3  }
0xa1: {  	s15 =	sshra.s32 s10, $0x2;
	[tilespmem:v6+s7+$0x0] =	vst.idx.add.f32.msk vm0, v2  }
0xa2: {  	v5 =	vld [tilespmem:s15+$0xB4C0];
	_ =	sdelay $0x1  }
0xa3: {  	s10 =	sadd.s32 $0x40, s10  }
0xa4: {  	v6 =	vld [tilespmem:s15+$0xBCC0];
	_ =	sdelay $0x4  }
0xa5: {  	v7 =	vsub.s32 v6, v0  }
0xa6: {  	vm0 =	vlt.u32 v7, $0x1400  }
0xa7: {  	v8 =	vmpcnt.ones.xlane vm0;
	_ =	sdelay $0x1  }
0xa8: {  	(v2sf) =	vpush v8, $0x0;
	_ =	sdelay $0x8  }
0xa9: {  	v6 =	vand.u32 $0x7F, v6;
	v62 =	vand.u32 $0xFFFFFF80, v7  }
0xaa: {  	v6 =	vor.u32 v6, v62  }
0xab: {  	s10 =	spop (v2sf)  }
0xac: {  	s10 =	sadd.s32 s14, s10  }
0xad: {  	[tilespmem:s10+$0xD4C0] =	vst.msk vm0, v5  }
0xae: {  	[tilespmem:s10+$0x12340] =	vst.msk vm0, v7  }
0xaf: {  	[tilespmem:v6+s7+$0x0] =	vst.idx.add.f32.msk vm0, v2;
	s14 =	spop (v2sf)  }
0xb0: {  	_ =	swait.ge [sflag:s8], $0x7D0  }
0xb1: {  	[sflag:s8] =	ssyncset.done $0x0  }
0xb2: {  	[sflag:s8] =	ssyncadd.s32 $0xFFFFF830  }
0xb3: {  	_ =	swait.ge [sflag:s9], $0x7D0  }
0xb4: {  	[sflag:s9] =	ssyncset.done $0x0  }
0xb5: {  	s0 =	simm.s32 $0x0;
	[sflag:s9] =	ssyncadd.s32 $0xFFFFF830  }
0xb6: {  	[tilespmem:s16], [sflag:$0x1] =	stream.linear.gather [hbm4b:s18+s0], $0x7D0, $0x38;
	[tilespmem:$0x1C2C0] =	vst v63  }
0xb7: {  	s11 =	smov.u32 s31;
	s31 =	simm.s32 $0x0  }
0xb8: {  	[tilespmem:s17], [sflag:$0x2] =	stream.linear.gather [hbm4b:s24+s0], $0x7D0, $0x38;
	[tilespmem:$0x1C2C0] =	vst v63  }
0xb9: {  	v5 =	vld [tilespmem:s31+$0xCCC0];
	_ =	sdelay $0x1  }
0xba: {  	v6 =	vld [tilespmem:s31+$0xC4C0];
	_ =	sdelay $0x2  }
0xbb: {  	v7 =	vsub.s32 v5, v0  }
0xbc: {  	s14 =	sadd.s32 s10, s14;
	vm15 =	vlt.u32 v7, $0x1400  }
0xbd: {  	[tilespmem:s14+$0xD4C0] =	vst.msk vm15, v6;
	v6 =	vmpcnt.ones.xlane vm15  }
0xbe: {  	v5 =	vand.u32 $0x7F, v5;
	v63 =	vand.u32 $0xFFFFFF80, v7  }
0xbf: {  	v5 =	vor.u32 v5, v63;
	(v2sf) =	vpush v6, $0x0;
	_ =	sdelay $0x3  }
0xc0: {  	[tilespmem:s14+$0x12340] =	vst.msk vm15, v7  }
0xc1: {  	s15 =	simm.s32 $0x10;
	[tilespmem:v5+s7+$0x0] =	vst.idx.add.f32.msk vm15, v2  }
0xc2: {  	s10 =	simm.s32 $0x80;
	v5 =	vld [tilespmem:s15+$0xC4C0]  }
.LBB2_10:
0xc3: {  	p0 =	sne.s32 s10, $0x1F00;
	v6 =	vld [tilespmem:s15+$0xCCC0];
	_ =	sdelay $0x4  }
0xc4: {  	v7 =	vsub.s32 v6, v0;
	v6 =	vand.u32 $0x7F, v6  }
0xc5: {  	vm0 =	vlt.u32 v7, $0x1400;
	v8 =	vand.u32 $0xFFFFFF80, v7  }
0xc6: {  	v6 =	vor.u32 v6, v8;
	v8 =	vmpcnt.ones.xlane vm0  }
0xc7: {  	s15 =	spop (v2sf)  }
0xc8: {  	(v2sf) =	vpush v8, $0x0;
	s14 =	sadd.s32 s14, s15  }
0xc9: {  	[tilespmem:s14+$0xD4C0] =	vst.msk vm0, v5  }
.Ltmp4:
0xca: {  	[tilespmem:s14+$0x12340] =	vst.msk vm0, v7;
	(pc) =	sbr.rel @p0 .LBB2_10-.Ltmp4, $3  }
0xcb: {  	s15 =	sshra.s32 s10, $0x2;
	[tilespmem:v6+s7+$0x0] =	vst.idx.add.f32.msk vm0, v2  }
0xcc: {  	v5 =	vld [tilespmem:s15+$0xC4C0];
	_ =	sdelay $0x1  }
0xcd: {  	s10 =	sadd.s32 $0x40, s10  }
0xce: {  	v6 =	vld [tilespmem:s15+$0xCCC0];
	_ =	sdelay $0x4  }
0xcf: {  	v7 =	vsub.s32 v6, v0  }
0xd0: {  	vm0 =	vlt.u32 v7, $0x1400  }
0xd1: {  	v8 =	vmpcnt.ones.xlane vm0;
	_ =	sdelay $0x1  }
0xd2: {  	(v2sf) =	vpush v8, $0x0;
	_ =	sdelay $0x8  }
0xd3: {  	v6 =	vand.u32 $0x7F, v6;
	v62 =	vand.u32 $0xFFFFFF80, v7  }
0xd4: {  	v6 =	vor.u32 v6, v62  }
0xd5: {  	s10 =	spop (v2sf)  }
0xd6: {  	s10 =	sadd.s32 s14, s10  }
0xd7: {  	[tilespmem:s10+$0xD4C0] =	vst.msk vm0, v5  }
0xd8: {  	[tilespmem:s10+$0x12340] =	vst.msk vm0, v7  }
0xd9: {  	[tilespmem:v6+s7+$0x0] =	vst.idx.add.f32.msk vm0, v2;
	s14 =	spop (v2sf)  }
0xda: {  	_ =	swait.ge [sflag:s3], $0x7D0  }
0xdb: {  	[sflag:s3] =	ssyncset.done $0x0  }
0xdc: {  	[sflag:s3] =	ssyncadd.s32 $0xFFFFF830  }
0xdd: {  	_ =	swait.ge [sflag:s4], $0x7D0  }
0xde: {  	[sflag:s4] =	ssyncset.done $0x0  }
0xdf: {  	s31 =	smov.u32 s30;
	s30 =	simm.s32 $0x0;
	[sflag:s4] =	ssyncadd.s32 $0xFFFFF830  }
0xe0: {  	[tilespmem:s20], [sflag:$0x3] =	stream.linear.gather [hbm4b:s25+s30], $0x7D0, $0x38;
	[tilespmem:$0x1C2C0] =	vst v63  }
0xe1: {  	s0 =	simm.s32 $0xCCC0  }
0xe2: {  	[tilespmem:s0], [sflag:$0x4] =	stream.linear.gather [hbm4b:s26+s30], $0x7D0, $0x38;
	[tilespmem:$0x1C2C0] =	vst v63  }
0xe3: {  	s30 =	simm.s32 $0x0  }
0xe4: {  	v5 =	vld [tilespmem:s30+$0xBCC0];
	_ =	sdelay $0x1  }
0xe5: {  	v6 =	vld [tilespmem:s30+$0xB4C0];
	_ =	sdelay $0x2  }
0xe6: {  	v7 =	vsub.s32 v5, v0  }
0xe7: {  	s14 =	sadd.s32 s10, s14;
	vm15 =	vlt.u32 v7, $0x1400  }
0xe8: {  	[tilespmem:s14+$0xD4C0] =	vst.msk vm15, v6;
	v6 =	vmpcnt.ones.xlane vm15  }
0xe9: {  	v5 =	vand.u32 $0x7F, v5;
	v63 =	vand.u32 $0xFFFFFF80, v7  }
0xea: {  	v5 =	vor.u32 v5, v63;
	(v2sf) =	vpush v6, $0x0;
	_ =	sdelay $0x3  }
0xeb: {  	[tilespmem:s14+$0x12340] =	vst.msk vm15, v7  }
0xec: {  	s15 =	simm.s32 $0x10;
	[tilespmem:v5+s7+$0x0] =	vst.idx.add.f32.msk vm15, v2  }
0xed: {  	s10 =	simm.s32 $0x80;
	v5 =	vld [tilespmem:s15+$0xB4C0]  }
.LBB2_12:
0xee: {  	p0 =	sne.s32 s10, $0x1F00;
	v6 =	vld [tilespmem:s15+$0xBCC0];
	_ =	sdelay $0x4  }
0xef: {  	v7 =	vsub.s32 v6, v0;
	v6 =	vand.u32 $0x7F, v6  }
0xf0: {  	vm0 =	vlt.u32 v7, $0x1400;
	v8 =	vand.u32 $0xFFFFFF80, v7  }
0xf1: {  	v6 =	vor.u32 v6, v8;
	v8 =	vmpcnt.ones.xlane vm0  }
0xf2: {  	s15 =	spop (v2sf)  }
0xf3: {  	(v2sf) =	vpush v8, $0x0;
	s14 =	sadd.s32 s14, s15  }
0xf4: {  	[tilespmem:s14+$0xD4C0] =	vst.msk vm0, v5  }
.Ltmp5:
0xf5: {  	[tilespmem:s14+$0x12340] =	vst.msk vm0, v7;
	(pc) =	sbr.rel @p0 .LBB2_12-.Ltmp5, $3  }
0xf6: {  	s15 =	sshra.s32 s10, $0x2;
	[tilespmem:v6+s7+$0x0] =	vst.idx.add.f32.msk vm0, v2  }
0xf7: {  	v5 =	vld [tilespmem:s15+$0xB4C0];
	_ =	sdelay $0x1  }
0xf8: {  	s10 =	sadd.s32 $0x40, s10  }
0xf9: {  	v6 =	vld [tilespmem:s15+$0xBCC0];
	_ =	sdelay $0x4  }
0xfa: {  	v7 =	vsub.s32 v6, v0  }
0xfb: {  	vm0 =	vlt.u32 v7, $0x1400  }
0xfc: {  	v8 =	vmpcnt.ones.xlane vm0;
	_ =	sdelay $0x1  }
0xfd: {  	(v2sf) =	vpush v8, $0x0;
	_ =	sdelay $0x8  }
0xfe: {  	v6 =	vand.u32 $0x7F, v6;
	v62 =	vand.u32 $0xFFFFFF80, v7  }
0xff: {  	v6 =	vor.u32 v6, v62  }
0x100: {  	s10 =	spop (v2sf)  }
0x101: {  	s10 =	sadd.s32 s14, s10  }
0x102: {  	[tilespmem:s10+$0xD4C0] =	vst.msk vm0, v5  }
0x103: {  	[tilespmem:s10+$0x12340] =	vst.msk vm0, v7  }
0x104: {  	[tilespmem:v6+s7+$0x0] =	vst.idx.add.f32.msk vm0, v2;
	s14 =	spop (v2sf)  }
0x105: {  	_ =	swait.ge [sflag:s8], $0x7D0  }
0x106: {  	[sflag:s8] =	ssyncset.done $0x0  }
0x107: {  	[sflag:s8] =	ssyncadd.s32 $0xFFFFF830  }
0x108: {  	_ =	swait.ge [sflag:s9], $0x7D0  }
0x109: {  	[sflag:s9] =	ssyncset.done $0x0  }
0x10a: {  	s0 =	simm.s32 $0x0;
	[sflag:s9] =	ssyncadd.s32 $0xFFFFF830  }
0x10b: {  	[tilespmem:s16], [sflag:$0x1] =	stream.linear.gather [hbm4b:s13+s0], $0x7D0, $0x38;
	[tilespmem:$0x1C2C0] =	vst v63  }
0x10c: {  	s30 =	smov.u32 s29;
	s29 =	simm.s32 $0x0  }
0x10d: {  	[tilespmem:s17], [sflag:$0x2] =	stream.linear.gather [hbm4b:s28+s0], $0x7D0, $0x38;
	[tilespmem:$0x1C2C0] =	vst v63  }
0x10e: {  	v5 =	vld [tilespmem:s29+$0xCCC0];
	_ =	sdelay $0x1  }
0x10f: {  	v6 =	vld [tilespmem:s29+$0xC4C0];
	_ =	sdelay $0x2  }
0x110: {  	v7 =	vsub.s32 v5, v0  }
0x111: {  	s14 =	sadd.s32 s10, s14;
	vm15 =	vlt.u32 v7, $0x1400  }
0x112: {  	[tilespmem:s14+$0xD4C0] =	vst.msk vm15, v6;
	v6 =	vmpcnt.ones.xlane vm15  }
0x113: {  	v5 =	vand.u32 $0x7F, v5;
	v63 =	vand.u32 $0xFFFFFF80, v7  }
0x114: {  	v5 =	vor.u32 v5, v63;
	(v2sf) =	vpush v6, $0x0;
	_ =	sdelay $0x3  }
0x115: {  	[tilespmem:s14+$0x12340] =	vst.msk vm15, v7  }
0x116: {  	s15 =	simm.s32 $0x10;
	[tilespmem:v5+s7+$0x0] =	vst.idx.add.f32.msk vm15, v2  }
0x117: {  	s10 =	simm.s32 $0x80;
	v5 =	vld [tilespmem:s15+$0xC4C0]  }
.LBB2_14:
0x118: {  	p0 =	sne.s32 s10, $0x1F00;
	v6 =	vld [tilespmem:s15+$0xCCC0];
	_ =	sdelay $0x4  }
0x119: {  	v7 =	vsub.s32 v6, v0;
	v6 =	vand.u32 $0x7F, v6  }
0x11a: {  	vm0 =	vlt.u32 v7, $0x1400;
	v8 =	vand.u32 $0xFFFFFF80, v7  }
0x11b: {  	v6 =	vor.u32 v6, v8;
	v8 =	vmpcnt.ones.xlane vm0  }
0x11c: {  	s15 =	spop (v2sf)  }
0x11d: {  	(v2sf) =	vpush v8, $0x0;
	s14 =	sadd.s32 s14, s15  }
0x11e: {  	[tilespmem:s14+$0xD4C0] =	vst.msk vm0, v5  }
.Ltmp6:
0x11f: {  	[tilespmem:s14+$0x12340] =	vst.msk vm0, v7;
	(pc) =	sbr.rel @p0 .LBB2_14-.Ltmp6, $3  }
0x120: {  	s15 =	sshra.s32 s10, $0x2;
	[tilespmem:v6+s7+$0x0] =	vst.idx.add.f32.msk vm0, v2  }
0x121: {  	v5 =	vld [tilespmem:s15+$0xC4C0];
	_ =	sdelay $0x1  }
0x122: {  	s10 =	sadd.s32 $0x40, s10  }
0x123: {  	v6 =	vld [tilespmem:s15+$0xCCC0];
	_ =	sdelay $0x4  }
0x124: {  	v7 =	vsub.s32 v6, v0  }
0x125: {  	vm0 =	vlt.u32 v7, $0x1400  }
0x126: {  	v8 =	vmpcnt.ones.xlane vm0;
	_ =	sdelay $0x1  }
0x127: {  	(v2sf) =	vpush v8, $0x0;
	_ =	sdelay $0x8  }
0x128: {  	v6 =	vand.u32 $0x7F, v6;
	v62 =	vand.u32 $0xFFFFFF80, v7  }
0x129: {  	v6 =	vor.u32 v6, v62  }
0x12a: {  	s10 =	spop (v2sf)  }
0x12b: {  	s10 =	sadd.s32 s14, s10  }
0x12c: {  	[tilespmem:s10+$0xD4C0] =	vst.msk vm0, v5  }
0x12d: {  	[tilespmem:s10+$0x12340] =	vst.msk vm0, v7  }
0x12e: {  	[tilespmem:v6+s7+$0x0] =	vst.idx.add.f32.msk vm0, v2;
	s14 =	spop (v2sf)  }
0x12f: {  	_ =	swait.ge [sflag:s3], $0x7D0  }
0x130: {  	[sflag:s3] =	ssyncset.done $0x0  }
0x131: {  	[sflag:s3] =	ssyncadd.s32 $0xFFFFF830  }
0x132: {  	_ =	swait.ge [sflag:s4], $0x7D0  }
0x133: {  	[sflag:s4] =	ssyncset.done $0x0  }
0x134: {  	s15 =	simm.s32 $0x0;
	s0 =	rddreg [dreg:$0x6];
	[sflag:s4] =	ssyncadd.s32 $0xFFFFF830  }
0x135: {  	[tilespmem:s20], [sflag:$0x3] =	stream.linear.gather [hbm4b:s0+s15], $0x7D0, $0x38;
	[tilespmem:$0x1C2C0] =	vst v63  }
0x136: {  	s29 =	simm.s32 $0xCCC0;
	s0 =	rddreg [dreg:$0x7]  }
0x137: {  	[tilespmem:s29], [sflag:$0x4] =	stream.linear.gather [hbm4b:s0+s15], $0x7D0, $0x38;
	[tilespmem:$0x1C2C0] =	vst v63  }
0x138: {  	s29 =	simm.s32 $0x0  }
0x139: {  	v5 =	vld [tilespmem:s29+$0xBCC0];
	_ =	sdelay $0x1  }
0x13a: {  	v6 =	vld [tilespmem:s29+$0xB4C0];
	_ =	sdelay $0x2  }
0x13b: {  	v7 =	vsub.s32 v5, v0  }
0x13c: {  	s14 =	sadd.s32 s10, s14;
	vm15 =	vlt.u32 v7, $0x1400  }
0x13d: {  	[tilespmem:s14+$0xD4C0] =	vst.msk vm15, v6;
	v6 =	vmpcnt.ones.xlane vm15  }
0x13e: {  	v5 =	vand.u32 $0x7F, v5;
	v63 =	vand.u32 $0xFFFFFF80, v7  }
0x13f: {  	v5 =	vor.u32 v5, v63;
	(v2sf) =	vpush v6, $0x0;
	_ =	sdelay $0x3  }
0x140: {  	[tilespmem:s14+$0x12340] =	vst.msk vm15, v7  }
0x141: {  	s15 =	simm.s32 $0x10;
	[tilespmem:v5+s7+$0x0] =	vst.idx.add.f32.msk vm15, v2  }
0x142: {  	s10 =	simm.s32 $0x80;
	v5 =	vld [tilespmem:s15+$0xB4C0]  }
.LBB2_16:
0x143: {  	p0 =	sne.s32 s10, $0x1F00;
	v6 =	vld [tilespmem:s15+$0xBCC0];
	_ =	sdelay $0x4  }
0x144: {  	v7 =	vsub.s32 v6, v0;
	v6 =	vand.u32 $0x7F, v6  }
0x145: {  	vm0 =	vlt.u32 v7, $0x1400;
	v8 =	vand.u32 $0xFFFFFF80, v7  }
0x146: {  	v6 =	vor.u32 v6, v8;
	v8 =	vmpcnt.ones.xlane vm0  }
0x147: {  	s15 =	spop (v2sf)  }
0x148: {  	(v2sf) =	vpush v8, $0x0;
	s14 =	sadd.s32 s14, s15  }
0x149: {  	[tilespmem:s14+$0xD4C0] =	vst.msk vm0, v5  }
.Ltmp7:
0x14a: {  	[tilespmem:s14+$0x12340] =	vst.msk vm0, v7;
	(pc) =	sbr.rel @p0 .LBB2_16-.Ltmp7, $3  }
0x14b: {  	s15 =	sshra.s32 s10, $0x2;
	[tilespmem:v6+s7+$0x0] =	vst.idx.add.f32.msk vm0, v2  }
0x14c: {  	v5 =	vld [tilespmem:s15+$0xB4C0];
	_ =	sdelay $0x1  }
0x14d: {  	s10 =	sadd.s32 $0x40, s10  }
0x14e: {  	v6 =	vld [tilespmem:s15+$0xBCC0];
	_ =	sdelay $0x4  }
0x14f: {  	v7 =	vsub.s32 v6, v0  }
0x150: {  	vm0 =	vlt.u32 v7, $0x1400  }
0x151: {  	v8 =	vmpcnt.ones.xlane vm0;
	_ =	sdelay $0x1  }
0x152: {  	(v2sf) =	vpush v8, $0x0;
	_ =	sdelay $0x8  }
0x153: {  	v6 =	vand.u32 $0x7F, v6;
	v62 =	vand.u32 $0xFFFFFF80, v7  }
0x154: {  	v6 =	vor.u32 v6, v62  }
0x155: {  	s10 =	spop (v2sf)  }
0x156: {  	s10 =	sadd.s32 s14, s10  }
0x157: {  	[tilespmem:s10+$0xD4C0] =	vst.msk vm0, v5  }
0x158: {  	[tilespmem:s10+$0x12340] =	vst.msk vm0, v7  }
0x159: {  	[tilespmem:v6+s7+$0x0] =	vst.idx.add.f32.msk vm0, v2;
	s14 =	spop (v2sf)  }
0x15a: {  	_ =	swait.ge [sflag:s8], $0x7D0  }
0x15b: {  	[sflag:s8] =	ssyncset.done $0x0  }
0x15c: {  	[sflag:s8] =	ssyncadd.s32 $0xFFFFF830  }
0x15d: {  	_ =	swait.ge [sflag:s9], $0x7D0  }
0x15e: {  	[sflag:s9] =	ssyncset.done $0x0  }
0x15f: {  	s15 =	simm.s32 $0x0;
	s0 =	rddreg [dreg:$0x8];
	[sflag:s9] =	ssyncadd.s32 $0xFFFFF830  }
0x160: {  	[tilespmem:s16], [sflag:$0x1] =	stream.linear.gather [hbm4b:s0+s15], $0x7D0, $0x38;
	[tilespmem:$0x1C2C0] =	vst v63  }
0x161: {  	s16 =	rddreg [dreg:$0x9]  }
0x162: {  	[tilespmem:s17], [sflag:$0x2] =	stream.linear.gather [hbm4b:s16+s15], $0x7D0, $0x38;
	[tilespmem:$0x1C2C0] =	vst v63  }
0x163: {  	s17 =	simm.s32 $0x0  }
0x164: {  	v5 =	vld [tilespmem:s17+$0xCCC0];
	_ =	sdelay $0x1  }
0x165: {  	v6 =	vld [tilespmem:s17+$0xC4C0];
	_ =	sdelay $0x2  }
0x166: {  	v7 =	vsub.s32 v5, v0  }
0x167: {  	s14 =	sadd.s32 s10, s14;
	vm15 =	vlt.u32 v7, $0x1400  }
0x168: {  	[tilespmem:s14+$0xD4C0] =	vst.msk vm15, v6;
	v6 =	vmpcnt.ones.xlane vm15  }
0x169: {  	v5 =	vand.u32 $0x7F, v5;
	v63 =	vand.u32 $0xFFFFFF80, v7  }
0x16a: {  	v5 =	vor.u32 v5, v63;
	(v2sf) =	vpush v6, $0x0;
	_ =	sdelay $0x3  }
0x16b: {  	[tilespmem:s14+$0x12340] =	vst.msk vm15, v7  }
0x16c: {  	s15 =	simm.s32 $0x10;
	[tilespmem:v5+s7+$0x0] =	vst.idx.add.f32.msk vm15, v2  }
0x16d: {  	s29 =	smov.u32 s30;
	s10 =	simm.s32 $0x80;
	v5 =	vld [tilespmem:s15+$0xC4C0]  }
.LBB2_18:
0x16e: {  	p0 =	sne.s32 s10, $0x1F00;
	v6 =	vld [tilespmem:s15+$0xCCC0];
	_ =	sdelay $0x4  }
0x16f: {  	v7 =	vsub.s32 v6, v0;
	v6 =	vand.u32 $0x7F, v6  }
0x170: {  	vm0 =	vlt.u32 v7, $0x1400;
	v8 =	vand.u32 $0xFFFFFF80, v7  }
0x171: {  	v6 =	vor.u32 v6, v8;
	v8 =	vmpcnt.ones.xlane vm0  }
0x172: {  	s15 =	spop (v2sf)  }
0x173: {  	(v2sf) =	vpush v8, $0x0;
	s14 =	sadd.s32 s14, s15  }
0x174: {  	[tilespmem:s14+$0xD4C0] =	vst.msk vm0, v5  }
.Ltmp8:
0x175: {  	[tilespmem:s14+$0x12340] =	vst.msk vm0, v7;
	(pc) =	sbr.rel @p0 .LBB2_18-.Ltmp8, $3  }
0x176: {  	s15 =	sshra.s32 s10, $0x2;
	[tilespmem:v6+s7+$0x0] =	vst.idx.add.f32.msk vm0, v2  }
0x177: {  	v5 =	vld [tilespmem:s15+$0xC4C0];
	_ =	sdelay $0x1  }
0x178: {  	s10 =	sadd.s32 $0x40, s10  }
0x179: {  	v6 =	vld [tilespmem:s15+$0xCCC0];
	_ =	sdelay $0x4  }
0x17a: {  	v7 =	vsub.s32 v6, v0  }
0x17b: {  	vm0 =	vlt.u32 v7, $0x1400  }
0x17c: {  	v8 =	vmpcnt.ones.xlane vm0;
	_ =	sdelay $0x1  }
0x17d: {  	(v2sf) =	vpush v8, $0x0;
	_ =	sdelay $0x8  }
0x17e: {  	v6 =	vand.u32 $0x7F, v6;
	v62 =	vand.u32 $0xFFFFFF80, v7  }
0x17f: {  	v6 =	vor.u32 v6, v62  }
0x180: {  	s10 =	spop (v2sf)  }
0x181: {  	s10 =	sadd.s32 s14, s10  }
0x182: {  	[tilespmem:s10+$0xD4C0] =	vst.msk vm0, v5  }
0x183: {  	[tilespmem:s10+$0x12340] =	vst.msk vm0, v7  }
0x184: {  	[tilespmem:v6+s7+$0x0] =	vst.idx.add.f32.msk vm0, v2;
	s14 =	spop (v2sf)  }
0x185: {  	_ =	swait.ge [sflag:s3], $0x7D0  }
0x186: {  	[sflag:s3] =	ssyncset.done $0x0  }
0x187: {  	[sflag:s3] =	ssyncadd.s32 $0xFFFFF830  }
0x188: {  	_ =	swait.ge [sflag:s4], $0x7D0  }
0x189: {  	[sflag:s4] =	ssyncset.done $0x0  }
0x18a: {  	s15 =	simm.s32 $0x0;
	s0 =	rddreg [dreg:$0xc];
	[sflag:s4] =	ssyncadd.s32 $0xFFFFF830  }
0x18b: {  	[tilespmem:s20], [sflag:$0x3] =	stream.linear.gather [hbm4b:s0+s15], $0x7D0, $0x38;
	[tilespmem:$0x1C2C0] =	vst v63  }
0x18c: {  	s16 =	simm.s32 $0xCCC0;
	s17 =	rddreg [dreg:$0xd];
	s20 =	simm.s32 $0x0  }
0x18d: {  	[tilespmem:s16], [sflag:$0x4] =	stream.linear.gather [hbm4b:s17+s15], $0x7D0, $0x38;
	[tilespmem:$0x1C2C0] =	vst v63  }
0x18e: {  	v5 =	vld [tilespmem:s20+$0xBCC0];
	_ =	sdelay $0x1  }
0x18f: {  	v6 =	vld [tilespmem:s20+$0xB4C0];
	_ =	sdelay $0x2  }
0x190: {  	v7 =	vsub.s32 v5, v0  }
0x191: {  	s14 =	sadd.s32 s10, s14;
	vm15 =	vlt.u32 v7, $0x1400  }
0x192: {  	[tilespmem:s14+$0xD4C0] =	vst.msk vm15, v6;
	v6 =	vmpcnt.ones.xlane vm15  }
0x193: {  	v5 =	vand.u32 $0x7F, v5;
	v63 =	vand.u32 $0xFFFFFF80, v7  }
0x194: {  	v5 =	vor.u32 v5, v63;
	(v2sf) =	vpush v6, $0x0;
	_ =	sdelay $0x3  }
0x195: {  	[tilespmem:s14+$0x12340] =	vst.msk vm15, v7  }
0x196: {  	s15 =	simm.s32 $0x10;
	[tilespmem:v5+s7+$0x0] =	vst.idx.add.f32.msk vm15, v2  }
0x197: {  	s30 =	smov.u32 s31;
	s10 =	simm.s32 $0x80;
	v5 =	vld [tilespmem:s15+$0xB4C0]  }
.LBB2_20:
0x198: {  	p0 =	sne.s32 s10, $0x1F00;
	v6 =	vld [tilespmem:s15+$0xBCC0];
	_ =	sdelay $0x4  }
0x199: {  	v7 =	vsub.s32 v6, v0;
	v6 =	vand.u32 $0x7F, v6  }
0x19a: {  	vm0 =	vlt.u32 v7, $0x1400;
	v8 =	vand.u32 $0xFFFFFF80, v7  }
0x19b: {  	v6 =	vor.u32 v6, v8;
	v8 =	vmpcnt.ones.xlane vm0  }
0x19c: {  	s15 =	spop (v2sf)  }
0x19d: {  	(v2sf) =	vpush v8, $0x0;
	s14 =	sadd.s32 s14, s15  }
0x19e: {  	[tilespmem:s14+$0xD4C0] =	vst.msk vm0, v5  }
.Ltmp9:
0x19f: {  	[tilespmem:s14+$0x12340] =	vst.msk vm0, v7;
	(pc) =	sbr.rel @p0 .LBB2_20-.Ltmp9, $3  }
0x1a0: {  	s15 =	sshra.s32 s10, $0x2;
	[tilespmem:v6+s7+$0x0] =	vst.idx.add.f32.msk vm0, v2  }
0x1a1: {  	v5 =	vld [tilespmem:s15+$0xB4C0];
	_ =	sdelay $0x1  }
0x1a2: {  	s10 =	sadd.s32 $0x40, s10  }
0x1a3: {  	v6 =	vld [tilespmem:s15+$0xBCC0];
	_ =	sdelay $0x4  }
0x1a4: {  	v7 =	vsub.s32 v6, v0  }
0x1a5: {  	vm0 =	vlt.u32 v7, $0x1400  }
0x1a6: {  	v8 =	vmpcnt.ones.xlane vm0;
	_ =	sdelay $0x1  }
0x1a7: {  	(v2sf) =	vpush v8, $0x0;
	_ =	sdelay $0x8  }
0x1a8: {  	v6 =	vand.u32 $0x7F, v6;
	v62 =	vand.u32 $0xFFFFFF80, v7  }
0x1a9: {  	v6 =	vor.u32 v6, v62  }
0x1aa: {  	s10 =	spop (v2sf)  }
0x1ab: {  	s10 =	sadd.s32 s14, s10  }
0x1ac: {  	[tilespmem:s10+$0xD4C0] =	vst.msk vm0, v5  }
0x1ad: {  	[tilespmem:s10+$0x12340] =	vst.msk vm0, v7  }
0x1ae: {  	[tilespmem:v6+s7+$0x0] =	vst.idx.add.f32.msk vm0, v2;
	s17 =	spop (v2sf)  }
0x1af: {  	_ =	swait.ge [sflag:s8], $0x7D0  }
0x1b0: {  	[sflag:s8] =	ssyncset.done $0x0  }
0x1b1: {  	[sflag:s8] =	ssyncadd.s32 $0xFFFFF830  }
0x1b2: {  	_ =	swait.ge [sflag:s9], $0x7D0  }
0x1b3: {  	[sflag:s9] =	ssyncset.done $0x0  }
0x1b4: {  	s20 =	simm.s32 $0x0;
	[sflag:s9] =	ssyncadd.s32 $0xFFFFF830  }
0x1b5: {  	v5 =	vld [tilespmem:s20+$0xCCC0];
	_ =	sdelay $0x1  }
0x1b6: {  	v6 =	vld [tilespmem:s20+$0xC4C0];
	_ =	sdelay $0x2  }
0x1b7: {  	v7 =	vsub.s32 v5, v0  }
0x1b8: {  	s14 =	sadd.s32 s10, s17;
	vm15 =	vlt.u32 v7, $0x1400  }
0x1b9: {  	[tilespmem:s14+$0xD4C0] =	vst.msk vm15, v6;
	v6 =	vmpcnt.ones.xlane vm15  }
0x1ba: {  	v5 =	vand.u32 $0x7F, v5;
	v63 =	vand.u32 $0xFFFFFF80, v7  }
0x1bb: {  	v5 =	vor.u32 v5, v63;
	(v2sf) =	vpush v6, $0x0;
	_ =	sdelay $0x3  }
0x1bc: {  	[tilespmem:s14+$0x12340] =	vst.msk vm15, v7  }
0x1bd: {  	s15 =	simm.s32 $0x10;
	[tilespmem:v5+s7+$0x0] =	vst.idx.add.f32.msk vm15, v2  }
0x1be: {  	s31 =	smov.u32 s11;
	s10 =	simm.s32 $0x80;
	v5 =	vld [tilespmem:s15+$0xC4C0]  }
.LBB2_22:
0x1bf: {  	p0 =	sne.s32 s10, $0x1F00;
	v6 =	vld [tilespmem:s15+$0xCCC0];
	_ =	sdelay $0x4  }
0x1c0: {  	v7 =	vsub.s32 v6, v0;
	v6 =	vand.u32 $0x7F, v6  }
0x1c1: {  	vm0 =	vlt.u32 v7, $0x1400;
	v8 =	vand.u32 $0xFFFFFF80, v7  }
0x1c2: {  	v6 =	vor.u32 v6, v8;
	v8 =	vmpcnt.ones.xlane vm0  }
0x1c3: {  	s15 =	spop (v2sf)  }
0x1c4: {  	(v2sf) =	vpush v8, $0x0;
	s14 =	sadd.s32 s14, s15  }
0x1c5: {  	[tilespmem:s14+$0xD4C0] =	vst.msk vm0, v5  }
.Ltmp10:
0x1c6: {  	[tilespmem:s14+$0x12340] =	vst.msk vm0, v7;
	(pc) =	sbr.rel @p0 .LBB2_22-.Ltmp10, $3  }
0x1c7: {  	s15 =	sshra.s32 s10, $0x2;
	[tilespmem:v6+s7+$0x0] =	vst.idx.add.f32.msk vm0, v2  }
0x1c8: {  	v5 =	vld [tilespmem:s15+$0xC4C0];
	_ =	sdelay $0x1  }
0x1c9: {  	s10 =	sadd.s32 $0x40, s10  }
0x1ca: {  	v6 =	vld [tilespmem:s15+$0xCCC0];
	_ =	sdelay $0x4  }
0x1cb: {  	v7 =	vsub.s32 v6, v0  }
0x1cc: {  	vm0 =	vlt.u32 v7, $0x1400  }
0x1cd: {  	v8 =	vmpcnt.ones.xlane vm0;
	_ =	sdelay $0x1  }
0x1ce: {  	(v2sf) =	vpush v8, $0x0;
	_ =	sdelay $0x9  }
0x1cf: {  	v6 =	vand.u32 $0x7F, v6;
	v62 =	vand.u32 $0xFFFFFF80, v7  }
0x1d0: {  	v6 =	vor.u32 v6, v62  }
0x1d1: {  	s10 =	spop (v2sf)  }
0x1d2: {  	s10 =	sadd.s32 s14, s10  }
0x1d3: {  	[tilespmem:s10+$0xD4C0] =	vst.msk vm0, v5  }
0x1d4: {  	[tilespmem:s10+$0x12340] =	vst.msk vm0, v7;
	s16 =	spop (v2sf)  }
0x1d5: {  	[tilespmem:v6+s7+$0x0] =	vst.idx.add.f32.msk vm0, v2;
	s10 =	sadd.s32 s10, s16  }
0x1d6: {  	[tilespmem:s10+$0xD4C0] =	vst v3  }
0x1d7: {  	[tilespmem:s10+$0x12340] =	vst v4  }
0x1d8: {  	[tilespmem:s10+$0xD4D0] =	vst v3  }
0x1d9: {  	[tilespmem:s10+$0x12350] =	vst v4  }
0x1da: {  	[tilespmem:s10+$0xD4E0] =	vst v3  }
0x1db: {  	[tilespmem:s10+$0x12360] =	vst v4  }
0x1dc: {  	[tilespmem:s10+$0xD4F0] =	vst v3  }
0x1dd: {  	[tilespmem:s10+$0x12370] =	vst v4  }
0x1de: {  	[tilespmem:s10+$0xD500] =	vst v3  }
0x1df: {  	[tilespmem:s10+$0x12380] =	vst v4  }
0x1e0: {  	v5 =	vld [tilespmem:$0x12340]  }
0x1e1: {  	v6 =	vld [tilespmem:$0x12350]  }
0x1e2: {  	v7 =	vld [tilespmem:$0x12360]  }
0x1e3: {  	s14 =	smulhi.u32 $0x66666667, s10;
	s17 =	sshra.s32 s10, $0x1F;
	v63 =	vld [tilespmem:$0x12370]  }
0x1e4: {  	s15 =	smul.u32 $0x66666667, s17;
	v9 =	vld [tilespmem:$0x12380]  }
0x1e5: {  	[tilespmem:$0x171C0] =	vst v5  }
0x1e6: {  	s14 =	sadd.s32 s15, s14;
	[tilespmem:$0x171D0] =	vst v6  }
0x1e7: {  	s15 =	sshrl.u32 s14, $0x1F;
	s14 =	sshra.s32 s14, $0x5;
	[tilespmem:$0x171E0] =	vst v7  }
0x1e8: {  	s0 =	simm.s32 $0x50;
	s20 =	simm.s32 $0xD4C0;
	s14 =	sadd.s32 s15, s14;
	[tilespmem:$0x171F0] =	vst v63  }
0x1e9: {  	s11 =	simm.s32 $0x172C0;
	s16 =	ssub.s32 $0x0, s10;
	s15 =	smul.u32 $0xFFFFFFB0, s14;
	[tilespmem:$0x17200] =	vst v9  }
0x1ea: {  	[tilespmem:s11], [sflag:$0x5] =	stream.indirect.gather [hbm4b:s19+s0], $0x80, s20, s0, $0xb8;
	[tilespmem:$0x1C2C0] =	vst v63  }
0x1eb: {  	p0 =	slt.s32 s10, $0x1;
	p1 =	sne.s32 s15, s16  }
0x1ec: {  	p0 =	por !p0, !p1  }
0x1ed: {  	s10 =	simm.s32 $0x1;
	p0 =	por !p0, !p0  }
0x1ee: {  	s10 =	simm.s32 @!p0 $0x0  }
0x1ef: {  	s14 =	ssub.s32 s14, s10  }
0x1f0: {  	s10 =	sadd.s32 $0x1, s14  }
0x1f1: {  	s17 =	sand.u32 $0x1, s10  }
0x1f2: {  	p5 =	slt.s32 s14, $0x0;
	p6 =	seq.s32 s17, $0x1  }
0x1f3: {  	s20 =	sshrl.u32 s10, $0x1F;
	p0 =	por !p5, !p6  }
0x1f4: {  	s16 =	simm.s32 $0x1;
	s10 =	sadd.s32 s20, s10;
	p0 =	por !p0, !p0  }
0x1f5: {  	s15 =	sshra.s32 s10, $0x1;
	s16 =	simm.s32 @!p0 $0x0  }
0x1f6: {  	s10 =	ssub.s32 s15, s16  }
0x1f7: {  	p1 =	slt.s32 s10, $0x1  }
0x1f8: {  	p2 =	slt.s32 @!p1 s14, $0x1  }
0x1f9: {  	p3 =	por p2, p1  }
0x1fa: {  	v5 =	vld @!p3 [tilespmem:$0x12390]  }
0x1fb: {  	v6 =	vld @!p3 [tilespmem:$0x123A0]  }
0x1fc: {  	v7 =	vld @!p3 [tilespmem:$0x123B0]  }
0x1fd: {  	v8 =	vld @!p3 [tilespmem:$0x123C0]  }
0x1fe: {  	v9 =	vld @!p3 [tilespmem:$0x123D0]  }
0x1ff: {  	[tilespmem:$0x17240] =	vst @!p3 v5  }
0x200: {  	[tilespmem:$0x17250] =	vst @!p3 v6  }
0x201: {  	[tilespmem:$0x17260] =	vst @!p3 v7  }
0x202: {  	[tilespmem:$0x17270] =	vst @!p3 v8  }
0x203: {  	s16 =	simm.s32 @!p3 $0x50;
	s17 =	simm.s32 @!p3 $0xD510;
	s20 =	simm.s32 @!p3 $0x19AC0;
	[tilespmem:$0x17280] =	vst @!p3 v9  }
0x204: {  	[tilespmem:s20], [sflag:$0x6] =	stream.indirect.gather @!p3 [hbm4b:s19+s16], $0x80, s17, s16, $0xb8;
	[tilespmem:$0x1C2C0] =	vst v63  }
0x205: {  	s17 =	simm.s32 @!p3 $0x5  }
0x206: {  	_ =	swait.ge @!p3 [sflag:s17], $0x2800  }
0x207: {  	[sflag:s17] =	ssyncset.done @!p3 $0x0  }
0x208: {  	s20 =	simm.s32 @!p3 $0x172C0;
	[sflag:s17] =	ssyncadd.s32 @!p3 $0xFFFFD800;
	s17 =	simm.s32 @!p3 $0x171C0  }
0x209: {  	[spmem:s22] =	stream.indirect.scatter.add.f32 @!p3 [tilespmem:s20], [sflag:$0x7], $0x80, s17, s16, $0xb8;
	[tilespmem:$0x1C2C0] =	vst v63  }
0x20a: {  	p3 =	seq.s32 @!p3 s14, $0x1  }
0x20b: {  	p2 =	por @!p1 p3, p2  }
0x20c: {  	p2 =	por p2, p1  }
0x20d: {  	s16 =	simm.s32 @!p2 $0x7  }
0x20e: {  	_ =	swait.ge @!p2 [sflag:s16], $0x2800  }
0x20f: {  	[sflag:s16] =	ssyncset.done @!p2 $0x0  }
0x210: {  	[sflag:s16] =	ssyncadd.s32 @!p2 $0xFFFFD800  }
0x211: {  	v5 =	vld @!p2 [tilespmem:$0x123E0]  }
0x212: {  	v6 =	vld @!p2 [tilespmem:$0x123F0]  }
0x213: {  	v7 =	vld @!p2 [tilespmem:$0x12400]  }
0x214: {  	v8 =	vld @!p2 [tilespmem:$0x12410]  }
0x215: {  	v9 =	vld @!p2 [tilespmem:$0x12420]  }
0x216: {  	[tilespmem:$0x171C0] =	vst @!p2 v5  }
0x217: {  	[tilespmem:$0x171D0] =	vst @!p2 v6  }
0x218: {  	[tilespmem:$0x171E0] =	vst @!p2 v7  }
0x219: {  	[tilespmem:$0x171F0] =	vst @!p2 v8  }
0x21a: {  	s17 =	simm.s32 @!p2 $0xD560;
	s20 =	simm.s32 @!p2 $0x172C0;
	s16 =	simm.s32 @!p2 $0x50;
	[tilespmem:$0x17200] =	vst @!p2 v9  }
0x21b: {  	[tilespmem:s20], [sflag:$0x5] =	stream.indirect.gather @!p2 [hbm4b:s19+s16], $0x80, s17, s16, $0xb8;
	[tilespmem:$0x1C2C0] =	vst v63  }
0x21c: {  	s17 =	simm.s32 @!p2 $0x6  }
0x21d: {  	_ =	swait.ge @!p2 [sflag:s17], $0x2800  }
0x21e: {  	[sflag:s17] =	ssyncset.done @!p2 $0x0  }
0x21f: {  	s20 =	simm.s32 @!p2 $0x19AC0;
	[sflag:s17] =	ssyncadd.s32 @!p2 $0xFFFFD800;
	s17 =	simm.s32 @!p2 $0x17240  }
0x220: {  	[spmem:s22] =	stream.indirect.scatter.add.f32 @!p2 [tilespmem:s20], [sflag:$0x8], $0x80, s17, s16, $0xb8;
	[tilespmem:$0x1C2C0] =	vst v63  }
0x221: {  	p2 =	seq.s32 @!p1 s10, $0x1  }
0x222: {  	p2 =	por p1, p2  }
.Ltmp11:
0x223: {  	_ = 	snop;
	(pc) =	sbr.rel @p2 .LBB2_31-.Ltmp11, $2  }
0x224: {  	_ =	sdelay $0x2  }
0x225: {  	s11 =	smov.u32 s21  }
0x226: {  	s10 =	simm.s32 $0xFFFFFFFF  }
0x227: {  	s10 =	simm.s32 @!p0 $0x0  }
0x228: {  	s10 =	sadd.s32 s10, s15  }
0x229: {  	s10 =	sadd.s32 $0xFFFFFFFF, s10  }
0x22a: {  	s21 =	sadd.s32 $0xFFFFFFFF, s10  }
0x22b: {  	p2 =	sne.s32 s21, $0x0  }
.Ltmp12:
0x22c: {  	_ = 	snop;
	(pc) =	sbr.rel @!p2 .LBB2_25-.Ltmp12, $4  }
0x22d: {  	s13 =	smov.u32 s26;
	s6 =	smov.u32 s25;
	s5 =	smov.u32 s24  }
0x22e: {  	s0 =	smov.u32 s18;
	s18 =	smov.u32 s23;
	s16 =	sadd.s32 @!p1 $0xFFFFFFFF, s14  }
0x22f: {  	s23 =	simm.s32 $0xD600;
	s20 =	simm.s32 $0x2;
	s17 =	simm.s32 $0xA0  }
0x230: {  	p1 =	por $0x0, $0x0;
	p0 =	sle.s32 s14, $0x2;
	s15 =	simm.s32 $0x124C0  }
0x231: {  	s10 =	simm.s32 @!p0 $0x8  }
0x232: {  	_ =	swait.ge @!p0 [sflag:s10], $0x2800  }
0x233: {  	[sflag:s10] =	ssyncset.done @!p0 $0x0  }
0x234: {  	[sflag:s10] =	ssyncadd.s32 @!p0 $0xFFFFD800  }
0x235: {  	v5 =	vld @!p0 [tilespmem:s15+$0xFFFFFF70];
	_ =	sdelay $0x4  }
0x236: {  	[tilespmem:$0x17240] =	vst @!p0 v5  }
0x237: {  	v5 =	vld @!p0 [tilespmem:s15+$0xFFFFFF80];
	_ =	sdelay $0x4  }
0x238: {  	[tilespmem:$0x17250] =	vst @!p0 v5  }
0x239: {  	v5 =	vld @!p0 [tilespmem:s15+$0xFFFFFF90];
	_ =	sdelay $0x4  }
0x23a: {  	s10 =	sand.u32 @!p0 $0xFFFFFFE0, s17;
	[tilespmem:$0x17260] =	vst @!p0 v5  }
0x23b: {  	v5 =	vld @!p0 [tilespmem:s10+$0x123C0];
	_ =	sdelay $0x4  }
0x23c: {  	[tilespmem:$0x17270] =	vst @!p0 v5  }
0x23d: {  	v5 =	vld @!p0 [tilespmem:s15+$0xFFFFFFB0];
	_ =	sdelay $0x3  }
0x23e: {  	s20 =	simm.s32 @!p0 $0x50  }
0x23f: {  	s24 =	simm.s32 @!p0 $0x19AC0;
	s17 =	simm.s32 @!p0 $0xD5B0;
	s10 =	simm.s32 @!p0 $0x5;
	[tilespmem:$0x17280] =	vst @!p0 v5  }
0x240: {  	[tilespmem:s24], [sflag:$0x6] =	stream.indirect.gather @!p0 [hbm4b:s19+s20], $0x80, s17, s20, $0xb8;
	[tilespmem:$0x1C2C0] =	vst v63  }
0x241: {  	_ =	swait.ge @!p0 [sflag:s10], $0x2800  }
0x242: {  	p3 =	sle.s32 s16, $0x2;
	s17 =	simm.s32 @!p0 $0x172C0;
	[sflag:s10] =	ssyncset.done @!p0 $0x0  }
0x243: {  	s24 =	simm.s32 @!p3 $0x7;
	[sflag:s10] =	ssyncadd.s32 @!p0 $0xFFFFD800;
	s10 =	simm.s32 @!p0 $0x171C0  }
0x244: {  	[spmem:s22] =	stream.indirect.scatter.add.f32 @!p0 [tilespmem:s17], [sflag:$0x7], $0x80, s10, s20, $0xb8;
	[tilespmem:$0x1C2C0] =	vst v63  }
0x245: {  	_ =	swait.ge @!p3 [sflag:s24], $0x2800  }
0x246: {  	[sflag:s24] =	ssyncset.done @!p3 $0x0  }
0x247: {  	[sflag:s24] =	ssyncadd.s32 @!p3 $0xFFFFD800  }
0x248: {  	v5 =	vld @!p3 [tilespmem:s15+$0xFFFFFFC0];
	_ =	sdelay $0x4  }
0x249: {  	[tilespmem:$0x171C0] =	vst @!p3 v5  }
0x24a: {  	v5 =	vld @!p3 [tilespmem:s15+$0xFFFFFFD0];
	_ =	sdelay $0x4  }
0x24b: {  	[tilespmem:$0x171D0] =	vst @!p3 v5  }
0x24c: {  	v5 =	vld @!p3 [tilespmem:s15+$0xFFFFFFE0];
	_ =	sdelay $0x4  }
0x24d: {  	[tilespmem:$0x171E0] =	vst @!p3 v5  }
0x24e: {  	v5 =	vld @!p3 [tilespmem:s15+$0xFFFFFFF0];
	_ =	sdelay $0x4  }
0x24f: {  	[tilespmem:$0x171F0] =	vst @!p3 v5  }
0x250: {  	v5 =	vld @!p3 [tilespmem:s15+$0x0]  }
0x251: {  	s1 =	smov.u32 s11;
	s11 =	smov.u32 s31  }
0x252: {  	s31 =	smov.u32 s30;
	s30 =	smov.u32 s29;
	s21 =	sadd.s32 $0xFFFFFFFF, s21  }
0x253: {  	p1 =	por $0x1, $0x1;
	p2 =	sne.s32 s21, $0x0;
	s25 =	simm.s32 @!p3 $0x6  }
.Ltmp13:
0x254: {  	s26 =	simm.s32 @!p3 $0x17240;
	s17 =	simm.s32 $0x140;
	(pc) =	sbr.rel @!p2 .LBB2_27-.Ltmp13, $4  }
0x255: {  	s10 =	simm.s32 @!p3 $0x50;
	s20 =	simm.s32 $0x4;
	s15 =	simm.s32 @!p3 $0x172C0;
	[tilespmem:$0x17200] =	vst @!p3 v5  }
0x256: {  	[tilespmem:s15], [sflag:$0x5] =	stream.indirect.gather @!p3 [hbm4b:s19+s10], $0x80, s23, s10, $0xb8;
	[tilespmem:$0x1C2C0] =	vst v63  }
0x257: {  	p0 =	sle.s32 s14, $0x4;
	s24 =	simm.s32 @!p3 $0x19AC0;
	_ =	swait.ge @!p3 [sflag:s25], $0x2800  }
0x258: {  	s23 =	simm.s32 $0xD6A0;
	s15 =	simm.s32 $0x12560;
	[sflag:s25] =	ssyncset.done @!p3 $0x0  }
.LBB2_28:
0x259: {  	s21 =	sadd.s32 $0xFFFFFFFF, s21;
	s29 =	simm.s32 @!p0 $0x8;
	[sflag:s25] =	ssyncadd.s32 @!p3 $0xFFFFD800  }
0x25a: {  	[spmem:s22] =	stream.indirect.scatter.add.f32 @!p3 [tilespmem:s24], [sflag:$0x8], $0x80, s26, s10, $0xb8;
	[tilespmem:$0x1C2C0] =	vst v63  }
0x25b: {  	p2 =	sne.s32 s21, $0x0;
	s24 =	smov.u32 s23;
	_ =	swait.ge @!p0 [sflag:s29], $0x2800  }
0x25c: {  	[sflag:s29] =	ssyncset.done @!p0 $0x0  }
0x25d: {  	[sflag:s29] =	ssyncadd.s32 @!p0 $0xFFFFD800  }
0x25e: {  	v5 =	vld @!p0 [tilespmem:s15+$0xFFFFFF70];
	_ =	sdelay $0x4  }
0x25f: {  	[tilespmem:$0x17240] =	vst @!p0 v5  }
0x260: {  	v5 =	vld @!p0 [tilespmem:s15+$0xFFFFFF80];
	_ =	sdelay $0x4  }
0x261: {  	[tilespmem:$0x17250] =	vst @!p0 v5  }
0x262: {  	v5 =	vld @!p0 [tilespmem:s15+$0xFFFFFF90];
	_ =	sdelay $0x4  }
0x263: {  	s10 =	sand.u32 @!p0 $0xFFFFFFE0, s17;
	[tilespmem:$0x17260] =	vst @!p0 v5  }
0x264: {  	v5 =	vld @!p0 [tilespmem:s10+$0x123C0];
	_ =	sdelay $0x4  }
0x265: {  	[tilespmem:$0x17270] =	vst @!p0 v5  }
0x266: {  	v5 =	vld @!p0 [tilespmem:s15+$0xFFFFFFB0];
	_ =	sdelay $0x3  }
0x267: {  	s10 =	simm.s32 @!p0 $0x5  }
0x268: {  	s25 =	sadd.s32 @!p0 $0xFFFFFFB0, s23;
	s26 =	simm.s32 @!p0 $0x50;
	s29 =	simm.s32 @!p0 $0x19AC0;
	[tilespmem:$0x17280] =	vst @!p0 v5  }
0x269: {  	[tilespmem:s29], [sflag:$0x6] =	stream.indirect.gather @!p0 [hbm4b:s19+s26], $0x80, s25, s26, $0xb8;
	[tilespmem:$0x1C2C0] =	vst v63  }
0x26a: {  	_ =	swait.ge @!p0 [sflag:s10], $0x2800  }
0x26b: {  	p3 =	sge.s32 s20, s16;
	s25 =	simm.s32 @!p0 $0x172C0;
	[sflag:s10] =	ssyncset.done @!p0 $0x0  }
0x26c: {  	s29 =	simm.s32 @!p3 $0x7;
	[sflag:s10] =	ssyncadd.s32 @!p0 $0xFFFFD800;
	s10 =	simm.s32 @!p0 $0x171C0  }
0x26d: {  	[spmem:s22] =	stream.indirect.scatter.add.f32 @!p0 [tilespmem:s25], [sflag:$0x7], $0x80, s10, s26, $0xb8;
	[tilespmem:$0x1C2C0] =	vst v63  }
0x26e: {  	_ =	swait.ge @!p3 [sflag:s29], $0x2800  }
0x26f: {  	[sflag:s29] =	ssyncset.done @!p3 $0x0  }
0x270: {  	[sflag:s29] =	ssyncadd.s32 @!p3 $0xFFFFD800  }
0x271: {  	v5 =	vld @!p3 [tilespmem:s15+$0xFFFFFFC0];
	_ =	sdelay $0x4  }
0x272: {  	[tilespmem:$0x171C0] =	vst @!p3 v5  }
0x273: {  	v5 =	vld @!p3 [tilespmem:s15+$0xFFFFFFD0];
	_ =	sdelay $0x4  }
0x274: {  	[tilespmem:$0x171D0] =	vst @!p3 v5  }
0x275: {  	v5 =	vld @!p3 [tilespmem:s15+$0xFFFFFFE0];
	_ =	sdelay $0x4  }
0x276: {  	[tilespmem:$0x171E0] =	vst @!p3 v5  }
0x277: {  	v5 =	vld @!p3 [tilespmem:s15+$0xFFFFFFF0];
	_ =	sdelay $0x4  }
0x278: {  	[tilespmem:$0x171F0] =	vst @!p3 v5  }
0x279: {  	v5 =	vld @!p3 [tilespmem:s15+$0x0];
	_ =	sdelay $0x2  }
0x27a: {  	s17 =	sadd.s32 $0xA0, s17  }
.Ltmp14:
0x27b: {  	s23 =	sadd.s32 $0xA0, s23;
	s15 =	sadd.s32 $0xA0, s15;
	(pc) =	sbr.rel @p2 .LBB2_28-.Ltmp14, $4  }
0x27c: {  	s10 =	simm.s32 @!p3 $0x50;
	s26 =	simm.s32 @!p3 $0x172C0;
	s25 =	simm.s32 @!p3 $0x6;
	[tilespmem:$0x17200] =	vst @!p3 v5  }
0x27d: {  	[tilespmem:s26], [sflag:$0x5] =	stream.indirect.gather @!p3 [hbm4b:s19+s10], $0x80, s24, s10, $0xb8;
	[tilespmem:$0x1C2C0] =	vst v63  }
0x27e: {  	s20 =	sadd.s32 $0x2, s20;
	s24 =	simm.s32 @!p3 $0x19AC0;
	_ =	swait.ge @!p3 [sflag:s25], $0x2800  }
0x27f: {  	p0 =	sge.s32 s20, s14;
	s26 =	simm.s32 @!p3 $0x17240;
	[sflag:s25] =	ssyncset.done @!p3 $0x0  }
0x280: {  	s29 =	smov.u32 s30;
	s30 =	smov.u32 s31  }
0x281: {  	s31 =	smov.u32 s11;
	s11 =	smov.u32 s1;
	s1 =	simm.s32 $0x0  }
.LBB2_30:
0x282: {  	p1 =	por p3, !p1  }
0x283: {  	s21 =	simm.s32 @!p0 $0x8;
	[sflag:s25] =	ssyncadd.s32 @!p1 $0xFFFFD800  }
0x284: {  	[spmem:s22] =	stream.indirect.scatter.add.f32 @!p1 [tilespmem:s24], [sflag:$0x8], $0x80, s26, s10, $0xb8;
	[tilespmem:$0x1C2C0] =	vst v63  }
0x285: {  	_ =	swait.ge @!p0 [sflag:s21], $0x2800  }
0x286: {  	[sflag:s21] =	ssyncset.done @!p0 $0x0  }
0x287: {  	[sflag:s21] =	ssyncadd.s32 @!p0 $0xFFFFD800  }
0x288: {  	v5 =	vld @!p0 [tilespmem:s15+$0xFFFFFF70];
	_ =	sdelay $0x4  }
0x289: {  	[tilespmem:$0x17240] =	vst @!p0 v5  }
0x28a: {  	v5 =	vld @!p0 [tilespmem:s15+$0xFFFFFF80];
	_ =	sdelay $0x4  }
0x28b: {  	[tilespmem:$0x17250] =	vst @!p0 v5  }
0x28c: {  	v5 =	vld @!p0 [tilespmem:s15+$0xFFFFFF90];
	_ =	sdelay $0x4  }
0x28d: {  	s10 =	sand.u32 @!p0 $0xFFFFFFE0, s17;
	[tilespmem:$0x17260] =	vst @!p0 v5  }
0x28e: {  	v5 =	vld @!p0 [tilespmem:s10+$0x123C0];
	_ =	sdelay $0x4  }
0x28f: {  	[tilespmem:$0x17270] =	vst @!p0 v5  }
0x290: {  	v5 =	vld @!p0 [tilespmem:s15+$0xFFFFFFB0];
	_ =	sdelay $0x3  }
0x291: {  	s17 =	sadd.s32 @!p0 $0xFFFFFFB0, s23  }
0x292: {  	s24 =	simm.s32 @!p0 $0x19AC0;
	s21 =	simm.s32 @!p0 $0x50;
	s10 =	simm.s32 @!p0 $0x5;
	[tilespmem:$0x17280] =	vst @!p0 v5  }
0x293: {  	[tilespmem:s24], [sflag:$0x6] =	stream.indirect.gather @!p0 [hbm4b:s19+s21], $0x80, s17, s21, $0xb8;
	[tilespmem:$0x1C2C0] =	vst v63  }
0x294: {  	p1 =	sge.s32 s20, s16;
	_ =	swait.ge @!p0 [sflag:s10], $0x2800  }
0x295: {  	s16 =	simm.s32 @!p1 $0x7;
	[sflag:s10] =	ssyncset.done @!p0 $0x0  }
0x296: {  	s17 =	simm.s32 @!p0 $0x172C0;
	[sflag:s10] =	ssyncadd.s32 @!p0 $0xFFFFD800;
	s10 =	simm.s32 @!p0 $0x171C0  }
0x297: {  	[spmem:s22] =	stream.indirect.scatter.add.f32 @!p0 [tilespmem:s17], [sflag:$0x7], $0x80, s10, s21, $0xb8;
	[tilespmem:$0x1C2C0] =	vst v63  }
0x298: {  	_ =	swait.ge @!p1 [sflag:s16], $0x2800  }
0x299: {  	[sflag:s16] =	ssyncset.done @!p1 $0x0  }
0x29a: {  	[sflag:s16] =	ssyncadd.s32 @!p1 $0xFFFFD800  }
0x29b: {  	v5 =	vld @!p1 [tilespmem:s15+$0xFFFFFFC0];
	_ =	sdelay $0x4  }
0x29c: {  	[tilespmem:$0x171C0] =	vst @!p1 v5  }
0x29d: {  	v5 =	vld @!p1 [tilespmem:s15+$0xFFFFFFD0];
	_ =	sdelay $0x4  }
0x29e: {  	[tilespmem:$0x171D0] =	vst @!p1 v5  }
0x29f: {  	v5 =	vld @!p1 [tilespmem:s15+$0xFFFFFFE0];
	_ =	sdelay $0x4  }
0x2a0: {  	[tilespmem:$0x171E0] =	vst @!p1 v5  }
0x2a1: {  	v5 =	vld @!p1 [tilespmem:s15+$0xFFFFFFF0];
	_ =	sdelay $0x4  }
0x2a2: {  	[tilespmem:$0x171F0] =	vst @!p1 v5  }
0x2a3: {  	v5 =	vld @!p1 [tilespmem:s15+$0x0];
	_ =	sdelay $0x4  }
0x2a4: {  	s10 =	simm.s32 @!p1 $0x50;
	s16 =	simm.s32 @!p1 $0x6;
	s15 =	simm.s32 @!p1 $0x172C0;
	[tilespmem:$0x17200] =	vst @!p1 v5  }
0x2a5: {  	[tilespmem:s15], [sflag:$0x5] =	stream.indirect.gather @!p1 [hbm4b:s19+s10], $0x80, s23, s10, $0xb8;
	[tilespmem:$0x1C2C0] =	vst v63  }
0x2a6: {  	s25 =	smov.u32 s6;
	_ =	swait.ge @!p1 [sflag:s16], $0x2800  }
0x2a7: {  	s26 =	smov.u32 s13;
	s24 =	smov.u32 s5;
	s13 =	rddreg [dreg:$0x4]  }
0x2a8: {  	s17 =	simm.s32 @!p1 $0x17240;
	s15 =	simm.s32 @!p1 $0x19AC0;
	s28 =	rddreg [dreg:$0x5]  }
0x2a9: {  	s23 =	smov.u32 s18;
	[sflag:s16] =	ssyncset.done @!p1 $0x0;
	s6 =	rddreg [dreg:$0x10]  }
0x2aa: {  	s18 =	smov.u32 s0;
	s5 =	rddreg [dreg:$0x12];
	[sflag:s16] =	ssyncadd.s32 @!p1 $0xFFFFD800  }
0x2ab: {  	[spmem:s22] =	stream.indirect.scatter.add.f32 @!p1 [tilespmem:s15], [sflag:$0x8], $0x80, s17, s10, $0xb8;
	[tilespmem:$0x1C2C0] =	vst v63  }
.LBB2_31:
0x2ac: {  	s10 =	sshrl.u32 s14, $0x1F  }
0x2ad: {  	s10 =	sadd.s32 s10, s14  }
0x2ae: {  	s10 =	sand.u32 $0xFFFFFFFE, s10  }
0x2af: {  	p0 =	slt.s32 s14, $0x1;
	s10 =	ssub.s32 s14, s10  }
0x2b0: {  	p1 =	sne.s32 @!p0 s10, $0x0  }
0x2b1: {  	p1 =	por p0, p1  }
.Ltmp15:
0x2b2: {  	_ = 	snop;
	(pc) =	sbr.rel @p1 .LBB2_33-.Ltmp15, $2  }
0x2b3: {  	_ =	sdelay $0x2  }
0x2b4: {  	s16 =	simm.s32 $0xB4C0;
	s17 =	simm.s32 $0xBCC0;
	s20 =	simm.s32 $0xC4C0  }
0x2b5: {  	s0 =	simm.s32 $0x8  }
0x2b6: {  	_ =	swait.ge [sflag:s0], $0x2800  }
0x2b7: {  	[sflag:s0] =	ssyncset.done $0x0  }
0x2b8: {  	s15 =	simm.s32 $0x5;
	[sflag:s0] =	ssyncadd.s32 $0xFFFFD800  }
.Ltmp16:
0x2b9: {  	_ =	swait.ge [sflag:s15], $0x2800;
	(pc) =	sbr.rel .LBB2_39-.Ltmp16, $4  }
0x2ba: {  	s21 =	simm.s32 $0x50;
	[sflag:s15] =	ssyncset.done $0x0  }
0x2bb: {  	s10 =	simm.s32 $0x172C0;
	s14 =	simm.s32 $0x171C0;
	[sflag:s15] =	ssyncadd.s32 $0xFFFFD800  }
0x2bc: {  	[spmem:s22] =	stream.indirect.scatter.add.f32 [tilespmem:s10], [sflag:$0x7], $0x80, s14, s21, $0xb8;
	[tilespmem:$0x1C2C0] =	vst v63  }
0x2bd: {  	s15 =	rddreg [dreg:$0x14];
	s10 =	simm.s32 $0x7  }
.LBB2_33:
0x2be: {  	p1 =	sne.s32 @!p0 s10, $0x1  }
0x2bf: {  	p0 =	por p0, p1  }
.Ltmp17:
0x2c0: {  	_ = 	snop;
	(pc) =	sbr.rel @p0 .LBB2_36-.Ltmp17, $2  }
0x2c1: {  	_ =	sdelay $0x2  }
0x2c2: {  	s15 =	rddreg [dreg:$0x14]  }
0x2c3: {  	s0 =	simm.s32 $0x7  }
0x2c4: {  	_ =	swait.ge [sflag:s0], $0x2800  }
0x2c5: {  	[sflag:s0] =	ssyncset.done $0x0  }
0x2c6: {  	[sflag:s0] =	ssyncadd.s32 $0xFFFFD800  }
.LBB2_35:
0x2c7: {  	s0 =	simm.s32 $0x6  }
0x2c8: {  	_ =	swait.ge [sflag:s0], $0x2800  }
0x2c9: {  	s21 =	simm.s32 $0x50;
	[sflag:s0] =	ssyncset.done $0x0  }
0x2ca: {  	s10 =	simm.s32 $0x17240;
	s14 =	simm.s32 $0x19AC0;
	[sflag:s0] =	ssyncadd.s32 $0xFFFFD800  }
0x2cb: {  	[spmem:s22] =	stream.indirect.scatter.add.f32 [tilespmem:s14], [sflag:$0x8], $0x80, s10, s21, $0xb8;
	[tilespmem:$0x1C2C0] =	vst v63  }
0x2cc: {  	s10 =	simm.s32 $0x8  }
.LBB2_39:
0x2cd: {  	_ =	swait.ge [sflag:s10], $0x2800  }
0x2ce: {  	[sflag:s10] =	ssyncset.done $0x0  }
0x2cf: {  	[sflag:s10] =	ssyncadd.s32 $0xFFFFD800  }
.LBB2_40:
0x2d0: {  	[bflag:$0x0] =	sbarrier.arrive $0xFFFF  }
0x2d1: {  	s0 =	rddreg [dreg:$0x11]  }
0x2d2: {  	[hbm:s0], [sflag:s6] =	dma.local [spmem:s15], $0x1400  }
0x2d3: {  	_ =	swait.ge [sflag:s2], $0x1400  }
0x2d4: {  	[sflag:s2] =	ssyncset.done $0x0  }
0x2d5: {  	[sflag:s2] =	ssyncadd.s32 $0xFFFFEC00  }
0x2d6: {  	[hbm4b:s5+s1] =	stream.linear.scatter [tilespmem:s7], [sflag:$0x9], $0x1410, $0x38;
	[tilespmem:$0x1C2C0] =	vst v63  }
0x2d7: {  	_ =	swait.ge [sflag:s2], $0x1410  }
0x2d8: {  	s12 =	sadd.s32 $0x1, s12;
	s21 =	rddreg [dreg:$0x13]  }
0x2d9: {  	p0 =	sne.s32 s12, s21  }
.Ltmp18:
0x2da: {  	_ = 	snop;
	(pc) =	sbr.rel @p0 .LBB2_1-.Ltmp18, $4  }
.Ltmp19:
0x2db: {  	_ = 	snop;
	(pc) =	sbr.rel @!p0 .LBB2_41-.Ltmp19, $4  }
0x2dc: {  	_ = 	snop  }
0x2dd: {  	[sflag:s2] =	ssyncset.done $0x0  }
0x2de: {  	[sflag:s2] =	ssyncadd.s32 $0xFFFFEBF0  }
0x2df: {  	_ = 	snop  }
.LBB2_36:
0x2e0: {  	p0 =	seq.s32 s10, $0x1  }
.Ltmp20:
0x2e1: {  	_ = 	snop;
	(pc) =	sbr.rel @p0 .LBB2_35-.Ltmp20, $1  }
0x2e2: {  	_ =	sdelay $0x3  }
0x2e3: {  	p0 =	sne.s32 s10, $0x0  }
.Ltmp21:
0x2e4: {  	_ = 	snop;
	(pc) =	sbr.rel @p0 .LBB2_40-.Ltmp21, $1  }
0x2e5: {  	_ =	sdelay $0x3  }
0x2e6: {  	s0 =	simm.s32 $0x5  }
.Ltmp22:
0x2e7: {  	_ =	swait.ge [sflag:s0], $0x2800;
	(pc) =	sbr.rel .LBB2_39-.Ltmp22, $4  }
0x2e8: {  	s21 =	simm.s32 $0x50;
	[sflag:s0] =	ssyncset.done $0x0  }
0x2e9: {  	s10 =	simm.s32 $0x172C0;
	s14 =	simm.s32 $0x171C0;
	[sflag:s0] =	ssyncadd.s32 $0xFFFFD800  }
0x2ea: {  	[spmem:s22] =	stream.indirect.scatter.add.f32 [tilespmem:s10], [sflag:$0x7], $0x80, s14, s21, $0xb8;
	[tilespmem:$0x1C2C0] =	vst v63  }
0x2eb: {  	s10 =	simm.s32 $0x7  }
.LBB2_25:
.Ltmp23:
0x2ec: {  	(pc) =	sbr.rel .LBB2_30-.Ltmp23, $2  }
0x2ed: {  	_ =	sdelay $0x2  }
0x2ee: {  	_ = 	snop  }
.LBB2_27:
.Ltmp24:
0x2ef: {  	(pc) =	sbr.rel .LBB2_30-.Ltmp24, $3  }
0x2f0: {  	_ =	sdelay $0x1  }
0x2f1: {  	s23 =	simm.s32 $0xD6A0;
	s29 =	smov.u32 s30;
	s30 =	smov.u32 s31  }
0x2f2: {  	s31 =	smov.u32 s11;
	s11 =	smov.u32 s1;
	s1 =	simm.s32 $0x0  }
.LBB2_41:
0x2f3: {  	_ =	sfence.sel $0x180000  }
0x2f4: {  	[bflag:$0x0] =	sbarrier.arrive $0xFFFF  }
0x2f5: {  	_ =	strace $0x90000047  }
0x2f6: {  	s0 =	stileid.u32;
	[bflag:$0x2] =	sbarrier.arrive $0xFFFF  }
0x2f7: {  	p0 =	sne.s32 s0, $0x0;
	s0 =	rddreg [dreg:$0x3]  }
0x2f8: {  	s0 =	sadd.s32 @!p0 $0x100000, s0  }
0x2f9: {  	[sflag:s0] =	ssyncadd.tile.s32 @!p0 $0x1;
	_ =	shalt  }
.Lfunc_end2:
_tile_overlayer_lowered:
.L_overlay_start_2:
0x2fa: {  	(tag) =	ssettag $0x2  }
0x2fb: {  	s0 =	rddreg [dreg:$0x0];
	s2 =	stileid.u32  }
0x2fc: {  	s1 =	rddreg [dreg:$0x1];
	p0 =	sne.s32 s2, $0x0  }
0x2fd: {  	s3 =	rddreg [dreg:$0x2];
	[bflag:$0x3] =	sbarrier.arrive $0xFFFF;
	s2 =	simm.s32 @!p0 $0x1C09  }
0x2fe: {  	[timem:s3], [sflag:s2] =	dma.local @!p0 [hbm:s0], s1  }
0x2ff: {  	s0 =	simm.s32 @!p0 $0x9  }
0x300: {  	_ =	swait.ge @!p0 [sflag:s0], s1  }
0x301: {  	s1 =	ssub.s32 @!p0 $0x0, s1;
	[sflag:s0] =	ssyncset.done @!p0 $0x0  }
0x302: {  	[sflag:s0] =	ssyncadd.s32 @!p0 s1  }
0x303: {  	[bflag:$0x3] =	sbarrier.arrive $0xFFFF  }
0x304: {  	_ =	shalt  }

</sc_bundles>
